<compile_context>
chip_gen: v7x
topology: tpu7x:2x2x1
jax: 0.10.2.dev20260603
libtpu: 0.0.44.dev20260713+nightly
codegen_flags: <defaults>
</compile_context>

<pallas_src>
import functools

import jax
import jax.numpy as jnp
from jax import lax
from jax.experimental import pallas as pl
from jax.experimental.pallas import tpu as pltpu
from jax.experimental.pallas import tpu_sc as plsc

VOCAB = 1002
N_D = 64
BATCH = 4096
HIST = 200

NC = 2
NS = 16
NW = NC * NS

L = 16
BPT = BATCH // NW
NBG = BPT // L
TSTRIDE = 1008


def _emb_body(idxt_hbm, tablet_hbm, out_hbm, table_v, idx_v, blk_v,
              sem0, sem1):
    wid = lax.axis_index("s") * NC + lax.axis_index("c")
    b0 = wid * BPT
    sems = (sem0, sem1)

    pltpu.sync_copy(tablet_hbm, table_v)
    pltpu.sync_copy(idxt_hbm.at[:, pl.ds(b0, BPT)], idx_v)

    def fill_block(h, b):
        @plsc.parallel_loop(0, NBG, 1, unroll=8)
        def _group(g):
            idxv = idx_v[h, pl.ds(g * L, L)]
            for d in range(N_D):
                v = plsc.load_gather(table_v, [idxv + d * TSTRIDE])
                blk_v[b, d, pl.ds(g * L, L)] = v

    def body(i, carry):
        descs = {}
        for kb in range(2):
            h = i * 2 + kb
            fill_block(h, kb)
            descs[kb] = pltpu.async_copy(
                blk_v.at[kb], out_hbm.at[h, :, pl.ds(b0, BPT)], sems[kb]
            )
        descs[0].wait()
        descs[1].wait()
        return carry

    lax.fori_loop(0, HIST // 2, body, 0)


@jax.jit
def _embedding_sc(idx_t, table_t):
    mesh = plsc.VectorSubcoreMesh(
        core_axis_name="c", subcore_axis_name="s",
        num_cores=NC, num_subcores=NS,
    )
    f = functools.partial(
        pl.kernel,
        out_type=jax.ShapeDtypeStruct((HIST, N_D, BATCH), jnp.float32),
        mesh=mesh,
        scratch_types=[
            pltpu.VMEM((N_D * TSTRIDE,), jnp.float32),
            pltpu.VMEM((HIST, BPT), jnp.int32),
            pltpu.VMEM((2, N_D, BPT), jnp.float32),
            pltpu.SemaphoreType.DMA,
            pltpu.SemaphoreType.DMA,
        ],
        compiler_params=pltpu.CompilerParams(
            use_tc_tiling_on_sc=True, needs_layout_passes=False),
    )(_emb_body)
    return f(idx_t, table_t)


def kernel(input, table):
    idx_t = jnp.transpose(input.astype(jnp.int32))
    table_t = jnp.pad(jnp.transpose(table),
                      ((0, 0), (0, TSTRIDE - VOCAB))).reshape(-1)
    out_t = _embedding_sc(idx_t, table_t)
    return jnp.transpose(out_t, (2, 0, 1))

# --- scband reference (transcript-rebuilt; emitter-appended) ---
"""Pipeline reference for scband-embedding-layer-36034775613829 (READ-ONLY COPY).

The authoritative reference and input builder live on the scoring server;
editing this copy changes nothing except your own understanding.
"""

import jax, jax.numpy as jnp
import numpy as np

VOCAB = 1002  # 1000 words + <oov> + <pad>
N_D = 64
BATCH = 4096
HIST = 200

def setup_inputs(seed: int = 0) -> dict:
    key = jax.random.key(seed)
    k1, k2 = jax.random.split(key)
    indices = jax.random.randint(k1, (BATCH, HIST), 0, 1000, dtype=jnp.int64 if jax.config.jax_enable_x64 else jnp.int32)
    table = jax.random.uniform(k2, (VOCAB, N_D), minval=-0.25, maxval=0.25, dtype=jnp.float32)
    return {"input": indices, "table": table}

def reference(input, table):
    # EmbeddingLayer.forward: self.embedding(input) -> plain embedding lookup
    return jnp.take(table, input, axis=0)

if __name__ == "__main__":
    import jax
    _d = setup_inputs()
    print(jax.jit(kernel)(*tuple(_d.values())))

</pallas_src>

<mosaic_0001>
#map = affine_map<(d0, d1) -> (0, 0)>
#map1 = affine_map<(d0, d1) -> (0)>
#map2 = affine_map<(d0, d1) -> (0, 0, 0)>
module attributes {stable_mosaic.version = 14 : i64} {
  func.func @_emb_body(%arg0: i32, %arg1: i32, %arg2: memref<200x4096xi32, #tpu.memory_space<hbm>>, %arg3: memref<64512xf32, #tpu.memory_space<hbm>>, %arg4: memref<200x64x4096xf32, #tpu.memory_space<hbm>>, %arg5: memref<64512xf32, #tpu.memory_space<vmem>>, %arg6: memref<200x128xi32, #tpu.memory_space<vmem>>, %arg7: memref<2x64x128xf32, #tpu.memory_space<vmem>>, %arg8: memref<!tpu.dma_semaphore, #tpu.memory_space<semaphore_mem>>, %arg9: memref<!tpu.dma_semaphore, #tpu.memory_space<semaphore_mem>>) attributes {dimension_semantics = [#tpu.dimension_semantics<core_parallel>, #tpu.dimension_semantics<subcore_parallel>], iteration_bounds = array<i64: 2, 16>, scalar_prefetch = 0 : i64, scratch_operands = 5 : i64, tpu.core_type = #tpu.core_type<sc_vector_subcore>, window_params = [{transform_indices = #map}, {transform_indices = #map1}, {transform_indices = #map2}]} {
    %mul3A = arith.constant 2 : i32
    %mul3A_0 = arith.muli %arg1, %mul3A : i32
    %add3A = arith.addi %mul3A_0, %arg0 : i32
    %mul3A_1 = arith.constant 128 : i32
    %mul3A_2 = arith.muli %add3A, %mul3A_1 : i32
    "tpu.region"() ({
      %run_scoped3A = tpu.sem_alloc : memref<!tpu.dma_semaphore, #tpu.memory_space<semaphore_mem>>
      tpu.enqueue_dma source(%arg3 : memref<64512xf32, #tpu.memory_space<hbm>>) target(%arg5 : memref<64512xf32, #tpu.memory_space<vmem>>) target_semaphore(%run_scoped3A : memref<!tpu.dma_semaphore, #tpu.memory_space<semaphore_mem>>)
      tpu.wait_dma2 semaphore(%run_scoped3A : memref<!tpu.dma_semaphore, #tpu.memory_space<semaphore_mem>>) src(%arg3 : memref<64512xf32, #tpu.memory_space<hbm>>) dst(%arg5 : memref<64512xf32, #tpu.memory_space<vmem>>)
      tpu.yield
    }) : () -> ()
    "tpu.region"() ({
      %run_scoped3A = tpu.sem_alloc : memref<!tpu.dma_semaphore, #tpu.memory_space<semaphore_mem>>
      %dma_start3A = arith.constant 0 : i32
      %dma_start3A_8 = tpu.memref_slice %arg2[%dma_start3A, %mul3A_2] : memref<200x4096xi32, #tpu.memory_space<hbm>> -> memref<200x128xi32, #tpu.memory_space<hbm>>
      %dma_start3A_9 = arith.constant 0 : i32
      %dma_start3A_10 = tpu.memref_slice %arg2[%dma_start3A_9, %mul3A_2] : memref<200x4096xi32, #tpu.memory_space<hbm>> -> memref<200x128xi32, #tpu.memory_space<hbm>>
      tpu.enqueue_dma source(%dma_start3A_10 : memref<200x128xi32, #tpu.memory_space<hbm>>) target(%arg6 : memref<200x128xi32, #tpu.memory_space<vmem>>) target_semaphore(%run_scoped3A : memref<!tpu.dma_semaphore, #tpu.memory_space<semaphore_mem>>)
      %dma_wait3A = arith.constant 0 : i32
      %dma_wait3A_11 = tpu.memref_slice %arg2[%dma_wait3A, %mul3A_2] : memref<200x4096xi32, #tpu.memory_space<hbm>> -> memref<200x128xi32, #tpu.memory_space<hbm>>
      %dma_wait3A_12 = arith.constant 0 : i32
      %dma_wait3A_13 = tpu.memref_slice %arg2[%dma_wait3A_12, %mul3A_2] : memref<200x4096xi32, #tpu.memory_space<hbm>> -> memref<200x128xi32, #tpu.memory_space<hbm>>
      tpu.wait_dma2 semaphore(%run_scoped3A : memref<!tpu.dma_semaphore, #tpu.memory_space<semaphore_mem>>) src(%dma_wait3A_13 : memref<200x128xi32, #tpu.memory_space<hbm>>) dst(%arg6 : memref<200x128xi32, #tpu.memory_space<vmem>>)
      tpu.yield
    }) : () -> ()
    %scan3A = arith.constant 0 : i32
    %scan3A_3 = arith.constant 0 : i32
    %scan3A_4 = arith.constant 100 : i32
    %scan3A_5 = arith.addi %scan3A_3, %scan3A_4 : i32
    %scan3A_6 = arith.constant 1 : i32
    scf.for %scan3A_8 = %scan3A_3 to %scan3A_5 step %scan3A_6  : i32 {
      %mul3A_9 = arith.constant 2 : i32
      %mul3A_10 = arith.muli %scan3A_8, %mul3A_9 : i32
      %add3A_11 = arith.constant 0 : i32
      %add3A_12 = arith.addi %mul3A_10, %add3A_11 : i32
      %parallel_loop3A = arith.constant 0 : i32
      %parallel_loop3A_13 = arith.constant 8 : i32
      %parallel_loop3A_14 = arith.constant 1 : i32
      scf.for %parallel_loop3A_80 = %parallel_loop3A to %parallel_loop3A_13 step %parallel_loop3A_14  : i32 {
        %parallel_loop3A_81 = arith.constant 16 : i32
        %parallel_loop3A_82 = arith.muli %parallel_loop3A_80, %parallel_loop3A_81 : i32
        %parallel_loop3A_83 = arith.index_cast %add3A_12 : i32 to index
        %parallel_loop3A_84 = arith.index_cast %parallel_loop3A_82 : i32 to index
        %parallel_loop3A_85 = tpu.vector_load %arg6[%parallel_loop3A_83, %parallel_loop3A_84] {strides = array<i32>} : memref<200x128xi32, #tpu.memory_space<vmem>>, vector<16xi32>,
        %parallel_loop3A_86 = arith.constant 0 : i32
        %parallel_loop3A_87 = vector.broadcast %parallel_loop3A_86 : i32 to vector<16xi32>
        %parallel_loop3A_88 = arith.addi %parallel_loop3A_85, %parallel_loop3A_87 : vector<16xi32>
        %parallel_loop3A_89 = tpu.vector_load_idx %arg5[%parallel_loop3A_88] : memref<64512xf32, #tpu.memory_space<vmem>>[vector<16xi32>], vector<16xf32>,
        %parallel_loop3A_90 = arith.constant 16 : i32
        %parallel_loop3A_91 = arith.muli %parallel_loop3A_80, %parallel_loop3A_90 : i32
        %parallel_loop3A_92 = arith.constant 0 : i32
        %parallel_loop3A_93 = arith.constant 0 : i32
        %parallel_loop3A_94 = arith.index_cast %parallel_loop3A_92 : i32 to index
        %parallel_loop3A_95 = arith.index_cast %parallel_loop3A_93 : i32 to index
        %parallel_loop3A_96 = arith.index_cast %parallel_loop3A_91 : i32 to index
        %parallel_loop3A_97 = tpu.vector_load %arg7[%parallel_loop3A_94, %parallel_loop3A_95, %parallel_loop3A_96] {strides = array<i32>} : memref<2x64x128xf32, #tpu.memory_space<vmem>>, vector<16xf32>,
        tpu.vector_store %arg7[%parallel_loop3A_94, %parallel_loop3A_95, %parallel_loop3A_96], %parallel_loop3A_89 {strides = array<i32>} : memref<2x64x128xf32, #tpu.memory_space<vmem>>, vector<16xf32>,
        %parallel_loop3A_98 = arith.constant 1008 : i32
        %parallel_loop3A_99 = vector.broadcast %parallel_loop3A_98 : i32 to vector<16xi32>
        %parallel_loop3A_100 = arith.addi %parallel_loop3A_85, %parallel_loop3A_99 : vector<16xi32>
        %parallel_loop3A_101 = tpu.vector_load_idx %arg5[%parallel_loop3A_100] : memref<64512xf32, #tpu.memory_space<vmem>>[vector<16xi32>], vector<16xf32>,
        %parallel_loop3A_102 = arith.constant 16 : i32
        %parallel_loop3A_103 = arith.muli %parallel_loop3A_80, %parallel_loop3A_102 : i32
        %parallel_loop3A_104 = arith.constant 0 : i32
        %parallel_loop3A_105 = arith.constant 1 : i32
        %parallel_loop3A_106 = arith.index_cast %parallel_loop3A_104 : i32 to index
        %parallel_loop3A_107 = arith.index_cast %parallel_loop3A_105 : i32 to index
        %parallel_loop3A_108 = arith.index_cast %parallel_loop3A_103 : i32 to index
        %parallel_loop3A_109 = tpu.vector_load %arg7[%parallel_loop3A_106, %parallel_loop3A_107, %parallel_loop3A_108] {strides = array<i32>} : memref<2x64x128xf32, #tpu.memory_space<vmem>>, vector<16xf32>,
        tpu.vector_store %arg7[%parallel_loop3A_106, %parallel_loop3A_107, %parallel_loop3A_108], %parallel_loop3A_101 {strides = array<i32>} : memref<2x64x128xf32, #tpu.memory_space<vmem>>, vector<16xf32>,
        %parallel_loop3A_110 = arith.constant 2016 : i32
        %parallel_loop3A_111 = vector.broadcast %parallel_loop3A_110 : i32 to vector<16xi32>
        %parallel_loop3A_112 = arith.addi %parallel_loop3A_85, %parallel_loop3A_111 : vector<16xi32>
        %parallel_loop3A_113 = tpu.vector_load_idx %arg5[%parallel_loop3A_112] : memref<64512xf32, #tpu.memory_space<vmem>>[vector<16xi32>], vector<16xf32>,
        %parallel_loop3A_114 = arith.constant 16 : i32
        %parallel_loop3A_115 = arith.muli %parallel_loop3A_80, %parallel_loop3A_114 : i32
        %parallel_loop3A_116 = arith.constant 0 : i32
        %parallel_loop3A_117 = arith.constant 2 : i32
        %parallel_loop3A_118 = arith.index_cast %parallel_loop3A_116 : i32 to index
        %parallel_loop3A_119 = arith.index_cast %parallel_loop3A_117 : i32 to index
        %parallel_loop3A_120 = arith.index_cast %parallel_loop3A_115 : i32 to index
        %parallel_loop3A_121 = tpu.vector_load %arg7[%parallel_loop3A_118, %parallel_loop3A_119, %parallel_loop3A_120] {strides = array<i32>} : memref<2x64x128xf32, #tpu.memory_space<vmem>>, vector<16xf32>,
        tpu.vector_store %arg7[%parallel_loop3A_118, %parallel_loop3A_119, %parallel_loop3A_120], %parallel_loop3A_113 {strides = array<i32>} : memref<2x64x128xf32, #tpu.memory_space<vmem>>, vector<16xf32>,
        %parallel_loop3A_122 = arith.constant 3024 : i32
        %parallel_loop3A_123 = vector.broadcast %parallel_loop3A_122 : i32 to vector<16xi32>
        %parallel_loop3A_124 = arith.addi %parallel_loop3A_85, %parallel_loop3A_123 : vector<16xi32>
        %parallel_loop3A_125 = tpu.vector_load_idx %arg5[%parallel_loop3A_124] : memref<64512xf32, #tpu.memory_space<vmem>>[vector<16xi32>], vector<16xf32>,
        %parallel_loop3A_126 = arith.constant 16 : i32
        %parallel_loop3A_127 = arith.muli %parallel_loop3A_80, %parallel_loop3A_126 : i32
        %parallel_loop3A_128 = arith.constant 0 : i32
        %parallel_loop3A_129 = arith.constant 3 : i32
        %parallel_loop3A_130 = arith.index_cast %parallel_loop3A_128 : i32 to index
        %parallel_loop3A_131 = arith.index_cast %parallel_loop3A_129 : i32 to index
        %parallel_loop3A_132 = arith.index_cast %parallel_loop3A_127 : i32 to index
        %parallel_loop3A_133 = tpu.vector_load %arg7[%parallel_loop3A_130, %parallel_loop3A_131, %parallel_loop3A_132] {strides = array<i32>} : memref<2x64x128xf32, #tpu.memory_space<vmem>>, vector<16xf32>,
        tpu.vector_store %arg7[%parallel_loop3A_130, %parallel_loop3A_131, %parallel_loop3A_132], %parallel_loop3A_125 {strides = array<i32>} : memref<2x64x128xf32, #tpu.memory_space<vmem>>, vector<16xf32>,
        %parallel_loop3A_134 = arith.constant 4032 : i32
        %parallel_loop3A_135 = vector.broadcast %parallel_loop3A_134 : i32 to vector<16xi32>
        %parallel_loop3A_136 = arith.addi %parallel_loop3A_85, %parallel_loop3A_135 : vector<16xi32>
        %parallel_loop3A_137 = tpu.vector_load_idx %arg5[%parallel_loop3A_136] : memref<64512xf32, #tpu.memory_space<vmem>>[vector<16xi32>], vector<16xf32>,
        %parallel_loop3A_138 = arith.constant 16 : i32
        %parallel_loop3A_139 = arith.muli %parallel_loop3A_80, %parallel_loop3A_138 : i32
        %parallel_loop3A_140 = arith.constant 0 : i32
        %parallel_loop3A_141 = arith.constant 4 : i32
        %parallel_loop3A_142 = arith.index_cast %parallel_loop3A_140 : i32 to index
        %parallel_loop3A_143 = arith.index_cast %parallel_loop3A_141 : i32 to index
        %parallel_loop3A_144 = arith.index_cast %parallel_loop3A_139 : i32 to index
        %parallel_loop3A_145 = tpu.vector_load %arg7[%parallel_loop3A_142, %parallel_loop3A_143, %parallel_loop3A_144] {strides = array<i32>} : memref<2x64x128xf32, #tpu.memory_space<vmem>>, vector<16xf32>,
        tpu.vector_store %arg7[%parallel_loop3A_142, %parallel_loop3A_143, %parallel_loop3A_144], %parallel_loop3A_137 {strides = array<i32>} : memref<2x64x128xf32, #tpu.memory_space<vmem>>, vector<16xf32>,
        %parallel_loop3A_146 = arith.constant 5040 : i32
        %parallel_loop3A_147 = vector.broadcast %parallel_loop3A_146 : i32 to vector<16xi32>
        %parallel_loop3A_148 = arith.addi %parallel_loop3A_85, %parallel_loop3A_147 : vector<16xi32>
        %parallel_loop3A_149 = tpu.vector_load_idx %arg5[%parallel_loop3A_148] : memref<64512xf32, #tpu.memory_space<vmem>>[vector<16xi32>], vector<16xf32>,
        %parallel_loop3A_150 = arith.constant 16 : i32
        %parallel_loop3A_151 = arith.muli %parallel_loop3A_80, %parallel_loop3A_150 : i32
        %parallel_loop3A_152 = arith.constant 0 : i32
        %parallel_loop3A_153 = arith.constant 5 : i32
        %parallel_loop3A_154 = arith.index_cast %parallel_loop3A_152 : i32 to index
        %parallel_loop3A_155 = arith.index_cast %parallel_loop3A_153 : i32 to index
        %parallel_loop3A_156 = arith.index_cast %parallel_loop3A_151 : i32 to index
        %parallel_loop3A_157 = tpu.vector_load %arg7[%parallel_loop3A_154, %parallel_loop3A_155, %parallel_loop3A_156] {strides = array<i32>} : memref<2x64x128xf32, #tpu.memory_space<vmem>>, vector<16xf32>,
        tpu.vector_store %arg7[%parallel_loop3A_154, %parallel_loop3A_155, %parallel_loop3A_156], %parallel_loop3A_149 {strides = array<i32>} : memref<2x64x128xf32, #tpu.memory_space<vmem>>, vector<16xf32>,
        %parallel_loop3A_158 = arith.constant 6048 : i32
        %parallel_loop3A_159 = vector.broadcast %parallel_loop3A_158 : i32 to vector<16xi32>
        %parallel_loop3A_160 = arith.addi %parallel_loop3A_85, %parallel_loop3A_159 : vector<16xi32>
        %parallel_loop3A_161 = tpu.vector_load_idx %arg5[%parallel_loop3A_160] : memref<64512xf32, #tpu.memory_space<vmem>>[vector<16xi32>], vector<16xf32>,
        %parallel_loop3A_162 = arith.constant 16 : i32
        %parallel_loop3A_163 = arith.muli %parallel_loop3A_80, %parallel_loop3A_162 : i32
        %parallel_loop3A_164 = arith.constant 0 : i32
        %parallel_loop3A_165 = arith.constant 6 : i32
        %parallel_loop3A_166 = arith.index_cast %parallel_loop3A_164 : i32 to index
        %parallel_loop3A_167 = arith.index_cast %parallel_loop3A_165 : i32 to index
        %parallel_loop3A_168 = arith.index_cast %parallel_loop3A_163 : i32 to index
        %parallel_loop3A_169 = tpu.vector_load %arg7[%parallel_loop3A_166, %parallel_loop3A_167, %parallel_loop3A_168] {strides = array<i32>} : memref<2x64x128xf32, #tpu.memory_space<vmem>>, vector<16xf32>,
        tpu.vector_store %arg7[%parallel_loop3A_166, %parallel_loop3A_167, %parallel_loop3A_168], %parallel_loop3A_161 {strides = array<i32>} : memref<2x64x128xf32, #tpu.memory_space<vmem>>, vector<16xf32>,
        %parallel_loop3A_170 = arith.constant 7056 : i32
        %parallel_loop3A_171 = vector.broadcast %parallel_loop3A_170 : i32 to vector<16xi32>
        %parallel_loop3A_172 = arith.addi %parallel_loop3A_85, %parallel_loop3A_171 : vector<16xi32>
        %parallel_loop3A_173 = tpu.vector_load_idx %arg5[%parallel_loop3A_172] : memref<64512xf32, #tpu.memory_space<vmem>>[vector<16xi32>], vector<16xf32>,
        %parallel_loop3A_174 = arith.constant 16 : i32
        %parallel_loop3A_175 = arith.muli %parallel_loop3A_80, %parallel_loop3A_174 : i32
        %parallel_loop3A_176 = arith.constant 0 : i32
        %parallel_loop3A_177 = arith.constant 7 : i32
        %parallel_loop3A_178 = arith.index_cast %parallel_loop3A_176 : i32 to index
        %parallel_loop3A_179 = arith.index_cast %parallel_loop3A_177 : i32 to index
        %parallel_loop3A_180 = arith.index_cast %parallel_loop3A_175 : i32 to index
        %parallel_loop3A_181 = tpu.vector_load %arg7[%parallel_loop3A_178, %parallel_loop3A_179, %parallel_loop3A_180] {strides = array<i32>} : memref<2x64x128xf32, #tpu.memory_space<vmem>>, vector<16xf32>,
        tpu.vector_store %arg7[%parallel_loop3A_178, %parallel_loop3A_179, %parallel_loop3A_180], %parallel_loop3A_173 {strides = array<i32>} : memref<2x64x128xf32, #tpu.memory_space<vmem>>, vector<16xf32>,
        %parallel_loop3A_182 = arith.constant 8064 : i32
        %parallel_loop3A_183 = vector.broadcast %parallel_loop3A_182 : i32 to vector<16xi32>
        %parallel_loop3A_184 = arith.addi %parallel_loop3A_85, %parallel_loop3A_183 : vector<16xi32>
        %parallel_loop3A_185 = tpu.vector_load_idx %arg5[%parallel_loop3A_184] : memref<64512xf32, #tpu.memory_space<vmem>>[vector<16xi32>], vector<16xf32>,
        %parallel_loop3A_186 = arith.constant 16 : i32
        %parallel_loop3A_187 = arith.muli %parallel_loop3A_80, %parallel_loop3A_186 : i32
        %parallel_loop3A_188 = arith.constant 0 : i32
        %parallel_loop3A_189 = arith.constant 8 : i32
        %parallel_loop3A_190 = arith.index_cast %parallel_loop3A_188 : i32 to index
        %parallel_loop3A_191 = arith.index_cast %parallel_loop3A_189 : i32 to index
        %parallel_loop3A_192 = arith.index_cast %parallel_loop3A_187 : i32 to index
        %parallel_loop3A_193 = tpu.vector_load %arg7[%parallel_loop3A_190, %parallel_loop3A_191, %parallel_loop3A_192] {strides = array<i32>} : memref<2x64x128xf32, #tpu.memory_space<vmem>>, vector<16xf32>,
        tpu.vector_store %arg7[%parallel_loop3A_190, %parallel_loop3A_191, %parallel_loop3A_192], %parallel_loop3A_185 {strides = array<i32>} : memref<2x64x128xf32, #tpu.memory_space<vmem>>, vector<16xf32>,
        %parallel_loop3A_194 = arith.constant 9072 : i32
        %parallel_loop3A_195 = vector.broadcast %parallel_loop3A_194 : i32 to vector<16xi32>
        %parallel_loop3A_196 = arith.addi %parallel_loop3A_85, %parallel_loop3A_195 : vector<16xi32>
        %parallel_loop3A_197 = tpu.vector_load_idx %arg5[%parallel_loop3A_196] : memref<64512xf32, #tpu.memory_space<vmem>>[vector<16xi32>], vector<16xf32>,
        %parallel_loop3A_198 = arith.constant 16 : i32
        %parallel_loop3A_199 = arith.muli %parallel_loop3A_80, %parallel_loop3A_198 : i32
        %parallel_loop3A_200 = arith.constant 0 : i32
        %parallel_loop3A_201 = arith.constant 9 : i32
        %parallel_loop3A_202 = arith.index_cast %parallel_loop3A_200 : i32 to index
        %parallel_loop3A_203 = arith.index_cast %parallel_loop3A_201 : i32 to index
        %parallel_loop3A_204 = arith.index_cast %parallel_loop3A_199 : i32 to index
        %parallel_loop3A_205 = tpu.vector_load %arg7[%parallel_loop3A_202, %parallel_loop3A_203, %parallel_loop3A_204] {strides = array<i32>} : memref<2x64x128xf32, #tpu.memory_space<vmem>>, vector<16xf32>,
        tpu.vector_store %arg7[%parallel_loop3A_202, %parallel_loop3A_203, %parallel_loop3A_204], %parallel_loop3A_197 {strides = array<i32>} : memref<2x64x128xf32, #tpu.memory_space<vmem>>, vector<16xf32>,
        %parallel_loop3A_206 = arith.constant 10080 : i32
        %parallel_loop3A_207 = vector.broadcast %parallel_loop3A_206 : i32 to vector<16xi32>
        %parallel_loop3A_208 = arith.addi %parallel_loop3A_85, %parallel_loop3A_207 : vector<16xi32>
        %parallel_loop3A_209 = tpu.vector_load_idx %arg5[%parallel_loop3A_208] : memref<64512xf32, #tpu.memory_space<vmem>>[vector<16xi32>], vector<16xf32>,
        %parallel_loop3A_210 = arith.constant 16 : i32
        %parallel_loop3A_211 = arith.muli %parallel_loop3A_80, %parallel_loop3A_210 : i32
        %parallel_loop3A_212 = arith.constant 0 : i32
        %parallel_loop3A_213 = arith.constant 10 : i32
        %parallel_loop3A_214 = arith.index_cast %parallel_loop3A_212 : i32 to index
        %parallel_loop3A_215 = arith.index_cast %parallel_loop3A_213 : i32 to index
        %parallel_loop3A_216 = arith.index_cast %parallel_loop3A_211 : i32 to index
        %parallel_loop3A_217 = tpu.vector_load %arg7[%parallel_loop3A_214, %parallel_loop3A_215, %parallel_loop3A_216] {strides = array<i32>} : memref<2x64x128xf32, #tpu.memory_space<vmem>>, vector<16xf32>,
        tpu.vector_store %arg7[%parallel_loop3A_214, %parallel_loop3A_215, %parallel_loop3A_216], %parallel_loop3A_209 {strides = array<i32>} : memref<2x64x128xf32, #tpu.memory_space<vmem>>, vector<16xf32>,
        %parallel_loop3A_218 = arith.constant 11088 : i32
        %parallel_loop3A_219 = vector.broadcast %parallel_loop3A_218 : i32 to vector<16xi32>
        %parallel_loop3A_220 = arith.addi %parallel_loop3A_85, %parallel_loop3A_219 : vector<16xi32>
        %parallel_loop3A_221 = tpu.vector_load_idx %arg5[%parallel_loop3A_220] : memref<64512xf32, #tpu.memory_space<vmem>>[vector<16xi32>], vector<16xf32>,
        %parallel_loop3A_222 = arith.constant 16 : i32
        %parallel_loop3A_223 = arith.muli %parallel_loop3A_80, %parallel_loop3A_222 : i32
        %parallel_loop3A_224 = arith.constant 0 : i32
        %parallel_loop3A_225 = arith.constant 11 : i32
        %parallel_loop3A_226 = arith.index_cast %parallel_loop3A_224 : i32 to index
        %parallel_loop3A_227 = arith.index_cast %parallel_loop3A_225 : i32 to index
        %parallel_loop3A_228 = arith.index_cast %parallel_loop3A_223 : i32 to index
        %parallel_loop3A_229 = tpu.vector_load %arg7[%parallel_loop3A_226, %parallel_loop3A_227, %parallel_loop3A_228] {strides = array<i32>} : memref<2x64x128xf32, #tpu.memory_space<vmem>>, vector<16xf32>,
        tpu.vector_store %arg7[%parallel_loop3A_226, %parallel_loop3A_227, %parallel_loop3A_228], %parallel_loop3A_221 {strides = array<i32>} : memref<2x64x128xf32, #tpu.memory_space<vmem>>, vector<16xf32>,
        %parallel_loop3A_230 = arith.constant 12096 : i32
        %parallel_loop3A_231 = vector.broadcast %parallel_loop3A_230 : i32 to vector<16xi32>
        %parallel_loop3A_232 = arith.addi %parallel_loop3A_85, %parallel_loop3A_231 : vector<16xi32>
        %parallel_loop3A_233 = tpu.vector_load_idx %arg5[%parallel_loop3A_232] : memref<64512xf32, #tpu.memory_space<vmem>>[vector<16xi32>], vector<16xf32>,
        %parallel_loop3A_234 = arith.constant 16 : i32
        %parallel_loop3A_235 = arith.muli %parallel_loop3A_80, %parallel_loop3A_234 : i32
        %parallel_loop3A_236 = arith.constant 0 : i32
        %parallel_loop3A_237 = arith.constant 12 : i32
        %parallel_loop3A_238 = arith.index_cast %parallel_loop3A_236 : i32 to index
        %parallel_loop3A_239 = arith.index_cast %parallel_loop3A_237 : i32 to index
        %parallel_loop3A_240 = arith.index_cast %parallel_loop3A_235 : i32 to index
        %parallel_loop3A_241 = tpu.vector_load %arg7[%parallel_loop3A_238, %parallel_loop3A_239, %parallel_loop3A_240] {strides = array<i32>} : memref<2x64x128xf32, #tpu.memory_space<vmem>>, vector<16xf32>,
        tpu.vector_store %arg7[%parallel_loop3A_238, %parallel_loop3A_239, %parallel_loop3A_240], %parallel_loop3A_233 {strides = array<i32>} : memref<2x64x128xf32, #tpu.memory_space<vmem>>, vector<16xf32>,
        %parallel_loop3A_242 = arith.constant 13104 : i32
        %parallel_loop3A_243 = vector.broadcast %parallel_loop3A_242 : i32 to vector<16xi32>
        %parallel_loop3A_244 = arith.addi %parallel_loop3A_85, %parallel_loop3A_243 : vector<16xi32>
        %parallel_loop3A_245 = tpu.vector_load_idx %arg5[%parallel_loop3A_244] : memref<64512xf32, #tpu.memory_space<vmem>>[vector<16xi32>], vector<16xf32>,
        %parallel_loop3A_246 = arith.constant 16 : i32
        %parallel_loop3A_247 = arith.muli %parallel_loop3A_80, %parallel_loop3A_246 : i32
        %parallel_loop3A_248 = arith.constant 0 : i32
        %parallel_loop3A_249 = arith.constant 13 : i32
        %parallel_loop3A_250 = arith.index_cast %parallel_loop3A_248 : i32 to index
        %parallel_loop3A_251 = arith.index_cast %parallel_loop3A_249 : i32 to index
        %parallel_loop3A_252 = arith.index_cast %parallel_loop3A_247 : i32 to index
        %parallel_loop3A_253 = tpu.vector_load %arg7[%parallel_loop3A_250, %parallel_loop3A_251, %parallel_loop3A_252] {strides = array<i32>} : memref<2x64x128xf32, #tpu.memory_space<vmem>>, vector<16xf32>,
        tpu.vector_store %arg7[%parallel_loop3A_250, %parallel_loop3A_251, %parallel_loop3A_252], %parallel_loop3A_245 {strides = array<i32>} : memref<2x64x128xf32, #tpu.memory_space<vmem>>, vector<16xf32>,
        %parallel_loop3A_254 = arith.constant 14112 : i32
        %parallel_loop3A_255 = vector.broadcast %parallel_loop3A_254 : i32 to vector<16xi32>
        %parallel_loop3A_256 = arith.addi %parallel_loop3A_85, %parallel_loop3A_255 : vector<16xi32>
        %parallel_loop3A_257 = tpu.vector_load_idx %arg5[%parallel_loop3A_256] : memref<64512xf32, #tpu.memory_space<vmem>>[vector<16xi32>], vector<16xf32>,
        %parallel_loop3A_258 = arith.constant 16 : i32
        %parallel_loop3A_259 = arith.muli %parallel_loop3A_80, %parallel_loop3A_258 : i32
        %parallel_loop3A_260 = arith.constant 0 : i32
        %parallel_loop3A_261 = arith.constant 14 : i32
        %parallel_loop3A_262 = arith.index_cast %parallel_loop3A_260 : i32 to index
        %parallel_loop3A_263 = arith.index_cast %parallel_loop3A_261 : i32 to index
        %parallel_loop3A_264 = arith.index_cast %parallel_loop3A_259 : i32 to index
        %parallel_loop3A_265 = tpu.vector_load %arg7[%parallel_loop3A_262, %parallel_loop3A_263, %parallel_loop3A_264] {strides = array<i32>} : memref<2x64x128xf32, #tpu.memory_space<vmem>>, vector<16xf32>,
        tpu.vector_store %arg7[%parallel_loop3A_262, %parallel_loop3A_263, %parallel_loop3A_264], %parallel_loop3A_257 {strides = array<i32>} : memref<2x64x128xf32, #tpu.memory_space<vmem>>, vector<16xf32>,
        %parallel_loop3A_266 = arith.constant 15120 : i32
        %parallel_loop3A_267 = vector.broadcast %parallel_loop3A_266 : i32 to vector<16xi32>
        %parallel_loop3A_268 = arith.addi %parallel_loop3A_85, %parallel_loop3A_267 : vector<16xi32>
        %parallel_loop3A_269 = tpu.vector_load_idx %arg5[%parallel_loop3A_268] : memref<64512xf32, #tpu.memory_space<vmem>>[vector<16xi32>], vector<16xf32>,
        %parallel_loop3A_270 = arith.constant 16 : i32
        %parallel_loop3A_271 = arith.muli %parallel_loop3A_80, %parallel_loop3A_270 : i32
        %parallel_loop3A_272 = arith.constant 0 : i32
        %parallel_loop3A_273 = arith.constant 15 : i32
        %parallel_loop3A_274 = arith.index_cast %parallel_loop3A_272 : i32 to index
        %parallel_loop3A_275 = arith.index_cast %parallel_loop3A_273 : i32 to index
        %parallel_loop3A_276 = arith.index_cast %parallel_loop3A_271 : i32 to index
        %parallel_loop3A_277 = tpu.vector_load %arg7[%parallel_loop3A_274, %parallel_loop3A_275, %parallel_loop3A_276] {strides = array<i32>} : memref<2x64x128xf32, #tpu.memory_space<vmem>>, vector<16xf32>,
        tpu.vector_store %arg7[%parallel_loop3A_274, %parallel_loop3A_275, %parallel_loop3A_276], %parallel_loop3A_269 {strides = array<i32>} : memref<2x64x128xf32, #tpu.memory_space<vmem>>, vector<16xf32>,
        %parallel_loop3A_278 = arith.constant 16128 : i32
        %parallel_loop3A_279 = vector.broadcast %parallel_loop3A_278 : i32 to vector<16xi32>
        %parallel_loop3A_280 = arith.addi %parallel_loop3A_85, %parallel_loop3A_279 : vector<16xi32>
        %parallel_loop3A_281 = tpu.vector_load_idx %arg5[%parallel_loop3A_280] : memref<64512xf32, #tpu.memory_space<vmem>>[vector<16xi32>], vector<16xf32>,
        %parallel_loop3A_282 = arith.constant 16 : i32
        %parallel_loop3A_283 = arith.muli %parallel_loop3A_80, %parallel_loop3A_282 : i32
        %parallel_loop3A_284 = arith.constant 0 : i32
        %parallel_loop3A_285 = arith.constant 16 : i32
        %parallel_loop3A_286 = arith.index_cast %parallel_loop3A_284 : i32 to index
        %parallel_loop3A_287 = arith.index_cast %parallel_loop3A_285 : i32 to index
        %parallel_loop3A_288 = arith.index_cast %parallel_loop3A_283 : i32 to index
        %parallel_loop3A_289 = tpu.vector_load %arg7[%parallel_loop3A_286, %parallel_loop3A_287, %parallel_loop3A_288] {strides = array<i32>} : memref<2x64x128xf32, #tpu.memory_space<vmem>>, vector<16xf32>,
        tpu.vector_store %arg7[%parallel_loop3A_286, %parallel_loop3A_287, %parallel_loop3A_288], %parallel_loop3A_281 {strides = array<i32>} : memref<2x64x128xf32, #tpu.memory_space<vmem>>, vector<16xf32>,
        %parallel_loop3A_290 = arith.constant 17136 : i32
        %parallel_loop3A_291 = vector.broadcast %parallel_loop3A_290 : i32 to vector<16xi32>
        %parallel_loop3A_292 = arith.addi %parallel_loop3A_85, %parallel_loop3A_291 : vector<16xi32>
        %parallel_loop3A_293 = tpu.vector_load_idx %arg5[%parallel_loop3A_292] : memref<64512xf32, #tpu.memory_space<vmem>>[vector<16xi32>], vector<16xf32>,
        %parallel_loop3A_294 = arith.constant 16 : i32
        %parallel_loop3A_295 = arith.muli %parallel_loop3A_80, %parallel_loop3A_294 : i32
        %parallel_loop3A_296 = arith.constant 0 : i32
        %parallel_loop3A_297 = arith.constant 17 : i32
        %parallel_loop3A_298 = arith.index_cast %parallel_loop3A_296 : i32 to index
        %parallel_loop3A_299 = arith.index_cast %parallel_loop3A_297 : i32 to index
        %parallel_loop3A_300 = arith.index_cast %parallel_loop3A_295 : i32 to index
        %parallel_loop3A_301 = tpu.vector_load %arg7[%parallel_loop3A_298, %parallel_loop3A_299, %parallel_loop3A_300] {strides = array<i32>} : memref<2x64x128xf32, #tpu.memory_space<vmem>>, vector<16xf32>,
        tpu.vector_store %arg7[%parallel_loop3A_298, %parallel_loop3A_299, %parallel_loop3A_300], %parallel_loop3A_293 {strides = array<i32>} : memref<2x64x128xf32, #tpu.memory_space<vmem>>, vector<16xf32>,
        %parallel_loop3A_302 = arith.constant 18144 : i32
        %parallel_loop3A_303 = vector.broadcast %parallel_loop3A_302 : i32 to vector<16xi32>
        %parallel_loop3A_304 = arith.addi %parallel_loop3A_85, %parallel_loop3A_303 : vector<16xi32>
        %parallel_loop3A_305 = tpu.vector_load_idx %arg5[%parallel_loop3A_304] : memref<64512xf32, #tpu.memory_space<vmem>>[vector<16xi32>], vector<16xf32>,
        %parallel_loop3A_306 = arith.constant 16 : i32
        %parallel_loop3A_307 = arith.muli %parallel_loop3A_80, %parallel_loop3A_306 : i32
        %parallel_loop3A_308 = arith.constant 0 : i32
        %parallel_loop3A_309 = arith.constant 18 : i32
        %parallel_loop3A_310 = arith.index_cast %parallel_loop3A_308 : i32 to index
        %parallel_loop3A_311 = arith.index_cast %parallel_loop3A_309 : i32 to index
        %parallel_loop3A_312 = arith.index_cast %parallel_loop3A_307 : i32 to index
        %parallel_loop3A_313 = tpu.vector_load %arg7[%parallel_loop3A_310, %parallel_loop3A_311, %parallel_loop3A_312] {strides = array<i32>} : memref<2x64x128xf32, #tpu.memory_space<vmem>>, vector<16xf32>,
        tpu.vector_store %arg7[%parallel_loop3A_310, %parallel_loop3A_311, %parallel_loop3A_312], %parallel_loop3A_305 {strides = array<i32>} : memref<2x64x128xf32, #tpu.memory_space<vmem>>, vector<16xf32>,
        %parallel_loop3A_314 = arith.constant 19152 : i32
        %parallel_loop3A_315 = vector.broadcast %parallel_loop3A_314 : i32 to vector<16xi32>
        %parallel_loop3A_316 = arith.addi %parallel_loop3A_85, %parallel_loop3A_315 : vector<16xi32>
        %parallel_loop3A_317 = tpu.vector_load_idx %arg5[%parallel_loop3A_316] : memref<64512xf32, #tpu.memory_space<vmem>>[vector<16xi32>], vector<16xf32>,
        %parallel_loop3A_318 = arith.constant 16 : i32
        %parallel_loop3A_319 = arith.muli %parallel_loop3A_80, %parallel_loop3A_318 : i32
        %parallel_loop3A_320 = arith.constant 0 : i32
        %parallel_loop3A_321 = arith.constant 19 : i32
        %parallel_loop3A_322 = arith.index_cast %parallel_loop3A_320 : i32 to index
        %parallel_loop3A_323 = arith.index_cast %parallel_loop3A_321 : i32 to index
        %parallel_loop3A_324 = arith.index_cast %parallel_loop3A_319 : i32 to index
        %parallel_loop3A_325 = tpu.vector_load %arg7[%parallel_loop3A_322, %parallel_loop3A_323, %parallel_loop3A_324] {strides = array<i32>} : memref<2x64x128xf32, #tpu.memory_space<vmem>>, vector<16xf32>,
        tpu.vector_store %arg7[%parallel_loop3A_322, %parallel_loop3A_323, %parallel_loop3A_324], %parallel_loop3A_317 {strides = array<i32>} : memref<2x64x128xf32, #tpu.memory_space<vmem>>, vector<16xf32>,
        %parallel_loop3A_326 = arith.constant 20160 : i32
        %parallel_loop3A_327 = vector.broadcast %parallel_loop3A_326 : i32 to vector<16xi32>
        %parallel_loop3A_328 = arith.addi %parallel_loop3A_85, %parallel_loop3A_327 : vector<16xi32>
        %parallel_loop3A_329 = tpu.vector_load_idx %arg5[%parallel_loop3A_328] : memref<64512xf32, #tpu.memory_space<vmem>>[vector<16xi32>], vector<16xf32>,
        %parallel_loop3A_330 = arith.constant 16 : i32
        %parallel_loop3A_331 = arith.muli %parallel_loop3A_80, %parallel_loop3A_330 : i32
        %parallel_loop3A_332 = arith.constant 0 : i32
        %parallel_loop3A_333 = arith.constant 20 : i32
        %parallel_loop3A_334 = arith.index_cast %parallel_loop3A_332 : i32 to index
        %parallel_loop3A_335 = arith.index_cast %parallel_loop3A_333 : i32 to index
        %parallel_loop3A_336 = arith.index_cast %parallel_loop3A_331 : i32 to index
        %parallel_loop3A_337 = tpu.vector_load %arg7[%parallel_loop3A_334, %parallel_loop3A_335, %parallel_loop3A_336] {strides = array<i32>} : memref<2x64x128xf32, #tpu.memory_space<vmem>>, vector<16xf32>,
        tpu.vector_store %arg7[%parallel_loop3A_334, %parallel_loop3A_335, %parallel_loop3A_336], %parallel_loop3A_329 {strides = array<i32>} : memref<2x64x128xf32, #tpu.memory_space<vmem>>, vector<16xf32>,
        %parallel_loop3A_338 = arith.constant 21168 : i32
        %parallel_loop3A_339 = vector.broadcast %parallel_loop3A_338 : i32 to vector<16xi32>
        %parallel_loop3A_340 = arith.addi %parallel_loop3A_85, %parallel_loop3A_339 : vector<16xi32>
        %parallel_loop3A_341 = tpu.vector_load_idx %arg5[%parallel_loop3A_340] : memref<64512xf32, #tpu.memory_space<vmem>>[vector<16xi32>], vector<16xf32>,
        %parallel_loop3A_342 = arith.constant 16 : i32
        %parallel_loop3A_343 = arith.muli %parallel_loop3A_80, %parallel_loop3A_342 : i32
        %parallel_loop3A_344 = arith.constant 0 : i32
        %parallel_loop3A_345 = arith.constant 21 : i32
        %parallel_loop3A_346 = arith.index_cast %parallel_loop3A_344 : i32 to index
        %parallel_loop3A_347 = arith.index_cast %parallel_loop3A_345 : i32 to index
        %parallel_loop3A_348 = arith.index_cast %parallel_loop3A_343 : i32 to index
        %parallel_loop3A_349 = tpu.vector_load %arg7[%parallel_loop3A_346, %parallel_loop3A_347, %parallel_loop3A_348] {strides = array<i32>} : memref<2x64x128xf32, #tpu.memory_space<vmem>>, vector<16xf32>,
        tpu.vector_store %arg7[%parallel_loop3A_346, %parallel_loop3A_347, %parallel_loop3A_348], %parallel_loop3A_341 {strides = array<i32>} : memref<2x64x128xf32, #tpu.memory_space<vmem>>, vector<16xf32>,
        %parallel_loop3A_350 = arith.constant 22176 : i32
        %parallel_loop3A_351 = vector.broadcast %parallel_loop3A_350 : i32 to vector<16xi32>
        %parallel_loop3A_352 = arith.addi %parallel_loop3A_85, %parallel_loop3A_351 : vector<16xi32>
        %parallel_loop3A_353 = tpu.vector_load_idx %arg5[%parallel_loop3A_352] : memref<64512xf32, #tpu.memory_space<vmem>>[vector<16xi32>], vector<16xf32>,
        %parallel_loop3A_354 = arith.constant 16 : i32
        %parallel_loop3A_355 = arith.muli %parallel_loop3A_80, %parallel_loop3A_354 : i32
        %parallel_loop3A_356 = arith.constant 0 : i32
        %parallel_loop3A_357 = arith.constant 22 : i32
        %parallel_loop3A_358 = arith.index_cast %parallel_loop3A_356 : i32 to index
        %parallel_loop3A_359 = arith.index_cast %parallel_loop3A_357 : i32 to index
        %parallel_loop3A_360 = arith.index_cast %parallel_loop3A_355 : i32 to index
        %parallel_loop3A_361 = tpu.vector_load %arg7[%parallel_loop3A_358, %parallel_loop3A_359, %parallel_loop3A_360] {strides = array<i32>} : memref<2x64x128xf32, #tpu.memory_space<vmem>>, vector<16xf32>,
        tpu.vector_store %arg7[%parallel_loop3A_358, %parallel_loop3A_359, %parallel_loop3A_360], %parallel_loop3A_353 {strides = array<i32>} : memref<2x64x128xf32, #tpu.memory_space<vmem>>, vector<16xf32>,
        %parallel_loop3A_362 = arith.constant 23184 : i32
        %parallel_loop3A_363 = vector.broadcast %parallel_loop3A_362 : i32 to vector<16xi32>
        %parallel_loop3A_364 = arith.addi %parallel_loop3A_85, %parallel_loop3A_363 : vector<16xi32>
        %parallel_loop3A_365 = tpu.vector_load_idx %arg5[%parallel_loop3A_364] : memref<64512xf32, #tpu.memory_space<vmem>>[vector<16xi32>], vector<16xf32>,
        %parallel_loop3A_366 = arith.constant 16 : i32
        %parallel_loop3A_367 = arith.muli %parallel_loop3A_80, %parallel_loop3A_366 : i32
        %parallel_loop3A_368 = arith.constant 0 : i32
        %parallel_loop3A_369 = arith.constant 23 : i32
        %parallel_loop3A_370 = arith.index_cast %parallel_loop3A_368 : i32 to index
        %parallel_loop3A_371 = arith.index_cast %parallel_loop3A_369 : i32 to index
        %parallel_loop3A_372 = arith.index_cast %parallel_loop3A_367 : i32 to index
        %parallel_loop3A_373 = tpu.vector_load %arg7[%parallel_loop3A_370, %parallel_loop3A_371, %parallel_loop3A_372] {strides = array<i32>} : memref<2x64x128xf32, #tpu.memory_space<vmem>>, vector<16xf32>,
        tpu.vector_store %arg7[%parallel_loop3A_370, %parallel_loop3A_371, %parallel_loop3A_372], %parallel_loop3A_365 {strides = array<i32>} : memref<2x64x128xf32, #tpu.memory_space<vmem>>, vector<16xf32>,
        %parallel_loop3A_374 = arith.constant 24192 : i32
        %parallel_loop3A_375 = vector.broadcast %parallel_loop3A_374 : i32 to vector<16xi32>
        %parallel_loop3A_376 = arith.addi %parallel_loop3A_85, %parallel_loop3A_375 : vector<16xi32>
        %parallel_loop3A_377 = tpu.vector_load_idx %arg5[%parallel_loop3A_376] : memref<64512xf32, #tpu.memory_space<vmem>>[vector<16xi32>], vector<16xf32>,
        %parallel_loop3A_378 = arith.constant 16 : i32
        %parallel_loop3A_379 = arith.muli %parallel_loop3A_80, %parallel_loop3A_378 : i32
        %parallel_loop3A_380 = arith.constant 0 : i32
        %parallel_loop3A_381 = arith.constant 24 : i32
        %parallel_loop3A_382 = arith.index_cast %parallel_loop3A_380 : i32 to index
        %parallel_loop3A_383 = arith.index_cast %parallel_loop3A_381 : i32 to index
        %parallel_loop3A_384 = arith.index_cast %parallel_loop3A_379 : i32 to index
        %parallel_loop3A_385 = tpu.vector_load %arg7[%parallel_loop3A_382, %parallel_loop3A_383, %parallel_loop3A_384] {strides = array<i32>} : memref<2x64x128xf32, #tpu.memory_space<vmem>>, vector<16xf32>,
        tpu.vector_store %arg7[%parallel_loop3A_382, %parallel_loop3A_383, %parallel_loop3A_384], %parallel_loop3A_377 {strides = array<i32>} : memref<2x64x128xf32, #tpu.memory_space<vmem>>, vector<16xf32>,
        %parallel_loop3A_386 = arith.constant 25200 : i32
        %parallel_loop3A_387 = vector.broadcast %parallel_loop3A_386 : i32 to vector<16xi32>
        %parallel_loop3A_388 = arith.addi %parallel_loop3A_85, %parallel_loop3A_387 : vector<16xi32>
        %parallel_loop3A_389 = tpu.vector_load_idx %arg5[%parallel_loop3A_388] : memref<64512xf32, #tpu.memory_space<vmem>>[vector<16xi32>], vector<16xf32>,
        %parallel_loop3A_390 = arith.constant 16 : i32
        %parallel_loop3A_391 = arith.muli %parallel_loop3A_80, %parallel_loop3A_390 : i32
        %parallel_loop3A_392 = arith.constant 0 : i32
        %parallel_loop3A_393 = arith.constant 25 : i32
        %parallel_loop3A_394 = arith.index_cast %parallel_loop3A_392 : i32 to index
        %parallel_loop3A_395 = arith.index_cast %parallel_loop3A_393 : i32 to index
        %parallel_loop3A_396 = arith.index_cast %parallel_loop3A_391 : i32 to index
        %parallel_loop3A_397 = tpu.vector_load %arg7[%parallel_loop3A_394, %parallel_loop3A_395, %parallel_loop3A_396] {strides = array<i32>} : memref<2x64x128xf32, #tpu.memory_space<vmem>>, vector<16xf32>,
        tpu.vector_store %arg7[%parallel_loop3A_394, %parallel_loop3A_395, %parallel_loop3A_396], %parallel_loop3A_389 {strides = array<i32>} : memref<2x64x128xf32, #tpu.memory_space<vmem>>, vector<16xf32>,
        %parallel_loop3A_398 = arith.constant 26208 : i32
        %parallel_loop3A_399 = vector.broadcast %parallel_loop3A_398 : i32 to vector<16xi32>
        %parallel_loop3A_400 = arith.addi %parallel_loop3A_85, %parallel_loop3A_399 : vector<16xi32>
        %parallel_loop3A_401 = tpu.vector_load_idx %arg5[%parallel_loop3A_400] : memref<64512xf32, #tpu.memory_space<vmem>>[vector<16xi32>], vector<16xf32>,
        %parallel_loop3A_402 = arith.constant 16 : i32
        %parallel_loop3A_403 = arith.muli %parallel_loop3A_80, %parallel_loop3A_402 : i32
        %parallel_loop3A_404 = arith.constant 0 : i32
        %parallel_loop3A_405 = arith.constant 26 : i32
        %parallel_loop3A_406 = arith.index_cast %parallel_loop3A_404 : i32 to index
        %parallel_loop3A_407 = arith.index_cast %parallel_loop3A_405 : i32 to index
        %parallel_loop3A_408 = arith.index_cast %parallel_loop3A_403 : i32 to index
        %parallel_loop3A_409 = tpu.vector_load %arg7[%parallel_loop3A_406, %parallel_loop3A_407, %parallel_loop3A_408] {strides = array<i32>} : memref<2x64x128xf32, #tpu.memory_space<vmem>>, vector<16xf32>,
        tpu.vector_store %arg7[%parallel_loop3A_406, %parallel_loop3A_407, %parallel_loop3A_408], %parallel_loop3A_401 {strides = array<i32>} : memref<2x64x128xf32, #tpu.memory_space<vmem>>, vector<16xf32>,
        %parallel_loop3A_410 = arith.constant 27216 : i32
        %parallel_loop3A_411 = vector.broadcast %parallel_loop3A_410 : i32 to vector<16xi32>
        %parallel_loop3A_412 = arith.addi %parallel_loop3A_85, %parallel_loop3A_411 : vector<16xi32>
        %parallel_loop3A_413 = tpu.vector_load_idx %arg5[%parallel_loop3A_412] : memref<64512xf32, #tpu.memory_space<vmem>>[vector<16xi32>], vector<16xf32>,
        %parallel_loop3A_414 = arith.constant 16 : i32
        %parallel_loop3A_415 = arith.muli %parallel_loop3A_80, %parallel_loop3A_414 : i32
        %parallel_loop3A_416 = arith.constant 0 : i32
        %parallel_loop3A_417 = arith.constant 27 : i32
        %parallel_loop3A_418 = arith.index_cast %parallel_loop3A_416 : i32 to index
        %parallel_loop3A_419 = arith.index_cast %parallel_loop3A_417 : i32 to index
        %parallel_loop3A_420 = arith.index_cast %parallel_loop3A_415 : i32 to index
        %parallel_loop3A_421 = tpu.vector_load %arg7[%parallel_loop3A_418, %parallel_loop3A_419, %parallel_loop3A_420] {strides = array<i32>} : memref<2x64x128xf32, #tpu.memory_space<vmem>>, vector<16xf32>,
        tpu.vector_store %arg7[%parallel_loop3A_418, %parallel_loop3A_419, %parallel_loop3A_420], %parallel_loop3A_413 {strides = array<i32>} : memref<2x64x128xf32, #tpu.memory_space<vmem>>, vector<16xf32>,
        %parallel_loop3A_422 = arith.constant 28224 : i32
        %parallel_loop3A_423 = vector.broadcast %parallel_loop3A_422 : i32 to vector<16xi32>
        %parallel_loop3A_424 = arith.addi %parallel_loop3A_85, %parallel_loop3A_423 : vector<16xi32>
        %parallel_loop3A_425 = tpu.vector_load_idx %arg5[%parallel_loop3A_424] : memref<64512xf32, #tpu.memory_space<vmem>>[vector<16xi32>], vector<16xf32>,
        %parallel_loop3A_426 = arith.constant 16 : i32
        %parallel_loop3A_427 = arith.muli %parallel_loop3A_80, %parallel_loop3A_426 : i32
        %parallel_loop3A_428 = arith.constant 0 : i32
        %parallel_loop3A_429 = arith.constant 28 : i32
        %parallel_loop3A_430 = arith.index_cast %parallel_loop3A_428 : i32 to index
        %parallel_loop3A_431 = arith.index_cast %parallel_loop3A_429 : i32 to index
        %parallel_loop3A_432 = arith.index_cast %parallel_loop3A_427 : i32 to index
        %parallel_loop3A_433 = tpu.vector_load %arg7[%parallel_loop3A_430, %parallel_loop3A_431, %parallel_loop3A_432] {strides = array<i32>} : memref<2x64x128xf32, #tpu.memory_space<vmem>>, vector<16xf32>,
        tpu.vector_store %arg7[%parallel_loop3A_430, %parallel_loop3A_431, %parallel_loop3A_432], %parallel_loop3A_425 {strides = array<i32>} : memref<2x64x128xf32, #tpu.memory_space<vmem>>, vector<16xf32>,
        %parallel_loop3A_434 = arith.constant 29232 : i32
        %parallel_loop3A_435 = vector.broadcast %parallel_loop3A_434 : i32 to vector<16xi32>
        %parallel_loop3A_436 = arith.addi %parallel_loop3A_85, %parallel_loop3A_435 : vector<16xi32>
        %parallel_loop3A_437 = tpu.vector_load_idx %arg5[%parallel_loop3A_436] : memref<64512xf32, #tpu.memory_space<vmem>>[vector<16xi32>], vector<16xf32>,
        %parallel_loop3A_438 = arith.constant 16 : i32
        %parallel_loop3A_439 = arith.muli %parallel_loop3A_80, %parallel_loop3A_438 : i32
        %parallel_loop3A_440 = arith.constant 0 : i32
        %parallel_loop3A_441 = arith.constant 29 : i32
        %parallel_loop3A_442 = arith.index_cast %parallel_loop3A_440 : i32 to index
        %parallel_loop3A_443 = arith.index_cast %parallel_loop3A_441 : i32 to index
        %parallel_loop3A_444 = arith.index_cast %parallel_loop3A_439 : i32 to index
        %parallel_loop3A_445 = tpu.vector_load %arg7[%parallel_loop3A_442, %parallel_loop3A_443, %parallel_loop3A_444] {strides = array<i32>} : memref<2x64x128xf32, #tpu.memory_space<vmem>>, vector<16xf32>,
        tpu.vector_store %arg7[%parallel_loop3A_442, %parallel_loop3A_443, %parallel_loop3A_444], %parallel_loop3A_437 {strides = array<i32>} : memref<2x64x128xf32, #tpu.memory_space<vmem>>, vector<16xf32>,
        %parallel_loop3A_446 = arith.constant 30240 : i32
        %parallel_loop3A_447 = vector.broadcast %parallel_loop3A_446 : i32 to vector<16xi32>
        %parallel_loop3A_448 = arith.addi %parallel_loop3A_85, %parallel_loop3A_447 : vector<16xi32>
        %parallel_loop3A_449 = tpu.vector_load_idx %arg5[%parallel_loop3A_448] : memref<64512xf32, #tpu.memory_space<vmem>>[vector<16xi32>], vector<16xf32>,
        %parallel_loop3A_450 = arith.constant 16 : i32
        %parallel_loop3A_451 = arith.muli %parallel_loop3A_80, %parallel_loop3A_450 : i32
        %parallel_loop3A_452 = arith.constant 0 : i32
        %parallel_loop3A_453 = arith.constant 30 : i32
        %parallel_loop3A_454 = arith.index_cast %parallel_loop3A_452 : i32 to index
        %parallel_loop3A_455 = arith.index_cast %parallel_loop3A_453 : i32 to index
        %parallel_loop3A_456 = arith.index_cast %parallel_loop3A_451 : i32 to index
        %parallel_loop3A_457 = tpu.vector_load %arg7[%parallel_loop3A_454, %parallel_loop3A_455, %parallel_loop3A_456] {strides = array<i32>} : memref<2x64x128xf32, #tpu.memory_space<vmem>>, vector<16xf32>,
        tpu.vector_store %arg7[%parallel_loop3A_454, %parallel_loop3A_455, %parallel_loop3A_456], %parallel_loop3A_449 {strides = array<i32>} : memref<2x64x128xf32, #tpu.memory_space<vmem>>, vector<16xf32>,
        %parallel_loop3A_458 = arith.constant 31248 : i32
        %parallel_loop3A_459 = vector.broadcast %parallel_loop3A_458 : i32 to vector<16xi32>
        %parallel_loop3A_460 = arith.addi %parallel_loop3A_85, %parallel_loop3A_459 : vector<16xi32>
        %parallel_loop3A_461 = tpu.vector_load_idx %arg5[%parallel_loop3A_460] : memref<64512xf32, #tpu.memory_space<vmem>>[vector<16xi32>], vector<16xf32>,
        %parallel_loop3A_462 = arith.constant 16 : i32
        %parallel_loop3A_463 = arith.muli %parallel_loop3A_80, %parallel_loop3A_462 : i32
        %parallel_loop3A_464 = arith.constant 0 : i32
        %parallel_loop3A_465 = arith.constant 31 : i32
        %parallel_loop3A_466 = arith.index_cast %parallel_loop3A_464 : i32 to index
        %parallel_loop3A_467 = arith.index_cast %parallel_loop3A_465 : i32 to index
        %parallel_loop3A_468 = arith.index_cast %parallel_loop3A_463 : i32 to index
        %parallel_loop3A_469 = tpu.vector_load %arg7[%parallel_loop3A_466, %parallel_loop3A_467, %parallel_loop3A_468] {strides = array<i32>} : memref<2x64x128xf32, #tpu.memory_space<vmem>>, vector<16xf32>,
        tpu.vector_store %arg7[%parallel_loop3A_466, %parallel_loop3A_467, %parallel_loop3A_468], %parallel_loop3A_461 {strides = array<i32>} : memref<2x64x128xf32, #tpu.memory_space<vmem>>, vector<16xf32>,
        %parallel_loop3A_470 = arith.constant 32256 : i32
        %parallel_loop3A_471 = vector.broadcast %parallel_loop3A_470 : i32 to vector<16xi32>
        %parallel_loop3A_472 = arith.addi %parallel_loop3A_85, %parallel_loop3A_471 : vector<16xi32>
        %parallel_loop3A_473 = tpu.vector_load_idx %arg5[%parallel_loop3A_472] : memref<64512xf32, #tpu.memory_space<vmem>>[vector<16xi32>], vector<16xf32>,
        %parallel_loop3A_474 = arith.constant 16 : i32
        %parallel_loop3A_475 = arith.muli %parallel_loop3A_80, %parallel_loop3A_474 : i32
        %parallel_loop3A_476 = arith.constant 0 : i32
        %parallel_loop3A_477 = arith.constant 32 : i32
        %parallel_loop3A_478 = arith.index_cast %parallel_loop3A_476 : i32 to index
        %parallel_loop3A_479 = arith.index_cast %parallel_loop3A_477 : i32 to index
        %parallel_loop3A_480 = arith.index_cast %parallel_loop3A_475 : i32 to index
        %parallel_loop3A_481 = tpu.vector_load %arg7[%parallel_loop3A_478, %parallel_loop3A_479, %parallel_loop3A_480] {strides = array<i32>} : memref<2x64x128xf32, #tpu.memory_space<vmem>>, vector<16xf32>,
        tpu.vector_store %arg7[%parallel_loop3A_478, %parallel_loop3A_479, %parallel_loop3A_480], %parallel_loop3A_473 {strides = array<i32>} : memref<2x64x128xf32, #tpu.memory_space<vmem>>, vector<16xf32>,
        %parallel_loop3A_482 = arith.constant 33264 : i32
        %parallel_loop3A_483 = vector.broadcast %parallel_loop3A_482 : i32 to vector<16xi32>
        %parallel_loop3A_484 = arith.addi %parallel_loop3A_85, %parallel_loop3A_483 : vector<16xi32>
        %parallel_loop3A_485 = tpu.vector_load_idx %arg5[%parallel_loop3A_484] : memref<64512xf32, #tpu.memory_space<vmem>>[vector<16xi32>], vector<16xf32>,
        %parallel_loop3A_486 = arith.constant 16 : i32
        %parallel_loop3A_487 = arith.muli %parallel_loop3A_80, %parallel_loop3A_486 : i32
        %parallel_loop3A_488 = arith.constant 0 : i32
        %parallel_loop3A_489 = arith.constant 33 : i32
        %parallel_loop3A_490 = arith.index_cast %parallel_loop3A_488 : i32 to index
        %parallel_loop3A_491 = arith.index_cast %parallel_loop3A_489 : i32 to index
        %parallel_loop3A_492 = arith.index_cast %parallel_loop3A_487 : i32 to index
        %parallel_loop3A_493 = tpu.vector_load %arg7[%parallel_loop3A_490, %parallel_loop3A_491, %parallel_loop3A_492] {strides = array<i32>} : memref<2x64x128xf32, #tpu.memory_space<vmem>>, vector<16xf32>,
        tpu.vector_store %arg7[%parallel_loop3A_490, %parallel_loop3A_491, %parallel_loop3A_492], %parallel_loop3A_485 {strides = array<i32>} : memref<2x64x128xf32, #tpu.memory_space<vmem>>, vector<16xf32>,
        %parallel_loop3A_494 = arith.constant 34272 : i32
        %parallel_loop3A_495 = vector.broadcast %parallel_loop3A_494 : i32 to vector<16xi32>
        %parallel_loop3A_496 = arith.addi %parallel_loop3A_85, %parallel_loop3A_495 : vector<16xi32>
        %parallel_loop3A_497 = tpu.vector_load_idx %arg5[%parallel_loop3A_496] : memref<64512xf32, #tpu.memory_space<vmem>>[vector<16xi32>], vector<16xf32>,
        %parallel_loop3A_498 = arith.constant 16 : i32
        %parallel_loop3A_499 = arith.muli %parallel_loop3A_80, %parallel_loop3A_498 : i32
        %parallel_loop3A_500 = arith.constant 0 : i32
        %parallel_loop3A_501 = arith.constant 34 : i32
        %parallel_loop3A_502 = arith.index_cast %parallel_loop3A_500 : i32 to index
        %parallel_loop3A_503 = arith.index_cast %parallel_loop3A_501 : i32 to index
        %parallel_loop3A_504 = arith.index_cast %parallel_loop3A_499 : i32 to index
        %parallel_loop3A_505 = tpu.vector_load %arg7[%parallel_loop3A_502, %parallel_loop3A_503, %parallel_loop3A_504] {strides = array<i32>} : memref<2x64x128xf32, #tpu.memory_space<vmem>>, vector<16xf32>,
        tpu.vector_store %arg7[%parallel_loop3A_502, %parallel_loop3A_503, %parallel_loop3A_504], %parallel_loop3A_497 {strides = array<i32>} : memref<2x64x128xf32, #tpu.memory_space<vmem>>, vector<16xf32>,
        %parallel_loop3A_506 = arith.constant 35280 : i32
        %parallel_loop3A_507 = vector.broadcast %parallel_loop3A_506 : i32 to vector<16xi32>
        %parallel_loop3A_508 = arith.addi %parallel_loop3A_85, %parallel_loop3A_507 : vector<16xi32>
        %parallel_loop3A_509 = tpu.vector_load_idx %arg5[%parallel_loop3A_508] : memref<64512xf32, #tpu.memory_space<vmem>>[vector<16xi32>], vector<16xf32>,
        %parallel_loop3A_510 = arith.constant 16 : i32
        %parallel_loop3A_511 = arith.muli %parallel_loop3A_80, %parallel_loop3A_510 : i32
        %parallel_loop3A_512 = arith.constant 0 : i32
        %parallel_loop3A_513 = arith.constant 35 : i32
        %parallel_loop3A_514 = arith.index_cast %parallel_loop3A_512 : i32 to index
        %parallel_loop3A_515 = arith.index_cast %parallel_loop3A_513 : i32 to index
        %parallel_loop3A_516 = arith.index_cast %parallel_loop3A_511 : i32 to index
        %parallel_loop3A_517 = tpu.vector_load %arg7[%parallel_loop3A_514, %parallel_loop3A_515, %parallel_loop3A_516] {strides = array<i32>} : memref<2x64x128xf32, #tpu.memory_space<vmem>>, vector<16xf32>,
        tpu.vector_store %arg7[%parallel_loop3A_514, %parallel_loop3A_515, %parallel_loop3A_516], %parallel_loop3A_509 {strides = array<i32>} : memref<2x64x128xf32, #tpu.memory_space<vmem>>, vector<16xf32>,
        %parallel_loop3A_518 = arith.constant 36288 : i32
        %parallel_loop3A_519 = vector.broadcast %parallel_loop3A_518 : i32 to vector<16xi32>
        %parallel_loop3A_520 = arith.addi %parallel_loop3A_85, %parallel_loop3A_519 : vector<16xi32>
        %parallel_loop3A_521 = tpu.vector_load_idx %arg5[%parallel_loop3A_520] : memref<64512xf32, #tpu.memory_space<vmem>>[vector<16xi32>], vector<16xf32>,
        %parallel_loop3A_522 = arith.constant 16 : i32
        %parallel_loop3A_523 = arith.muli %parallel_loop3A_80, %parallel_loop3A_522 : i32
        %parallel_loop3A_524 = arith.constant 0 : i32
        %parallel_loop3A_525 = arith.constant 36 : i32
        %parallel_loop3A_526 = arith.index_cast %parallel_loop3A_524 : i32 to index
        %parallel_loop3A_527 = arith.index_cast %parallel_loop3A_525 : i32 to index
        %parallel_loop3A_528 = arith.index_cast %parallel_loop3A_523 : i32 to index
        %parallel_loop3A_529 = tpu.vector_load %arg7[%parallel_loop3A_526, %parallel_loop3A_527, %parallel_loop3A_528] {strides = array<i32>} : memref<2x64x128xf32, #tpu.memory_space<vmem>>, vector<16xf32>,
        tpu.vector_store %arg7[%parallel_loop3A_526, %parallel_loop3A_527, %parallel_loop3A_528], %parallel_loop3A_521 {strides = array<i32>} : memref<2x64x128xf32, #tpu.memory_space<vmem>>, vector<16xf32>,
        %parallel_loop3A_530 = arith.constant 37296 : i32
        %parallel_loop3A_531 = vector.broadcast %parallel_loop3A_530 : i32 to vector<16xi32>
        %parallel_loop3A_532 = arith.addi %parallel_loop3A_85, %parallel_loop3A_531 : vector<16xi32>
        %parallel_loop3A_533 = tpu.vector_load_idx %arg5[%parallel_loop3A_532] : memref<64512xf32, #tpu.memory_space<vmem>>[vector<16xi32>], vector<16xf32>,
        %parallel_loop3A_534 = arith.constant 16 : i32
        %parallel_loop3A_535 = arith.muli %parallel_loop3A_80, %parallel_loop3A_534 : i32
        %parallel_loop3A_536 = arith.constant 0 : i32
        %parallel_loop3A_537 = arith.constant 37 : i32
        %parallel_loop3A_538 = arith.index_cast %parallel_loop3A_536 : i32 to index
        %parallel_loop3A_539 = arith.index_cast %parallel_loop3A_537 : i32 to index
        %parallel_loop3A_540 = arith.index_cast %parallel_loop3A_535 : i32 to index
        %parallel_loop3A_541 = tpu.vector_load %arg7[%parallel_loop3A_538, %parallel_loop3A_539, %parallel_loop3A_540] {strides = array<i32>} : memref<2x64x128xf32, #tpu.memory_space<vmem>>, vector<16xf32>,
        tpu.vector_store %arg7[%parallel_loop3A_538, %parallel_loop3A_539, %parallel_loop3A_540], %parallel_loop3A_533 {strides = array<i32>} : memref<2x64x128xf32, #tpu.memory_space<vmem>>, vector<16xf32>,
        %parallel_loop3A_542 = arith.constant 38304 : i32
        %parallel_loop3A_543 = vector.broadcast %parallel_loop3A_542 : i32 to vector<16xi32>
        %parallel_loop3A_544 = arith.addi %parallel_loop3A_85, %parallel_loop3A_543 : vector<16xi32>
        %parallel_loop3A_545 = tpu.vector_load_idx %arg5[%parallel_loop3A_544] : memref<64512xf32, #tpu.memory_space<vmem>>[vector<16xi32>], vector<16xf32>,
        %parallel_loop3A_546 = arith.constant 16 : i32
        %parallel_loop3A_547 = arith.muli %parallel_loop3A_80, %parallel_loop3A_546 : i32
        %parallel_loop3A_548 = arith.constant 0 : i32
        %parallel_loop3A_549 = arith.constant 38 : i32
        %parallel_loop3A_550 = arith.index_cast %parallel_loop3A_548 : i32 to index
        %parallel_loop3A_551 = arith.index_cast %parallel_loop3A_549 : i32 to index
        %parallel_loop3A_552 = arith.index_cast %parallel_loop3A_547 : i32 to index
        %parallel_loop3A_553 = tpu.vector_load %arg7[%parallel_loop3A_550, %parallel_loop3A_551, %parallel_loop3A_552] {strides = array<i32>} : memref<2x64x128xf32, #tpu.memory_space<vmem>>, vector<16xf32>,
        tpu.vector_store %arg7[%parallel_loop3A_550, %parallel_loop3A_551, %parallel_loop3A_552], %parallel_loop3A_545 {strides = array<i32>} : memref<2x64x128xf32, #tpu.memory_space<vmem>>, vector<16xf32>,
        %parallel_loop3A_554 = arith.constant 39312 : i32
        %parallel_loop3A_555 = vector.broadcast %parallel_loop3A_554 : i32 to vector<16xi32>
        %parallel_loop3A_556 = arith.addi %parallel_loop3A_85, %parallel_loop3A_555 : vector<16xi32>
        %parallel_loop3A_557 = tpu.vector_load_idx %arg5[%parallel_loop3A_556] : memref<64512xf32, #tpu.memory_space<vmem>>[vector<16xi32>], vector<16xf32>,
        %parallel_loop3A_558 = arith.constant 16 : i32
        %parallel_loop3A_559 = arith.muli %parallel_loop3A_80, %parallel_loop3A_558 : i32
        %parallel_loop3A_560 = arith.constant 0 : i32
        %parallel_loop3A_561 = arith.constant 39 : i32
        %parallel_loop3A_562 = arith.index_cast %parallel_loop3A_560 : i32 to index
        %parallel_loop3A_563 = arith.index_cast %parallel_loop3A_561 : i32 to index
        %parallel_loop3A_564 = arith.index_cast %parallel_loop3A_559 : i32 to index
        %parallel_loop3A_565 = tpu.vector_load %arg7[%parallel_loop3A_562, %parallel_loop3A_563, %parallel_loop3A_564] {strides = array<i32>} : memref<2x64x128xf32, #tpu.memory_space<vmem>>, vector<16xf32>,
        tpu.vector_store %arg7[%parallel_loop3A_562, %parallel_loop3A_563, %parallel_loop3A_564], %parallel_loop3A_557 {strides = array<i32>} : memref<2x64x128xf32, #tpu.memory_space<vmem>>, vector<16xf32>,
        %parallel_loop3A_566 = arith.constant 40320 : i32
        %parallel_loop3A_567 = vector.broadcast %parallel_loop3A_566 : i32 to vector<16xi32>
        %parallel_loop3A_568 = arith.addi %parallel_loop3A_85, %parallel_loop3A_567 : vector<16xi32>
        %parallel_loop3A_569 = tpu.vector_load_idx %arg5[%parallel_loop3A_568] : memref<64512xf32, #tpu.memory_space<vmem>>[vector<16xi32>], vector<16xf32>,
        %parallel_loop3A_570 = arith.constant 16 : i32
        %parallel_loop3A_571 = arith.muli %parallel_loop3A_80, %parallel_loop3A_570 : i32
        %parallel_loop3A_572 = arith.constant 0 : i32
        %parallel_loop3A_573 = arith.constant 40 : i32
        %parallel_loop3A_574 = arith.index_cast %parallel_loop3A_572 : i32 to index
        %parallel_loop3A_575 = arith.index_cast %parallel_loop3A_573 : i32 to index
        %parallel_loop3A_576 = arith.index_cast %parallel_loop3A_571 : i32 to index
        %parallel_loop3A_577 = tpu.vector_load %arg7[%parallel_loop3A_574, %parallel_loop3A_575, %parallel_loop3A_576] {strides = array<i32>} : memref<2x64x128xf32, #tpu.memory_space<vmem>>, vector<16xf32>,
        tpu.vector_store %arg7[%parallel_loop3A_574, %parallel_loop3A_575, %parallel_loop3A_576], %parallel_loop3A_569 {strides = array<i32>} : memref<2x64x128xf32, #tpu.memory_space<vmem>>, vector<16xf32>,
        %parallel_loop3A_578 = arith.constant 41328 : i32
        %parallel_loop3A_579 = vector.broadcast %parallel_loop3A_578 : i32 to vector<16xi32>
        %parallel_loop3A_580 = arith.addi %parallel_loop3A_85, %parallel_loop3A_579 : vector<16xi32>
        %parallel_loop3A_581 = tpu.vector_load_idx %arg5[%parallel_loop3A_580] : memref<64512xf32, #tpu.memory_space<vmem>>[vector<16xi32>], vector<16xf32>,
        %parallel_loop3A_582 = arith.constant 16 : i32
        %parallel_loop3A_583 = arith.muli %parallel_loop3A_80, %parallel_loop3A_582 : i32
        %parallel_loop3A_584 = arith.constant 0 : i32
        %parallel_loop3A_585 = arith.constant 41 : i32
        %parallel_loop3A_586 = arith.index_cast %parallel_loop3A_584 : i32 to index
        %parallel_loop3A_587 = arith.index_cast %parallel_loop3A_585 : i32 to index
        %parallel_loop3A_588 = arith.index_cast %parallel_loop3A_583 : i32 to index
        %parallel_loop3A_589 = tpu.vector_load %arg7[%parallel_loop3A_586, %parallel_loop3A_587, %parallel_loop3A_588] {strides = array<i32>} : memref<2x64x128xf32, #tpu.memory_space<vmem>>, vector<16xf32>,
        tpu.vector_store %arg7[%parallel_loop3A_586, %parallel_loop3A_587, %parallel_loop3A_588], %parallel_loop3A_581 {strides = array<i32>} : memref<2x64x128xf32, #tpu.memory_space<vmem>>, vector<16xf32>,
        %parallel_loop3A_590 = arith.constant 42336 : i32
        %parallel_loop3A_591 = vector.broadcast %parallel_loop3A_590 : i32 to vector<16xi32>
        %parallel_loop3A_592 = arith.addi %parallel_loop3A_85, %parallel_loop3A_591 : vector<16xi32>
        %parallel_loop3A_593 = tpu.vector_load_idx %arg5[%parallel_loop3A_592] : memref<64512xf32, #tpu.memory_space<vmem>>[vector<16xi32>], vector<16xf32>,
        %parallel_loop3A_594 = arith.constant 16 : i32
        %parallel_loop3A_595 = arith.muli %parallel_loop3A_80, %parallel_loop3A_594 : i32
        %parallel_loop3A_596 = arith.constant 0 : i32
        %parallel_loop3A_597 = arith.constant 42 : i32
        %parallel_loop3A_598 = arith.index_cast %parallel_loop3A_596 : i32 to index
        %parallel_loop3A_599 = arith.index_cast %parallel_loop3A_597 : i32 to index
        %parallel_loop3A_600 = arith.index_cast %parallel_loop3A_595 : i32 to index
        %parallel_loop3A_601 = tpu.vector_load %arg7[%parallel_loop3A_598, %parallel_loop3A_599, %parallel_loop3A_600] {strides = array<i32>} : memref<2x64x128xf32, #tpu.memory_space<vmem>>, vector<16xf32>,
        tpu.vector_store %arg7[%parallel_loop3A_598, %parallel_loop3A_599, %parallel_loop3A_600], %parallel_loop3A_593 {strides = array<i32>} : memref<2x64x128xf32, #tpu.memory_space<vmem>>, vector<16xf32>,
        %parallel_loop3A_602 = arith.constant 43344 : i32
        %parallel_loop3A_603 = vector.broadcast %parallel_loop3A_602 : i32 to vector<16xi32>
        %parallel_loop3A_604 = arith.addi %parallel_loop3A_85, %parallel_loop3A_603 : vector<16xi32>
        %parallel_loop3A_605 = tpu.vector_load_idx %arg5[%parallel_loop3A_604] : memref<64512xf32, #tpu.memory_space<vmem>>[vector<16xi32>], vector<16xf32>,
        %parallel_loop3A_606 = arith.constant 16 : i32
        %parallel_loop3A_607 = arith.muli %parallel_loop3A_80, %parallel_loop3A_606 : i32
        %parallel_loop3A_608 = arith.constant 0 : i32
        %parallel_loop3A_609 = arith.constant 43 : i32
        %parallel_loop3A_610 = arith.index_cast %parallel_loop3A_608 : i32 to index
        %parallel_loop3A_611 = arith.index_cast %parallel_loop3A_609 : i32 to index
        %parallel_loop3A_612 = arith.index_cast %parallel_loop3A_607 : i32 to index
        %parallel_loop3A_613 = tpu.vector_load %arg7[%parallel_loop3A_610, %parallel_loop3A_611, %parallel_loop3A_612] {strides = array<i32>} : memref<2x64x128xf32, #tpu.memory_space<vmem>>, vector<16xf32>,
        tpu.vector_store %arg7[%parallel_loop3A_610, %parallel_loop3A_611, %parallel_loop3A_612], %parallel_loop3A_605 {strides = array<i32>} : memref<2x64x128xf32, #tpu.memory_space<vmem>>, vector<16xf32>,
        %parallel_loop3A_614 = arith.constant 44352 : i32
        %parallel_loop3A_615 = vector.broadcast %parallel_loop3A_614 : i32 to vector<16xi32>
        %parallel_loop3A_616 = arith.addi %parallel_loop3A_85, %parallel_loop3A_615 : vector<16xi32>
        %parallel_loop3A_617 = tpu.vector_load_idx %arg5[%parallel_loop3A_616] : memref<64512xf32, #tpu.memory_space<vmem>>[vector<16xi32>], vector<16xf32>,
        %parallel_loop3A_618 = arith.constant 16 : i32
        %parallel_loop3A_619 = arith.muli %parallel_loop3A_80, %parallel_loop3A_618 : i32
        %parallel_loop3A_620 = arith.constant 0 : i32
        %parallel_loop3A_621 = arith.constant 44 : i32
        %parallel_loop3A_622 = arith.index_cast %parallel_loop3A_620 : i32 to index
        %parallel_loop3A_623 = arith.index_cast %parallel_loop3A_621 : i32 to index
        %parallel_loop3A_624 = arith.index_cast %parallel_loop3A_619 : i32 to index
        %parallel_loop3A_625 = tpu.vector_load %arg7[%parallel_loop3A_622, %parallel_loop3A_623, %parallel_loop3A_624] {strides = array<i32>} : memref<2x64x128xf32, #tpu.memory_space<vmem>>, vector<16xf32>,
        tpu.vector_store %arg7[%parallel_loop3A_622, %parallel_loop3A_623, %parallel_loop3A_624], %parallel_loop3A_617 {strides = array<i32>} : memref<2x64x128xf32, #tpu.memory_space<vmem>>, vector<16xf32>,
        %parallel_loop3A_626 = arith.constant 45360 : i32
        %parallel_loop3A_627 = vector.broadcast %parallel_loop3A_626 : i32 to vector<16xi32>
        %parallel_loop3A_628 = arith.addi %parallel_loop3A_85, %parallel_loop3A_627 : vector<16xi32>
        %parallel_loop3A_629 = tpu.vector_load_idx %arg5[%parallel_loop3A_628] : memref<64512xf32, #tpu.memory_space<vmem>>[vector<16xi32>], vector<16xf32>,
        %parallel_loop3A_630 = arith.constant 16 : i32
        %parallel_loop3A_631 = arith.muli %parallel_loop3A_80, %parallel_loop3A_630 : i32
        %parallel_loop3A_632 = arith.constant 0 : i32
        %parallel_loop3A_633 = arith.constant 45 : i32
        %parallel_loop3A_634 = arith.index_cast %parallel_loop3A_632 : i32 to index
        %parallel_loop3A_635 = arith.index_cast %parallel_loop3A_633 : i32 to index
        %parallel_loop3A_636 = arith.index_cast %parallel_loop3A_631 : i32 to index
        %parallel_loop3A_637 = tpu.vector_load %arg7[%parallel_loop3A_634, %parallel_loop3A_635, %parallel_loop3A_636] {strides = array<i32>} : memref<2x64x128xf32, #tpu.memory_space<vmem>>, vector<16xf32>,
        tpu.vector_store %arg7[%parallel_loop3A_634, %parallel_loop3A_635, %parallel_loop3A_636], %parallel_loop3A_629 {strides = array<i32>} : memref<2x64x128xf32, #tpu.memory_space<vmem>>, vector<16xf32>,
        %parallel_loop3A_638 = arith.constant 46368 : i32
        %parallel_loop3A_639 = vector.broadcast %parallel_loop3A_638 : i32 to vector<16xi32>
        %parallel_loop3A_640 = arith.addi %parallel_loop3A_85, %parallel_loop3A_639 : vector<16xi32>
        %parallel_loop3A_641 = tpu.vector_load_idx %arg5[%parallel_loop3A_640] : memref<64512xf32, #tpu.memory_space<vmem>>[vector<16xi32>], vector<16xf32>,
        %parallel_loop3A_642 = arith.constant 16 : i32
        %parallel_loop3A_643 = arith.muli %parallel_loop3A_80, %parallel_loop3A_642 : i32
        %parallel_loop3A_644 = arith.constant 0 : i32
        %parallel_loop3A_645 = arith.constant 46 : i32
        %parallel_loop3A_646 = arith.index_cast %parallel_loop3A_644 : i32 to index
        %parallel_loop3A_647 = arith.index_cast %parallel_loop3A_645 : i32 to index
        %parallel_loop3A_648 = arith.index_cast %parallel_loop3A_643 : i32 to index
        %parallel_loop3A_649 = tpu.vector_load %arg7[%parallel_loop3A_646, %parallel_loop3A_647, %parallel_loop3A_648] {strides = array<i32>} : memref<2x64x128xf32, #tpu.memory_space<vmem>>, vector<16xf32>,
        tpu.vector_store %arg7[%parallel_loop3A_646, %parallel_loop3A_647, %parallel_loop3A_648], %parallel_loop3A_641 {strides = array<i32>} : memref<2x64x128xf32, #tpu.memory_space<vmem>>, vector<16xf32>,
        %parallel_loop3A_650 = arith.constant 47376 : i32
        %parallel_loop3A_651 = vector.broadcast %parallel_loop3A_650 : i32 to vector<16xi32>
        %parallel_loop3A_652 = arith.addi %parallel_loop3A_85, %parallel_loop3A_651 : vector<16xi32>
        %parallel_loop3A_653 = tpu.vector_load_idx %arg5[%parallel_loop3A_652] : memref<64512xf32, #tpu.memory_space<vmem>>[vector<16xi32>], vector<16xf32>,
        %parallel_loop3A_654 = arith.constant 16 : i32
        %parallel_loop3A_655 = arith.muli %parallel_loop3A_80, %parallel_loop3A_654 : i32
        %parallel_loop3A_656 = arith.constant 0 : i32
        %parallel_loop3A_657 = arith.constant 47 : i32
        %parallel_loop3A_658 = arith.index_cast %parallel_loop3A_656 : i32 to index
        %parallel_loop3A_659 = arith.index_cast %parallel_loop3A_657 : i32 to index
        %parallel_loop3A_660 = arith.index_cast %parallel_loop3A_655 : i32 to index
        %parallel_loop3A_661 = tpu.vector_load %arg7[%parallel_loop3A_658, %parallel_loop3A_659, %parallel_loop3A_660] {strides = array<i32>} : memref<2x64x128xf32, #tpu.memory_space<vmem>>, vector<16xf32>,
        tpu.vector_store %arg7[%parallel_loop3A_658, %parallel_loop3A_659, %parallel_loop3A_660], %parallel_loop3A_653 {strides = array<i32>} : memref<2x64x128xf32, #tpu.memory_space<vmem>>, vector<16xf32>,
        %parallel_loop3A_662 = arith.constant 48384 : i32
        %parallel_loop3A_663 = vector.broadcast %parallel_loop3A_662 : i32 to vector<16xi32>
        %parallel_loop3A_664 = arith.addi %parallel_loop3A_85, %parallel_loop3A_663 : vector<16xi32>
        %parallel_loop3A_665 = tpu.vector_load_idx %arg5[%parallel_loop3A_664] : memref<64512xf32, #tpu.memory_space<vmem>>[vector<16xi32>], vector<16xf32>,
        %parallel_loop3A_666 = arith.constant 16 : i32
        %parallel_loop3A_667 = arith.muli %parallel_loop3A_80, %parallel_loop3A_666 : i32
        %parallel_loop3A_668 = arith.constant 0 : i32
        %parallel_loop3A_669 = arith.constant 48 : i32
        %parallel_loop3A_670 = arith.index_cast %parallel_loop3A_668 : i32 to index
        %parallel_loop3A_671 = arith.index_cast %parallel_loop3A_669 : i32 to index
        %parallel_loop3A_672 = arith.index_cast %parallel_loop3A_667 : i32 to index
        %parallel_loop3A_673 = tpu.vector_load %arg7[%parallel_loop3A_670, %parallel_loop3A_671, %parallel_loop3A_672] {strides = array<i32>} : memref<2x64x128xf32, #tpu.memory_space<vmem>>, vector<16xf32>,
        tpu.vector_store %arg7[%parallel_loop3A_670, %parallel_loop3A_671, %parallel_loop3A_672], %parallel_loop3A_665 {strides = array<i32>} : memref<2x64x128xf32, #tpu.memory_space<vmem>>, vector<16xf32>,
        %parallel_loop3A_674 = arith.constant 49392 : i32
        %parallel_loop3A_675 = vector.broadcast %parallel_loop3A_674 : i32 to vector<16xi32>
        %parallel_loop3A_676 = arith.addi %parallel_loop3A_85, %parallel_loop3A_675 : vector<16xi32>
        %parallel_loop3A_677 = tpu.vector_load_idx %arg5[%parallel_loop3A_676] : memref<64512xf32, #tpu.memory_space<vmem>>[vector<16xi32>], vector<16xf32>,
        %parallel_loop3A_678 = arith.constant 16 : i32
        %parallel_loop3A_679 = arith.muli %parallel_loop3A_80, %parallel_loop3A_678 : i32
        %parallel_loop3A_680 = arith.constant 0 : i32
        %parallel_loop3A_681 = arith.constant 49 : i32
        %parallel_loop3A_682 = arith.index_cast %parallel_loop3A_680 : i32 to index
        %parallel_loop3A_683 = arith.index_cast %parallel_loop3A_681 : i32 to index
        %parallel_loop3A_684 = arith.index_cast %parallel_loop3A_679 : i32 to index
        %parallel_loop3A_685 = tpu.vector_load %arg7[%parallel_loop3A_682, %parallel_loop3A_683, %parallel_loop3A_684] {strides = array<i32>} : memref<2x64x128xf32, #tpu.memory_space<vmem>>, vector<16xf32>,
        tpu.vector_store %arg7[%parallel_loop3A_682, %parallel_loop3A_683, %parallel_loop3A_684], %parallel_loop3A_677 {strides = array<i32>} : memref<2x64x128xf32, #tpu.memory_space<vmem>>, vector<16xf32>,
        %parallel_loop3A_686 = arith.constant 50400 : i32
        %parallel_loop3A_687 = vector.broadcast %parallel_loop3A_686 : i32 to vector<16xi32>
        %parallel_loop3A_688 = arith.addi %parallel_loop3A_85, %parallel_loop3A_687 : vector<16xi32>
        %parallel_loop3A_689 = tpu.vector_load_idx %arg5[%parallel_loop3A_688] : memref<64512xf32, #tpu.memory_space<vmem>>[vector<16xi32>], vector<16xf32>,
        %parallel_loop3A_690 = arith.constant 16 : i32
        %parallel_loop3A_691 = arith.muli %parallel_loop3A_80, %parallel_loop3A_690 : i32
        %parallel_loop3A_692 = arith.constant 0 : i32
        %parallel_loop3A_693 = arith.constant 50 : i32
        %parallel_loop3A_694 = arith.index_cast %parallel_loop3A_692 : i32 to index
        %parallel_loop3A_695 = arith.index_cast %parallel_loop3A_693 : i32 to index
        %parallel_loop3A_696 = arith.index_cast %parallel_loop3A_691 : i32 to index
        %parallel_loop3A_697 = tpu.vector_load %arg7[%parallel_loop3A_694, %parallel_loop3A_695, %parallel_loop3A_696] {strides = array<i32>} : memref<2x64x128xf32, #tpu.memory_space<vmem>>, vector<16xf32>,
        tpu.vector_store %arg7[%parallel_loop3A_694, %parallel_loop3A_695, %parallel_loop3A_696], %parallel_loop3A_689 {strides = array<i32>} : memref<2x64x128xf32, #tpu.memory_space<vmem>>, vector<16xf32>,
        %parallel_loop3A_698 = arith.constant 51408 : i32
        %parallel_loop3A_699 = vector.broadcast %parallel_loop3A_698 : i32 to vector<16xi32>
        %parallel_loop3A_700 = arith.addi %parallel_loop3A_85, %parallel_loop3A_699 : vector<16xi32>
        %parallel_loop3A_701 = tpu.vector_load_idx %arg5[%parallel_loop3A_700] : memref<64512xf32, #tpu.memory_space<vmem>>[vector<16xi32>], vector<16xf32>,
        %parallel_loop3A_702 = arith.constant 16 : i32
        %parallel_loop3A_703 = arith.muli %parallel_loop3A_80, %parallel_loop3A_702 : i32
        %parallel_loop3A_704 = arith.constant 0 : i32
        %parallel_loop3A_705 = arith.constant 51 : i32
        %parallel_loop3A_706 = arith.index_cast %parallel_loop3A_704 : i32 to index
        %parallel_loop3A_707 = arith.index_cast %parallel_loop3A_705 : i32 to index
        %parallel_loop3A_708 = arith.index_cast %parallel_loop3A_703 : i32 to index
        %parallel_loop3A_709 = tpu.vector_load %arg7[%parallel_loop3A_706, %parallel_loop3A_707, %parallel_loop3A_708] {strides = array<i32>} : memref<2x64x128xf32, #tpu.memory_space<vmem>>, vector<16xf32>,
        tpu.vector_store %arg7[%parallel_loop3A_706, %parallel_loop3A_707, %parallel_loop3A_708], %parallel_loop3A_701 {strides = array<i32>} : memref<2x64x128xf32, #tpu.memory_space<vmem>>, vector<16xf32>,
        %parallel_loop3A_710 = arith.constant 52416 : i32
        %parallel_loop3A_711 = vector.broadcast %parallel_loop3A_710 : i32 to vector<16xi32>
        %parallel_loop3A_712 = arith.addi %parallel_loop3A_85, %parallel_loop3A_711 : vector<16xi32>
        %parallel_loop3A_713 = tpu.vector_load_idx %arg5[%parallel_loop3A_712] : memref<64512xf32, #tpu.memory_space<vmem>>[vector<16xi32>], vector<16xf32>,
        %parallel_loop3A_714 = arith.constant 16 : i32
        %parallel_loop3A_715 = arith.muli %parallel_loop3A_80, %parallel_loop3A_714 : i32
        %parallel_loop3A_716 = arith.constant 0 : i32
        %parallel_loop3A_717 = arith.constant 52 : i32
        %parallel_loop3A_718 = arith.index_cast %parallel_loop3A_716 : i32 to index
        %parallel_loop3A_719 = arith.index_cast %parallel_loop3A_717 : i32 to index
        %parallel_loop3A_720 = arith.index_cast %parallel_loop3A_715 : i32 to index
        %parallel_loop3A_721 = tpu.vector_load %arg7[%parallel_loop3A_718, %parallel_loop3A_719, %parallel_loop3A_720] {strides = array<i32>} : memref<2x64x128xf32, #tpu.memory_space<vmem>>, vector<16xf32>,
        tpu.vector_store %arg7[%parallel_loop3A_718, %parallel_loop3A_719, %parallel_loop3A_720], %parallel_loop3A_713 {strides = array<i32>} : memref<2x64x128xf32, #tpu.memory_space<vmem>>, vector<16xf32>,
        %parallel_loop3A_722 = arith.constant 53424 : i32
        %parallel_loop3A_723 = vector.broadcast %parallel_loop3A_722 : i32 to vector<16xi32>
        %parallel_loop3A_724 = arith.addi %parallel_loop3A_85, %parallel_loop3A_723 : vector<16xi32>
        %parallel_loop3A_725 = tpu.vector_load_idx %arg5[%parallel_loop3A_724] : memref<64512xf32, #tpu.memory_space<vmem>>[vector<16xi32>], vector<16xf32>,
        %parallel_loop3A_726 = arith.constant 16 : i32
        %parallel_loop3A_727 = arith.muli %parallel_loop3A_80, %parallel_loop3A_726 : i32
        %parallel_loop3A_728 = arith.constant 0 : i32
        %parallel_loop3A_729 = arith.constant 53 : i32
        %parallel_loop3A_730 = arith.index_cast %parallel_loop3A_728 : i32 to index
        %parallel_loop3A_731 = arith.index_cast %parallel_loop3A_729 : i32 to index
        %parallel_loop3A_732 = arith.index_cast %parallel_loop3A_727 : i32 to index
        %parallel_loop3A_733 = tpu.vector_load %arg7[%parallel_loop3A_730, %parallel_loop3A_731, %parallel_loop3A_732] {strides = array<i32>} : memref<2x64x128xf32, #tpu.memory_space<vmem>>, vector<16xf32>,
        tpu.vector_store %arg7[%parallel_loop3A_730, %parallel_loop3A_731, %parallel_loop3A_732], %parallel_loop3A_725 {strides = array<i32>} : memref<2x64x128xf32, #tpu.memory_space<vmem>>, vector<16xf32>,
        %parallel_loop3A_734 = arith.constant 54432 : i32
        %parallel_loop3A_735 = vector.broadcast %parallel_loop3A_734 : i32 to vector<16xi32>
        %parallel_loop3A_736 = arith.addi %parallel_loop3A_85, %parallel_loop3A_735 : vector<16xi32>
        %parallel_loop3A_737 = tpu.vector_load_idx %arg5[%parallel_loop3A_736] : memref<64512xf32, #tpu.memory_space<vmem>>[vector<16xi32>], vector<16xf32>,
        %parallel_loop3A_738 = arith.constant 16 : i32
        %parallel_loop3A_739 = arith.muli %parallel_loop3A_80, %parallel_loop3A_738 : i32
        %parallel_loop3A_740 = arith.constant 0 : i32
        %parallel_loop3A_741 = arith.constant 54 : i32
        %parallel_loop3A_742 = arith.index_cast %parallel_loop3A_740 : i32 to index
        %parallel_loop3A_743 = arith.index_cast %parallel_loop3A_741 : i32 to index
        %parallel_loop3A_744 = arith.index_cast %parallel_loop3A_739 : i32 to index
        %parallel_loop3A_745 = tpu.vector_load %arg7[%parallel_loop3A_742, %parallel_loop3A_743, %parallel_loop3A_744] {strides = array<i32>} : memref<2x64x128xf32, #tpu.memory_space<vmem>>, vector<16xf32>,
        tpu.vector_store %arg7[%parallel_loop3A_742, %parallel_loop3A_743, %parallel_loop3A_744], %parallel_loop3A_737 {strides = array<i32>} : memref<2x64x128xf32, #tpu.memory_space<vmem>>, vector<16xf32>,
        %parallel_loop3A_746 = arith.constant 55440 : i32
        %parallel_loop3A_747 = vector.broadcast %parallel_loop3A_746 : i32 to vector<16xi32>
        %parallel_loop3A_748 = arith.addi %parallel_loop3A_85, %parallel_loop3A_747 : vector<16xi32>
        %parallel_loop3A_749 = tpu.vector_load_idx %arg5[%parallel_loop3A_748] : memref<64512xf32, #tpu.memory_space<vmem>>[vector<16xi32>], vector<16xf32>,
        %parallel_loop3A_750 = arith.constant 16 : i32
        %parallel_loop3A_751 = arith.muli %parallel_loop3A_80, %parallel_loop3A_750 : i32
        %parallel_loop3A_752 = arith.constant 0 : i32
        %parallel_loop3A_753 = arith.constant 55 : i32
        %parallel_loop3A_754 = arith.index_cast %parallel_loop3A_752 : i32 to index
        %parallel_loop3A_755 = arith.index_cast %parallel_loop3A_753 : i32 to index
        %parallel_loop3A_756 = arith.index_cast %parallel_loop3A_751 : i32 to index
        %parallel_loop3A_757 = tpu.vector_load %arg7[%parallel_loop3A_754, %parallel_loop3A_755, %parallel_loop3A_756] {strides = array<i32>} : memref<2x64x128xf32, #tpu.memory_space<vmem>>, vector<16xf32>,
        tpu.vector_store %arg7[%parallel_loop3A_754, %parallel_loop3A_755, %parallel_loop3A_756], %parallel_loop3A_749 {strides = array<i32>} : memref<2x64x128xf32, #tpu.memory_space<vmem>>, vector<16xf32>,
        %parallel_loop3A_758 = arith.constant 56448 : i32
        %parallel_loop3A_759 = vector.broadcast %parallel_loop3A_758 : i32 to vector<16xi32>
        %parallel_loop3A_760 = arith.addi %parallel_loop3A_85, %parallel_loop3A_759 : vector<16xi32>
        %parallel_loop3A_761 = tpu.vector_load_idx %arg5[%parallel_loop3A_760] : memref<64512xf32, #tpu.memory_space<vmem>>[vector<16xi32>], vector<16xf32>,
        %parallel_loop3A_762 = arith.constant 16 : i32
        %parallel_loop3A_763 = arith.muli %parallel_loop3A_80, %parallel_loop3A_762 : i32
        %parallel_loop3A_764 = arith.constant 0 : i32
        %parallel_loop3A_765 = arith.constant 56 : i32
        %parallel_loop3A_766 = arith.index_cast %parallel_loop3A_764 : i32 to index
        %parallel_loop3A_767 = arith.index_cast %parallel_loop3A_765 : i32 to index
        %parallel_loop3A_768 = arith.index_cast %parallel_loop3A_763 : i32 to index
        %parallel_loop3A_769 = tpu.vector_load %arg7[%parallel_loop3A_766, %parallel_loop3A_767, %parallel_loop3A_768] {strides = array<i32>} : memref<2x64x128xf32, #tpu.memory_space<vmem>>, vector<16xf32>,
        tpu.vector_store %arg7[%parallel_loop3A_766, %parallel_loop3A_767, %parallel_loop3A_768], %parallel_loop3A_761 {strides = array<i32>} : memref<2x64x128xf32, #tpu.memory_space<vmem>>, vector<16xf32>,
        %parallel_loop3A_770 = arith.constant 57456 : i32
        %parallel_loop3A_771 = vector.broadcast %parallel_loop3A_770 : i32 to vector<16xi32>
        %parallel_loop3A_772 = arith.addi %parallel_loop3A_85, %parallel_loop3A_771 : vector<16xi32>
        %parallel_loop3A_773 = tpu.vector_load_idx %arg5[%parallel_loop3A_772] : memref<64512xf32, #tpu.memory_space<vmem>>[vector<16xi32>], vector<16xf32>,
        %parallel_loop3A_774 = arith.constant 16 : i32
        %parallel_loop3A_775 = arith.muli %parallel_loop3A_80, %parallel_loop3A_774 : i32
        %parallel_loop3A_776 = arith.constant 0 : i32
        %parallel_loop3A_777 = arith.constant 57 : i32
        %parallel_loop3A_778 = arith.index_cast %parallel_loop3A_776 : i32 to index
        %parallel_loop3A_779 = arith.index_cast %parallel_loop3A_777 : i32 to index
        %parallel_loop3A_780 = arith.index_cast %parallel_loop3A_775 : i32 to index
        %parallel_loop3A_781 = tpu.vector_load %arg7[%parallel_loop3A_778, %parallel_loop3A_779, %parallel_loop3A_780] {strides = array<i32>} : memref<2x64x128xf32, #tpu.memory_space<vmem>>, vector<16xf32>,
        tpu.vector_store %arg7[%parallel_loop3A_778, %parallel_loop3A_779, %parallel_loop3A_780], %parallel_loop3A_773 {strides = array<i32>} : memref<2x64x128xf32, #tpu.memory_space<vmem>>, vector<16xf32>,
        %parallel_loop3A_782 = arith.constant 58464 : i32
        %parallel_loop3A_783 = vector.broadcast %parallel_loop3A_782 : i32 to vector<16xi32>
        %parallel_loop3A_784 = arith.addi %parallel_loop3A_85, %parallel_loop3A_783 : vector<16xi32>
        %parallel_loop3A_785 = tpu.vector_load_idx %arg5[%parallel_loop3A_784] : memref<64512xf32, #tpu.memory_space<vmem>>[vector<16xi32>], vector<16xf32>,
        %parallel_loop3A_786 = arith.constant 16 : i32
        %parallel_loop3A_787 = arith.muli %parallel_loop3A_80, %parallel_loop3A_786 : i32
        %parallel_loop3A_788 = arith.constant 0 : i32
        %parallel_loop3A_789 = arith.constant 58 : i32
        %parallel_loop3A_790 = arith.index_cast %parallel_loop3A_788 : i32 to index
        %parallel_loop3A_791 = arith.index_cast %parallel_loop3A_789 : i32 to index
        %parallel_loop3A_792 = arith.index_cast %parallel_loop3A_787 : i32 to index
        %parallel_loop3A_793 = tpu.vector_load %arg7[%parallel_loop3A_790, %parallel_loop3A_791, %parallel_loop3A_792] {strides = array<i32>} : memref<2x64x128xf32, #tpu.memory_space<vmem>>, vector<16xf32>,
        tpu.vector_store %arg7[%parallel_loop3A_790, %parallel_loop3A_791, %parallel_loop3A_792], %parallel_loop3A_785 {strides = array<i32>} : memref<2x64x128xf32, #tpu.memory_space<vmem>>, vector<16xf32>,
        %parallel_loop3A_794 = arith.constant 59472 : i32
        %parallel_loop3A_795 = vector.broadcast %parallel_loop3A_794 : i32 to vector<16xi32>
        %parallel_loop3A_796 = arith.addi %parallel_loop3A_85, %parallel_loop3A_795 : vector<16xi32>
        %parallel_loop3A_797 = tpu.vector_load_idx %arg5[%parallel_loop3A_796] : memref<64512xf32, #tpu.memory_space<vmem>>[vector<16xi32>], vector<16xf32>,
        %parallel_loop3A_798 = arith.constant 16 : i32
        %parallel_loop3A_799 = arith.muli %parallel_loop3A_80, %parallel_loop3A_798 : i32
        %parallel_loop3A_800 = arith.constant 0 : i32
        %parallel_loop3A_801 = arith.constant 59 : i32
        %parallel_loop3A_802 = arith.index_cast %parallel_loop3A_800 : i32 to index
        %parallel_loop3A_803 = arith.index_cast %parallel_loop3A_801 : i32 to index
        %parallel_loop3A_804 = arith.index_cast %parallel_loop3A_799 : i32 to index
        %parallel_loop3A_805 = tpu.vector_load %arg7[%parallel_loop3A_802, %parallel_loop3A_803, %parallel_loop3A_804] {strides = array<i32>} : memref<2x64x128xf32, #tpu.memory_space<vmem>>, vector<16xf32>,
        tpu.vector_store %arg7[%parallel_loop3A_802, %parallel_loop3A_803, %parallel_loop3A_804], %parallel_loop3A_797 {strides = array<i32>} : memref<2x64x128xf32, #tpu.memory_space<vmem>>, vector<16xf32>,
        %parallel_loop3A_806 = arith.constant 60480 : i32
        %parallel_loop3A_807 = vector.broadcast %parallel_loop3A_806 : i32 to vector<16xi32>
        %parallel_loop3A_808 = arith.addi %parallel_loop3A_85, %parallel_loop3A_807 : vector<16xi32>
        %parallel_loop3A_809 = tpu.vector_load_idx %arg5[%parallel_loop3A_808] : memref<64512xf32, #tpu.memory_space<vmem>>[vector<16xi32>], vector<16xf32>,
        %parallel_loop3A_810 = arith.constant 16 : i32
        %parallel_loop3A_811 = arith.muli %parallel_loop3A_80, %parallel_loop3A_810 : i32
        %parallel_loop3A_812 = arith.constant 0 : i32
        %parallel_loop3A_813 = arith.constant 60 : i32
        %parallel_loop3A_814 = arith.index_cast %parallel_loop3A_812 : i32 to index
        %parallel_loop3A_815 = arith.index_cast %parallel_loop3A_813 : i32 to index
        %parallel_loop3A_816 = arith.index_cast %parallel_loop3A_811 : i32 to index
        %parallel_loop3A_817 = tpu.vector_load %arg7[%parallel_loop3A_814, %parallel_loop3A_815, %parallel_loop3A_816] {strides = array<i32>} : memref<2x64x128xf32, #tpu.memory_space<vmem>>, vector<16xf32>,
        tpu.vector_store %arg7[%parallel_loop3A_814, %parallel_loop3A_815, %parallel_loop3A_816], %parallel_loop3A_809 {strides = array<i32>} : memref<2x64x128xf32, #tpu.memory_space<vmem>>, vector<16xf32>,
        %parallel_loop3A_818 = arith.constant 61488 : i32
        %parallel_loop3A_819 = vector.broadcast %parallel_loop3A_818 : i32 to vector<16xi32>
        %parallel_loop3A_820 = arith.addi %parallel_loop3A_85, %parallel_loop3A_819 : vector<16xi32>
        %parallel_loop3A_821 = tpu.vector_load_idx %arg5[%parallel_loop3A_820] : memref<64512xf32, #tpu.memory_space<vmem>>[vector<16xi32>], vector<16xf32>,
        %parallel_loop3A_822 = arith.constant 16 : i32
        %parallel_loop3A_823 = arith.muli %parallel_loop3A_80, %parallel_loop3A_822 : i32
        %parallel_loop3A_824 = arith.constant 0 : i32
        %parallel_loop3A_825 = arith.constant 61 : i32
        %parallel_loop3A_826 = arith.index_cast %parallel_loop3A_824 : i32 to index
        %parallel_loop3A_827 = arith.index_cast %parallel_loop3A_825 : i32 to index
        %parallel_loop3A_828 = arith.index_cast %parallel_loop3A_823 : i32 to index
        %parallel_loop3A_829 = tpu.vector_load %arg7[%parallel_loop3A_826, %parallel_loop3A_827, %parallel_loop3A_828] {strides = array<i32>} : memref<2x64x128xf32, #tpu.memory_space<vmem>>, vector<16xf32>,
        tpu.vector_store %arg7[%parallel_loop3A_826, %parallel_loop3A_827, %parallel_loop3A_828], %parallel_loop3A_821 {strides = array<i32>} : memref<2x64x128xf32, #tpu.memory_space<vmem>>, vector<16xf32>,
        %parallel_loop3A_830 = arith.constant 62496 : i32
        %parallel_loop3A_831 = vector.broadcast %parallel_loop3A_830 : i32 to vector<16xi32>
        %parallel_loop3A_832 = arith.addi %parallel_loop3A_85, %parallel_loop3A_831 : vector<16xi32>
        %parallel_loop3A_833 = tpu.vector_load_idx %arg5[%parallel_loop3A_832] : memref<64512xf32, #tpu.memory_space<vmem>>[vector<16xi32>], vector<16xf32>,
        %parallel_loop3A_834 = arith.constant 16 : i32
        %parallel_loop3A_835 = arith.muli %parallel_loop3A_80, %parallel_loop3A_834 : i32
        %parallel_loop3A_836 = arith.constant 0 : i32
        %parallel_loop3A_837 = arith.constant 62 : i32
        %parallel_loop3A_838 = arith.index_cast %parallel_loop3A_836 : i32 to index
        %parallel_loop3A_839 = arith.index_cast %parallel_loop3A_837 : i32 to index
        %parallel_loop3A_840 = arith.index_cast %parallel_loop3A_835 : i32 to index
        %parallel_loop3A_841 = tpu.vector_load %arg7[%parallel_loop3A_838, %parallel_loop3A_839, %parallel_loop3A_840] {strides = array<i32>} : memref<2x64x128xf32, #tpu.memory_space<vmem>>, vector<16xf32>,
        tpu.vector_store %arg7[%parallel_loop3A_838, %parallel_loop3A_839, %parallel_loop3A_840], %parallel_loop3A_833 {strides = array<i32>} : memref<2x64x128xf32, #tpu.memory_space<vmem>>, vector<16xf32>,
        %parallel_loop3A_842 = arith.constant 63504 : i32
        %parallel_loop3A_843 = vector.broadcast %parallel_loop3A_842 : i32 to vector<16xi32>
        %parallel_loop3A_844 = arith.addi %parallel_loop3A_85, %parallel_loop3A_843 : vector<16xi32>
        %parallel_loop3A_845 = tpu.vector_load_idx %arg5[%parallel_loop3A_844] : memref<64512xf32, #tpu.memory_space<vmem>>[vector<16xi32>], vector<16xf32>,
        %parallel_loop3A_846 = arith.constant 16 : i32
        %parallel_loop3A_847 = arith.muli %parallel_loop3A_80, %parallel_loop3A_846 : i32
        %parallel_loop3A_848 = arith.constant 0 : i32
        %parallel_loop3A_849 = arith.constant 63 : i32
        %parallel_loop3A_850 = arith.index_cast %parallel_loop3A_848 : i32 to index
        %parallel_loop3A_851 = arith.index_cast %parallel_loop3A_849 : i32 to index
        %parallel_loop3A_852 = arith.index_cast %parallel_loop3A_847 : i32 to index
        %parallel_loop3A_853 = tpu.vector_load %arg7[%parallel_loop3A_850, %parallel_loop3A_851, %parallel_loop3A_852] {strides = array<i32>} : memref<2x64x128xf32, #tpu.memory_space<vmem>>, vector<16xf32>,
        tpu.vector_store %arg7[%parallel_loop3A_850, %parallel_loop3A_851, %parallel_loop3A_852], %parallel_loop3A_845 {strides = array<i32>} : memref<2x64x128xf32, #tpu.memory_space<vmem>>, vector<16xf32>,
      } {sc.loop_unroll_factor = 8 : i64, sc.parallel_access}
      %dma_start3A = arith.constant 0 : i32
      %dma_start3A_15 = arith.constant 0 : i32
      %dma_start3A_16 = arith.constant 0 : i32
      %dma_start3A_17 = tpu.memref_slice %arg7[%dma_start3A, %dma_start3A_15, %dma_start3A_16] : memref<2x64x128xf32, #tpu.memory_space<vmem>> -> memref<1x64x128xf32, #tpu.memory_space<vmem>>
      %dma_start3A_18 = tpu.memref_squeeze %dma_start3A_17 : memref<1x64x128xf32, #tpu.memory_space<vmem>> -> memref<64x128xf32, #tpu.memory_space<vmem>>
      %dma_start3A_19 = arith.constant 0 : i32
      %dma_start3A_20 = tpu.memref_slice %arg4[%add3A_12, %dma_start3A_19, %mul3A_2] : memref<200x64x4096xf32, #tpu.memory_space<hbm>> -> memref<1x64x128xf32, #tpu.memory_space<hbm>>
      %dma_start3A_21 = tpu.memref_squeeze %dma_start3A_20 : memref<1x64x128xf32, #tpu.memory_space<hbm>> -> memref<64x128xf32, #tpu.memory_space<hbm>>
      %dma_start3A_22 = arith.constant 0 : i32
      %dma_start3A_23 = tpu.memref_slice %arg4[%add3A_12, %dma_start3A_22, %mul3A_2] : memref<200x64x4096xf32, #tpu.memory_space<hbm>> -> memref<1x64x128xf32, #tpu.memory_space<hbm>>
      %dma_start3A_24 = tpu.memref_squeeze %dma_start3A_23 : memref<1x64x128xf32, #tpu.memory_space<hbm>> -> memref<64x128xf32, #tpu.memory_space<hbm>>
      %dma_start3A_25 = arith.constant 0 : i32
      %dma_start3A_26 = arith.constant 0 : i32
      %dma_start3A_27 = tpu.memref_slice %arg7[%dma_start3A, %dma_start3A_25, %dma_start3A_26] : memref<2x64x128xf32, #tpu.memory_space<vmem>> -> memref<1x64x128xf32, #tpu.memory_space<vmem>>
      %dma_start3A_28 = tpu.memref_squeeze %dma_start3A_27 : memref<1x64x128xf32, #tpu.memory_space<vmem>> -> memref<64x128xf32, #tpu.memory_space<vmem>>
      tpu.enqueue_dma source(%dma_start3A_28 : memref<64x128xf32, #tpu.memory_space<vmem>>) target(%dma_start3A_24 : memref<64x128xf32, #tpu.memory_space<hbm>>) target_semaphore(%arg8 : memref<!tpu.dma_semaphore, #tpu.memory_space<semaphore_mem>>)
      %mul3A_29 = arith.constant 2 : i32
      %mul3A_30 = arith.muli %scan3A_8, %mul3A_29 : i32
      %add3A_31 = arith.constant 1 : i32
      %add3A_32 = arith.addi %mul3A_30, %add3A_31 : i32
      %parallel_loop3A_33 = arith.constant 0 : i32
      %parallel_loop3A_34 = arith.constant 8 : i32
      %parallel_loop3A_35 = arith.constant 1 : i32
      scf.for %parallel_loop3A_80 = %parallel_loop3A_33 to %parallel_loop3A_34 step %parallel_loop3A_35  : i32 {
        %parallel_loop3A_81 = arith.constant 16 : i32
        %parallel_loop3A_82 = arith.muli %parallel_loop3A_80, %parallel_loop3A_81 : i32
        %parallel_loop3A_83 = arith.index_cast %add3A_32 : i32 to index
        %parallel_loop3A_84 = arith.index_cast %parallel_loop3A_82 : i32 to index
        %parallel_loop3A_85 = tpu.vector_load %arg6[%parallel_loop3A_83, %parallel_loop3A_84] {strides = array<i32>} : memref<200x128xi32, #tpu.memory_space<vmem>>, vector<16xi32>,
        %parallel_loop3A_86 = arith.constant 0 : i32
        %parallel_loop3A_87 = vector.broadcast %parallel_loop3A_86 : i32 to vector<16xi32>
        %parallel_loop3A_88 = arith.addi %parallel_loop3A_85, %parallel_loop3A_87 : vector<16xi32>
        %parallel_loop3A_89 = tpu.vector_load_idx %arg5[%parallel_loop3A_88] : memref<64512xf32, #tpu.memory_space<vmem>>[vector<16xi32>], vector<16xf32>,
        %parallel_loop3A_90 = arith.constant 16 : i32
        %parallel_loop3A_91 = arith.muli %parallel_loop3A_80, %parallel_loop3A_90 : i32
        %parallel_loop3A_92 = arith.constant 1 : i32
        %parallel_loop3A_93 = arith.constant 0 : i32
        %parallel_loop3A_94 = arith.index_cast %parallel_loop3A_92 : i32 to index
        %parallel_loop3A_95 = arith.index_cast %parallel_loop3A_93 : i32 to index
        %parallel_loop3A_96 = arith.index_cast %parallel_loop3A_91 : i32 to index
        %parallel_loop3A_97 = tpu.vector_load %arg7[%parallel_loop3A_94, %parallel_loop3A_95, %parallel_loop3A_96] {strides = array<i32>} : memref<2x64x128xf32, #tpu.memory_space<vmem>>, vector<16xf32>,
        tpu.vector_store %arg7[%parallel_loop3A_94, %parallel_loop3A_95, %parallel_loop3A_96], %parallel_loop3A_89 {strides = array<i32>} : memref<2x64x128xf32, #tpu.memory_space<vmem>>, vector<16xf32>,
        %parallel_loop3A_98 = arith.constant 1008 : i32
        %parallel_loop3A_99 = vector.broadcast %parallel_loop3A_98 : i32 to vector<16xi32>
        %parallel_loop3A_100 = arith.addi %parallel_loop3A_85, %parallel_loop3A_99 : vector<16xi32>
        %parallel_loop3A_101 = tpu.vector_load_idx %arg5[%parallel_loop3A_100] : memref<64512xf32, #tpu.memory_space<vmem>>[vector<16xi32>], vector<16xf32>,
        %parallel_loop3A_102 = arith.constant 16 : i32
        %parallel_loop3A_103 = arith.muli %parallel_loop3A_80, %parallel_loop3A_102 : i32
        %parallel_loop3A_104 = arith.constant 1 : i32
        %parallel_loop3A_105 = arith.constant 1 : i32
        %parallel_loop3A_106 = arith.index_cast %parallel_loop3A_104 : i32 to index
        %parallel_loop3A_107 = arith.index_cast %parallel_loop3A_105 : i32 to index
        %parallel_loop3A_108 = arith.index_cast %parallel_loop3A_103 : i32 to index
        %parallel_loop3A_109 = tpu.vector_load %arg7[%parallel_loop3A_106, %parallel_loop3A_107, %parallel_loop3A_108] {strides = array<i32>} : memref<2x64x128xf32, #tpu.memory_space<vmem>>, vector<16xf32>,
        tpu.vector_store %arg7[%parallel_loop3A_106, %parallel_loop3A_107, %parallel_loop3A_108], %parallel_loop3A_101 {strides = array<i32>} : memref<2x64x128xf32, #tpu.memory_space<vmem>>, vector<16xf32>,
        %parallel_loop3A_110 = arith.constant 2016 : i32
        %parallel_loop3A_111 = vector.broadcast %parallel_loop3A_110 : i32 to vector<16xi32>
        %parallel_loop3A_112 = arith.addi %parallel_loop3A_85, %parallel_loop3A_111 : vector<16xi32>
        %parallel_loop3A_113 = tpu.vector_load_idx %arg5[%parallel_loop3A_112] : memref<64512xf32, #tpu.memory_space<vmem>>[vector<16xi32>], vector<16xf32>,
        %parallel_loop3A_114 = arith.constant 16 : i32
        %parallel_loop3A_115 = arith.muli %parallel_loop3A_80, %parallel_loop3A_114 : i32
        %parallel_loop3A_116 = arith.constant 1 : i32
        %parallel_loop3A_117 = arith.constant 2 : i32
        %parallel_loop3A_118 = arith.index_cast %parallel_loop3A_116 : i32 to index
        %parallel_loop3A_119 = arith.index_cast %parallel_loop3A_117 : i32 to index
        %parallel_loop3A_120 = arith.index_cast %parallel_loop3A_115 : i32 to index
        %parallel_loop3A_121 = tpu.vector_load %arg7[%parallel_loop3A_118, %parallel_loop3A_119, %parallel_loop3A_120] {strides = array<i32>} : memref<2x64x128xf32, #tpu.memory_space<vmem>>, vector<16xf32>,
        tpu.vector_store %arg7[%parallel_loop3A_118, %parallel_loop3A_119, %parallel_loop3A_120], %parallel_loop3A_113 {strides = array<i32>} : memref<2x64x128xf32, #tpu.memory_space<vmem>>, vector<16xf32>,
        %parallel_loop3A_122 = arith.constant 3024 : i32
        %parallel_loop3A_123 = vector.broadcast %parallel_loop3A_122 : i32 to vector<16xi32>
        %parallel_loop3A_124 = arith.addi %parallel_loop3A_85, %parallel_loop3A_123 : vector<16xi32>
        %parallel_loop3A_125 = tpu.vector_load_idx %arg5[%parallel_loop3A_124] : memref<64512xf32, #tpu.memory_space<vmem>>[vector<16xi32>], vector<16xf32>,
        %parallel_loop3A_126 = arith.constant 16 : i32
        %parallel_loop3A_127 = arith.muli %parallel_loop3A_80, %parallel_loop3A_126 : i32
        %parallel_loop3A_128 = arith.constant 1 : i32
        %parallel_loop3A_129 = arith.constant 3 : i32
        %parallel_loop3A_130 = arith.index_cast %parallel_loop3A_128 : i32 to index
        %parallel_loop3A_131 = arith.index_cast %parallel_loop3A_129 : i32 to index
        %parallel_loop3A_132 = arith.index_cast %parallel_loop3A_127 : i32 to index
        %parallel_loop3A_133 = tpu.vector_load %arg7[%parallel_loop3A_130, %parallel_loop3A_131, %parallel_loop3A_132] {strides = array<i32>} : memref<2x64x128xf32, #tpu.memory_space<vmem>>, vector<16xf32>,
        tpu.vector_store %arg7[%parallel_loop3A_130, %parallel_loop3A_131, %parallel_loop3A_132], %parallel_loop3A_125 {strides = array<i32>} : memref<2x64x128xf32, #tpu.memory_space<vmem>>, vector<16xf32>,
        %parallel_loop3A_134 = arith.constant 4032 : i32
        %parallel_loop3A_135 = vector.broadcast %parallel_loop3A_134 : i32 to vector<16xi32>
        %parallel_loop3A_136 = arith.addi %parallel_loop3A_85, %parallel_loop3A_135 : vector<16xi32>
        %parallel_loop3A_137 = tpu.vector_load_idx %arg5[%parallel_loop3A_136] : memref<64512xf32, #tpu.memory_space<vmem>>[vector<16xi32>], vector<16xf32>,
        %parallel_loop3A_138 = arith.constant 16 : i32
        %parallel_loop3A_139 = arith.muli %parallel_loop3A_80, %parallel_loop3A_138 : i32
        %parallel_loop3A_140 = arith.constant 1 : i32
        %parallel_loop3A_141 = arith.constant 4 : i32
        %parallel_loop3A_142 = arith.index_cast %parallel_loop3A_140 : i32 to index
        %parallel_loop3A_143 = arith.index_cast %parallel_loop3A_141 : i32 to index
        %parallel_loop3A_144 = arith.index_cast %parallel_loop3A_139 : i32 to index
        %parallel_loop3A_145 = tpu.vector_load %arg7[%parallel_loop3A_142, %parallel_loop3A_143, %parallel_loop3A_144] {strides = array<i32>} : memref<2x64x128xf32, #tpu.memory_space<vmem>>, vector<16xf32>,
        tpu.vector_store %arg7[%parallel_loop3A_142, %parallel_loop3A_143, %parallel_loop3A_144], %parallel_loop3A_137 {strides = array<i32>} : memref<2x64x128xf32, #tpu.memory_space<vmem>>, vector<16xf32>,
        %parallel_loop3A_146 = arith.constant 5040 : i32
        %parallel_loop3A_147 = vector.broadcast %parallel_loop3A_146 : i32 to vector<16xi32>
        %parallel_loop3A_148 = arith.addi %parallel_loop3A_85, %parallel_loop3A_147 : vector<16xi32>
        %parallel_loop3A_149 = tpu.vector_load_idx %arg5[%parallel_loop3A_148] : memref<64512xf32, #tpu.memory_space<vmem>>[vector<16xi32>], vector<16xf32>,
        %parallel_loop3A_150 = arith.constant 16 : i32
        %parallel_loop3A_151 = arith.muli %parallel_loop3A_80, %parallel_loop3A_150 : i32
        %parallel_loop3A_152 = arith.constant 1 : i32
        %parallel_loop3A_153 = arith.constant 5 : i32
        %parallel_loop3A_154 = arith.index_cast %parallel_loop3A_152 : i32 to index
        %parallel_loop3A_155 = arith.index_cast %parallel_loop3A_153 : i32 to index
        %parallel_loop3A_156 = arith.index_cast %parallel_loop3A_151 : i32 to index
        %parallel_loop3A_157 = tpu.vector_load %arg7[%parallel_loop3A_154, %parallel_loop3A_155, %parallel_loop3A_156] {strides = array<i32>} : memref<2x64x128xf32, #tpu.memory_space<vmem>>, vector<16xf32>,
        tpu.vector_store %arg7[%parallel_loop3A_154, %parallel_loop3A_155, %parallel_loop3A_156], %parallel_loop3A_149 {strides = array<i32>} : memref<2x64x128xf32, #tpu.memory_space<vmem>>, vector<16xf32>,
        %parallel_loop3A_158 = arith.constant 6048 : i32
        %parallel_loop3A_159 = vector.broadcast %parallel_loop3A_158 : i32 to vector<16xi32>
        %parallel_loop3A_160 = arith.addi %parallel_loop3A_85, %parallel_loop3A_159 : vector<16xi32>
        %parallel_loop3A_161 = tpu.vector_load_idx %arg5[%parallel_loop3A_160] : memref<64512xf32, #tpu.memory_space<vmem>>[vector<16xi32>], vector<16xf32>,
        %parallel_loop3A_162 = arith.constant 16 : i32
        %parallel_loop3A_163 = arith.muli %parallel_loop3A_80, %parallel_loop3A_162 : i32
        %parallel_loop3A_164 = arith.constant 1 : i32
        %parallel_loop3A_165 = arith.constant 6 : i32
        %parallel_loop3A_166 = arith.index_cast %parallel_loop3A_164 : i32 to index
        %parallel_loop3A_167 = arith.index_cast %parallel_loop3A_165 : i32 to index
        %parallel_loop3A_168 = arith.index_cast %parallel_loop3A_163 : i32 to index
        %parallel_loop3A_169 = tpu.vector_load %arg7[%parallel_loop3A_166, %parallel_loop3A_167, %parallel_loop3A_168] {strides = array<i32>} : memref<2x64x128xf32, #tpu.memory_space<vmem>>, vector<16xf32>,
        tpu.vector_store %arg7[%parallel_loop3A_166, %parallel_loop3A_167, %parallel_loop3A_168], %parallel_loop3A_161 {strides = array<i32>} : memref<2x64x128xf32, #tpu.memory_space<vmem>>, vector<16xf32>,
        %parallel_loop3A_170 = arith.constant 7056 : i32
        %parallel_loop3A_171 = vector.broadcast %parallel_loop3A_170 : i32 to vector<16xi32>
        %parallel_loop3A_172 = arith.addi %parallel_loop3A_85, %parallel_loop3A_171 : vector<16xi32>
        %parallel_loop3A_173 = tpu.vector_load_idx %arg5[%parallel_loop3A_172] : memref<64512xf32, #tpu.memory_space<vmem>>[vector<16xi32>], vector<16xf32>,
        %parallel_loop3A_174 = arith.constant 16 : i32
        %parallel_loop3A_175 = arith.muli %parallel_loop3A_80, %parallel_loop3A_174 : i32
        %parallel_loop3A_176 = arith.constant 1 : i32
        %parallel_loop3A_177 = arith.constant 7 : i32
        %parallel_loop3A_178 = arith.index_cast %parallel_loop3A_176 : i32 to index
        %parallel_loop3A_179 = arith.index_cast %parallel_loop3A_177 : i32 to index
        %parallel_loop3A_180 = arith.index_cast %parallel_loop3A_175 : i32 to index
        %parallel_loop3A_181 = tpu.vector_load %arg7[%parallel_loop3A_178, %parallel_loop3A_179, %parallel_loop3A_180] {strides = array<i32>} : memref<2x64x128xf32, #tpu.memory_space<vmem>>, vector<16xf32>,
        tpu.vector_store %arg7[%parallel_loop3A_178, %parallel_loop3A_179, %parallel_loop3A_180], %parallel_loop3A_173 {strides = array<i32>} : memref<2x64x128xf32, #tpu.memory_space<vmem>>, vector<16xf32>,
        %parallel_loop3A_182 = arith.constant 8064 : i32
        %parallel_loop3A_183 = vector.broadcast %parallel_loop3A_182 : i32 to vector<16xi32>
        %parallel_loop3A_184 = arith.addi %parallel_loop3A_85, %parallel_loop3A_183 : vector<16xi32>
        %parallel_loop3A_185 = tpu.vector_load_idx %arg5[%parallel_loop3A_184] : memref<64512xf32, #tpu.memory_space<vmem>>[vector<16xi32>], vector<16xf32>,
        %parallel_loop3A_186 = arith.constant 16 : i32
        %parallel_loop3A_187 = arith.muli %parallel_loop3A_80, %parallel_loop3A_186 : i32
        %parallel_loop3A_188 = arith.constant 1 : i32
        %parallel_loop3A_189 = arith.constant 8 : i32
        %parallel_loop3A_190 = arith.index_cast %parallel_loop3A_188 : i32 to index
        %parallel_loop3A_191 = arith.index_cast %parallel_loop3A_189 : i32 to index
        %parallel_loop3A_192 = arith.index_cast %parallel_loop3A_187 : i32 to index
        %parallel_loop3A_193 = tpu.vector_load %arg7[%parallel_loop3A_190, %parallel_loop3A_191, %parallel_loop3A_192] {strides = array<i32>} : memref<2x64x128xf32, #tpu.memory_space<vmem>>, vector<16xf32>,
        tpu.vector_store %arg7[%parallel_loop3A_190, %parallel_loop3A_191, %parallel_loop3A_192], %parallel_loop3A_185 {strides = array<i32>} : memref<2x64x128xf32, #tpu.memory_space<vmem>>, vector<16xf32>,
        %parallel_loop3A_194 = arith.constant 9072 : i32
        %parallel_loop3A_195 = vector.broadcast %parallel_loop3A_194 : i32 to vector<16xi32>
        %parallel_loop3A_196 = arith.addi %parallel_loop3A_85, %parallel_loop3A_195 : vector<16xi32>
        %parallel_loop3A_197 = tpu.vector_load_idx %arg5[%parallel_loop3A_196] : memref<64512xf32, #tpu.memory_space<vmem>>[vector<16xi32>], vector<16xf32>,
        %parallel_loop3A_198 = arith.constant 16 : i32
        %parallel_loop3A_199 = arith.muli %parallel_loop3A_80, %parallel_loop3A_198 : i32
        %parallel_loop3A_200 = arith.constant 1 : i32
        %parallel_loop3A_201 = arith.constant 9 : i32
        %parallel_loop3A_202 = arith.index_cast %parallel_loop3A_200 : i32 to index
        %parallel_loop3A_203 = arith.index_cast %parallel_loop3A_201 : i32 to index
        %parallel_loop3A_204 = arith.index_cast %parallel_loop3A_199 : i32 to index
        %parallel_loop3A_205 = tpu.vector_load %arg7[%parallel_loop3A_202, %parallel_loop3A_203, %parallel_loop3A_204] {strides = array<i32>} : memref<2x64x128xf32, #tpu.memory_space<vmem>>, vector<16xf32>,
        tpu.vector_store %arg7[%parallel_loop3A_202, %parallel_loop3A_203, %parallel_loop3A_204], %parallel_loop3A_197 {strides = array<i32>} : memref<2x64x128xf32, #tpu.memory_space<vmem>>, vector<16xf32>,
        %parallel_loop3A_206 = arith.constant 10080 : i32
        %parallel_loop3A_207 = vector.broadcast %parallel_loop3A_206 : i32 to vector<16xi32>
        %parallel_loop3A_208 = arith.addi %parallel_loop3A_85, %parallel_loop3A_207 : vector<16xi32>
        %parallel_loop3A_209 = tpu.vector_load_idx %arg5[%parallel_loop3A_208] : memref<64512xf32, #tpu.memory_space<vmem>>[vector<16xi32>], vector<16xf32>,
        %parallel_loop3A_210 = arith.constant 16 : i32
        %parallel_loop3A_211 = arith.muli %parallel_loop3A_80, %parallel_loop3A_210 : i32
        %parallel_loop3A_212 = arith.constant 1 : i32
        %parallel_loop3A_213 = arith.constant 10 : i32
        %parallel_loop3A_214 = arith.index_cast %parallel_loop3A_212 : i32 to index
        %parallel_loop3A_215 = arith.index_cast %parallel_loop3A_213 : i32 to index
        %parallel_loop3A_216 = arith.index_cast %parallel_loop3A_211 : i32 to index
        %parallel_loop3A_217 = tpu.vector_load %arg7[%parallel_loop3A_214, %parallel_loop3A_215, %parallel_loop3A_216] {strides = array<i32>} : memref<2x64x128xf32, #tpu.memory_space<vmem>>, vector<16xf32>,
        tpu.vector_store %arg7[%parallel_loop3A_214, %parallel_loop3A_215, %parallel_loop3A_216], %parallel_loop3A_209 {strides = array<i32>} : memref<2x64x128xf32, #tpu.memory_space<vmem>>, vector<16xf32>,
        %parallel_loop3A_218 = arith.constant 11088 : i32
        %parallel_loop3A_219 = vector.broadcast %parallel_loop3A_218 : i32 to vector<16xi32>
        %parallel_loop3A_220 = arith.addi %parallel_loop3A_85, %parallel_loop3A_219 : vector<16xi32>
        %parallel_loop3A_221 = tpu.vector_load_idx %arg5[%parallel_loop3A_220] : memref<64512xf32, #tpu.memory_space<vmem>>[vector<16xi32>], vector<16xf32>,
        %parallel_loop3A_222 = arith.constant 16 : i32
        %parallel_loop3A_223 = arith.muli %parallel_loop3A_80, %parallel_loop3A_222 : i32
        %parallel_loop3A_224 = arith.constant 1 : i32
        %parallel_loop3A_225 = arith.constant 11 : i32
        %parallel_loop3A_226 = arith.index_cast %parallel_loop3A_224 : i32 to index
        %parallel_loop3A_227 = arith.index_cast %parallel_loop3A_225 : i32 to index
        %parallel_loop3A_228 = arith.index_cast %parallel_loop3A_223 : i32 to index
        %parallel_loop3A_229 = tpu.vector_load %arg7[%parallel_loop3A_226, %parallel_loop3A_227, %parallel_loop3A_228] {strides = array<i32>} : memref<2x64x128xf32, #tpu.memory_space<vmem>>, vector<16xf32>,
        tpu.vector_store %arg7[%parallel_loop3A_226, %parallel_loop3A_227, %parallel_loop3A_228], %parallel_loop3A_221 {strides = array<i32>} : memref<2x64x128xf32, #tpu.memory_space<vmem>>, vector<16xf32>,
        %parallel_loop3A_230 = arith.constant 12096 : i32
        %parallel_loop3A_231 = vector.broadcast %parallel_loop3A_230 : i32 to vector<16xi32>
        %parallel_loop3A_232 = arith.addi %parallel_loop3A_85, %parallel_loop3A_231 : vector<16xi32>
        %parallel_loop3A_233 = tpu.vector_load_idx %arg5[%parallel_loop3A_232] : memref<64512xf32, #tpu.memory_space<vmem>>[vector<16xi32>], vector<16xf32>,
        %parallel_loop3A_234 = arith.constant 16 : i32
        %parallel_loop3A_235 = arith.muli %parallel_loop3A_80, %parallel_loop3A_234 : i32
        %parallel_loop3A_236 = arith.constant 1 : i32
        %parallel_loop3A_237 = arith.constant 12 : i32
        %parallel_loop3A_238 = arith.index_cast %parallel_loop3A_236 : i32 to index
        %parallel_loop3A_239 = arith.index_cast %parallel_loop3A_237 : i32 to index
        %parallel_loop3A_240 = arith.index_cast %parallel_loop3A_235 : i32 to index
        %parallel_loop3A_241 = tpu.vector_load %arg7[%parallel_loop3A_238, %parallel_loop3A_239, %parallel_loop3A_240] {strides = array<i32>} : memref<2x64x128xf32, #tpu.memory_space<vmem>>, vector<16xf32>,
        tpu.vector_store %arg7[%parallel_loop3A_238, %parallel_loop3A_239, %parallel_loop3A_240], %parallel_loop3A_233 {strides = array<i32>} : memref<2x64x128xf32, #tpu.memory_space<vmem>>, vector<16xf32>,
        %parallel_loop3A_242 = arith.constant 13104 : i32
        %parallel_loop3A_243 = vector.broadcast %parallel_loop3A_242 : i32 to vector<16xi32>
        %parallel_loop3A_244 = arith.addi %parallel_loop3A_85, %parallel_loop3A_243 : vector<16xi32>
        %parallel_loop3A_245 = tpu.vector_load_idx %arg5[%parallel_loop3A_244] : memref<64512xf32, #tpu.memory_space<vmem>>[vector<16xi32>], vector<16xf32>,
        %parallel_loop3A_246 = arith.constant 16 : i32
        %parallel_loop3A_247 = arith.muli %parallel_loop3A_80, %parallel_loop3A_246 : i32
        %parallel_loop3A_248 = arith.constant 1 : i32
        %parallel_loop3A_249 = arith.constant 13 : i32
        %parallel_loop3A_250 = arith.index_cast %parallel_loop3A_248 : i32 to index
        %parallel_loop3A_251 = arith.index_cast %parallel_loop3A_249 : i32 to index
        %parallel_loop3A_252 = arith.index_cast %parallel_loop3A_247 : i32 to index
        %parallel_loop3A_253 = tpu.vector_load %arg7[%parallel_loop3A_250, %parallel_loop3A_251, %parallel_loop3A_252] {strides = array<i32>} : memref<2x64x128xf32, #tpu.memory_space<vmem>>, vector<16xf32>,
        tpu.vector_store %arg7[%parallel_loop3A_250, %parallel_loop3A_251, %parallel_loop3A_252], %parallel_loop3A_245 {strides = array<i32>} : memref<2x64x128xf32, #tpu.memory_space<vmem>>, vector<16xf32>,
        %parallel_loop3A_254 = arith.constant 14112 : i32
        %parallel_loop3A_255 = vector.broadcast %parallel_loop3A_254 : i32 to vector<16xi32>
        %parallel_loop3A_256 = arith.addi %parallel_loop3A_85, %parallel_loop3A_255 : vector<16xi32>
        %parallel_loop3A_257 = tpu.vector_load_idx %arg5[%parallel_loop3A_256] : memref<64512xf32, #tpu.memory_space<vmem>>[vector<16xi32>], vector<16xf32>,
        %parallel_loop3A_258 = arith.constant 16 : i32
        %parallel_loop3A_259 = arith.muli %parallel_loop3A_80, %parallel_loop3A_258 : i32
        %parallel_loop3A_260 = arith.constant 1 : i32
        %parallel_loop3A_261 = arith.constant 14 : i32
        %parallel_loop3A_262 = arith.index_cast %parallel_loop3A_260 : i32 to index
        %parallel_loop3A_263 = arith.index_cast %parallel_loop3A_261 : i32 to index
        %parallel_loop3A_264 = arith.index_cast %parallel_loop3A_259 : i32 to index
        %parallel_loop3A_265 = tpu.vector_load %arg7[%parallel_loop3A_262, %parallel_loop3A_263, %parallel_loop3A_264] {strides = array<i32>} : memref<2x64x128xf32, #tpu.memory_space<vmem>>, vector<16xf32>,
        tpu.vector_store %arg7[%parallel_loop3A_262, %parallel_loop3A_263, %parallel_loop3A_264], %parallel_loop3A_257 {strides = array<i32>} : memref<2x64x128xf32, #tpu.memory_space<vmem>>, vector<16xf32>,
        %parallel_loop3A_266 = arith.constant 15120 : i32
        %parallel_loop3A_267 = vector.broadcast %parallel_loop3A_266 : i32 to vector<16xi32>
        %parallel_loop3A_268 = arith.addi %parallel_loop3A_85, %parallel_loop3A_267 : vector<16xi32>
        %parallel_loop3A_269 = tpu.vector_load_idx %arg5[%parallel_loop3A_268] : memref<64512xf32, #tpu.memory_space<vmem>>[vector<16xi32>], vector<16xf32>,
        %parallel_loop3A_270 = arith.constant 16 : i32
        %parallel_loop3A_271 = arith.muli %parallel_loop3A_80, %parallel_loop3A_270 : i32
        %parallel_loop3A_272 = arith.constant 1 : i32
        %parallel_loop3A_273 = arith.constant 15 : i32
        %parallel_loop3A_274 = arith.index_cast %parallel_loop3A_272 : i32 to index
        %parallel_loop3A_275 = arith.index_cast %parallel_loop3A_273 : i32 to index
        %parallel_loop3A_276 = arith.index_cast %parallel_loop3A_271 : i32 to index
        %parallel_loop3A_277 = tpu.vector_load %arg7[%parallel_loop3A_274, %parallel_loop3A_275, %parallel_loop3A_276] {strides = array<i32>} : memref<2x64x128xf32, #tpu.memory_space<vmem>>, vector<16xf32>,
        tpu.vector_store %arg7[%parallel_loop3A_274, %parallel_loop3A_275, %parallel_loop3A_276], %parallel_loop3A_269 {strides = array<i32>} : memref<2x64x128xf32, #tpu.memory_space<vmem>>, vector<16xf32>,
        %parallel_loop3A_278 = arith.constant 16128 : i32
        %parallel_loop3A_279 = vector.broadcast %parallel_loop3A_278 : i32 to vector<16xi32>
        %parallel_loop3A_280 = arith.addi %parallel_loop3A_85, %parallel_loop3A_279 : vector<16xi32>
        %parallel_loop3A_281 = tpu.vector_load_idx %arg5[%parallel_loop3A_280] : memref<64512xf32, #tpu.memory_space<vmem>>[vector<16xi32>], vector<16xf32>,
        %parallel_loop3A_282 = arith.constant 16 : i32
        %parallel_loop3A_283 = arith.muli %parallel_loop3A_80, %parallel_loop3A_282 : i32
        %parallel_loop3A_284 = arith.constant 1 : i32
        %parallel_loop3A_285 = arith.constant 16 : i32
        %parallel_loop3A_286 = arith.index_cast %parallel_loop3A_284 : i32 to index
        %parallel_loop3A_287 = arith.index_cast %parallel_loop3A_285 : i32 to index
        %parallel_loop3A_288 = arith.index_cast %parallel_loop3A_283 : i32 to index
        %parallel_loop3A_289 = tpu.vector_load %arg7[%parallel_loop3A_286, %parallel_loop3A_287, %parallel_loop3A_288] {strides = array<i32>} : memref<2x64x128xf32, #tpu.memory_space<vmem>>, vector<16xf32>,
        tpu.vector_store %arg7[%parallel_loop3A_286, %parallel_loop3A_287, %parallel_loop3A_288], %parallel_loop3A_281 {strides = array<i32>} : memref<2x64x128xf32, #tpu.memory_space<vmem>>, vector<16xf32>,
        %parallel_loop3A_290 = arith.constant 17136 : i32
        %parallel_loop3A_291 = vector.broadcast %parallel_loop3A_290 : i32 to vector<16xi32>
        %parallel_loop3A_292 = arith.addi %parallel_loop3A_85, %parallel_loop3A_291 : vector<16xi32>
        %parallel_loop3A_293 = tpu.vector_load_idx %arg5[%parallel_loop3A_292] : memref<64512xf32, #tpu.memory_space<vmem>>[vector<16xi32>], vector<16xf32>,
        %parallel_loop3A_294 = arith.constant 16 : i32
        %parallel_loop3A_295 = arith.muli %parallel_loop3A_80, %parallel_loop3A_294 : i32
        %parallel_loop3A_296 = arith.constant 1 : i32
        %parallel_loop3A_297 = arith.constant 17 : i32
        %parallel_loop3A_298 = arith.index_cast %parallel_loop3A_296 : i32 to index
        %parallel_loop3A_299 = arith.index_cast %parallel_loop3A_297 : i32 to index
        %parallel_loop3A_300 = arith.index_cast %parallel_loop3A_295 : i32 to index
        %parallel_loop3A_301 = tpu.vector_load %arg7[%parallel_loop3A_298, %parallel_loop3A_299, %parallel_loop3A_300] {strides = array<i32>} : memref<2x64x128xf32, #tpu.memory_space<vmem>>, vector<16xf32>,
        tpu.vector_store %arg7[%parallel_loop3A_298, %parallel_loop3A_299, %parallel_loop3A_300], %parallel_loop3A_293 {strides = array<i32>} : memref<2x64x128xf32, #tpu.memory_space<vmem>>, vector<16xf32>,
        %parallel_loop3A_302 = arith.constant 18144 : i32
        %parallel_loop3A_303 = vector.broadcast %parallel_loop3A_302 : i32 to vector<16xi32>
        %parallel_loop3A_304 = arith.addi %parallel_loop3A_85, %parallel_loop3A_303 : vector<16xi32>
        %parallel_loop3A_305 = tpu.vector_load_idx %arg5[%parallel_loop3A_304] : memref<64512xf32, #tpu.memory_space<vmem>>[vector<16xi32>], vector<16xf32>,
        %parallel_loop3A_306 = arith.constant 16 : i32
        %parallel_loop3A_307 = arith.muli %parallel_loop3A_80, %parallel_loop3A_306 : i32
        %parallel_loop3A_308 = arith.constant 1 : i32
        %parallel_loop3A_309 = arith.constant 18 : i32
        %parallel_loop3A_310 = arith.index_cast %parallel_loop3A_308 : i32 to index
        %parallel_loop3A_311 = arith.index_cast %parallel_loop3A_309 : i32 to index
        %parallel_loop3A_312 = arith.index_cast %parallel_loop3A_307 : i32 to index
        %parallel_loop3A_313 = tpu.vector_load %arg7[%parallel_loop3A_310, %parallel_loop3A_311, %parallel_loop3A_312] {strides = array<i32>} : memref<2x64x128xf32, #tpu.memory_space<vmem>>, vector<16xf32>,
        tpu.vector_store %arg7[%parallel_loop3A_310, %parallel_loop3A_311, %parallel_loop3A_312], %parallel_loop3A_305 {strides = array<i32>} : memref<2x64x128xf32, #tpu.memory_space<vmem>>, vector<16xf32>,
        %parallel_loop3A_314 = arith.constant 19152 : i32
        %parallel_loop3A_315 = vector.broadcast %parallel_loop3A_314 : i32 to vector<16xi32>
        %parallel_loop3A_316 = arith.addi %parallel_loop3A_85, %parallel_loop3A_315 : vector<16xi32>
        %parallel_loop3A_317 = tpu.vector_load_idx %arg5[%parallel_loop3A_316] : memref<64512xf32, #tpu.memory_space<vmem>>[vector<16xi32>], vector<16xf32>,
        %parallel_loop3A_318 = arith.constant 16 : i32
        %parallel_loop3A_319 = arith.muli %parallel_loop3A_80, %parallel_loop3A_318 : i32
        %parallel_loop3A_320 = arith.constant 1 : i32
        %parallel_loop3A_321 = arith.constant 19 : i32
        %parallel_loop3A_322 = arith.index_cast %parallel_loop3A_320 : i32 to index
        %parallel_loop3A_323 = arith.index_cast %parallel_loop3A_321 : i32 to index
        %parallel_loop3A_324 = arith.index_cast %parallel_loop3A_319 : i32 to index
        %parallel_loop3A_325 = tpu.vector_load %arg7[%parallel_loop3A_322, %parallel_loop3A_323, %parallel_loop3A_324] {strides = array<i32>} : memref<2x64x128xf32, #tpu.memory_space<vmem>>, vector<16xf32>,
        tpu.vector_store %arg7[%parallel_loop3A_322, %parallel_loop3A_323, %parallel_loop3A_324], %parallel_loop3A_317 {strides = array<i32>} : memref<2x64x128xf32, #tpu.memory_space<vmem>>, vector<16xf32>,
        %parallel_loop3A_326 = arith.constant 20160 : i32
        %parallel_loop3A_327 = vector.broadcast %parallel_loop3A_326 : i32 to vector<16xi32>
        %parallel_loop3A_328 = arith.addi %parallel_loop3A_85, %parallel_loop3A_327 : vector<16xi32>
        %parallel_loop3A_329 = tpu.vector_load_idx %arg5[%parallel_loop3A_328] : memref<64512xf32, #tpu.memory_space<vmem>>[vector<16xi32>], vector<16xf32>,
        %parallel_loop3A_330 = arith.constant 16 : i32
        %parallel_loop3A_331 = arith.muli %parallel_loop3A_80, %parallel_loop3A_330 : i32
        %parallel_loop3A_332 = arith.constant 1 : i32
        %parallel_loop3A_333 = arith.constant 20 : i32
        %parallel_loop3A_334 = arith.index_cast %parallel_loop3A_332 : i32 to index
        %parallel_loop3A_335 = arith.index_cast %parallel_loop3A_333 : i32 to index
        %parallel_loop3A_336 = arith.index_cast %parallel_loop3A_331 : i32 to index
        %parallel_loop3A_337 = tpu.vector_load %arg7[%parallel_loop3A_334, %parallel_loop3A_335, %parallel_loop3A_336] {strides = array<i32>} : memref<2x64x128xf32, #tpu.memory_space<vmem>>, vector<16xf32>,
        tpu.vector_store %arg7[%parallel_loop3A_334, %parallel_loop3A_335, %parallel_loop3A_336], %parallel_loop3A_329 {strides = array<i32>} : memref<2x64x128xf32, #tpu.memory_space<vmem>>, vector<16xf32>,
        %parallel_loop3A_338 = arith.constant 21168 : i32
        %parallel_loop3A_339 = vector.broadcast %parallel_loop3A_338 : i32 to vector<16xi32>
        %parallel_loop3A_340 = arith.addi %parallel_loop3A_85, %parallel_loop3A_339 : vector<16xi32>
        %parallel_loop3A_341 = tpu.vector_load_idx %arg5[%parallel_loop3A_340] : memref<64512xf32, #tpu.memory_space<vmem>>[vector<16xi32>], vector<16xf32>,
        %parallel_loop3A_342 = arith.constant 16 : i32
        %parallel_loop3A_343 = arith.muli %parallel_loop3A_80, %parallel_loop3A_342 : i32
        %parallel_loop3A_344 = arith.constant 1 : i32
        %parallel_loop3A_345 = arith.constant 21 : i32
        %parallel_loop3A_346 = arith.index_cast %parallel_loop3A_344 : i32 to index
        %parallel_loop3A_347 = arith.index_cast %parallel_loop3A_345 : i32 to index
        %parallel_loop3A_348 = arith.index_cast %parallel_loop3A_343 : i32 to index
        %parallel_loop3A_349 = tpu.vector_load %arg7[%parallel_loop3A_346, %parallel_loop3A_347, %parallel_loop3A_348] {strides = array<i32>} : memref<2x64x128xf32, #tpu.memory_space<vmem>>, vector<16xf32>,
        tpu.vector_store %arg7[%parallel_loop3A_346, %parallel_loop3A_347, %parallel_loop3A_348], %parallel_loop3A_341 {strides = array<i32>} : memref<2x64x128xf32, #tpu.memory_space<vmem>>, vector<16xf32>,
        %parallel_loop3A_350 = arith.constant 22176 : i32
        %parallel_loop3A_351 = vector.broadcast %parallel_loop3A_350 : i32 to vector<16xi32>
        %parallel_loop3A_352 = arith.addi %parallel_loop3A_85, %parallel_loop3A_351 : vector<16xi32>
        %parallel_loop3A_353 = tpu.vector_load_idx %arg5[%parallel_loop3A_352] : memref<64512xf32, #tpu.memory_space<vmem>>[vector<16xi32>], vector<16xf32>,
        %parallel_loop3A_354 = arith.constant 16 : i32
        %parallel_loop3A_355 = arith.muli %parallel_loop3A_80, %parallel_loop3A_354 : i32
        %parallel_loop3A_356 = arith.constant 1 : i32
        %parallel_loop3A_357 = arith.constant 22 : i32
        %parallel_loop3A_358 = arith.index_cast %parallel_loop3A_356 : i32 to index
        %parallel_loop3A_359 = arith.index_cast %parallel_loop3A_357 : i32 to index
        %parallel_loop3A_360 = arith.index_cast %parallel_loop3A_355 : i32 to index
        %parallel_loop3A_361 = tpu.vector_load %arg7[%parallel_loop3A_358, %parallel_loop3A_359, %parallel_loop3A_360] {strides = array<i32>} : memref<2x64x128xf32, #tpu.memory_space<vmem>>, vector<16xf32>,
        tpu.vector_store %arg7[%parallel_loop3A_358, %parallel_loop3A_359, %parallel_loop3A_360], %parallel_loop3A_353 {strides = array<i32>} : memref<2x64x128xf32, #tpu.memory_space<vmem>>, vector<16xf32>,
        %parallel_loop3A_362 = arith.constant 23184 : i32
        %parallel_loop3A_363 = vector.broadcast %parallel_loop3A_362 : i32 to vector<16xi32>
        %parallel_loop3A_364 = arith.addi %parallel_loop3A_85, %parallel_loop3A_363 : vector<16xi32>
        %parallel_loop3A_365 = tpu.vector_load_idx %arg5[%parallel_loop3A_364] : memref<64512xf32, #tpu.memory_space<vmem>>[vector<16xi32>], vector<16xf32>,
        %parallel_loop3A_366 = arith.constant 16 : i32
        %parallel_loop3A_367 = arith.muli %parallel_loop3A_80, %parallel_loop3A_366 : i32
        %parallel_loop3A_368 = arith.constant 1 : i32
        %parallel_loop3A_369 = arith.constant 23 : i32
        %parallel_loop3A_370 = arith.index_cast %parallel_loop3A_368 : i32 to index
        %parallel_loop3A_371 = arith.index_cast %parallel_loop3A_369 : i32 to index
        %parallel_loop3A_372 = arith.index_cast %parallel_loop3A_367 : i32 to index
        %parallel_loop3A_373 = tpu.vector_load %arg7[%parallel_loop3A_370, %parallel_loop3A_371, %parallel_loop3A_372] {strides = array<i32>} : memref<2x64x128xf32, #tpu.memory_space<vmem>>, vector<16xf32>,
        tpu.vector_store %arg7[%parallel_loop3A_370, %parallel_loop3A_371, %parallel_loop3A_372], %parallel_loop3A_365 {strides = array<i32>} : memref<2x64x128xf32, #tpu.memory_space<vmem>>, vector<16xf32>,
        %parallel_loop3A_374 = arith.constant 24192 : i32
        %parallel_loop3A_375 = vector.broadcast %parallel_loop3A_374 : i32 to vector<16xi32>
        %parallel_loop3A_376 = arith.addi %parallel_loop3A_85, %parallel_loop3A_375 : vector<16xi32>
        %parallel_loop3A_377 = tpu.vector_load_idx %arg5[%parallel_loop3A_376] : memref<64512xf32, #tpu.memory_space<vmem>>[vector<16xi32>], vector<16xf32>,
        %parallel_loop3A_378 = arith.constant 16 : i32
        %parallel_loop3A_379 = arith.muli %parallel_loop3A_80, %parallel_loop3A_378 : i32
        %parallel_loop3A_380 = arith.constant 1 : i32
        %parallel_loop3A_381 = arith.constant 24 : i32
        %parallel_loop3A_382 = arith.index_cast %parallel_loop3A_380 : i32 to index
        %parallel_loop3A_383 = arith.index_cast %parallel_loop3A_381 : i32 to index
        %parallel_loop3A_384 = arith.index_cast %parallel_loop3A_379 : i32 to index
        %parallel_loop3A_385 = tpu.vector_load %arg7[%parallel_loop3A_382, %parallel_loop3A_383, %parallel_loop3A_384] {strides = array<i32>} : memref<2x64x128xf32, #tpu.memory_space<vmem>>, vector<16xf32>,
        tpu.vector_store %arg7[%parallel_loop3A_382, %parallel_loop3A_383, %parallel_loop3A_384], %parallel_loop3A_377 {strides = array<i32>} : memref<2x64x128xf32, #tpu.memory_space<vmem>>, vector<16xf32>,
        %parallel_loop3A_386 = arith.constant 25200 : i32
        %parallel_loop3A_387 = vector.broadcast %parallel_loop3A_386 : i32 to vector<16xi32>
        %parallel_loop3A_388 = arith.addi %parallel_loop3A_85, %parallel_loop3A_387 : vector<16xi32>
        %parallel_loop3A_389 = tpu.vector_load_idx %arg5[%parallel_loop3A_388] : memref<64512xf32, #tpu.memory_space<vmem>>[vector<16xi32>], vector<16xf32>,
        %parallel_loop3A_390 = arith.constant 16 : i32
        %parallel_loop3A_391 = arith.muli %parallel_loop3A_80, %parallel_loop3A_390 : i32
        %parallel_loop3A_392 = arith.constant 1 : i32
        %parallel_loop3A_393 = arith.constant 25 : i32
        %parallel_loop3A_394 = arith.index_cast %parallel_loop3A_392 : i32 to index
        %parallel_loop3A_395 = arith.index_cast %parallel_loop3A_393 : i32 to index
        %parallel_loop3A_396 = arith.index_cast %parallel_loop3A_391 : i32 to index
        %parallel_loop3A_397 = tpu.vector_load %arg7[%parallel_loop3A_394, %parallel_loop3A_395, %parallel_loop3A_396] {strides = array<i32>} : memref<2x64x128xf32, #tpu.memory_space<vmem>>, vector<16xf32>,
        tpu.vector_store %arg7[%parallel_loop3A_394, %parallel_loop3A_395, %parallel_loop3A_396], %parallel_loop3A_389 {strides = array<i32>} : memref<2x64x128xf32, #tpu.memory_space<vmem>>, vector<16xf32>,
        %parallel_loop3A_398 = arith.constant 26208 : i32
        %parallel_loop3A_399 = vector.broadcast %parallel_loop3A_398 : i32 to vector<16xi32>
        %parallel_loop3A_400 = arith.addi %parallel_loop3A_85, %parallel_loop3A_399 : vector<16xi32>
        %parallel_loop3A_401 = tpu.vector_load_idx %arg5[%parallel_loop3A_400] : memref<64512xf32, #tpu.memory_space<vmem>>[vector<16xi32>], vector<16xf32>,
        %parallel_loop3A_402 = arith.constant 16 : i32
        %parallel_loop3A_403 = arith.muli %parallel_loop3A_80, %parallel_loop3A_402 : i32
        %parallel_loop3A_404 = arith.constant 1 : i32
        %parallel_loop3A_405 = arith.constant 26 : i32
        %parallel_loop3A_406 = arith.index_cast %parallel_loop3A_404 : i32 to index
        %parallel_loop3A_407 = arith.index_cast %parallel_loop3A_405 : i32 to index
        %parallel_loop3A_408 = arith.index_cast %parallel_loop3A_403 : i32 to index
        %parallel_loop3A_409 = tpu.vector_load %arg7[%parallel_loop3A_406, %parallel_loop3A_407, %parallel_loop3A_408] {strides = array<i32>} : memref<2x64x128xf32, #tpu.memory_space<vmem>>, vector<16xf32>,
        tpu.vector_store %arg7[%parallel_loop3A_406, %parallel_loop3A_407, %parallel_loop3A_408], %parallel_loop3A_401 {strides = array<i32>} : memref<2x64x128xf32, #tpu.memory_space<vmem>>, vector<16xf32>,
        %parallel_loop3A_410 = arith.constant 27216 : i32
        %parallel_loop3A_411 = vector.broadcast %parallel_loop3A_410 : i32 to vector<16xi32>
        %parallel_loop3A_412 = arith.addi %parallel_loop3A_85, %parallel_loop3A_411 : vector<16xi32>
        %parallel_loop3A_413 = tpu.vector_load_idx %arg5[%parallel_loop3A_412] : memref<64512xf32, #tpu.memory_space<vmem>>[vector<16xi32>], vector<16xf32>,
        %parallel_loop3A_414 = arith.constant 16 : i32
        %parallel_loop3A_415 = arith.muli %parallel_loop3A_80, %parallel_loop3A_414 : i32
        %parallel_loop3A_416 = arith.constant 1 : i32
        %parallel_loop3A_417 = arith.constant 27 : i32
        %parallel_loop3A_418 = arith.index_cast %parallel_loop3A_416 : i32 to index
        %parallel_loop3A_419 = arith.index_cast %parallel_loop3A_417 : i32 to index
        %parallel_loop3A_420 = arith.index_cast %parallel_loop3A_415 : i32 to index
        %parallel_loop3A_421 = tpu.vector_load %arg7[%parallel_loop3A_418, %parallel_loop3A_419, %parallel_loop3A_420] {strides = array<i32>} : memref<2x64x128xf32, #tpu.memory_space<vmem>>, vector<16xf32>,
        tpu.vector_store %arg7[%parallel_loop3A_418, %parallel_loop3A_419, %parallel_loop3A_420], %parallel_loop3A_413 {strides = array<i32>} : memref<2x64x128xf32, #tpu.memory_space<vmem>>, vector<16xf32>,
        %parallel_loop3A_422 = arith.constant 28224 : i32
        %parallel_loop3A_423 = vector.broadcast %parallel_loop3A_422 : i32 to vector<16xi32>
        %parallel_loop3A_424 = arith.addi %parallel_loop3A_85, %parallel_loop3A_423 : vector<16xi32>
        %parallel_loop3A_425 = tpu.vector_load_idx %arg5[%parallel_loop3A_424] : memref<64512xf32, #tpu.memory_space<vmem>>[vector<16xi32>], vector<16xf32>,
        %parallel_loop3A_426 = arith.constant 16 : i32
        %parallel_loop3A_427 = arith.muli %parallel_loop3A_80, %parallel_loop3A_426 : i32
        %parallel_loop3A_428 = arith.constant 1 : i32
        %parallel_loop3A_429 = arith.constant 28 : i32
        %parallel_loop3A_430 = arith.index_cast %parallel_loop3A_428 : i32 to index
        %parallel_loop3A_431 = arith.index_cast %parallel_loop3A_429 : i32 to index
        %parallel_loop3A_432 = arith.index_cast %parallel_loop3A_427 : i32 to index
        %parallel_loop3A_433 = tpu.vector_load %arg7[%parallel_loop3A_430, %parallel_loop3A_431, %parallel_loop3A_432] {strides = array<i32>} : memref<2x64x128xf32, #tpu.memory_space<vmem>>, vector<16xf32>,
        tpu.vector_store %arg7[%parallel_loop3A_430, %parallel_loop3A_431, %parallel_loop3A_432], %parallel_loop3A_425 {strides = array<i32>} : memref<2x64x128xf32, #tpu.memory_space<vmem>>, vector<16xf32>,
        %parallel_loop3A_434 = arith.constant 29232 : i32
        %parallel_loop3A_435 = vector.broadcast %parallel_loop3A_434 : i32 to vector<16xi32>
        %parallel_loop3A_436 = arith.addi %parallel_loop3A_85, %parallel_loop3A_435 : vector<16xi32>
        %parallel_loop3A_437 = tpu.vector_load_idx %arg5[%parallel_loop3A_436] : memref<64512xf32, #tpu.memory_space<vmem>>[vector<16xi32>], vector<16xf32>,
        %parallel_loop3A_438 = arith.constant 16 : i32
        %parallel_loop3A_439 = arith.muli %parallel_loop3A_80, %parallel_loop3A_438 : i32
        %parallel_loop3A_440 = arith.constant 1 : i32
        %parallel_loop3A_441 = arith.constant 29 : i32
        %parallel_loop3A_442 = arith.index_cast %parallel_loop3A_440 : i32 to index
        %parallel_loop3A_443 = arith.index_cast %parallel_loop3A_441 : i32 to index
        %parallel_loop3A_444 = arith.index_cast %parallel_loop3A_439 : i32 to index
        %parallel_loop3A_445 = tpu.vector_load %arg7[%parallel_loop3A_442, %parallel_loop3A_443, %parallel_loop3A_444] {strides = array<i32>} : memref<2x64x128xf32, #tpu.memory_space<vmem>>, vector<16xf32>,
        tpu.vector_store %arg7[%parallel_loop3A_442, %parallel_loop3A_443, %parallel_loop3A_444], %parallel_loop3A_437 {strides = array<i32>} : memref<2x64x128xf32, #tpu.memory_space<vmem>>, vector<16xf32>,
        %parallel_loop3A_446 = arith.constant 30240 : i32
        %parallel_loop3A_447 = vector.broadcast %parallel_loop3A_446 : i32 to vector<16xi32>
        %parallel_loop3A_448 = arith.addi %parallel_loop3A_85, %parallel_loop3A_447 : vector<16xi32>
        %parallel_loop3A_449 = tpu.vector_load_idx %arg5[%parallel_loop3A_448] : memref<64512xf32, #tpu.memory_space<vmem>>[vector<16xi32>], vector<16xf32>,
        %parallel_loop3A_450 = arith.constant 16 : i32
        %parallel_loop3A_451 = arith.muli %parallel_loop3A_80, %parallel_loop3A_450 : i32
        %parallel_loop3A_452 = arith.constant 1 : i32
        %parallel_loop3A_453 = arith.constant 30 : i32
        %parallel_loop3A_454 = arith.index_cast %parallel_loop3A_452 : i32 to index
        %parallel_loop3A_455 = arith.index_cast %parallel_loop3A_453 : i32 to index
        %parallel_loop3A_456 = arith.index_cast %parallel_loop3A_451 : i32 to index
        %parallel_loop3A_457 = tpu.vector_load %arg7[%parallel_loop3A_454, %parallel_loop3A_455, %parallel_loop3A_456] {strides = array<i32>} : memref<2x64x128xf32, #tpu.memory_space<vmem>>, vector<16xf32>,
        tpu.vector_store %arg7[%parallel_loop3A_454, %parallel_loop3A_455, %parallel_loop3A_456], %parallel_loop3A_449 {strides = array<i32>} : memref<2x64x128xf32, #tpu.memory_space<vmem>>, vector<16xf32>,
        %parallel_loop3A_458 = arith.constant 31248 : i32
        %parallel_loop3A_459 = vector.broadcast %parallel_loop3A_458 : i32 to vector<16xi32>
        %parallel_loop3A_460 = arith.addi %parallel_loop3A_85, %parallel_loop3A_459 : vector<16xi32>
        %parallel_loop3A_461 = tpu.vector_load_idx %arg5[%parallel_loop3A_460] : memref<64512xf32, #tpu.memory_space<vmem>>[vector<16xi32>], vector<16xf32>,
        %parallel_loop3A_462 = arith.constant 16 : i32
        %parallel_loop3A_463 = arith.muli %parallel_loop3A_80, %parallel_loop3A_462 : i32
        %parallel_loop3A_464 = arith.constant 1 : i32
        %parallel_loop3A_465 = arith.constant 31 : i32
        %parallel_loop3A_466 = arith.index_cast %parallel_loop3A_464 : i32 to index
        %parallel_loop3A_467 = arith.index_cast %parallel_loop3A_465 : i32 to index
        %parallel_loop3A_468 = arith.index_cast %parallel_loop3A_463 : i32 to index
        %parallel_loop3A_469 = tpu.vector_load %arg7[%parallel_loop3A_466, %parallel_loop3A_467, %parallel_loop3A_468] {strides = array<i32>} : memref<2x64x128xf32, #tpu.memory_space<vmem>>, vector<16xf32>,
        tpu.vector_store %arg7[%parallel_loop3A_466, %parallel_loop3A_467, %parallel_loop3A_468], %parallel_loop3A_461 {strides = array<i32>} : memref<2x64x128xf32, #tpu.memory_space<vmem>>, vector<16xf32>,
        %parallel_loop3A_470 = arith.constant 32256 : i32
        %parallel_loop3A_471 = vector.broadcast %parallel_loop3A_470 : i32 to vector<16xi32>
        %parallel_loop3A_472 = arith.addi %parallel_loop3A_85, %parallel_loop3A_471 : vector<16xi32>
        %parallel_loop3A_473 = tpu.vector_load_idx %arg5[%parallel_loop3A_472] : memref<64512xf32, #tpu.memory_space<vmem>>[vector<16xi32>], vector<16xf32>,
        %parallel_loop3A_474 = arith.constant 16 : i32
        %parallel_loop3A_475 = arith.muli %parallel_loop3A_80, %parallel_loop3A_474 : i32
        %parallel_loop3A_476 = arith.constant 1 : i32
        %parallel_loop3A_477 = arith.constant 32 : i32
        %parallel_loop3A_478 = arith.index_cast %parallel_loop3A_476 : i32 to index
        %parallel_loop3A_479 = arith.index_cast %parallel_loop3A_477 : i32 to index
        %parallel_loop3A_480 = arith.index_cast %parallel_loop3A_475 : i32 to index
        %parallel_loop3A_481 = tpu.vector_load %arg7[%parallel_loop3A_478, %parallel_loop3A_479, %parallel_loop3A_480] {strides = array<i32>} : memref<2x64x128xf32, #tpu.memory_space<vmem>>, vector<16xf32>,
        tpu.vector_store %arg7[%parallel_loop3A_478, %parallel_loop3A_479, %parallel_loop3A_480], %parallel_loop3A_473 {strides = array<i32>} : memref<2x64x128xf32, #tpu.memory_space<vmem>>, vector<16xf32>,
        %parallel_loop3A_482 = arith.constant 33264 : i32
        %parallel_loop3A_483 = vector.broadcast %parallel_loop3A_482 : i32 to vector<16xi32>
        %parallel_loop3A_484 = arith.addi %parallel_loop3A_85, %parallel_loop3A_483 : vector<16xi32>
        %parallel_loop3A_485 = tpu.vector_load_idx %arg5[%parallel_loop3A_484] : memref<64512xf32, #tpu.memory_space<vmem>>[vector<16xi32>], vector<16xf32>,
        %parallel_loop3A_486 = arith.constant 16 : i32
        %parallel_loop3A_487 = arith.muli %parallel_loop3A_80, %parallel_loop3A_486 : i32
        %parallel_loop3A_488 = arith.constant 1 : i32
        %parallel_loop3A_489 = arith.constant 33 : i32
        %parallel_loop3A_490 = arith.index_cast %parallel_loop3A_488 : i32 to index
        %parallel_loop3A_491 = arith.index_cast %parallel_loop3A_489 : i32 to index
        %parallel_loop3A_492 = arith.index_cast %parallel_loop3A_487 : i32 to index
        %parallel_loop3A_493 = tpu.vector_load %arg7[%parallel_loop3A_490, %parallel_loop3A_491, %parallel_loop3A_492] {strides = array<i32>} : memref<2x64x128xf32, #tpu.memory_space<vmem>>, vector<16xf32>,
        tpu.vector_store %arg7[%parallel_loop3A_490, %parallel_loop3A_491, %parallel_loop3A_492], %parallel_loop3A_485 {strides = array<i32>} : memref<2x64x128xf32, #tpu.memory_space<vmem>>, vector<16xf32>,
        %parallel_loop3A_494 = arith.constant 34272 : i32
        %parallel_loop3A_495 = vector.broadcast %parallel_loop3A_494 : i32 to vector<16xi32>
        %parallel_loop3A_496 = arith.addi %parallel_loop3A_85, %parallel_loop3A_495 : vector<16xi32>
        %parallel_loop3A_497 = tpu.vector_load_idx %arg5[%parallel_loop3A_496] : memref<64512xf32, #tpu.memory_space<vmem>>[vector<16xi32>], vector<16xf32>,
        %parallel_loop3A_498 = arith.constant 16 : i32
        %parallel_loop3A_499 = arith.muli %parallel_loop3A_80, %parallel_loop3A_498 : i32
        %parallel_loop3A_500 = arith.constant 1 : i32
        %parallel_loop3A_501 = arith.constant 34 : i32
        %parallel_loop3A_502 = arith.index_cast %parallel_loop3A_500 : i32 to index
        %parallel_loop3A_503 = arith.index_cast %parallel_loop3A_501 : i32 to index
        %parallel_loop3A_504 = arith.index_cast %parallel_loop3A_499 : i32 to index
        %parallel_loop3A_505 = tpu.vector_load %arg7[%parallel_loop3A_502, %parallel_loop3A_503, %parallel_loop3A_504] {strides = array<i32>} : memref<2x64x128xf32, #tpu.memory_space<vmem>>, vector<16xf32>,
        tpu.vector_store %arg7[%parallel_loop3A_502, %parallel_loop3A_503, %parallel_loop3A_504], %parallel_loop3A_497 {strides = array<i32>} : memref<2x64x128xf32, #tpu.memory_space<vmem>>, vector<16xf32>,
        %parallel_loop3A_506 = arith.constant 35280 : i32
        %parallel_loop3A_507 = vector.broadcast %parallel_loop3A_506 : i32 to vector<16xi32>
        %parallel_loop3A_508 = arith.addi %parallel_loop3A_85, %parallel_loop3A_507 : vector<16xi32>
        %parallel_loop3A_509 = tpu.vector_load_idx %arg5[%parallel_loop3A_508] : memref<64512xf32, #tpu.memory_space<vmem>>[vector<16xi32>], vector<16xf32>,
        %parallel_loop3A_510 = arith.constant 16 : i32
        %parallel_loop3A_511 = arith.muli %parallel_loop3A_80, %parallel_loop3A_510 : i32
        %parallel_loop3A_512 = arith.constant 1 : i32
        %parallel_loop3A_513 = arith.constant 35 : i32
        %parallel_loop3A_514 = arith.index_cast %parallel_loop3A_512 : i32 to index
        %parallel_loop3A_515 = arith.index_cast %parallel_loop3A_513 : i32 to index
        %parallel_loop3A_516 = arith.index_cast %parallel_loop3A_511 : i32 to index
        %parallel_loop3A_517 = tpu.vector_load %arg7[%parallel_loop3A_514, %parallel_loop3A_515, %parallel_loop3A_516] {strides = array<i32>} : memref<2x64x128xf32, #tpu.memory_space<vmem>>, vector<16xf32>,
        tpu.vector_store %arg7[%parallel_loop3A_514, %parallel_loop3A_515, %parallel_loop3A_516], %parallel_loop3A_509 {strides = array<i32>} : memref<2x64x128xf32, #tpu.memory_space<vmem>>, vector<16xf32>,
        %parallel_loop3A_518 = arith.constant 36288 : i32
        %parallel_loop3A_519 = vector.broadcast %parallel_loop3A_518 : i32 to vector<16xi32>
        %parallel_loop3A_520 = arith.addi %parallel_loop3A_85, %parallel_loop3A_519 : vector<16xi32>
        %parallel_loop3A_521 = tpu.vector_load_idx %arg5[%parallel_loop3A_520] : memref<64512xf32, #tpu.memory_space<vmem>>[vector<16xi32>], vector<16xf32>,
        %parallel_loop3A_522 = arith.constant 16 : i32
        %parallel_loop3A_523 = arith.muli %parallel_loop3A_80, %parallel_loop3A_522 : i32
        %parallel_loop3A_524 = arith.constant 1 : i32
        %parallel_loop3A_525 = arith.constant 36 : i32
        %parallel_loop3A_526 = arith.index_cast %parallel_loop3A_524 : i32 to index
        %parallel_loop3A_527 = arith.index_cast %parallel_loop3A_525 : i32 to index
        %parallel_loop3A_528 = arith.index_cast %parallel_loop3A_523 : i32 to index
        %parallel_loop3A_529 = tpu.vector_load %arg7[%parallel_loop3A_526, %parallel_loop3A_527, %parallel_loop3A_528] {strides = array<i32>} : memref<2x64x128xf32, #tpu.memory_space<vmem>>, vector<16xf32>,
        tpu.vector_store %arg7[%parallel_loop3A_526, %parallel_loop3A_527, %parallel_loop3A_528], %parallel_loop3A_521 {strides = array<i32>} : memref<2x64x128xf32, #tpu.memory_space<vmem>>, vector<16xf32>,
        %parallel_loop3A_530 = arith.constant 37296 : i32
        %parallel_loop3A_531 = vector.broadcast %parallel_loop3A_530 : i32 to vector<16xi32>
        %parallel_loop3A_532 = arith.addi %parallel_loop3A_85, %parallel_loop3A_531 : vector<16xi32>
        %parallel_loop3A_533 = tpu.vector_load_idx %arg5[%parallel_loop3A_532] : memref<64512xf32, #tpu.memory_space<vmem>>[vector<16xi32>], vector<16xf32>,
        %parallel_loop3A_534 = arith.constant 16 : i32
        %parallel_loop3A_535 = arith.muli %parallel_loop3A_80, %parallel_loop3A_534 : i32
        %parallel_loop3A_536 = arith.constant 1 : i32
        %parallel_loop3A_537 = arith.constant 37 : i32
        %parallel_loop3A_538 = arith.index_cast %parallel_loop3A_536 : i32 to index
        %parallel_loop3A_539 = arith.index_cast %parallel_loop3A_537 : i32 to index
        %parallel_loop3A_540 = arith.index_cast %parallel_loop3A_535 : i32 to index
        %parallel_loop3A_541 = tpu.vector_load %arg7[%parallel_loop3A_538, %parallel_loop3A_539, %parallel_loop3A_540] {strides = array<i32>} : memref<2x64x128xf32, #tpu.memory_space<vmem>>, vector<16xf32>,
        tpu.vector_store %arg7[%parallel_loop3A_538, %parallel_loop3A_539, %parallel_loop3A_540], %parallel_loop3A_533 {strides = array<i32>} : memref<2x64x128xf32, #tpu.memory_space<vmem>>, vector<16xf32>,
        %parallel_loop3A_542 = arith.constant 38304 : i32
        %parallel_loop3A_543 = vector.broadcast %parallel_loop3A_542 : i32 to vector<16xi32>
        %parallel_loop3A_544 = arith.addi %parallel_loop3A_85, %parallel_loop3A_543 : vector<16xi32>
        %parallel_loop3A_545 = tpu.vector_load_idx %arg5[%parallel_loop3A_544] : memref<64512xf32, #tpu.memory_space<vmem>>[vector<16xi32>], vector<16xf32>,
        %parallel_loop3A_546 = arith.constant 16 : i32
        %parallel_loop3A_547 = arith.muli %parallel_loop3A_80, %parallel_loop3A_546 : i32
        %parallel_loop3A_548 = arith.constant 1 : i32
        %parallel_loop3A_549 = arith.constant 38 : i32
        %parallel_loop3A_550 = arith.index_cast %parallel_loop3A_548 : i32 to index
        %parallel_loop3A_551 = arith.index_cast %parallel_loop3A_549 : i32 to index
        %parallel_loop3A_552 = arith.index_cast %parallel_loop3A_547 : i32 to index
        %parallel_loop3A_553 = tpu.vector_load %arg7[%parallel_loop3A_550, %parallel_loop3A_551, %parallel_loop3A_552] {strides = array<i32>} : memref<2x64x128xf32, #tpu.memory_space<vmem>>, vector<16xf32>,
        tpu.vector_store %arg7[%parallel_loop3A_550, %parallel_loop3A_551, %parallel_loop3A_552], %parallel_loop3A_545 {strides = array<i32>} : memref<2x64x128xf32, #tpu.memory_space<vmem>>, vector<16xf32>,
        %parallel_loop3A_554 = arith.constant 39312 : i32
        %parallel_loop3A_555 = vector.broadcast %parallel_loop3A_554 : i32 to vector<16xi32>
        %parallel_loop3A_556 = arith.addi %parallel_loop3A_85, %parallel_loop3A_555 : vector<16xi32>
        %parallel_loop3A_557 = tpu.vector_load_idx %arg5[%parallel_loop3A_556] : memref<64512xf32, #tpu.memory_space<vmem>>[vector<16xi32>], vector<16xf32>,
        %parallel_loop3A_558 = arith.constant 16 : i32
        %parallel_loop3A_559 = arith.muli %parallel_loop3A_80, %parallel_loop3A_558 : i32
        %parallel_loop3A_560 = arith.constant 1 : i32
        %parallel_loop3A_561 = arith.constant 39 : i32
        %parallel_loop3A_562 = arith.index_cast %parallel_loop3A_560 : i32 to index
        %parallel_loop3A_563 = arith.index_cast %parallel_loop3A_561 : i32 to index
        %parallel_loop3A_564 = arith.index_cast %parallel_loop3A_559 : i32 to index
        %parallel_loop3A_565 = tpu.vector_load %arg7[%parallel_loop3A_562, %parallel_loop3A_563, %parallel_loop3A_564] {strides = array<i32>} : memref<2x64x128xf32, #tpu.memory_space<vmem>>, vector<16xf32>,
        tpu.vector_store %arg7[%parallel_loop3A_562, %parallel_loop3A_563, %parallel_loop3A_564], %parallel_loop3A_557 {strides = array<i32>} : memref<2x64x128xf32, #tpu.memory_space<vmem>>, vector<16xf32>,
        %parallel_loop3A_566 = arith.constant 40320 : i32
        %parallel_loop3A_567 = vector.broadcast %parallel_loop3A_566 : i32 to vector<16xi32>
        %parallel_loop3A_568 = arith.addi %parallel_loop3A_85, %parallel_loop3A_567 : vector<16xi32>
        %parallel_loop3A_569 = tpu.vector_load_idx %arg5[%parallel_loop3A_568] : memref<64512xf32, #tpu.memory_space<vmem>>[vector<16xi32>], vector<16xf32>,
        %parallel_loop3A_570 = arith.constant 16 : i32
        %parallel_loop3A_571 = arith.muli %parallel_loop3A_80, %parallel_loop3A_570 : i32
        %parallel_loop3A_572 = arith.constant 1 : i32
        %parallel_loop3A_573 = arith.constant 40 : i32
        %parallel_loop3A_574 = arith.index_cast %parallel_loop3A_572 : i32 to index
        %parallel_loop3A_575 = arith.index_cast %parallel_loop3A_573 : i32 to index
        %parallel_loop3A_576 = arith.index_cast %parallel_loop3A_571 : i32 to index
        %parallel_loop3A_577 = tpu.vector_load %arg7[%parallel_loop3A_574, %parallel_loop3A_575, %parallel_loop3A_576] {strides = array<i32>} : memref<2x64x128xf32, #tpu.memory_space<vmem>>, vector<16xf32>,
        tpu.vector_store %arg7[%parallel_loop3A_574, %parallel_loop3A_575, %parallel_loop3A_576], %parallel_loop3A_569 {strides = array<i32>} : memref<2x64x128xf32, #tpu.memory_space<vmem>>, vector<16xf32>,
        %parallel_loop3A_578 = arith.constant 41328 : i32
        %parallel_loop3A_579 = vector.broadcast %parallel_loop3A_578 : i32 to vector<16xi32>
        %parallel_loop3A_580 = arith.addi %parallel_loop3A_85, %parallel_loop3A_579 : vector<16xi32>
        %parallel_loop3A_581 = tpu.vector_load_idx %arg5[%parallel_loop3A_580] : memref<64512xf32, #tpu.memory_space<vmem>>[vector<16xi32>], vector<16xf32>,
        %parallel_loop3A_582 = arith.constant 16 : i32
        %parallel_loop3A_583 = arith.muli %parallel_loop3A_80, %parallel_loop3A_582 : i32
        %parallel_loop3A_584 = arith.constant 1 : i32
        %parallel_loop3A_585 = arith.constant 41 : i32
        %parallel_loop3A_586 = arith.index_cast %parallel_loop3A_584 : i32 to index
        %parallel_loop3A_587 = arith.index_cast %parallel_loop3A_585 : i32 to index
        %parallel_loop3A_588 = arith.index_cast %parallel_loop3A_583 : i32 to index
        %parallel_loop3A_589 = tpu.vector_load %arg7[%parallel_loop3A_586, %parallel_loop3A_587, %parallel_loop3A_588] {strides = array<i32>} : memref<2x64x128xf32, #tpu.memory_space<vmem>>, vector<16xf32>,
        tpu.vector_store %arg7[%parallel_loop3A_586, %parallel_loop3A_587, %parallel_loop3A_588], %parallel_loop3A_581 {strides = array<i32>} : memref<2x64x128xf32, #tpu.memory_space<vmem>>, vector<16xf32>,
        %parallel_loop3A_590 = arith.constant 42336 : i32
        %parallel_loop3A_591 = vector.broadcast %parallel_loop3A_590 : i32 to vector<16xi32>
        %parallel_loop3A_592 = arith.addi %parallel_loop3A_85, %parallel_loop3A_591 : vector<16xi32>
        %parallel_loop3A_593 = tpu.vector_load_idx %arg5[%parallel_loop3A_592] : memref<64512xf32, #tpu.memory_space<vmem>>[vector<16xi32>], vector<16xf32>,
        %parallel_loop3A_594 = arith.constant 16 : i32
        %parallel_loop3A_595 = arith.muli %parallel_loop3A_80, %parallel_loop3A_594 : i32
        %parallel_loop3A_596 = arith.constant 1 : i32
        %parallel_loop3A_597 = arith.constant 42 : i32
        %parallel_loop3A_598 = arith.index_cast %parallel_loop3A_596 : i32 to index
        %parallel_loop3A_599 = arith.index_cast %parallel_loop3A_597 : i32 to index
        %parallel_loop3A_600 = arith.index_cast %parallel_loop3A_595 : i32 to index
        %parallel_loop3A_601 = tpu.vector_load %arg7[%parallel_loop3A_598, %parallel_loop3A_599, %parallel_loop3A_600] {strides = array<i32>} : memref<2x64x128xf32, #tpu.memory_space<vmem>>, vector<16xf32>,
        tpu.vector_store %arg7[%parallel_loop3A_598, %parallel_loop3A_599, %parallel_loop3A_600], %parallel_loop3A_593 {strides = array<i32>} : memref<2x64x128xf32, #tpu.memory_space<vmem>>, vector<16xf32>,
        %parallel_loop3A_602 = arith.constant 43344 : i32
        %parallel_loop3A_603 = vector.broadcast %parallel_loop3A_602 : i32 to vector<16xi32>
        %parallel_loop3A_604 = arith.addi %parallel_loop3A_85, %parallel_loop3A_603 : vector<16xi32>
        %parallel_loop3A_605 = tpu.vector_load_idx %arg5[%parallel_loop3A_604] : memref<64512xf32, #tpu.memory_space<vmem>>[vector<16xi32>], vector<16xf32>,
        %parallel_loop3A_606 = arith.constant 16 : i32
        %parallel_loop3A_607 = arith.muli %parallel_loop3A_80, %parallel_loop3A_606 : i32
        %parallel_loop3A_608 = arith.constant 1 : i32
        %parallel_loop3A_609 = arith.constant 43 : i32
        %parallel_loop3A_610 = arith.index_cast %parallel_loop3A_608 : i32 to index
        %parallel_loop3A_611 = arith.index_cast %parallel_loop3A_609 : i32 to index
        %parallel_loop3A_612 = arith.index_cast %parallel_loop3A_607 : i32 to index
        %parallel_loop3A_613 = tpu.vector_load %arg7[%parallel_loop3A_610, %parallel_loop3A_611, %parallel_loop3A_612] {strides = array<i32>} : memref<2x64x128xf32, #tpu.memory_space<vmem>>, vector<16xf32>,
        tpu.vector_store %arg7[%parallel_loop3A_610, %parallel_loop3A_611, %parallel_loop3A_612], %parallel_loop3A_605 {strides = array<i32>} : memref<2x64x128xf32, #tpu.memory_space<vmem>>, vector<16xf32>,
        %parallel_loop3A_614 = arith.constant 44352 : i32
        %parallel_loop3A_615 = vector.broadcast %parallel_loop3A_614 : i32 to vector<16xi32>
        %parallel_loop3A_616 = arith.addi %parallel_loop3A_85, %parallel_loop3A_615 : vector<16xi32>
        %parallel_loop3A_617 = tpu.vector_load_idx %arg5[%parallel_loop3A_616] : memref<64512xf32, #tpu.memory_space<vmem>>[vector<16xi32>], vector<16xf32>,
        %parallel_loop3A_618 = arith.constant 16 : i32
        %parallel_loop3A_619 = arith.muli %parallel_loop3A_80, %parallel_loop3A_618 : i32
        %parallel_loop3A_620 = arith.constant 1 : i32
        %parallel_loop3A_621 = arith.constant 44 : i32
        %parallel_loop3A_622 = arith.index_cast %parallel_loop3A_620 : i32 to index
        %parallel_loop3A_623 = arith.index_cast %parallel_loop3A_621 : i32 to index
        %parallel_loop3A_624 = arith.index_cast %parallel_loop3A_619 : i32 to index
        %parallel_loop3A_625 = tpu.vector_load %arg7[%parallel_loop3A_622, %parallel_loop3A_623, %parallel_loop3A_624] {strides = array<i32>} : memref<2x64x128xf32, #tpu.memory_space<vmem>>, vector<16xf32>,
        tpu.vector_store %arg7[%parallel_loop3A_622, %parallel_loop3A_623, %parallel_loop3A_624], %parallel_loop3A_617 {strides = array<i32>} : memref<2x64x128xf32, #tpu.memory_space<vmem>>, vector<16xf32>,
        %parallel_loop3A_626 = arith.constant 45360 : i32
        %parallel_loop3A_627 = vector.broadcast %parallel_loop3A_626 : i32 to vector<16xi32>
        %parallel_loop3A_628 = arith.addi %parallel_loop3A_85, %parallel_loop3A_627 : vector<16xi32>
        %parallel_loop3A_629 = tpu.vector_load_idx %arg5[%parallel_loop3A_628] : memref<64512xf32, #tpu.memory_space<vmem>>[vector<16xi32>], vector<16xf32>,
        %parallel_loop3A_630 = arith.constant 16 : i32
        %parallel_loop3A_631 = arith.muli %parallel_loop3A_80, %parallel_loop3A_630 : i32
        %parallel_loop3A_632 = arith.constant 1 : i32
        %parallel_loop3A_633 = arith.constant 45 : i32
        %parallel_loop3A_634 = arith.index_cast %parallel_loop3A_632 : i32 to index
        %parallel_loop3A_635 = arith.index_cast %parallel_loop3A_633 : i32 to index
        %parallel_loop3A_636 = arith.index_cast %parallel_loop3A_631 : i32 to index
        %parallel_loop3A_637 = tpu.vector_load %arg7[%parallel_loop3A_634, %parallel_loop3A_635, %parallel_loop3A_636] {strides = array<i32>} : memref<2x64x128xf32, #tpu.memory_space<vmem>>, vector<16xf32>,
        tpu.vector_store %arg7[%parallel_loop3A_634, %parallel_loop3A_635, %parallel_loop3A_636], %parallel_loop3A_629 {strides = array<i32>} : memref<2x64x128xf32, #tpu.memory_space<vmem>>, vector<16xf32>,
        %parallel_loop3A_638 = arith.constant 46368 : i32
        %parallel_loop3A_639 = vector.broadcast %parallel_loop3A_638 : i32 to vector<16xi32>
        %parallel_loop3A_640 = arith.addi %parallel_loop3A_85, %parallel_loop3A_639 : vector<16xi32>
        %parallel_loop3A_641 = tpu.vector_load_idx %arg5[%parallel_loop3A_640] : memref<64512xf32, #tpu.memory_space<vmem>>[vector<16xi32>], vector<16xf32>,
        %parallel_loop3A_642 = arith.constant 16 : i32
        %parallel_loop3A_643 = arith.muli %parallel_loop3A_80, %parallel_loop3A_642 : i32
        %parallel_loop3A_644 = arith.constant 1 : i32
        %parallel_loop3A_645 = arith.constant 46 : i32
        %parallel_loop3A_646 = arith.index_cast %parallel_loop3A_644 : i32 to index
        %parallel_loop3A_647 = arith.index_cast %parallel_loop3A_645 : i32 to index
        %parallel_loop3A_648 = arith.index_cast %parallel_loop3A_643 : i32 to index
        %parallel_loop3A_649 = tpu.vector_load %arg7[%parallel_loop3A_646, %parallel_loop3A_647, %parallel_loop3A_648] {strides = array<i32>} : memref<2x64x128xf32, #tpu.memory_space<vmem>>, vector<16xf32>,
        tpu.vector_store %arg7[%parallel_loop3A_646, %parallel_loop3A_647, %parallel_loop3A_648], %parallel_loop3A_641 {strides = array<i32>} : memref<2x64x128xf32, #tpu.memory_space<vmem>>, vector<16xf32>,
        %parallel_loop3A_650 = arith.constant 47376 : i32
        %parallel_loop3A_651 = vector.broadcast %parallel_loop3A_650 : i32 to vector<16xi32>
        %parallel_loop3A_652 = arith.addi %parallel_loop3A_85, %parallel_loop3A_651 : vector<16xi32>
        %parallel_loop3A_653 = tpu.vector_load_idx %arg5[%parallel_loop3A_652] : memref<64512xf32, #tpu.memory_space<vmem>>[vector<16xi32>], vector<16xf32>,
        %parallel_loop3A_654 = arith.constant 16 : i32
        %parallel_loop3A_655 = arith.muli %parallel_loop3A_80, %parallel_loop3A_654 : i32
        %parallel_loop3A_656 = arith.constant 1 : i32
        %parallel_loop3A_657 = arith.constant 47 : i32
        %parallel_loop3A_658 = arith.index_cast %parallel_loop3A_656 : i32 to index
        %parallel_loop3A_659 = arith.index_cast %parallel_loop3A_657 : i32 to index
        %parallel_loop3A_660 = arith.index_cast %parallel_loop3A_655 : i32 to index
        %parallel_loop3A_661 = tpu.vector_load %arg7[%parallel_loop3A_658, %parallel_loop3A_659, %parallel_loop3A_660] {strides = array<i32>} : memref<2x64x128xf32, #tpu.memory_space<vmem>>, vector<16xf32>,
        tpu.vector_store %arg7[%parallel_loop3A_658, %parallel_loop3A_659, %parallel_loop3A_660], %parallel_loop3A_653 {strides = array<i32>} : memref<2x64x128xf32, #tpu.memory_space<vmem>>, vector<16xf32>,
        %parallel_loop3A_662 = arith.constant 48384 : i32
        %parallel_loop3A_663 = vector.broadcast %parallel_loop3A_662 : i32 to vector<16xi32>
        %parallel_loop3A_664 = arith.addi %parallel_loop3A_85, %parallel_loop3A_663 : vector<16xi32>
        %parallel_loop3A_665 = tpu.vector_load_idx %arg5[%parallel_loop3A_664] : memref<64512xf32, #tpu.memory_space<vmem>>[vector<16xi32>], vector<16xf32>,
        %parallel_loop3A_666 = arith.constant 16 : i32
        %parallel_loop3A_667 = arith.muli %parallel_loop3A_80, %parallel_loop3A_666 : i32
        %parallel_loop3A_668 = arith.constant 1 : i32
        %parallel_loop3A_669 = arith.constant 48 : i32
        %parallel_loop3A_670 = arith.index_cast %parallel_loop3A_668 : i32 to index
        %parallel_loop3A_671 = arith.index_cast %parallel_loop3A_669 : i32 to index
        %parallel_loop3A_672 = arith.index_cast %parallel_loop3A_667 : i32 to index
        %parallel_loop3A_673 = tpu.vector_load %arg7[%parallel_loop3A_670, %parallel_loop3A_671, %parallel_loop3A_672] {strides = array<i32>} : memref<2x64x128xf32, #tpu.memory_space<vmem>>, vector<16xf32>,
        tpu.vector_store %arg7[%parallel_loop3A_670, %parallel_loop3A_671, %parallel_loop3A_672], %parallel_loop3A_665 {strides = array<i32>} : memref<2x64x128xf32, #tpu.memory_space<vmem>>, vector<16xf32>,
        %parallel_loop3A_674 = arith.constant 49392 : i32
        %parallel_loop3A_675 = vector.broadcast %parallel_loop3A_674 : i32 to vector<16xi32>
        %parallel_loop3A_676 = arith.addi %parallel_loop3A_85, %parallel_loop3A_675 : vector<16xi32>
        %parallel_loop3A_677 = tpu.vector_load_idx %arg5[%parallel_loop3A_676] : memref<64512xf32, #tpu.memory_space<vmem>>[vector<16xi32>], vector<16xf32>,
        %parallel_loop3A_678 = arith.constant 16 : i32
        %parallel_loop3A_679 = arith.muli %parallel_loop3A_80, %parallel_loop3A_678 : i32
        %parallel_loop3A_680 = arith.constant 1 : i32
        %parallel_loop3A_681 = arith.constant 49 : i32
        %parallel_loop3A_682 = arith.index_cast %parallel_loop3A_680 : i32 to index
        %parallel_loop3A_683 = arith.index_cast %parallel_loop3A_681 : i32 to index
        %parallel_loop3A_684 = arith.index_cast %parallel_loop3A_679 : i32 to index
        %parallel_loop3A_685 = tpu.vector_load %arg7[%parallel_loop3A_682, %parallel_loop3A_683, %parallel_loop3A_684] {strides = array<i32>} : memref<2x64x128xf32, #tpu.memory_space<vmem>>, vector<16xf32>,
        tpu.vector_store %arg7[%parallel_loop3A_682, %parallel_loop3A_683, %parallel_loop3A_684], %parallel_loop3A_677 {strides = array<i32>} : memref<2x64x128xf32, #tpu.memory_space<vmem>>, vector<16xf32>,
        %parallel_loop3A_686 = arith.constant 50400 : i32
        %parallel_loop3A_687 = vector.broadcast %parallel_loop3A_686 : i32 to vector<16xi32>
        %parallel_loop3A_688 = arith.addi %parallel_loop3A_85, %parallel_loop3A_687 : vector<16xi32>
        %parallel_loop3A_689 = tpu.vector_load_idx %arg5[%parallel_loop3A_688] : memref<64512xf32, #tpu.memory_space<vmem>>[vector<16xi32>], vector<16xf32>,
        %parallel_loop3A_690 = arith.constant 16 : i32
        %parallel_loop3A_691 = arith.muli %parallel_loop3A_80, %parallel_loop3A_690 : i32
        %parallel_loop3A_692 = arith.constant 1 : i32
        %parallel_loop3A_693 = arith.constant 50 : i32
        %parallel_loop3A_694 = arith.index_cast %parallel_loop3A_692 : i32 to index
        %parallel_loop3A_695 = arith.index_cast %parallel_loop3A_693 : i32 to index
        %parallel_loop3A_696 = arith.index_cast %parallel_loop3A_691 : i32 to index
        %parallel_loop3A_697 = tpu.vector_load %arg7[%parallel_loop3A_694, %parallel_loop3A_695, %parallel_loop3A_696] {strides = array<i32>} : memref<2x64x128xf32, #tpu.memory_space<vmem>>, vector<16xf32>,
        tpu.vector_store %arg7[%parallel_loop3A_694, %parallel_loop3A_695, %parallel_loop3A_696], %parallel_loop3A_689 {strides = array<i32>} : memref<2x64x128xf32, #tpu.memory_space<vmem>>, vector<16xf32>,
        %parallel_loop3A_698 = arith.constant 51408 : i32
        %parallel_loop3A_699 = vector.broadcast %parallel_loop3A_698 : i32 to vector<16xi32>
        %parallel_loop3A_700 = arith.addi %parallel_loop3A_85, %parallel_loop3A_699 : vector<16xi32>
        %parallel_loop3A_701 = tpu.vector_load_idx %arg5[%parallel_loop3A_700] : memref<64512xf32, #tpu.memory_space<vmem>>[vector<16xi32>], vector<16xf32>,
        %parallel_loop3A_702 = arith.constant 16 : i32
        %parallel_loop3A_703 = arith.muli %parallel_loop3A_80, %parallel_loop3A_702 : i32
        %parallel_loop3A_704 = arith.constant 1 : i32
        %parallel_loop3A_705 = arith.constant 51 : i32
        %parallel_loop3A_706 = arith.index_cast %parallel_loop3A_704 : i32 to index
        %parallel_loop3A_707 = arith.index_cast %parallel_loop3A_705 : i32 to index
        %parallel_loop3A_708 = arith.index_cast %parallel_loop3A_703 : i32 to index
        %parallel_loop3A_709 = tpu.vector_load %arg7[%parallel_loop3A_706, %parallel_loop3A_707, %parallel_loop3A_708] {strides = array<i32>} : memref<2x64x128xf32, #tpu.memory_space<vmem>>, vector<16xf32>,
        tpu.vector_store %arg7[%parallel_loop3A_706, %parallel_loop3A_707, %parallel_loop3A_708], %parallel_loop3A_701 {strides = array<i32>} : memref<2x64x128xf32, #tpu.memory_space<vmem>>, vector<16xf32>,
        %parallel_loop3A_710 = arith.constant 52416 : i32
        %parallel_loop3A_711 = vector.broadcast %parallel_loop3A_710 : i32 to vector<16xi32>
        %parallel_loop3A_712 = arith.addi %parallel_loop3A_85, %parallel_loop3A_711 : vector<16xi32>
        %parallel_loop3A_713 = tpu.vector_load_idx %arg5[%parallel_loop3A_712] : memref<64512xf32, #tpu.memory_space<vmem>>[vector<16xi32>], vector<16xf32>,
        %parallel_loop3A_714 = arith.constant 16 : i32
        %parallel_loop3A_715 = arith.muli %parallel_loop3A_80, %parallel_loop3A_714 : i32
        %parallel_loop3A_716 = arith.constant 1 : i32
        %parallel_loop3A_717 = arith.constant 52 : i32
        %parallel_loop3A_718 = arith.index_cast %parallel_loop3A_716 : i32 to index
        %parallel_loop3A_719 = arith.index_cast %parallel_loop3A_717 : i32 to index
        %parallel_loop3A_720 = arith.index_cast %parallel_loop3A_715 : i32 to index
        %parallel_loop3A_721 = tpu.vector_load %arg7[%parallel_loop3A_718, %parallel_loop3A_719, %parallel_loop3A_720] {strides = array<i32>} : memref<2x64x128xf32, #tpu.memory_space<vmem>>, vector<16xf32>,
        tpu.vector_store %arg7[%parallel_loop3A_718, %parallel_loop3A_719, %parallel_loop3A_720], %parallel_loop3A_713 {strides = array<i32>} : memref<2x64x128xf32, #tpu.memory_space<vmem>>, vector<16xf32>,
        %parallel_loop3A_722 = arith.constant 53424 : i32
        %parallel_loop3A_723 = vector.broadcast %parallel_loop3A_722 : i32 to vector<16xi32>
        %parallel_loop3A_724 = arith.addi %parallel_loop3A_85, %parallel_loop3A_723 : vector<16xi32>
        %parallel_loop3A_725 = tpu.vector_load_idx %arg5[%parallel_loop3A_724] : memref<64512xf32, #tpu.memory_space<vmem>>[vector<16xi32>], vector<16xf32>,
        %parallel_loop3A_726 = arith.constant 16 : i32
        %parallel_loop3A_727 = arith.muli %parallel_loop3A_80, %parallel_loop3A_726 : i32
        %parallel_loop3A_728 = arith.constant 1 : i32
        %parallel_loop3A_729 = arith.constant 53 : i32
        %parallel_loop3A_730 = arith.index_cast %parallel_loop3A_728 : i32 to index
        %parallel_loop3A_731 = arith.index_cast %parallel_loop3A_729 : i32 to index
        %parallel_loop3A_732 = arith.index_cast %parallel_loop3A_727 : i32 to index
        %parallel_loop3A_733 = tpu.vector_load %arg7[%parallel_loop3A_730, %parallel_loop3A_731, %parallel_loop3A_732] {strides = array<i32>} : memref<2x64x128xf32, #tpu.memory_space<vmem>>, vector<16xf32>,
        tpu.vector_store %arg7[%parallel_loop3A_730, %parallel_loop3A_731, %parallel_loop3A_732], %parallel_loop3A_725 {strides = array<i32>} : memref<2x64x128xf32, #tpu.memory_space<vmem>>, vector<16xf32>,
        %parallel_loop3A_734 = arith.constant 54432 : i32
        %parallel_loop3A_735 = vector.broadcast %parallel_loop3A_734 : i32 to vector<16xi32>
        %parallel_loop3A_736 = arith.addi %parallel_loop3A_85, %parallel_loop3A_735 : vector<16xi32>
        %parallel_loop3A_737 = tpu.vector_load_idx %arg5[%parallel_loop3A_736] : memref<64512xf32, #tpu.memory_space<vmem>>[vector<16xi32>], vector<16xf32>,
        %parallel_loop3A_738 = arith.constant 16 : i32
        %parallel_loop3A_739 = arith.muli %parallel_loop3A_80, %parallel_loop3A_738 : i32
        %parallel_loop3A_740 = arith.constant 1 : i32
        %parallel_loop3A_741 = arith.constant 54 : i32
        %parallel_loop3A_742 = arith.index_cast %parallel_loop3A_740 : i32 to index
        %parallel_loop3A_743 = arith.index_cast %parallel_loop3A_741 : i32 to index
        %parallel_loop3A_744 = arith.index_cast %parallel_loop3A_739 : i32 to index
        %parallel_loop3A_745 = tpu.vector_load %arg7[%parallel_loop3A_742, %parallel_loop3A_743, %parallel_loop3A_744] {strides = array<i32>} : memref<2x64x128xf32, #tpu.memory_space<vmem>>, vector<16xf32>,
        tpu.vector_store %arg7[%parallel_loop3A_742, %parallel_loop3A_743, %parallel_loop3A_744], %parallel_loop3A_737 {strides = array<i32>} : memref<2x64x128xf32, #tpu.memory_space<vmem>>, vector<16xf32>,
        %parallel_loop3A_746 = arith.constant 55440 : i32
        %parallel_loop3A_747 = vector.broadcast %parallel_loop3A_746 : i32 to vector<16xi32>
        %parallel_loop3A_748 = arith.addi %parallel_loop3A_85, %parallel_loop3A_747 : vector<16xi32>
        %parallel_loop3A_749 = tpu.vector_load_idx %arg5[%parallel_loop3A_748] : memref<64512xf32, #tpu.memory_space<vmem>>[vector<16xi32>], vector<16xf32>,
        %parallel_loop3A_750 = arith.constant 16 : i32
        %parallel_loop3A_751 = arith.muli %parallel_loop3A_80, %parallel_loop3A_750 : i32
        %parallel_loop3A_752 = arith.constant 1 : i32
        %parallel_loop3A_753 = arith.constant 55 : i32
        %parallel_loop3A_754 = arith.index_cast %parallel_loop3A_752 : i32 to index
        %parallel_loop3A_755 = arith.index_cast %parallel_loop3A_753 : i32 to index
        %parallel_loop3A_756 = arith.index_cast %parallel_loop3A_751 : i32 to index
        %parallel_loop3A_757 = tpu.vector_load %arg7[%parallel_loop3A_754, %parallel_loop3A_755, %parallel_loop3A_756] {strides = array<i32>} : memref<2x64x128xf32, #tpu.memory_space<vmem>>, vector<16xf32>,
        tpu.vector_store %arg7[%parallel_loop3A_754, %parallel_loop3A_755, %parallel_loop3A_756], %parallel_loop3A_749 {strides = array<i32>} : memref<2x64x128xf32, #tpu.memory_space<vmem>>, vector<16xf32>,
        %parallel_loop3A_758 = arith.constant 56448 : i32
        %parallel_loop3A_759 = vector.broadcast %parallel_loop3A_758 : i32 to vector<16xi32>
        %parallel_loop3A_760 = arith.addi %parallel_loop3A_85, %parallel_loop3A_759 : vector<16xi32>
        %parallel_loop3A_761 = tpu.vector_load_idx %arg5[%parallel_loop3A_760] : memref<64512xf32, #tpu.memory_space<vmem>>[vector<16xi32>], vector<16xf32>,
        %parallel_loop3A_762 = arith.constant 16 : i32
        %parallel_loop3A_763 = arith.muli %parallel_loop3A_80, %parallel_loop3A_762 : i32
        %parallel_loop3A_764 = arith.constant 1 : i32
        %parallel_loop3A_765 = arith.constant 56 : i32
        %parallel_loop3A_766 = arith.index_cast %parallel_loop3A_764 : i32 to index
        %parallel_loop3A_767 = arith.index_cast %parallel_loop3A_765 : i32 to index
        %parallel_loop3A_768 = arith.index_cast %parallel_loop3A_763 : i32 to index
        %parallel_loop3A_769 = tpu.vector_load %arg7[%parallel_loop3A_766, %parallel_loop3A_767, %parallel_loop3A_768] {strides = array<i32>} : memref<2x64x128xf32, #tpu.memory_space<vmem>>, vector<16xf32>,
        tpu.vector_store %arg7[%parallel_loop3A_766, %parallel_loop3A_767, %parallel_loop3A_768], %parallel_loop3A_761 {strides = array<i32>} : memref<2x64x128xf32, #tpu.memory_space<vmem>>, vector<16xf32>,
        %parallel_loop3A_770 = arith.constant 57456 : i32
        %parallel_loop3A_771 = vector.broadcast %parallel_loop3A_770 : i32 to vector<16xi32>
        %parallel_loop3A_772 = arith.addi %parallel_loop3A_85, %parallel_loop3A_771 : vector<16xi32>
        %parallel_loop3A_773 = tpu.vector_load_idx %arg5[%parallel_loop3A_772] : memref<64512xf32, #tpu.memory_space<vmem>>[vector<16xi32>], vector<16xf32>,
        %parallel_loop3A_774 = arith.constant 16 : i32
        %parallel_loop3A_775 = arith.muli %parallel_loop3A_80, %parallel_loop3A_774 : i32
        %parallel_loop3A_776 = arith.constant 1 : i32
        %parallel_loop3A_777 = arith.constant 57 : i32
        %parallel_loop3A_778 = arith.index_cast %parallel_loop3A_776 : i32 to index
        %parallel_loop3A_779 = arith.index_cast %parallel_loop3A_777 : i32 to index
        %parallel_loop3A_780 = arith.index_cast %parallel_loop3A_775 : i32 to index
        %parallel_loop3A_781 = tpu.vector_load %arg7[%parallel_loop3A_778, %parallel_loop3A_779, %parallel_loop3A_780] {strides = array<i32>} : memref<2x64x128xf32, #tpu.memory_space<vmem>>, vector<16xf32>,
        tpu.vector_store %arg7[%parallel_loop3A_778, %parallel_loop3A_779, %parallel_loop3A_780], %parallel_loop3A_773 {strides = array<i32>} : memref<2x64x128xf32, #tpu.memory_space<vmem>>, vector<16xf32>,
        %parallel_loop3A_782 = arith.constant 58464 : i32
        %parallel_loop3A_783 = vector.broadcast %parallel_loop3A_782 : i32 to vector<16xi32>
        %parallel_loop3A_784 = arith.addi %parallel_loop3A_85, %parallel_loop3A_783 : vector<16xi32>
        %parallel_loop3A_785 = tpu.vector_load_idx %arg5[%parallel_loop3A_784] : memref<64512xf32, #tpu.memory_space<vmem>>[vector<16xi32>], vector<16xf32>,
        %parallel_loop3A_786 = arith.constant 16 : i32
        %parallel_loop3A_787 = arith.muli %parallel_loop3A_80, %parallel_loop3A_786 : i32
        %parallel_loop3A_788 = arith.constant 1 : i32
        %parallel_loop3A_789 = arith.constant 58 : i32
        %parallel_loop3A_790 = arith.index_cast %parallel_loop3A_788 : i32 to index
        %parallel_loop3A_791 = arith.index_cast %parallel_loop3A_789 : i32 to index
        %parallel_loop3A_792 = arith.index_cast %parallel_loop3A_787 : i32 to index
        %parallel_loop3A_793 = tpu.vector_load %arg7[%parallel_loop3A_790, %parallel_loop3A_791, %parallel_loop3A_792] {strides = array<i32>} : memref<2x64x128xf32, #tpu.memory_space<vmem>>, vector<16xf32>,
        tpu.vector_store %arg7[%parallel_loop3A_790, %parallel_loop3A_791, %parallel_loop3A_792], %parallel_loop3A_785 {strides = array<i32>} : memref<2x64x128xf32, #tpu.memory_space<vmem>>, vector<16xf32>,
        %parallel_loop3A_794 = arith.constant 59472 : i32
        %parallel_loop3A_795 = vector.broadcast %parallel_loop3A_794 : i32 to vector<16xi32>
        %parallel_loop3A_796 = arith.addi %parallel_loop3A_85, %parallel_loop3A_795 : vector<16xi32>
        %parallel_loop3A_797 = tpu.vector_load_idx %arg5[%parallel_loop3A_796] : memref<64512xf32, #tpu.memory_space<vmem>>[vector<16xi32>], vector<16xf32>,
        %parallel_loop3A_798 = arith.constant 16 : i32
        %parallel_loop3A_799 = arith.muli %parallel_loop3A_80, %parallel_loop3A_798 : i32
        %parallel_loop3A_800 = arith.constant 1 : i32
        %parallel_loop3A_801 = arith.constant 59 : i32
        %parallel_loop3A_802 = arith.index_cast %parallel_loop3A_800 : i32 to index
        %parallel_loop3A_803 = arith.index_cast %parallel_loop3A_801 : i32 to index
        %parallel_loop3A_804 = arith.index_cast %parallel_loop3A_799 : i32 to index
        %parallel_loop3A_805 = tpu.vector_load %arg7[%parallel_loop3A_802, %parallel_loop3A_803, %parallel_loop3A_804] {strides = array<i32>} : memref<2x64x128xf32, #tpu.memory_space<vmem>>, vector<16xf32>,
        tpu.vector_store %arg7[%parallel_loop3A_802, %parallel_loop3A_803, %parallel_loop3A_804], %parallel_loop3A_797 {strides = array<i32>} : memref<2x64x128xf32, #tpu.memory_space<vmem>>, vector<16xf32>,
        %parallel_loop3A_806 = arith.constant 60480 : i32
        %parallel_loop3A_807 = vector.broadcast %parallel_loop3A_806 : i32 to vector<16xi32>
        %parallel_loop3A_808 = arith.addi %parallel_loop3A_85, %parallel_loop3A_807 : vector<16xi32>
        %parallel_loop3A_809 = tpu.vector_load_idx %arg5[%parallel_loop3A_808] : memref<64512xf32, #tpu.memory_space<vmem>>[vector<16xi32>], vector<16xf32>,
        %parallel_loop3A_810 = arith.constant 16 : i32
        %parallel_loop3A_811 = arith.muli %parallel_loop3A_80, %parallel_loop3A_810 : i32
        %parallel_loop3A_812 = arith.constant 1 : i32
        %parallel_loop3A_813 = arith.constant 60 : i32
        %parallel_loop3A_814 = arith.index_cast %parallel_loop3A_812 : i32 to index
        %parallel_loop3A_815 = arith.index_cast %parallel_loop3A_813 : i32 to index
        %parallel_loop3A_816 = arith.index_cast %parallel_loop3A_811 : i32 to index
        %parallel_loop3A_817 = tpu.vector_load %arg7[%parallel_loop3A_814, %parallel_loop3A_815, %parallel_loop3A_816] {strides = array<i32>} : memref<2x64x128xf32, #tpu.memory_space<vmem>>, vector<16xf32>,
        tpu.vector_store %arg7[%parallel_loop3A_814, %parallel_loop3A_815, %parallel_loop3A_816], %parallel_loop3A_809 {strides = array<i32>} : memref<2x64x128xf32, #tpu.memory_space<vmem>>, vector<16xf32>,
        %parallel_loop3A_818 = arith.constant 61488 : i32
        %parallel_loop3A_819 = vector.broadcast %parallel_loop3A_818 : i32 to vector<16xi32>
        %parallel_loop3A_820 = arith.addi %parallel_loop3A_85, %parallel_loop3A_819 : vector<16xi32>
        %parallel_loop3A_821 = tpu.vector_load_idx %arg5[%parallel_loop3A_820] : memref<64512xf32, #tpu.memory_space<vmem>>[vector<16xi32>], vector<16xf32>,
        %parallel_loop3A_822 = arith.constant 16 : i32
        %parallel_loop3A_823 = arith.muli %parallel_loop3A_80, %parallel_loop3A_822 : i32
        %parallel_loop3A_824 = arith.constant 1 : i32
        %parallel_loop3A_825 = arith.constant 61 : i32
        %parallel_loop3A_826 = arith.index_cast %parallel_loop3A_824 : i32 to index
        %parallel_loop3A_827 = arith.index_cast %parallel_loop3A_825 : i32 to index
        %parallel_loop3A_828 = arith.index_cast %parallel_loop3A_823 : i32 to index
        %parallel_loop3A_829 = tpu.vector_load %arg7[%parallel_loop3A_826, %parallel_loop3A_827, %parallel_loop3A_828] {strides = array<i32>} : memref<2x64x128xf32, #tpu.memory_space<vmem>>, vector<16xf32>,
        tpu.vector_store %arg7[%parallel_loop3A_826, %parallel_loop3A_827, %parallel_loop3A_828], %parallel_loop3A_821 {strides = array<i32>} : memref<2x64x128xf32, #tpu.memory_space<vmem>>, vector<16xf32>,
        %parallel_loop3A_830 = arith.constant 62496 : i32
        %parallel_loop3A_831 = vector.broadcast %parallel_loop3A_830 : i32 to vector<16xi32>
        %parallel_loop3A_832 = arith.addi %parallel_loop3A_85, %parallel_loop3A_831 : vector<16xi32>
        %parallel_loop3A_833 = tpu.vector_load_idx %arg5[%parallel_loop3A_832] : memref<64512xf32, #tpu.memory_space<vmem>>[vector<16xi32>], vector<16xf32>,
        %parallel_loop3A_834 = arith.constant 16 : i32
        %parallel_loop3A_835 = arith.muli %parallel_loop3A_80, %parallel_loop3A_834 : i32
        %parallel_loop3A_836 = arith.constant 1 : i32
        %parallel_loop3A_837 = arith.constant 62 : i32
        %parallel_loop3A_838 = arith.index_cast %parallel_loop3A_836 : i32 to index
        %parallel_loop3A_839 = arith.index_cast %parallel_loop3A_837 : i32 to index
        %parallel_loop3A_840 = arith.index_cast %parallel_loop3A_835 : i32 to index
        %parallel_loop3A_841 = tpu.vector_load %arg7[%parallel_loop3A_838, %parallel_loop3A_839, %parallel_loop3A_840] {strides = array<i32>} : memref<2x64x128xf32, #tpu.memory_space<vmem>>, vector<16xf32>,
        tpu.vector_store %arg7[%parallel_loop3A_838, %parallel_loop3A_839, %parallel_loop3A_840], %parallel_loop3A_833 {strides = array<i32>} : memref<2x64x128xf32, #tpu.memory_space<vmem>>, vector<16xf32>,
        %parallel_loop3A_842 = arith.constant 63504 : i32
        %parallel_loop3A_843 = vector.broadcast %parallel_loop3A_842 : i32 to vector<16xi32>
        %parallel_loop3A_844 = arith.addi %parallel_loop3A_85, %parallel_loop3A_843 : vector<16xi32>
        %parallel_loop3A_845 = tpu.vector_load_idx %arg5[%parallel_loop3A_844] : memref<64512xf32, #tpu.memory_space<vmem>>[vector<16xi32>], vector<16xf32>,
        %parallel_loop3A_846 = arith.constant 16 : i32
        %parallel_loop3A_847 = arith.muli %parallel_loop3A_80, %parallel_loop3A_846 : i32
        %parallel_loop3A_848 = arith.constant 1 : i32
        %parallel_loop3A_849 = arith.constant 63 : i32
        %parallel_loop3A_850 = arith.index_cast %parallel_loop3A_848 : i32 to index
        %parallel_loop3A_851 = arith.index_cast %parallel_loop3A_849 : i32 to index
        %parallel_loop3A_852 = arith.index_cast %parallel_loop3A_847 : i32 to index
        %parallel_loop3A_853 = tpu.vector_load %arg7[%parallel_loop3A_850, %parallel_loop3A_851, %parallel_loop3A_852] {strides = array<i32>} : memref<2x64x128xf32, #tpu.memory_space<vmem>>, vector<16xf32>,
        tpu.vector_store %arg7[%parallel_loop3A_850, %parallel_loop3A_851, %parallel_loop3A_852], %parallel_loop3A_845 {strides = array<i32>} : memref<2x64x128xf32, #tpu.memory_space<vmem>>, vector<16xf32>,
      } {sc.loop_unroll_factor = 8 : i64, sc.parallel_access}
      %dma_start3A_36 = arith.constant 1 : i32
      %dma_start3A_37 = arith.constant 0 : i32
      %dma_start3A_38 = arith.constant 0 : i32
      %dma_start3A_39 = tpu.memref_slice %arg7[%dma_start3A_36, %dma_start3A_37, %dma_start3A_38] : memref<2x64x128xf32, #tpu.memory_space<vmem>> -> memref<1x64x128xf32, #tpu.memory_space<vmem>>
      %dma_start3A_40 = tpu.memref_squeeze %dma_start3A_39 : memref<1x64x128xf32, #tpu.memory_space<vmem>> -> memref<64x128xf32, #tpu.memory_space<vmem>>
      %dma_start3A_41 = arith.constant 0 : i32
      %dma_start3A_42 = tpu.memref_slice %arg4[%add3A_32, %dma_start3A_41, %mul3A_2] : memref<200x64x4096xf32, #tpu.memory_space<hbm>> -> memref<1x64x128xf32, #tpu.memory_space<hbm>>
      %dma_start3A_43 = tpu.memref_squeeze %dma_start3A_42 : memref<1x64x128xf32, #tpu.memory_space<hbm>> -> memref<64x128xf32, #tpu.memory_space<hbm>>
      %dma_start3A_44 = arith.constant 0 : i32
      %dma_start3A_45 = tpu.memref_slice %arg4[%add3A_32, %dma_start3A_44, %mul3A_2] : memref<200x64x4096xf32, #tpu.memory_space<hbm>> -> memref<1x64x128xf32, #tpu.memory_space<hbm>>
      %dma_start3A_46 = tpu.memref_squeeze %dma_start3A_45 : memref<1x64x128xf32, #tpu.memory_space<hbm>> -> memref<64x128xf32, #tpu.memory_space<hbm>>
      %dma_start3A_47 = arith.constant 0 : i32
      %dma_start3A_48 = arith.constant 0 : i32
      %dma_start3A_49 = tpu.memref_slice %arg7[%dma_start3A_36, %dma_start3A_47, %dma_start3A_48] : memref<2x64x128xf32, #tpu.memory_space<vmem>> -> memref<1x64x128xf32, #tpu.memory_space<vmem>>
      %dma_start3A_50 = tpu.memref_squeeze %dma_start3A_49 : memref<1x64x128xf32, #tpu.memory_space<vmem>> -> memref<64x128xf32, #tpu.memory_space<vmem>>
      tpu.enqueue_dma source(%dma_start3A_50 : memref<64x128xf32, #tpu.memory_space<vmem>>) target(%dma_start3A_46 : memref<64x128xf32, #tpu.memory_space<hbm>>) target_semaphore(%arg9 : memref<!tpu.dma_semaphore, #tpu.memory_space<semaphore_mem>>)
      %dma_wait3A = arith.constant 0 : i32
      %dma_wait3A_51 = arith.constant 0 : i32
      %dma_wait3A_52 = arith.constant 0 : i32
      %dma_wait3A_53 = tpu.memref_slice %arg7[%dma_wait3A, %dma_wait3A_51, %dma_wait3A_52] : memref<2x64x128xf32, #tpu.memory_space<vmem>> -> memref<1x64x128xf32, #tpu.memory_space<vmem>>
      %dma_wait3A_54 = tpu.memref_squeeze %dma_wait3A_53 : memref<1x64x128xf32, #tpu.memory_space<vmem>> -> memref<64x128xf32, #tpu.memory_space<vmem>>
      %dma_wait3A_55 = arith.constant 0 : i32
      %dma_wait3A_56 = tpu.memref_slice %arg4[%add3A_12, %dma_wait3A_55, %mul3A_2] : memref<200x64x4096xf32, #tpu.memory_space<hbm>> -> memref<1x64x128xf32, #tpu.memory_space<hbm>>
      %dma_wait3A_57 = tpu.memref_squeeze %dma_wait3A_56 : memref<1x64x128xf32, #tpu.memory_space<hbm>> -> memref<64x128xf32, #tpu.memory_space<hbm>>
      %dma_wait3A_58 = arith.constant 0 : i32
      %dma_wait3A_59 = tpu.memref_slice %arg4[%add3A_12, %dma_wait3A_58, %mul3A_2] : memref<200x64x4096xf32, #tpu.memory_space<hbm>> -> memref<1x64x128xf32, #tpu.memory_space<hbm>>
      %dma_wait3A_60 = tpu.memref_squeeze %dma_wait3A_59 : memref<1x64x128xf32, #tpu.memory_space<hbm>> -> memref<64x128xf32, #tpu.memory_space<hbm>>
      %dma_wait3A_61 = arith.constant 0 : i32
      %dma_wait3A_62 = arith.constant 0 : i32
      %dma_wait3A_63 = tpu.memref_slice %arg7[%dma_wait3A, %dma_wait3A_61, %dma_wait3A_62] : memref<2x64x128xf32, #tpu.memory_space<vmem>> -> memref<1x64x128xf32, #tpu.memory_space<vmem>>
      %dma_wait3A_64 = tpu.memref_squeeze %dma_wait3A_63 : memref<1x64x128xf32, #tpu.memory_space<vmem>> -> memref<64x128xf32, #tpu.memory_space<vmem>>
      tpu.wait_dma2 semaphore(%arg8 : memref<!tpu.dma_semaphore, #tpu.memory_space<semaphore_mem>>) src(%dma_wait3A_64 : memref<64x128xf32, #tpu.memory_space<vmem>>) dst(%dma_wait3A_60 : memref<64x128xf32, #tpu.memory_space<hbm>>)
      %dma_wait3A_65 = arith.constant 1 : i32
      %dma_wait3A_66 = arith.constant 0 : i32
      %dma_wait3A_67 = arith.constant 0 : i32
      %dma_wait3A_68 = tpu.memref_slice %arg7[%dma_wait3A_65, %dma_wait3A_66, %dma_wait3A_67] : memref<2x64x128xf32, #tpu.memory_space<vmem>> -> memref<1x64x128xf32, #tpu.memory_space<vmem>>
      %dma_wait3A_69 = tpu.memref_squeeze %dma_wait3A_68 : memref<1x64x128xf32, #tpu.memory_space<vmem>> -> memref<64x128xf32, #tpu.memory_space<vmem>>
      %dma_wait3A_70 = arith.constant 0 : i32
      %dma_wait3A_71 = tpu.memref_slice %arg4[%add3A_32, %dma_wait3A_70, %mul3A_2] : memref<200x64x4096xf32, #tpu.memory_space<hbm>> -> memref<1x64x128xf32, #tpu.memory_space<hbm>>
      %dma_wait3A_72 = tpu.memref_squeeze %dma_wait3A_71 : memref<1x64x128xf32, #tpu.memory_space<hbm>> -> memref<64x128xf32, #tpu.memory_space<hbm>>
      %dma_wait3A_73 = arith.constant 0 : i32
      %dma_wait3A_74 = tpu.memref_slice %arg4[%add3A_32, %dma_wait3A_73, %mul3A_2] : memref<200x64x4096xf32, #tpu.memory_space<hbm>> -> memref<1x64x128xf32, #tpu.memory_space<hbm>>
      %dma_wait3A_75 = tpu.memref_squeeze %dma_wait3A_74 : memref<1x64x128xf32, #tpu.memory_space<hbm>> -> memref<64x128xf32, #tpu.memory_space<hbm>>
      %dma_wait3A_76 = arith.constant 0 : i32
      %dma_wait3A_77 = arith.constant 0 : i32
      %dma_wait3A_78 = tpu.memref_slice %arg7[%dma_wait3A_65, %dma_wait3A_76, %dma_wait3A_77] : memref<2x64x128xf32, #tpu.memory_space<vmem>> -> memref<1x64x128xf32, #tpu.memory_space<vmem>>
      %dma_wait3A_79 = tpu.memref_squeeze %dma_wait3A_78 : memref<1x64x128xf32, #tpu.memory_space<vmem>> -> memref<64x128xf32, #tpu.memory_space<vmem>>
      tpu.wait_dma2 semaphore(%arg9 : memref<!tpu.dma_semaphore, #tpu.memory_space<semaphore_mem>>) src(%dma_wait3A_79 : memref<64x128xf32, #tpu.memory_space<vmem>>) dst(%dma_wait3A_75 : memref<64x128xf32, #tpu.memory_space<hbm>>)
    }
    %scan3A_7 = arith.constant 100 : i32
    return
  }
}

</mosaic_0001>

<sc_bundles>
// kernel: _embedding_sc.3.cloned.1.call-start
scs
__scs_entry_jumppad:
0x0: {  	(pc) =	sbr.rel $0x88, $3  }
0x1: {  	(tag) =	ssettag $0x0;
	lr =	simm.s32 $0x1  }
0x2: {  	[smem:$0x3F9F] =	sst lr;
	_ =	strace $0xD0000000  }
0x3: {  	_ = 	snop  }
0x4: {  	_ = 	snop  }
0x5: {  	_ = 	snop  }
0x6: {  	_ = 	snop  }
0x7: {  	_ = 	snop  }
__scs_overlays_trampoline_lowered:
0x8: {  	[smem:$0x3FAE] =	sst s0  }
0x9: {  	[smem:$0x3FAF] =	sst s1  }
0xa: {  	[smem:$0x3FB0] =	sst s2  }
0xb: {  	[smem:$0x3FB1] =	sst s3  }
0xc: {  	[smem:$0x3FB2] =	sst s4  }
0xd: {  	[smem:$0x3FB3] =	sst s5  }
0xe: {  	[smem:$0x3FB4] =	sst s6  }
0xf: {  	[smem:$0x3FB5] =	sst s7  }
0x10: {  	[smem:$0x3FB6] =	sst s8  }
0x11: {  	[smem:$0x3FB7] =	sst s9;
	s0 =	simm.s32 @!p0 $0x0  }
0x12: {  	s1 =	sld [smem:$0x3F9D];
	s0 =	simm.s32 @p0 $0x1  }
0x13: {  	[smem:$0x3FB8] =	sst s0;
	s0 =	simm.s32 @!p1 $0x0  }
0x14: {  	s2 =	sld [smem:$0x3F9C];
	s0 =	simm.s32 @p1 $0x1  }
0x15: {  	[smem:$0x3FB9] =	sst s0;
	s0 =	simm.s32 @!p2 $0x0  }
0x16: {  	s3 =	sld [smem:$0x3FDB];
	s0 =	simm.s32 @p2 $0x1  }
0x17: {  	s4 =	simm.s32 $0x1BF5;
	[smem:$0x3FBB] =	sst s0  }
0x18: {  	s0 =	sld [smem:$0x3F9E];
	_ =	swait.ge [sflag:s4], $0x0  }
0x19: {  	s7 =	sld [smem:$0x3F9F]  }
0x1a: {  	s8 =	sadd.s32 $0xFFFFE003, lr  }
0x1b: {  	s9 =	sadd.s32 $0xFFFFFEF7, lr;
	s5 =	simm.s32 $0xFFFFFFFF;
	p2 =	slt.u32 s8, $0xFFFFF086  }
0x1c: {  	p1 =	slt.u32 s9, $0xF7A;
	s5 =	simm.s32 @!p2 $0x0  }
0x1d: {  	s5 =	simm.s32 @p1 $0x1;
	p0 =	seq.s32 s7, s2  }
0x1e: {  	s7 =	smul.u32 @!p0 $0xF7A, s2;
	p2 =	seq.s32 @!p0 s5, $0x0  }
0x1f: {  	s9 =	smul.u32 $0xF7A, s1;
	s8 =	simm.s32 @!p0 $0x1BF5;
	p2 =	por !p2, p0  }
0x20: {  	[sflag:s8] =	ssyncset.s32 @!p0 $0xFFFFF086;
	s6 =	sadd.s32 @!p0 s3, s7;
	s7 =	simm.s32 @!p0 $0x108  }
0x21: {  	s3 =	sadd.s32 s3, s9;
	s6 =	sadd.s32 @!p0 $0x88, s6;
	s7 =	simm.s32 @p2 $0x1082  }
0x22: {  	[simem:s7], [sflag:s8] =	dma.local @!p0 [hbm:s6], $0xF7A  }
0x23: {  	s9 =	sor.u32 $0xD0000000, s2;
	s6 =	simm.s32 $0x108;
	_ =	swait.ge @!p0 [sflag:s8], $0x0  }
0x24: {  	s3 =	sadd.s32 $0x88, s3;
	s6 =	simm.s32 @!p1 $0x1082;
	[sflag:s4] =	ssyncset.s32 $0xFFFFF086  }
0x25: {  	[simem:s6], [sflag:s4] =	dma.local [hbm:s3], $0xF7A  }
0x26: {  	[smem:$0x3F9F] =	sst s1;
	(tag) =	ssettag s2;
	_ =	strace s9  }
0x27: {  	s1 =	sld [smem:$0x3FAF]  }
0x28: {  	s2 =	sld [smem:$0x3FB0]  }
0x29: {  	s4 =	sld [smem:$0x3FB2]  }
0x2a: {  	p0 =	seq.s32 s5, $0x0;
	s5 =	sld [smem:$0x3FB3]  }
0x2b: {  	s6 =	sld [smem:$0x3FB4]  }
0x2c: {  	s7 =	sld [smem:$0x3FB5]  }
0x2d: {  	s3 =	simm.s32 $0x108;
	s8 =	sld [smem:$0x3FB6]  }
0x2e: {  	s3 =	simm.s32 @!p0 $0x1082;
	s9 =	sld [smem:$0x3FB7]  }
0x2f: {  	lr =	sadd.s32 s0, s3;
	s0 =	sld [smem:$0x3FAE]  }
0x30: {  	s3 =	sld [smem:$0x3FB1]  }
0x31: {  	[smem:$0x3FBA] =	sst s10  }
0x32: {  	s10 =	sld [smem:$0x3FB8];
	_ =	sdelay $0x3  }
0x33: {  	p0 =	seq.s32 s10, $0x1;
	s10 =	sld [smem:$0x3FBA];
	_ =	sdelay $0x3  }
0x34: {  	[smem:$0x3FBA] =	sst s10  }
0x35: {  	s10 =	sld [smem:$0x3FB9];
	_ =	sdelay $0x3  }
0x36: {  	p1 =	seq.s32 s10, $0x1;
	s10 =	sld [smem:$0x3FBA];
	_ =	sdelay $0x3  }
0x37: {  	[smem:$0x3FBA] =	sst s10  }
0x38: {  	s10 =	sld [smem:$0x3FBB]  }
0x39: {  	_ = 	snop;
	(pc) =	sbr.ind lr, $3  }
0x3a: {  	_ = 	snop  }
0x3b: {  	_ = 	snop  }
0x3c: {  	p2 =	seq.s32 s10, $0x1;
	s10 =	sld [smem:$0x3FBA]  }
0x3d: {  	_ =	shalt  }
0x3e: {  	_ =	shalt  }
0x3f: {  	_ =	shalt  }
0x40: {  	_ =	shalt  }
0x41: {  	_ =	shalt  }
0x42: {  	_ =	shalt  }
0x43: {  	_ =	shalt  }
0x44: {  	_ =	shalt  }
0x45: {  	_ =	shalt  }
0x46: {  	_ =	shalt  }
0x47: {  	_ =	shalt  }
0x48: {  	_ =	shalt  }
0x49: {  	_ =	shalt  }
0x4a: {  	_ =	shalt  }
0x4b: {  	_ =	shalt  }
0x4c: {  	_ =	shalt  }
0x4d: {  	_ =	shalt  }
0x4e: {  	_ =	shalt  }
0x4f: {  	_ =	shalt  }
0x50: {  	_ =	shalt  }
0x51: {  	_ =	shalt  }
0x52: {  	_ =	shalt  }
0x53: {  	_ =	shalt  }
0x54: {  	_ =	shalt  }
0x55: {  	_ =	shalt  }
0x56: {  	_ =	shalt  }
0x57: {  	_ =	shalt  }
0x58: {  	_ =	shalt  }
0x59: {  	_ =	shalt  }
0x5a: {  	_ =	shalt  }
0x5b: {  	_ =	shalt  }
0x5c: {  	_ =	shalt  }
0x5d: {  	_ =	shalt  }
0x5e: {  	_ =	shalt  }
0x5f: {  	_ =	shalt  }
0x60: {  	_ =	shalt  }
0x61: {  	_ =	shalt  }
0x62: {  	_ =	shalt  }
0x63: {  	_ =	shalt  }
0x64: {  	_ =	shalt  }
0x65: {  	_ =	shalt  }
0x66: {  	_ =	shalt  }
0x67: {  	_ =	shalt  }
0x68: {  	_ =	shalt  }
0x69: {  	_ =	shalt  }
0x6a: {  	_ =	shalt  }
0x6b: {  	_ =	shalt  }
0x6c: {  	_ =	shalt  }
0x6d: {  	_ =	shalt  }
0x6e: {  	_ =	shalt  }
0x6f: {  	_ =	shalt  }
0x70: {  	_ =	shalt  }
0x71: {  	_ =	shalt  }
0x72: {  	_ =	shalt  }
0x73: {  	_ =	shalt  }
0x74: {  	_ =	shalt  }
0x75: {  	_ =	shalt  }
0x76: {  	_ =	shalt  }
0x77: {  	_ =	shalt  }
0x78: {  	_ =	shalt  }
0x79: {  	_ =	shalt  }
0x7a: {  	_ =	shalt  }
0x7b: {  	_ =	shalt  }
0x7c: {  	_ =	shalt  }
0x7d: {  	_ =	shalt  }
0x7e: {  	_ =	shalt  }
0x7f: {  	_ =	shalt  }
0x80: {  	_ =	shalt  }
0x81: {  	_ =	shalt  }
0x82: {  	_ =	shalt  }
0x83: {  	_ =	shalt  }
0x84: {  	_ =	shalt  }
0x85: {  	_ =	shalt  }
0x86: {  	_ =	shalt  }
0x87: {  	_ =	shalt  }
.Lfunc_end0:
.L_simem_size_0:
called_computation_lowered:
.L_overlay_start_0:
0x88: {  	s2 =	sld [smem:$0x3FD9]  }
0x89: {  	s3 =	sld [smem:$0x3FFE];
	_ =	sdelay $0x1  }
0x8a: {  	s1 =	srdreg.scid  }
0x8b: {  	s0 =	sand.u32 $0x1, s1  }
0x8c: {  	s18 =	sshll.u32 s0, $0xA;
	s2 =	sadd.s32 s3, s2  }
0x8d: {  	s2 =	sadd.s32 s2, s18  }
0x8e: {  	[smem:$0x3FC6] =	sst s2  }
0x8f: {  	_ = 	snop  }
0x90: {  	s2 =	sld [smem:$0x3FC9]  }
0x91: {  	s19 =	sld [smem:$0x3FC8]  }
0x92: {  	s4 =	sld [smem:$0x3FD0];
	(tm) =	ssettm $0x1  }
0x93: {  	s5 =	sld [smem:$0x3FFB];
	_ =	sdelay $0x3  }
0x94: {  	_ =	strace s5  }
0x95: {  	s5 =	sld [smem:$0x3FFC];
	_ =	sdelay $0x3  }
0x96: {  	_ =	strace s5  }
0x97: {  	s5 =	sld [smem:$0x3FFD];
	_ =	sdelay $0x3  }
0x98: {  	_ =	strace s5  }
0x99: {  	_ =	strace $0x8FFFFFFF  }
0x9a: {  	s20 =	sld [smem:$0x3FDB];
	_ =	sdelay $0x1  }
0x9b: {  	s6 =	simm.s32 $_scs_section_size  }
0x9c: {  	s7 =	simm.s32 $_size__tile_overlayer_lowered;
	s8 =	simm.s32 $_tile_overlayer_lowered  }
0x9d: {  	s23 =	simm.s32 $0x1BFF;
	s22 =	sshll.u32 s8, $0x1;
	s5 =	sadd.s32 s6, s20  }
0x9e: {  	s9 =	simm.s32 $0x0;
	s21 =	sshll.u32 s7, $0x1;
	s7 =	sadd.s32 s22, s5  }
0x9f: {  	[timem:s9], [sflag:s23] =	dma.local [hbm:s7], s21  }
0xa0: {  	_ =	swait.ge [sflag:s23], s21  }
0xa1: {  	s6 =	ssub.s32 $0x0, s21;
	[sflag:s23] =	ssyncset.done $0x0  }
0xa2: {  	[sflag:s23] =	ssyncadd.s32 s6;
	_ =	sdelay $0x1  }
0xa3: {  	s24 =	simm.s32 $0x1B8B  }
0xa4: {  	_ =	swait.ge [sflag:s24], $0x1  }
0xa5: {  	[sflag:s24] =	ssyncset.done $0x0  }
0xa6: {  	s25 =	simm.s32 $0x1B8E;
	[sflag:s24] =	ssyncadd.s32 $0xFFFFFFFF  }
0xa7: {  	s26 =	simm.s32 $execute0_lowered;
	[smem:$0x3FD2] =	sst s25  }
0xa8: {  	s6 =	sshll.u32 s26, $0x1;
	_ =	strace $0x80000046;
	[dreg:$0x1] =	wrdreg $0xFFFFFFFF  }
0xa9: {  	s28 =	simm.s32 $_size_execute0_lowered;
	s5 =	sadd.s32 s5, s6;
	[dreg:$0x0] =	wrdreg $0x0  }
0xaa: {  	s6 =	sshll.u32 s28, $0x1;
	[dreg:$0x2] =	wrdreg s5  }
0xab: {  	[dreg:$0x3] =	wrdreg s6  }
0xac: {  	[dreg:$0x4] =	wrdreg $0xC0  }
0xad: {  	_ =	task [dreg:s9], $0x5FFFF  }
0xae: {  	[dreg:$0x1] =	wrdreg $0xFFFFFFFF  }
0xaf: {  	[dreg:$0x0] =	wrdreg $0x60  }
0xb0: {  	[dreg:$0x2] =	wrdreg s2  }
0xb1: {  	[dreg:$0x3] =	wrdreg s19  }
0xb2: {  	[dreg:$0x4] =	wrdreg s4  }
0xb3: {  	[dreg:$0x5] =	wrdreg $0x9  }
0xb4: {  	_ =	task.clear_ibuf [dreg:s9], $0x6FFFF;
	_ =	strace $0x90000046  }
0xb5: {  	s29 =	simm.s32 $0x9;
	_ =	strace $0x80000048  }
0xb6: {  	_ =	swait.ge [sflag:s29], $0x1  }
0xb7: {  	[sflag:s29] =	ssyncadd.s32 $0xFFFFFFFF  }
0xb8: {  	_ =	strace $0x90000048  }
0xb9: {  	_ =	sfence  }
0xba: {  	s30 =	sld [smem:$0x0];
	_ =	sdelay $0x2  }
0xbb: {  	s31 =	sshll.u32 s1, $0xD;
	s1 =	sshrl.u32 s1, $0x2  }
0xbc: {  	s3 =	sand.u32 $0x4000, s31;
	s1 =	sadd.s32 s1, s30  }
0xbd: {  	s0 =	sor.u32 s3, s0;
	s1 =	sshll.u32 s1, $0x11  }
0xbe: {  	s0 =	sor.u32 s1, s0  }
0xbf: {  	s0 =	sadd.s32 $0x8F2B, s0  }
0xc0: {  	[sflag:s0] =	ssyncadd.remote.s32 $0x1  }
0xc1: {  	_ =	sfence.sel $0xFFFF  }
0xc2: {  	[dreg:$0x0] =	wrdreg $0xFFFFFFFF;
	(pc) =	sbr.abs _section_cstart, $3  }
0xc3: {  	[dreg:$0x1] =	wrdreg $0xFFFFFFFF  }
0xc4: {  	_ =	task.clear_ibuf [dreg:s9], $0x2FFFF;
	_ =	strace $0x9FFFFFFF  }
0xc5: {  	(tm) =	ssettm $0x7FFFFFFF  }
tec
execute0_lowered:
.L_overlay_start_1:
0x0: {  	(tag) =	ssettag $0x1  }
0x1: {  	s4 =	rddreg [dreg:$0x0]  }
0x2: {  	s1 =	rddreg [dreg:$0x1]  }
0x3: {  	s7 =	rddreg [dreg:$0x2]  }
0x4: {  	s0 =	rddreg [dreg:$0x3];
	s5 =	srdreg.scid  }
0x5: {  	s3 =	simm.s32 $0x0;
	s2 =	stileid.u32;
	s10 =	simm.s32 $0x8000  }
0x6: {  	s11 =	simm.s32 $0xFC00;
	s12 =	simm.s32 $0x16000;
	s13 =	simm.s32 $0x18000  }
0x7: {  	s14 =	simm.s32 $0x1;
	s15 =	simm.s32 $0x2;
	s16 =	simm.s32 $0x0  }
0x8: {  	s5 =	sand.u32 $0x1, s5;
	[smem:$0x7FF] =	sst s3;
	s6 =	sshll.u32 s2, $0xB  }
0x9: {  	s8 =	sshll.u32 s5, $0xA;
	_ =	strace $0x80000047;
	s5 =	ssub.s32 $0x2, s5  }
0xa: {  	s6 =	sor.u32 s8, s6;
	s30 =	sshrl.u32 s5, $0x1;
	s8 =	simm.s32 $0x3  }
0xb: {  	s9 =	sshrl.u32 s6, $0x3;
	s6 =	sor.u32 $0x40000, s6;
	s5 =	ssub.s32 s5, s30  }
0xc: {  	s4 =	sadd.s32 s4, s9;
	s31 =	sshrl.u32 s6, $0x3;
	s5 =	smax.u32 s5, $0x1  }
0xd: {  	s6 =	sadd.s32 s9, s7;
	s9 =	simm.s32 $0x400;
	s7 =	sadd.s32 s31, s7  }
.LBB2_1:
0xe: {  	[tilespmem:s3], [sflag:$0x3] =	stream.linear.gather [hbm4b:s1+s3], $0xFC00, $0x38;
	[tilespmem:$0x1A000] =	vst v63  }
0xf: {  	_ =	swait.ge [sflag:s8], $0xFC00  }
0x10: {  	[sflag:s8] =	ssyncset.done $0x0  }
0x11: {  	[sflag:s8] =	ssyncadd.s32 $0xFFFF0400  }
0x12: {  	[tilespmem:s11], [sflag:$0x3] =	stream.strided.gather [hbm4b:s4+s9], $0x6400, s10, s9, $0x38;
	[tilespmem:$0x1A000] =	vst v63  }
0x13: {  	_ =	swait.ge [sflag:s8], $0x6400  }
0x14: {  	[sflag:s8] =	ssyncset.done $0x0  }
0x15: {  	s17 =	simm.s32 $0xFC80;
	s18 =	simm.s32 $0x0;
	[sflag:s8] =	ssyncadd.s32 $0xFFFF9C00  }
.LBB2_2:
0x16: {  	v1 =	vld [tilespmem:s17+$0xFFFFFF80];
	_ =	sdelay $0x7  }
0x17: {  	v0 =	vld.idx.msk [tilespmem:v1+s3+$0x0], $0xffff  }
0x18: {  	v2 =	vadd.s32 $0x3F0, v1;
	_ =	sdelay $0x3  }
0x19: {  	[tilespmem:$0x16000] =	vst v0  }
0x1a: {  	v0 =	vld.idx.msk [tilespmem:v2+s3+$0x0], $0xffff  }
0x1b: {  	v22 =	vadd.s32 $0x7E0, v1;
	_ =	sdelay $0x3  }
0x1c: {  	[tilespmem:$0x16080] =	vst v0  }
0x1d: {  	v0 =	vld.idx.msk [tilespmem:v22+s3+$0x0], $0xffff  }
0x1e: {  	v23 =	vadd.s32 $0xBD0, v1;
	_ =	sdelay $0x3  }
0x1f: {  	[tilespmem:$0x16100] =	vst v0  }
0x20: {  	v0 =	vld.idx.msk [tilespmem:v23+s3+$0x0], $0xffff  }
0x21: {  	v24 =	vadd.s32 $0xFC0, v1;
	_ =	sdelay $0x3  }
0x22: {  	[tilespmem:$0x16180] =	vst v0  }
0x23: {  	v0 =	vld.idx.msk [tilespmem:v24+s3+$0x0], $0xffff  }
0x24: {  	v25 =	vadd.s32 $0x13B0, v1;
	_ =	sdelay $0x3  }
0x25: {  	[tilespmem:$0x16200] =	vst v0  }
0x26: {  	v0 =	vld.idx.msk [tilespmem:v25+s3+$0x0], $0xffff  }
0x27: {  	v26 =	vadd.s32 $0x17A0, v1;
	_ =	sdelay $0x3  }
0x28: {  	[tilespmem:$0x16280] =	vst v0  }
0x29: {  	v0 =	vld.idx.msk [tilespmem:v26+s3+$0x0], $0xffff  }
0x2a: {  	v27 =	vadd.s32 $0x1B90, v1;
	_ =	sdelay $0x3  }
0x2b: {  	[tilespmem:$0x16300] =	vst v0  }
0x2c: {  	v0 =	vld.idx.msk [tilespmem:v27+s3+$0x0], $0xffff  }
0x2d: {  	v28 =	vadd.s32 $0x1F80, v1;
	_ =	sdelay $0x3  }
0x2e: {  	[tilespmem:$0x16380] =	vst v0  }
0x2f: {  	v0 =	vld.idx.msk [tilespmem:v28+s3+$0x0], $0xffff  }
0x30: {  	v29 =	vadd.s32 $0x2370, v1;
	_ =	sdelay $0x3  }
0x31: {  	[tilespmem:$0x16400] =	vst v0  }
0x32: {  	v0 =	vld.idx.msk [tilespmem:v29+s3+$0x0], $0xffff  }
0x33: {  	v30 =	vadd.s32 $0x2760, v1;
	_ =	sdelay $0x3  }
0x34: {  	[tilespmem:$0x16480] =	vst v0  }
0x35: {  	v0 =	vld.idx.msk [tilespmem:v30+s3+$0x0], $0xffff  }
0x36: {  	v31 =	vadd.s32 $0x2B50, v1;
	_ =	sdelay $0x3  }
0x37: {  	[tilespmem:$0x16500] =	vst v0  }
0x38: {  	v0 =	vld.idx.msk [tilespmem:v31+s3+$0x0], $0xffff  }
0x39: {  	v32 =	vadd.s32 $0x2F40, v1;
	_ =	sdelay $0x3  }
0x3a: {  	[tilespmem:$0x16580] =	vst v0  }
0x3b: {  	v0 =	vld.idx.msk [tilespmem:v32+s3+$0x0], $0xffff  }
0x3c: {  	v33 =	vadd.s32 $0x3330, v1;
	_ =	sdelay $0x3  }
0x3d: {  	[tilespmem:$0x16600] =	vst v0  }
0x3e: {  	v0 =	vld.idx.msk [tilespmem:v33+s3+$0x0], $0xffff  }
0x3f: {  	v34 =	vadd.s32 $0x3720, v1;
	_ =	sdelay $0x3  }
0x40: {  	[tilespmem:$0x16680] =	vst v0  }
0x41: {  	v0 =	vld.idx.msk [tilespmem:v34+s3+$0x0], $0xffff  }
0x42: {  	v35 =	vadd.s32 $0x3B10, v1;
	_ =	sdelay $0x3  }
0x43: {  	[tilespmem:$0x16700] =	vst v0  }
0x44: {  	v0 =	vld.idx.msk [tilespmem:v35+s3+$0x0], $0xffff  }
0x45: {  	v36 =	vadd.s32 $0x3F00, v1;
	_ =	sdelay $0x3  }
0x46: {  	[tilespmem:$0x16780] =	vst v0  }
0x47: {  	v0 =	vld.idx.msk [tilespmem:v36+s3+$0x0], $0xffff  }
0x48: {  	v37 =	vadd.s32 $0x42F0, v1;
	_ =	sdelay $0x3  }
0x49: {  	[tilespmem:$0x16800] =	vst v0  }
0x4a: {  	v0 =	vld.idx.msk [tilespmem:v37+s3+$0x0], $0xffff  }
0x4b: {  	v38 =	vadd.s32 $0x46E0, v1;
	_ =	sdelay $0x3  }
0x4c: {  	[tilespmem:$0x16880] =	vst v0  }
0x4d: {  	v0 =	vld.idx.msk [tilespmem:v38+s3+$0x0], $0xffff  }
0x4e: {  	v39 =	vadd.s32 $0x4AD0, v1;
	_ =	sdelay $0x3  }
0x4f: {  	[tilespmem:$0x16900] =	vst v0  }
0x50: {  	v0 =	vld.idx.msk [tilespmem:v39+s3+$0x0], $0xffff  }
0x51: {  	v40 =	vadd.s32 $0x4EC0, v1;
	_ =	sdelay $0x3  }
0x52: {  	[tilespmem:$0x16980] =	vst v0  }
0x53: {  	v0 =	vld.idx.msk [tilespmem:v40+s3+$0x0], $0xffff  }
0x54: {  	v41 =	vadd.s32 $0x52B0, v1;
	_ =	sdelay $0x3  }
0x55: {  	[tilespmem:$0x16A00] =	vst v0  }
0x56: {  	v0 =	vld.idx.msk [tilespmem:v41+s3+$0x0], $0xffff  }
0x57: {  	v42 =	vadd.s32 $0x56A0, v1;
	_ =	sdelay $0x3  }
0x58: {  	[tilespmem:$0x16A80] =	vst v0  }
0x59: {  	v0 =	vld.idx.msk [tilespmem:v42+s3+$0x0], $0xffff  }
0x5a: {  	v43 =	vadd.s32 $0x5A90, v1;
	_ =	sdelay $0x3  }
0x5b: {  	[tilespmem:$0x16B00] =	vst v0  }
0x5c: {  	v0 =	vld.idx.msk [tilespmem:v43+s3+$0x0], $0xffff  }
0x5d: {  	v44 =	vadd.s32 $0x5E80, v1;
	_ =	sdelay $0x3  }
0x5e: {  	[tilespmem:$0x16B80] =	vst v0  }
0x5f: {  	v0 =	vld.idx.msk [tilespmem:v44+s3+$0x0], $0xffff  }
0x60: {  	v45 =	vadd.s32 $0x6270, v1;
	_ =	sdelay $0x3  }
0x61: {  	[tilespmem:$0x16C00] =	vst v0  }
0x62: {  	v0 =	vld.idx.msk [tilespmem:v45+s3+$0x0], $0xffff  }
0x63: {  	v46 =	vadd.s32 $0x6660, v1;
	_ =	sdelay $0x3  }
0x64: {  	[tilespmem:$0x16C80] =	vst v0  }
0x65: {  	v0 =	vld.idx.msk [tilespmem:v46+s3+$0x0], $0xffff  }
0x66: {  	v47 =	vadd.s32 $0x6A50, v1;
	_ =	sdelay $0x3  }
0x67: {  	[tilespmem:$0x16D00] =	vst v0  }
0x68: {  	v0 =	vld.idx.msk [tilespmem:v47+s3+$0x0], $0xffff  }
0x69: {  	v48 =	vadd.s32 $0x6E40, v1;
	_ =	sdelay $0x3  }
0x6a: {  	[tilespmem:$0x16D80] =	vst v0  }
0x6b: {  	v0 =	vld.idx.msk [tilespmem:v48+s3+$0x0], $0xffff  }
0x6c: {  	v49 =	vadd.s32 $0x7230, v1;
	_ =	sdelay $0x3  }
0x6d: {  	[tilespmem:$0x16E00] =	vst v0  }
0x6e: {  	v0 =	vld.idx.msk [tilespmem:v49+s3+$0x0], $0xffff  }
0x6f: {  	v50 =	vadd.s32 $0x7620, v1;
	_ =	sdelay $0x3  }
0x70: {  	[tilespmem:$0x16E80] =	vst v0  }
0x71: {  	v0 =	vld.idx.msk [tilespmem:v50+s3+$0x0], $0xffff  }
0x72: {  	v51 =	vadd.s32 $0x7A10, v1;
	_ =	sdelay $0x3  }
0x73: {  	[tilespmem:$0x16F00] =	vst v0  }
0x74: {  	v0 =	vld.idx.msk [tilespmem:v51+s3+$0x0], $0xffff  }
0x75: {  	v52 =	vadd.s32 $0x7E00, v1;
	_ =	sdelay $0x3  }
0x76: {  	[tilespmem:$0x16F80] =	vst v0  }
0x77: {  	v0 =	vld.idx.msk [tilespmem:v52+s3+$0x0], $0xffff  }
0x78: {  	v53 =	vadd.s32 $0x81F0, v1;
	_ =	sdelay $0x3  }
0x79: {  	[tilespmem:$0x17000] =	vst v0  }
0x7a: {  	v0 =	vld.idx.msk [tilespmem:v53+s3+$0x0], $0xffff  }
0x7b: {  	v54 =	vadd.s32 $0x85E0, v1;
	_ =	sdelay $0x3  }
0x7c: {  	[tilespmem:$0x17080] =	vst v0  }
0x7d: {  	v0 =	vld.idx.msk [tilespmem:v54+s3+$0x0], $0xffff;
	_ =	sdelay $0x4  }
0x7e: {  	[tilespmem:$0x17100] =	vst v0  }
0x7f: {  	v4 =	vld [tilespmem:s17+$0xFFFFFF90]  }
0x80: {  	v3 =	vld [tilespmem:s17+$0xFFFFFFA0]  }
0x81: {  	v2 =	vld [tilespmem:s17+$0xFFFFFFB0];
	_ =	sdelay $0x5  }
0x82: {  	v0 =	vld.idx.msk [tilespmem:v4+s3+$0x0], $0xffff  }
0x83: {  	v5 =	vadd.s32 $0x3F0, v4;
	v6 =	vld.idx.msk [tilespmem:v3+s3+$0x0], $0xffff  }
0x84: {  	v7 =	vadd.s32 $0x3F0, v3;
	v8 =	vld.idx.msk [tilespmem:v2+s3+$0x0], $0xffff  }
0x85: {  	v9 =	vadd.s32 $0x3F0, v2;
	_ =	sdelay $0x1  }
0x86: {  	[tilespmem:$0x16010] =	vst v0  }
0x87: {  	[tilespmem:$0x16020] =	vst v6;
	v0 =	vld.idx.msk [tilespmem:v5+s3+$0x0], $0xffff  }
0x88: {  	v55 =	vadd.s32 $0x7E0, v4;
	[tilespmem:$0x16030] =	vst v8;
	v6 =	vld.idx.msk [tilespmem:v7+s3+$0x0], $0xffff  }
0x89: {  	v56 =	vadd.s32 $0x7E0, v3;
	v8 =	vld.idx.msk [tilespmem:v9+s3+$0x0], $0xffff  }
0x8a: {  	v57 =	vadd.s32 $0x7E0, v2;
	_ =	sdelay $0x1  }
0x8b: {  	[tilespmem:$0x16090] =	vst v0  }
0x8c: {  	[tilespmem:$0x160A0] =	vst v6;
	v0 =	vld.idx.msk [tilespmem:v55+s3+$0x0], $0xffff  }
0x8d: {  	v58 =	vadd.s32 $0xBD0, v4;
	[tilespmem:$0x160B0] =	vst v8;
	v6 =	vld.idx.msk [tilespmem:v56+s3+$0x0], $0xffff  }
0x8e: {  	v59 =	vadd.s32 $0xBD0, v3;
	v8 =	vld.idx.msk [tilespmem:v57+s3+$0x0], $0xffff  }
0x8f: {  	v60 =	vadd.s32 $0xBD0, v2;
	_ =	sdelay $0x1  }
0x90: {  	[tilespmem:$0x16110] =	vst v0  }
0x91: {  	[tilespmem:$0x16120] =	vst v6;
	v0 =	vld.idx.msk [tilespmem:v58+s3+$0x0], $0xffff  }
0x92: {  	v61 =	vadd.s32 $0xFC0, v4;
	[tilespmem:$0x16130] =	vst v8;
	v6 =	vld.idx.msk [tilespmem:v59+s3+$0x0], $0xffff  }
0x93: {  	v62 =	vadd.s32 $0xFC0, v3;
	v8 =	vld.idx.msk [tilespmem:v60+s3+$0x0], $0xffff  }
0x94: {  	v63 =	vadd.s32 $0xFC0, v2;
	_ =	sdelay $0x1  }
0x95: {  	[tilespmem:$0x16190] =	vst v0  }
0x96: {  	[tilespmem:$0x161A0] =	vst v6;
	v0 =	vld.idx.msk [tilespmem:v61+s3+$0x0], $0xffff  }
0x97: {  	v12 =	vadd.s32 $0x13B0, v4;
	[tilespmem:$0x161B0] =	vst v8;
	v6 =	vld.idx.msk [tilespmem:v62+s3+$0x0], $0xffff  }
0x98: {  	v13 =	vadd.s32 $0x13B0, v3;
	v8 =	vld.idx.msk [tilespmem:v63+s3+$0x0], $0xffff  }
0x99: {  	v14 =	vadd.s32 $0x13B0, v2;
	_ =	sdelay $0x1  }
0x9a: {  	[tilespmem:$0x16210] =	vst v0  }
0x9b: {  	[tilespmem:$0x16220] =	vst v6;
	v0 =	vld.idx.msk [tilespmem:v12+s3+$0x0], $0xffff  }
0x9c: {  	v15 =	vadd.s32 $0x17A0, v4;
	[tilespmem:$0x16230] =	vst v8;
	v6 =	vld.idx.msk [tilespmem:v13+s3+$0x0], $0xffff  }
0x9d: {  	v16 =	vadd.s32 $0x17A0, v3;
	v8 =	vld.idx.msk [tilespmem:v14+s3+$0x0], $0xffff  }
0x9e: {  	v17 =	vadd.s32 $0x17A0, v2;
	_ =	sdelay $0x1  }
0x9f: {  	[tilespmem:$0x16290] =	vst v0  }
0xa0: {  	[tilespmem:$0x162A0] =	vst v6;
	v0 =	vld.idx.msk [tilespmem:v15+s3+$0x0], $0xffff  }
0xa1: {  	v18 =	vadd.s32 $0x1B90, v4;
	[tilespmem:$0x162B0] =	vst v8;
	v6 =	vld.idx.msk [tilespmem:v16+s3+$0x0], $0xffff  }
0xa2: {  	v19 =	vadd.s32 $0x1B90, v3;
	v8 =	vld.idx.msk [tilespmem:v17+s3+$0x0], $0xffff  }
0xa3: {  	v20 =	vadd.s32 $0x1B90, v2;
	_ =	sdelay $0x1  }
0xa4: {  	[tilespmem:$0x16310] =	vst v0  }
0xa5: {  	[tilespmem:$0x16320] =	vst v6;
	v0 =	vld.idx.msk [tilespmem:v18+s3+$0x0], $0xffff  }
0xa6: {  	v21 =	vadd.s32 $0x1F80, v4;
	[tilespmem:$0x16330] =	vst v8;
	v6 =	vld.idx.msk [tilespmem:v19+s3+$0x0], $0xffff  }
0xa7: {  	v22 =	vadd.s32 $0x1F80, v3;
	v8 =	vld.idx.msk [tilespmem:v20+s3+$0x0], $0xffff  }
0xa8: {  	v23 =	vadd.s32 $0x1F80, v2;
	_ =	sdelay $0x1  }
0xa9: {  	[tilespmem:$0x16390] =	vst v0  }
0xaa: {  	[tilespmem:$0x163A0] =	vst v6;
	v0 =	vld.idx.msk [tilespmem:v21+s3+$0x0], $0xffff  }
0xab: {  	v24 =	vadd.s32 $0x2370, v4;
	[tilespmem:$0x163B0] =	vst v8;
	v6 =	vld.idx.msk [tilespmem:v22+s3+$0x0], $0xffff  }
0xac: {  	v25 =	vadd.s32 $0x2370, v3;
	v8 =	vld.idx.msk [tilespmem:v23+s3+$0x0], $0xffff  }
0xad: {  	v26 =	vadd.s32 $0x2370, v2;
	_ =	sdelay $0x1  }
0xae: {  	[tilespmem:$0x16410] =	vst v0  }
0xaf: {  	[tilespmem:$0x16420] =	vst v6;
	v0 =	vld.idx.msk [tilespmem:v24+s3+$0x0], $0xffff  }
0xb0: {  	v27 =	vadd.s32 $0x2760, v4;
	[tilespmem:$0x16430] =	vst v8;
	v6 =	vld.idx.msk [tilespmem:v25+s3+$0x0], $0xffff  }
0xb1: {  	v28 =	vadd.s32 $0x2760, v3;
	v8 =	vld.idx.msk [tilespmem:v26+s3+$0x0], $0xffff  }
0xb2: {  	v29 =	vadd.s32 $0x2760, v2;
	_ =	sdelay $0x1  }
0xb3: {  	[tilespmem:$0x16490] =	vst v0  }
0xb4: {  	[tilespmem:$0x164A0] =	vst v6;
	v0 =	vld.idx.msk [tilespmem:v27+s3+$0x0], $0xffff  }
0xb5: {  	v30 =	vadd.s32 $0x2B50, v4;
	[tilespmem:$0x164B0] =	vst v8;
	v6 =	vld.idx.msk [tilespmem:v28+s3+$0x0], $0xffff  }
0xb6: {  	v31 =	vadd.s32 $0x2B50, v3;
	v8 =	vld.idx.msk [tilespmem:v29+s3+$0x0], $0xffff  }
0xb7: {  	v32 =	vadd.s32 $0x2B50, v2;
	_ =	sdelay $0x1  }
0xb8: {  	[tilespmem:$0x16510] =	vst v0  }
0xb9: {  	[tilespmem:$0x16520] =	vst v6;
	v0 =	vld.idx.msk [tilespmem:v30+s3+$0x0], $0xffff  }
0xba: {  	v33 =	vadd.s32 $0x2F40, v4;
	[tilespmem:$0x16530] =	vst v8;
	v6 =	vld.idx.msk [tilespmem:v31+s3+$0x0], $0xffff  }
0xbb: {  	v34 =	vadd.s32 $0x2F40, v3;
	v8 =	vld.idx.msk [tilespmem:v32+s3+$0x0], $0xffff  }
0xbc: {  	v35 =	vadd.s32 $0x2F40, v2;
	_ =	sdelay $0x1  }
0xbd: {  	[tilespmem:$0x16590] =	vst v0  }
0xbe: {  	[tilespmem:$0x165A0] =	vst v6;
	v0 =	vld.idx.msk [tilespmem:v33+s3+$0x0], $0xffff  }
0xbf: {  	v36 =	vadd.s32 $0x3330, v4;
	[tilespmem:$0x165B0] =	vst v8;
	v6 =	vld.idx.msk [tilespmem:v34+s3+$0x0], $0xffff  }
0xc0: {  	v37 =	vadd.s32 $0x3330, v3;
	v8 =	vld.idx.msk [tilespmem:v35+s3+$0x0], $0xffff  }
0xc1: {  	v38 =	vadd.s32 $0x3330, v2;
	_ =	sdelay $0x1  }
0xc2: {  	[tilespmem:$0x16610] =	vst v0  }
0xc3: {  	[tilespmem:$0x16620] =	vst v6;
	v0 =	vld.idx.msk [tilespmem:v36+s3+$0x0], $0xffff  }
0xc4: {  	v39 =	vadd.s32 $0x3720, v4;
	[tilespmem:$0x16630] =	vst v8;
	v6 =	vld.idx.msk [tilespmem:v37+s3+$0x0], $0xffff  }
0xc5: {  	v40 =	vadd.s32 $0x3720, v3;
	v8 =	vld.idx.msk [tilespmem:v38+s3+$0x0], $0xffff  }
0xc6: {  	v41 =	vadd.s32 $0x3720, v2;
	_ =	sdelay $0x1  }
0xc7: {  	[tilespmem:$0x16690] =	vst v0  }
0xc8: {  	[tilespmem:$0x166A0] =	vst v6;
	v0 =	vld.idx.msk [tilespmem:v39+s3+$0x0], $0xffff  }
0xc9: {  	v42 =	vadd.s32 $0x3B10, v4;
	[tilespmem:$0x166B0] =	vst v8;
	v6 =	vld.idx.msk [tilespmem:v40+s3+$0x0], $0xffff  }
0xca: {  	v43 =	vadd.s32 $0x3B10, v3;
	v8 =	vld.idx.msk [tilespmem:v41+s3+$0x0], $0xffff  }
0xcb: {  	v44 =	vadd.s32 $0x3B10, v2;
	_ =	sdelay $0x1  }
0xcc: {  	[tilespmem:$0x16710] =	vst v0  }
0xcd: {  	[tilespmem:$0x16720] =	vst v6;
	v0 =	vld.idx.msk [tilespmem:v42+s3+$0x0], $0xffff  }
0xce: {  	v45 =	vadd.s32 $0x3F00, v4;
	[tilespmem:$0x16730] =	vst v8;
	v6 =	vld.idx.msk [tilespmem:v43+s3+$0x0], $0xffff  }
0xcf: {  	v46 =	vadd.s32 $0x3F00, v3;
	v8 =	vld.idx.msk [tilespmem:v44+s3+$0x0], $0xffff  }
0xd0: {  	v47 =	vadd.s32 $0x3F00, v2;
	_ =	sdelay $0x1  }
0xd1: {  	[tilespmem:$0x16790] =	vst v0  }
0xd2: {  	[tilespmem:$0x167A0] =	vst v6;
	v0 =	vld.idx.msk [tilespmem:v45+s3+$0x0], $0xffff  }
0xd3: {  	v48 =	vadd.s32 $0x42F0, v4;
	[tilespmem:$0x167B0] =	vst v8;
	v6 =	vld.idx.msk [tilespmem:v46+s3+$0x0], $0xffff  }
0xd4: {  	v49 =	vadd.s32 $0x42F0, v3;
	v8 =	vld.idx.msk [tilespmem:v47+s3+$0x0], $0xffff  }
0xd5: {  	v50 =	vadd.s32 $0x42F0, v2;
	_ =	sdelay $0x1  }
0xd6: {  	[tilespmem:$0x16810] =	vst v0  }
0xd7: {  	[tilespmem:$0x16820] =	vst v6;
	v0 =	vld.idx.msk [tilespmem:v48+s3+$0x0], $0xffff  }
0xd8: {  	v51 =	vadd.s32 $0x46E0, v4;
	[tilespmem:$0x16830] =	vst v8;
	v6 =	vld.idx.msk [tilespmem:v49+s3+$0x0], $0xffff  }
0xd9: {  	v52 =	vadd.s32 $0x46E0, v3;
	v8 =	vld.idx.msk [tilespmem:v50+s3+$0x0], $0xffff  }
0xda: {  	v53 =	vadd.s32 $0x46E0, v2;
	_ =	sdelay $0x1  }
0xdb: {  	[tilespmem:$0x16890] =	vst v0  }
0xdc: {  	[tilespmem:$0x168A0] =	vst v6;
	v0 =	vld.idx.msk [tilespmem:v51+s3+$0x0], $0xffff  }
0xdd: {  	v54 =	vadd.s32 $0x4AD0, v4;
	[tilespmem:$0x168B0] =	vst v8;
	v6 =	vld.idx.msk [tilespmem:v52+s3+$0x0], $0xffff  }
0xde: {  	v55 =	vadd.s32 $0x4AD0, v3;
	v8 =	vld.idx.msk [tilespmem:v53+s3+$0x0], $0xffff  }
0xdf: {  	v56 =	vadd.s32 $0x4AD0, v2;
	_ =	sdelay $0x1  }
0xe0: {  	[tilespmem:$0x16910] =	vst v0  }
0xe1: {  	[tilespmem:$0x16920] =	vst v6;
	v0 =	vld.idx.msk [tilespmem:v54+s3+$0x0], $0xffff  }
0xe2: {  	v57 =	vadd.s32 $0x4EC0, v4;
	[tilespmem:$0x16930] =	vst v8;
	v6 =	vld.idx.msk [tilespmem:v55+s3+$0x0], $0xffff  }
0xe3: {  	v58 =	vadd.s32 $0x4EC0, v3;
	v8 =	vld.idx.msk [tilespmem:v56+s3+$0x0], $0xffff  }
0xe4: {  	v59 =	vadd.s32 $0x4EC0, v2;
	_ =	sdelay $0x1  }
0xe5: {  	[tilespmem:$0x16990] =	vst v0  }
0xe6: {  	[tilespmem:$0x169A0] =	vst v6;
	v0 =	vld.idx.msk [tilespmem:v57+s3+$0x0], $0xffff  }
0xe7: {  	v60 =	vadd.s32 $0x52B0, v4;
	[tilespmem:$0x169B0] =	vst v8;
	v6 =	vld.idx.msk [tilespmem:v58+s3+$0x0], $0xffff  }
0xe8: {  	v61 =	vadd.s32 $0x52B0, v3;
	v8 =	vld.idx.msk [tilespmem:v59+s3+$0x0], $0xffff  }
0xe9: {  	v62 =	vadd.s32 $0x52B0, v2;
	_ =	sdelay $0x1  }
0xea: {  	[tilespmem:$0x16A10] =	vst v0  }
0xeb: {  	[tilespmem:$0x16A20] =	vst v6;
	v0 =	vld.idx.msk [tilespmem:v60+s3+$0x0], $0xffff  }
0xec: {  	v63 =	vadd.s32 $0x56A0, v4;
	[tilespmem:$0x16A30] =	vst v8;
	v6 =	vld.idx.msk [tilespmem:v61+s3+$0x0], $0xffff  }
0xed: {  	v12 =	vadd.s32 $0x56A0, v3;
	v8 =	vld.idx.msk [tilespmem:v62+s3+$0x0], $0xffff  }
0xee: {  	v13 =	vadd.s32 $0x56A0, v2;
	_ =	sdelay $0x1  }
0xef: {  	[tilespmem:$0x16A90] =	vst v0  }
0xf0: {  	[tilespmem:$0x16AA0] =	vst v6;
	v0 =	vld.idx.msk [tilespmem:v63+s3+$0x0], $0xffff  }
0xf1: {  	v14 =	vadd.s32 $0x5A90, v4;
	[tilespmem:$0x16AB0] =	vst v8;
	v6 =	vld.idx.msk [tilespmem:v12+s3+$0x0], $0xffff  }
0xf2: {  	v15 =	vadd.s32 $0x5A90, v3;
	v8 =	vld.idx.msk [tilespmem:v13+s3+$0x0], $0xffff  }
0xf3: {  	v16 =	vadd.s32 $0x5A90, v2;
	_ =	sdelay $0x1  }
0xf4: {  	[tilespmem:$0x16B10] =	vst v0  }
0xf5: {  	[tilespmem:$0x16B20] =	vst v6;
	v0 =	vld.idx.msk [tilespmem:v14+s3+$0x0], $0xffff  }
0xf6: {  	v17 =	vadd.s32 $0x5E80, v4;
	[tilespmem:$0x16B30] =	vst v8;
	v6 =	vld.idx.msk [tilespmem:v15+s3+$0x0], $0xffff  }
0xf7: {  	v18 =	vadd.s32 $0x5E80, v3;
	v8 =	vld.idx.msk [tilespmem:v16+s3+$0x0], $0xffff  }
0xf8: {  	v19 =	vadd.s32 $0x5E80, v2;
	_ =	sdelay $0x1  }
0xf9: {  	[tilespmem:$0x16B90] =	vst v0  }
0xfa: {  	[tilespmem:$0x16BA0] =	vst v6;
	v0 =	vld.idx.msk [tilespmem:v17+s3+$0x0], $0xffff  }
0xfb: {  	v20 =	vadd.s32 $0x6270, v4;
	[tilespmem:$0x16BB0] =	vst v8;
	v6 =	vld.idx.msk [tilespmem:v18+s3+$0x0], $0xffff  }
0xfc: {  	v21 =	vadd.s32 $0x6270, v3;
	v8 =	vld.idx.msk [tilespmem:v19+s3+$0x0], $0xffff  }
0xfd: {  	v22 =	vadd.s32 $0x6270, v2;
	_ =	sdelay $0x1  }
0xfe: {  	[tilespmem:$0x16C10] =	vst v0  }
0xff: {  	[tilespmem:$0x16C20] =	vst v6;
	v0 =	vld.idx.msk [tilespmem:v20+s3+$0x0], $0xffff  }
0x100: {  	v23 =	vadd.s32 $0x6660, v4;
	[tilespmem:$0x16C30] =	vst v8;
	v6 =	vld.idx.msk [tilespmem:v21+s3+$0x0], $0xffff  }
0x101: {  	v24 =	vadd.s32 $0x6660, v3;
	v8 =	vld.idx.msk [tilespmem:v22+s3+$0x0], $0xffff  }
0x102: {  	v25 =	vadd.s32 $0x6660, v2;
	_ =	sdelay $0x1  }
0x103: {  	[tilespmem:$0x16C90] =	vst v0  }
0x104: {  	[tilespmem:$0x16CA0] =	vst v6;
	v0 =	vld.idx.msk [tilespmem:v23+s3+$0x0], $0xffff  }
0x105: {  	v26 =	vadd.s32 $0x6A50, v4;
	[tilespmem:$0x16CB0] =	vst v8;
	v6 =	vld.idx.msk [tilespmem:v24+s3+$0x0], $0xffff  }
0x106: {  	v27 =	vadd.s32 $0x6A50, v3;
	v8 =	vld.idx.msk [tilespmem:v25+s3+$0x0], $0xffff  }
0x107: {  	v28 =	vadd.s32 $0x6A50, v2;
	_ =	sdelay $0x1  }
0x108: {  	[tilespmem:$0x16D10] =	vst v0  }
0x109: {  	[tilespmem:$0x16D20] =	vst v6;
	v0 =	vld.idx.msk [tilespmem:v26+s3+$0x0], $0xffff  }
0x10a: {  	v29 =	vadd.s32 $0x6E40, v4;
	[tilespmem:$0x16D30] =	vst v8;
	v6 =	vld.idx.msk [tilespmem:v27+s3+$0x0], $0xffff  }
0x10b: {  	v30 =	vadd.s32 $0x6E40, v3;
	v8 =	vld.idx.msk [tilespmem:v28+s3+$0x0], $0xffff  }
0x10c: {  	v31 =	vadd.s32 $0x6E40, v2;
	_ =	sdelay $0x1  }
0x10d: {  	[tilespmem:$0x16D90] =	vst v0  }
0x10e: {  	[tilespmem:$0x16DA0] =	vst v6;
	v0 =	vld.idx.msk [tilespmem:v29+s3+$0x0], $0xffff  }
0x10f: {  	v32 =	vadd.s32 $0x7230, v4;
	[tilespmem:$0x16DB0] =	vst v8;
	v6 =	vld.idx.msk [tilespmem:v30+s3+$0x0], $0xffff  }
0x110: {  	v33 =	vadd.s32 $0x7230, v3;
	v8 =	vld.idx.msk [tilespmem:v31+s3+$0x0], $0xffff  }
0x111: {  	v34 =	vadd.s32 $0x7230, v2;
	_ =	sdelay $0x1  }
0x112: {  	[tilespmem:$0x16E10] =	vst v0  }
0x113: {  	[tilespmem:$0x16E20] =	vst v6;
	v0 =	vld.idx.msk [tilespmem:v32+s3+$0x0], $0xffff  }
0x114: {  	v35 =	vadd.s32 $0x7620, v4;
	[tilespmem:$0x16E30] =	vst v8;
	v6 =	vld.idx.msk [tilespmem:v33+s3+$0x0], $0xffff  }
0x115: {  	v36 =	vadd.s32 $0x7620, v3;
	v8 =	vld.idx.msk [tilespmem:v34+s3+$0x0], $0xffff  }
0x116: {  	v37 =	vadd.s32 $0x7620, v2;
	_ =	sdelay $0x1  }
0x117: {  	[tilespmem:$0x16E90] =	vst v0  }
0x118: {  	[tilespmem:$0x16EA0] =	vst v6;
	v0 =	vld.idx.msk [tilespmem:v35+s3+$0x0], $0xffff  }
0x119: {  	v38 =	vadd.s32 $0x7A10, v4;
	[tilespmem:$0x16EB0] =	vst v8;
	v6 =	vld.idx.msk [tilespmem:v36+s3+$0x0], $0xffff  }
0x11a: {  	v39 =	vadd.s32 $0x7A10, v3;
	v8 =	vld.idx.msk [tilespmem:v37+s3+$0x0], $0xffff  }
0x11b: {  	v40 =	vadd.s32 $0x7A10, v2;
	_ =	sdelay $0x1  }
0x11c: {  	[tilespmem:$0x16F10] =	vst v0  }
0x11d: {  	[tilespmem:$0x16F20] =	vst v6;
	v0 =	vld.idx.msk [tilespmem:v38+s3+$0x0], $0xffff  }
0x11e: {  	v41 =	vadd.s32 $0x7E00, v4;
	[tilespmem:$0x16F30] =	vst v8;
	v6 =	vld.idx.msk [tilespmem:v39+s3+$0x0], $0xffff  }
0x11f: {  	v42 =	vadd.s32 $0x7E00, v3;
	v8 =	vld.idx.msk [tilespmem:v40+s3+$0x0], $0xffff  }
0x120: {  	v43 =	vadd.s32 $0x7E00, v2;
	_ =	sdelay $0x1  }
0x121: {  	[tilespmem:$0x16F90] =	vst v0  }
0x122: {  	[tilespmem:$0x16FA0] =	vst v6;
	v0 =	vld.idx.msk [tilespmem:v41+s3+$0x0], $0xffff  }
0x123: {  	v44 =	vadd.s32 $0x81F0, v4;
	[tilespmem:$0x16FB0] =	vst v8;
	v6 =	vld.idx.msk [tilespmem:v42+s3+$0x0], $0xffff  }
0x124: {  	v45 =	vadd.s32 $0x81F0, v3;
	v8 =	vld.idx.msk [tilespmem:v43+s3+$0x0], $0xffff  }
0x125: {  	v46 =	vadd.s32 $0x81F0, v2;
	_ =	sdelay $0x1  }
0x126: {  	[tilespmem:$0x17010] =	vst v0  }
0x127: {  	[tilespmem:$0x17020] =	vst v6;
	v0 =	vld.idx.msk [tilespmem:v44+s3+$0x0], $0xffff  }
0x128: {  	v47 =	vadd.s32 $0x85E0, v4;
	[tilespmem:$0x17030] =	vst v8;
	v6 =	vld.idx.msk [tilespmem:v45+s3+$0x0], $0xffff  }
0x129: {  	v48 =	vadd.s32 $0x85E0, v3;
	v8 =	vld.idx.msk [tilespmem:v46+s3+$0x0], $0xffff  }
0x12a: {  	v49 =	vadd.s32 $0x85E0, v2;
	_ =	sdelay $0x1  }
0x12b: {  	[tilespmem:$0x17090] =	vst v0  }
0x12c: {  	v50 =	vadd.s32 $0x89D0, v1;
	[tilespmem:$0x170A0] =	vst v6;
	v5 =	vld.idx.msk [tilespmem:v47+s3+$0x0], $0xffff  }
0x12d: {  	v51 =	vadd.s32 $0x89D0, v4;
	[tilespmem:$0x170B0] =	vst v8;
	v7 =	vld.idx.msk [tilespmem:v48+s3+$0x0], $0xffff  }
0x12e: {  	v10 =	vadd.s32 $0x89D0, v3;
	v8 =	vld.idx.msk [tilespmem:v49+s3+$0x0], $0xffff  }
0x12f: {  	v52 =	vadd.s32 $0x89D0, v2;
	_ =	sdelay $0x1  }
0x130: {  	v0 =	vld.idx.msk [tilespmem:v50+s3+$0x0], $0xffff;
	[tilespmem:$0x17110] =	vst v5  }
0x131: {  	v53 =	vadd.s32 $0x8DC0, v1;
	[tilespmem:$0x17120] =	vst v7;
	v6 =	vld.idx.msk [tilespmem:v51+s3+$0x0], $0xffff  }
0x132: {  	v54 =	vadd.s32 $0x8DC0, v4;
	[tilespmem:$0x17130] =	vst v8;
	v10 =	vld.idx.msk [tilespmem:v10+s3+$0x0], $0xffff  }
0x133: {  	v11 =	vadd.s32 $0x8DC0, v3;
	v8 =	vld.idx.msk [tilespmem:v52+s3+$0x0], $0xffff  }
0x134: {  	v55 =	vadd.s32 $0x8DC0, v2  }
0x135: {  	[tilespmem:$0x17180] =	vst v0;
	v0 =	vld [tilespmem:s17+$0xFFFFFFC0]  }
0x136: {  	v5 =	vld.idx.msk [tilespmem:v53+s3+$0x0], $0xffff;
	[tilespmem:$0x17190] =	vst v6  }
0x137: {  	v56 =	vadd.s32 $0x91B0, v1;
	[tilespmem:$0x171A0] =	vst v10;
	v6 =	vld.idx.msk [tilespmem:v54+s3+$0x0], $0xffff  }
0x138: {  	v57 =	vadd.s32 $0x91B0, v4;
	[tilespmem:$0x171B0] =	vst v8;
	v10 =	vld.idx.msk [tilespmem:v11+s3+$0x0], $0xffff  }
0x139: {  	v58 =	vadd.s32 $0x91B0, v3;
	v9 =	vld.idx.msk [tilespmem:v55+s3+$0x0], $0xffff  }
0x13a: {  	v12 =	vadd.s32 $0x91B0, v2  }
0x13b: {  	[tilespmem:$0x17200] =	vst v5  }
0x13c: {  	v5 =	vld.idx.msk [tilespmem:v56+s3+$0x0], $0xffff;
	[tilespmem:$0x17210] =	vst v6  }
0x13d: {  	v59 =	vadd.s32 $0x95A0, v1;
	[tilespmem:$0x17220] =	vst v10;
	v60 =	vld.idx.msk [tilespmem:v57+s3+$0x0], $0xffff  }
0x13e: {  	v61 =	vadd.s32 $0x95A0, v4;
	[tilespmem:$0x17230] =	vst v9;
	v8 =	vld.idx.msk [tilespmem:v58+s3+$0x0], $0xffff  }
0x13f: {  	v62 =	vadd.s32 $0x95A0, v3;
	v63 =	vld.idx.msk [tilespmem:v12+s3+$0x0], $0xffff  }
0x140: {  	v16 =	vadd.s32 $0x95A0, v2;
	v13 =	vld.idx.msk [tilespmem:v0+s3+$0x0], $0xffff  }
0x141: {  	v17 =	vadd.s32 $0x3F0, v0;
	[tilespmem:$0x17280] =	vst v5  }
0x142: {  	v6 =	vld.idx.msk [tilespmem:v59+s3+$0x0], $0xffff;
	[tilespmem:$0x17290] =	vst v60  }
0x143: {  	v18 =	vadd.s32 $0x9990, v1;
	[tilespmem:$0x172A0] =	vst v8;
	v10 =	vld.idx.msk [tilespmem:v61+s3+$0x0], $0xffff  }
0x144: {  	v19 =	vadd.s32 $0x9990, v4;
	[tilespmem:$0x172B0] =	vst v63;
	v9 =	vld.idx.msk [tilespmem:v62+s3+$0x0], $0xffff  }
0x145: {  	v20 =	vadd.s32 $0x9990, v3;
	[tilespmem:$0x16040] =	vst v13;
	v12 =	vld.idx.msk [tilespmem:v16+s3+$0x0], $0xffff  }
0x146: {  	v21 =	vadd.s32 $0x9990, v2;
	v5 =	vld.idx.msk [tilespmem:v17+s3+$0x0], $0xffff  }
0x147: {  	v22 =	vadd.s32 $0x7E0, v0;
	[tilespmem:$0x17300] =	vst v6  }
0x148: {  	v7 =	vld.idx.msk [tilespmem:v18+s3+$0x0], $0xffff;
	[tilespmem:$0x17310] =	vst v10  }
0x149: {  	v23 =	vadd.s32 $0x9D80, v1;
	[tilespmem:$0x17320] =	vst v9;
	v8 =	vld.idx.msk [tilespmem:v19+s3+$0x0], $0xffff  }
0x14a: {  	v24 =	vadd.s32 $0x9D80, v4;
	[tilespmem:$0x17330] =	vst v12;
	v11 =	vld.idx.msk [tilespmem:v20+s3+$0x0], $0xffff  }
0x14b: {  	v25 =	vadd.s32 $0x9D80, v3;
	[tilespmem:$0x160C0] =	vst v5;
	v13 =	vld.idx.msk [tilespmem:v21+s3+$0x0], $0xffff  }
0x14c: {  	v26 =	vadd.s32 $0x9D80, v2;
	v6 =	vld.idx.msk [tilespmem:v22+s3+$0x0], $0xffff  }
0x14d: {  	v27 =	vadd.s32 $0xBD0, v0;
	[tilespmem:$0x17380] =	vst v7  }
0x14e: {  	v10 =	vld.idx.msk [tilespmem:v23+s3+$0x0], $0xffff;
	[tilespmem:$0x17390] =	vst v8  }
0x14f: {  	v28 =	vadd.s32 $0xA170, v1;
	[tilespmem:$0x173A0] =	vst v11;
	v9 =	vld.idx.msk [tilespmem:v24+s3+$0x0], $0xffff  }
0x150: {  	v29 =	vadd.s32 $0xA170, v4;
	[tilespmem:$0x173B0] =	vst v13;
	v12 =	vld.idx.msk [tilespmem:v25+s3+$0x0], $0xffff  }
0x151: {  	v30 =	vadd.s32 $0xA170, v3;
	[tilespmem:$0x16140] =	vst v6;
	v5 =	vld.idx.msk [tilespmem:v26+s3+$0x0], $0xffff  }
0x152: {  	v31 =	vadd.s32 $0xA170, v2;
	v7 =	vld.idx.msk [tilespmem:v27+s3+$0x0], $0xffff  }
0x153: {  	v32 =	vadd.s32 $0xFC0, v0;
	[tilespmem:$0x17400] =	vst v10  }
0x154: {  	v8 =	vld.idx.msk [tilespmem:v28+s3+$0x0], $0xffff;
	[tilespmem:$0x17410] =	vst v9  }
0x155: {  	v33 =	vadd.s32 $0xA560, v1;
	[tilespmem:$0x17420] =	vst v12;
	v11 =	vld.idx.msk [tilespmem:v29+s3+$0x0], $0xffff  }
0x156: {  	v34 =	vadd.s32 $0xA560, v4;
	[tilespmem:$0x17430] =	vst v5;
	v13 =	vld.idx.msk [tilespmem:v30+s3+$0x0], $0xffff  }
0x157: {  	v35 =	vadd.s32 $0xA560, v3;
	[tilespmem:$0x161C0] =	vst v7;
	v6 =	vld.idx.msk [tilespmem:v31+s3+$0x0], $0xffff  }
0x158: {  	v36 =	vadd.s32 $0xA560, v2;
	v10 =	vld.idx.msk [tilespmem:v32+s3+$0x0], $0xffff  }
0x159: {  	v37 =	vadd.s32 $0x13B0, v0;
	[tilespmem:$0x17480] =	vst v8  }
0x15a: {  	v9 =	vld.idx.msk [tilespmem:v33+s3+$0x0], $0xffff;
	[tilespmem:$0x17490] =	vst v11  }
0x15b: {  	v38 =	vadd.s32 $0xA950, v1;
	[tilespmem:$0x174A0] =	vst v13;
	v12 =	vld.idx.msk [tilespmem:v34+s3+$0x0], $0xffff  }
0x15c: {  	v39 =	vadd.s32 $0xA950, v4;
	[tilespmem:$0x174B0] =	vst v6;
	v5 =	vld.idx.msk [tilespmem:v35+s3+$0x0], $0xffff  }
0x15d: {  	v40 =	vadd.s32 $0xA950, v3;
	[tilespmem:$0x16240] =	vst v10;
	v7 =	vld.idx.msk [tilespmem:v36+s3+$0x0], $0xffff  }
0x15e: {  	v41 =	vadd.s32 $0xA950, v2;
	v8 =	vld.idx.msk [tilespmem:v37+s3+$0x0], $0xffff  }
0x15f: {  	v42 =	vadd.s32 $0x17A0, v0;
	[tilespmem:$0x17500] =	vst v9  }
0x160: {  	v11 =	vld.idx.msk [tilespmem:v38+s3+$0x0], $0xffff;
	[tilespmem:$0x17510] =	vst v12  }
0x161: {  	v43 =	vadd.s32 $0xAD40, v1;
	[tilespmem:$0x17520] =	vst v5;
	v13 =	vld.idx.msk [tilespmem:v39+s3+$0x0], $0xffff  }
0x162: {  	v44 =	vadd.s32 $0xAD40, v4;
	[tilespmem:$0x17530] =	vst v7;
	v6 =	vld.idx.msk [tilespmem:v40+s3+$0x0], $0xffff  }
0x163: {  	v45 =	vadd.s32 $0xAD40, v3;
	[tilespmem:$0x162C0] =	vst v8;
	v10 =	vld.idx.msk [tilespmem:v41+s3+$0x0], $0xffff  }
0x164: {  	v46 =	vadd.s32 $0xAD40, v2;
	v9 =	vld.idx.msk [tilespmem:v42+s3+$0x0], $0xffff  }
0x165: {  	v47 =	vadd.s32 $0x1B90, v0;
	[tilespmem:$0x17580] =	vst v11  }
0x166: {  	v12 =	vld.idx.msk [tilespmem:v43+s3+$0x0], $0xffff;
	[tilespmem:$0x17590] =	vst v13  }
0x167: {  	v48 =	vadd.s32 $0xB130, v1;
	[tilespmem:$0x175A0] =	vst v6;
	v5 =	vld.idx.msk [tilespmem:v44+s3+$0x0], $0xffff  }
0x168: {  	v49 =	vadd.s32 $0xB130, v4;
	[tilespmem:$0x175B0] =	vst v10;
	v7 =	vld.idx.msk [tilespmem:v45+s3+$0x0], $0xffff  }
0x169: {  	v50 =	vadd.s32 $0xB130, v3;
	[tilespmem:$0x16340] =	vst v9;
	v8 =	vld.idx.msk [tilespmem:v46+s3+$0x0], $0xffff  }
0x16a: {  	v51 =	vadd.s32 $0xB130, v2;
	v11 =	vld.idx.msk [tilespmem:v47+s3+$0x0], $0xffff  }
0x16b: {  	v52 =	vadd.s32 $0x1F80, v0;
	[tilespmem:$0x17600] =	vst v12  }
0x16c: {  	v13 =	vld.idx.msk [tilespmem:v48+s3+$0x0], $0xffff;
	[tilespmem:$0x17610] =	vst v5  }
0x16d: {  	v53 =	vadd.s32 $0xB520, v1;
	[tilespmem:$0x17620] =	vst v7;
	v6 =	vld.idx.msk [tilespmem:v49+s3+$0x0], $0xffff  }
0x16e: {  	v54 =	vadd.s32 $0xB520, v4;
	[tilespmem:$0x17630] =	vst v8;
	v10 =	vld.idx.msk [tilespmem:v50+s3+$0x0], $0xffff  }
0x16f: {  	v55 =	vadd.s32 $0xB520, v3;
	[tilespmem:$0x163C0] =	vst v11;
	v9 =	vld.idx.msk [tilespmem:v51+s3+$0x0], $0xffff  }
0x170: {  	v56 =	vadd.s32 $0xB520, v2;
	v12 =	vld.idx.msk [tilespmem:v52+s3+$0x0], $0xffff  }
0x171: {  	v57 =	vadd.s32 $0x2370, v0;
	[tilespmem:$0x17680] =	vst v13  }
0x172: {  	v5 =	vld.idx.msk [tilespmem:v53+s3+$0x0], $0xffff;
	[tilespmem:$0x17690] =	vst v6  }
0x173: {  	v58 =	vadd.s32 $0xB910, v1;
	[tilespmem:$0x176A0] =	vst v10;
	v7 =	vld.idx.msk [tilespmem:v54+s3+$0x0], $0xffff  }
0x174: {  	v59 =	vadd.s32 $0xB910, v4;
	[tilespmem:$0x176B0] =	vst v9;
	v8 =	vld.idx.msk [tilespmem:v55+s3+$0x0], $0xffff  }
0x175: {  	v60 =	vadd.s32 $0xB910, v3;
	[tilespmem:$0x16440] =	vst v12;
	v11 =	vld.idx.msk [tilespmem:v56+s3+$0x0], $0xffff  }
0x176: {  	v61 =	vadd.s32 $0xB910, v2;
	v13 =	vld.idx.msk [tilespmem:v57+s3+$0x0], $0xffff  }
0x177: {  	v62 =	vadd.s32 $0x2760, v0;
	[tilespmem:$0x17700] =	vst v5  }
0x178: {  	v6 =	vld.idx.msk [tilespmem:v58+s3+$0x0], $0xffff;
	[tilespmem:$0x17710] =	vst v7  }
0x179: {  	v63 =	vadd.s32 $0xBD00, v1;
	[tilespmem:$0x17720] =	vst v8;
	v10 =	vld.idx.msk [tilespmem:v59+s3+$0x0], $0xffff  }
0x17a: {  	v16 =	vadd.s32 $0xBD00, v4;
	[tilespmem:$0x17730] =	vst v11;
	v9 =	vld.idx.msk [tilespmem:v60+s3+$0x0], $0xffff  }
0x17b: {  	v17 =	vadd.s32 $0xBD00, v3;
	[tilespmem:$0x164C0] =	vst v13;
	v12 =	vld.idx.msk [tilespmem:v61+s3+$0x0], $0xffff  }
0x17c: {  	v18 =	vadd.s32 $0xBD00, v2;
	v5 =	vld.idx.msk [tilespmem:v62+s3+$0x0], $0xffff  }
0x17d: {  	v19 =	vadd.s32 $0x2B50, v0;
	[tilespmem:$0x17780] =	vst v6  }
0x17e: {  	v7 =	vld.idx.msk [tilespmem:v63+s3+$0x0], $0xffff;
	[tilespmem:$0x17790] =	vst v10  }
0x17f: {  	v20 =	vadd.s32 $0xC0F0, v1;
	[tilespmem:$0x177A0] =	vst v9;
	v8 =	vld.idx.msk [tilespmem:v16+s3+$0x0], $0xffff  }
0x180: {  	v21 =	vadd.s32 $0xC0F0, v4;
	[tilespmem:$0x177B0] =	vst v12;
	v11 =	vld.idx.msk [tilespmem:v17+s3+$0x0], $0xffff  }
0x181: {  	v22 =	vadd.s32 $0xC0F0, v3;
	[tilespmem:$0x16540] =	vst v5;
	v13 =	vld.idx.msk [tilespmem:v18+s3+$0x0], $0xffff  }
0x182: {  	v23 =	vadd.s32 $0xC0F0, v2;
	v6 =	vld.idx.msk [tilespmem:v19+s3+$0x0], $0xffff  }
0x183: {  	v24 =	vadd.s32 $0x2F40, v0;
	[tilespmem:$0x17800] =	vst v7  }
0x184: {  	v10 =	vld.idx.msk [tilespmem:v20+s3+$0x0], $0xffff;
	[tilespmem:$0x17810] =	vst v8  }
0x185: {  	v25 =	vadd.s32 $0xC4E0, v1;
	[tilespmem:$0x17820] =	vst v11;
	v9 =	vld.idx.msk [tilespmem:v21+s3+$0x0], $0xffff  }
0x186: {  	v26 =	vadd.s32 $0xC4E0, v4;
	[tilespmem:$0x17830] =	vst v13;
	v12 =	vld.idx.msk [tilespmem:v22+s3+$0x0], $0xffff  }
0x187: {  	v27 =	vadd.s32 $0xC4E0, v3;
	[tilespmem:$0x165C0] =	vst v6;
	v5 =	vld.idx.msk [tilespmem:v23+s3+$0x0], $0xffff  }
0x188: {  	v28 =	vadd.s32 $0xC4E0, v2;
	v7 =	vld.idx.msk [tilespmem:v24+s3+$0x0], $0xffff  }
0x189: {  	v29 =	vadd.s32 $0x3330, v0;
	[tilespmem:$0x17880] =	vst v10  }
0x18a: {  	v8 =	vld.idx.msk [tilespmem:v25+s3+$0x0], $0xffff;
	[tilespmem:$0x17890] =	vst v9  }
0x18b: {  	v30 =	vadd.s32 $0xC8D0, v1;
	[tilespmem:$0x178A0] =	vst v12;
	v11 =	vld.idx.msk [tilespmem:v26+s3+$0x0], $0xffff  }
0x18c: {  	v31 =	vadd.s32 $0xC8D0, v4;
	[tilespmem:$0x178B0] =	vst v5;
	v13 =	vld.idx.msk [tilespmem:v27+s3+$0x0], $0xffff  }
0x18d: {  	v32 =	vadd.s32 $0xC8D0, v3;
	[tilespmem:$0x16640] =	vst v7;
	v6 =	vld.idx.msk [tilespmem:v28+s3+$0x0], $0xffff  }
0x18e: {  	v33 =	vadd.s32 $0xC8D0, v2;
	v10 =	vld.idx.msk [tilespmem:v29+s3+$0x0], $0xffff  }
0x18f: {  	v34 =	vadd.s32 $0x3720, v0;
	[tilespmem:$0x17900] =	vst v8  }
0x190: {  	v9 =	vld.idx.msk [tilespmem:v30+s3+$0x0], $0xffff;
	[tilespmem:$0x17910] =	vst v11  }
0x191: {  	v35 =	vadd.s32 $0xCCC0, v1;
	[tilespmem:$0x17920] =	vst v13;
	v12 =	vld.idx.msk [tilespmem:v31+s3+$0x0], $0xffff  }
0x192: {  	v36 =	vadd.s32 $0xCCC0, v4;
	[tilespmem:$0x17930] =	vst v6;
	v5 =	vld.idx.msk [tilespmem:v32+s3+$0x0], $0xffff  }
0x193: {  	v37 =	vadd.s32 $0xCCC0, v3;
	[tilespmem:$0x166C0] =	vst v10;
	v7 =	vld.idx.msk [tilespmem:v33+s3+$0x0], $0xffff  }
0x194: {  	v38 =	vadd.s32 $0xCCC0, v2;
	v8 =	vld.idx.msk [tilespmem:v34+s3+$0x0], $0xffff  }
0x195: {  	v39 =	vadd.s32 $0x3B10, v0;
	[tilespmem:$0x17980] =	vst v9  }
0x196: {  	v11 =	vld.idx.msk [tilespmem:v35+s3+$0x0], $0xffff;
	[tilespmem:$0x17990] =	vst v12  }
0x197: {  	v40 =	vadd.s32 $0xD0B0, v1;
	[tilespmem:$0x179A0] =	vst v5;
	v13 =	vld.idx.msk [tilespmem:v36+s3+$0x0], $0xffff  }
0x198: {  	v41 =	vadd.s32 $0xD0B0, v4;
	[tilespmem:$0x179B0] =	vst v7;
	v6 =	vld.idx.msk [tilespmem:v37+s3+$0x0], $0xffff  }
0x199: {  	v42 =	vadd.s32 $0xD0B0, v3;
	[tilespmem:$0x16740] =	vst v8;
	v10 =	vld.idx.msk [tilespmem:v38+s3+$0x0], $0xffff  }
0x19a: {  	v43 =	vadd.s32 $0xD0B0, v2;
	v9 =	vld.idx.msk [tilespmem:v39+s3+$0x0], $0xffff  }
0x19b: {  	v44 =	vadd.s32 $0x3F00, v0;
	[tilespmem:$0x17A00] =	vst v11  }
0x19c: {  	v12 =	vld.idx.msk [tilespmem:v40+s3+$0x0], $0xffff;
	[tilespmem:$0x17A10] =	vst v13  }
0x19d: {  	v45 =	vadd.s32 $0xD4A0, v1;
	[tilespmem:$0x17A20] =	vst v6;
	v5 =	vld.idx.msk [tilespmem:v41+s3+$0x0], $0xffff  }
0x19e: {  	v46 =	vadd.s32 $0xD4A0, v4;
	[tilespmem:$0x17A30] =	vst v10;
	v7 =	vld.idx.msk [tilespmem:v42+s3+$0x0], $0xffff  }
0x19f: {  	v47 =	vadd.s32 $0xD4A0, v3;
	[tilespmem:$0x167C0] =	vst v9;
	v8 =	vld.idx.msk [tilespmem:v43+s3+$0x0], $0xffff  }
0x1a0: {  	v48 =	vadd.s32 $0xD4A0, v2;
	v11 =	vld.idx.msk [tilespmem:v44+s3+$0x0], $0xffff  }
0x1a1: {  	v49 =	vadd.s32 $0x42F0, v0;
	[tilespmem:$0x17A80] =	vst v12  }
0x1a2: {  	v13 =	vld.idx.msk [tilespmem:v45+s3+$0x0], $0xffff;
	[tilespmem:$0x17A90] =	vst v5  }
0x1a3: {  	v50 =	vadd.s32 $0xD890, v1;
	[tilespmem:$0x17AA0] =	vst v7;
	v6 =	vld.idx.msk [tilespmem:v46+s3+$0x0], $0xffff  }
0x1a4: {  	v51 =	vadd.s32 $0xD890, v4;
	[tilespmem:$0x17AB0] =	vst v8;
	v10 =	vld.idx.msk [tilespmem:v47+s3+$0x0], $0xffff  }
0x1a5: {  	v52 =	vadd.s32 $0xD890, v3;
	[tilespmem:$0x16840] =	vst v11;
	v9 =	vld.idx.msk [tilespmem:v48+s3+$0x0], $0xffff  }
0x1a6: {  	v53 =	vadd.s32 $0xD890, v2;
	v12 =	vld.idx.msk [tilespmem:v49+s3+$0x0], $0xffff  }
0x1a7: {  	v54 =	vadd.s32 $0x46E0, v0;
	[tilespmem:$0x17B00] =	vst v13  }
0x1a8: {  	v5 =	vld.idx.msk [tilespmem:v50+s3+$0x0], $0xffff;
	[tilespmem:$0x17B10] =	vst v6  }
0x1a9: {  	v55 =	vadd.s32 $0xDC80, v1;
	[tilespmem:$0x17B20] =	vst v10;
	v7 =	vld.idx.msk [tilespmem:v51+s3+$0x0], $0xffff  }
0x1aa: {  	v56 =	vadd.s32 $0xDC80, v4;
	[tilespmem:$0x17B30] =	vst v9;
	v8 =	vld.idx.msk [tilespmem:v52+s3+$0x0], $0xffff  }
0x1ab: {  	v57 =	vadd.s32 $0xDC80, v3;
	[tilespmem:$0x168C0] =	vst v12;
	v11 =	vld.idx.msk [tilespmem:v53+s3+$0x0], $0xffff  }
0x1ac: {  	v58 =	vadd.s32 $0xDC80, v2;
	v13 =	vld.idx.msk [tilespmem:v54+s3+$0x0], $0xffff  }
0x1ad: {  	v59 =	vadd.s32 $0x4AD0, v0;
	[tilespmem:$0x17B80] =	vst v5  }
0x1ae: {  	v6 =	vld.idx.msk [tilespmem:v55+s3+$0x0], $0xffff;
	[tilespmem:$0x17B90] =	vst v7  }
0x1af: {  	v60 =	vadd.s32 $0xE070, v1;
	[tilespmem:$0x17BA0] =	vst v8;
	v10 =	vld.idx.msk [tilespmem:v56+s3+$0x0], $0xffff  }
0x1b0: {  	v61 =	vadd.s32 $0xE070, v4;
	[tilespmem:$0x17BB0] =	vst v11;
	v9 =	vld.idx.msk [tilespmem:v57+s3+$0x0], $0xffff  }
0x1b1: {  	v62 =	vadd.s32 $0xE070, v3;
	[tilespmem:$0x16940] =	vst v13;
	v12 =	vld.idx.msk [tilespmem:v58+s3+$0x0], $0xffff  }
0x1b2: {  	v63 =	vadd.s32 $0xE070, v2;
	v5 =	vld.idx.msk [tilespmem:v59+s3+$0x0], $0xffff  }
0x1b3: {  	v16 =	vadd.s32 $0x4EC0, v0;
	[tilespmem:$0x17C00] =	vst v6  }
0x1b4: {  	v7 =	vld.idx.msk [tilespmem:v60+s3+$0x0], $0xffff;
	[tilespmem:$0x17C10] =	vst v10  }
0x1b5: {  	v17 =	vadd.s32 $0xE460, v1;
	[tilespmem:$0x17C20] =	vst v9;
	v8 =	vld.idx.msk [tilespmem:v61+s3+$0x0], $0xffff  }
0x1b6: {  	v18 =	vadd.s32 $0xE460, v4;
	[tilespmem:$0x17C30] =	vst v12;
	v11 =	vld.idx.msk [tilespmem:v62+s3+$0x0], $0xffff  }
0x1b7: {  	v19 =	vadd.s32 $0xE460, v3;
	[tilespmem:$0x169C0] =	vst v5;
	v13 =	vld.idx.msk [tilespmem:v63+s3+$0x0], $0xffff  }
0x1b8: {  	v20 =	vadd.s32 $0xE460, v2;
	v6 =	vld.idx.msk [tilespmem:v16+s3+$0x0], $0xffff  }
0x1b9: {  	v21 =	vadd.s32 $0x52B0, v0;
	[tilespmem:$0x17C80] =	vst v7  }
0x1ba: {  	v10 =	vld.idx.msk [tilespmem:v17+s3+$0x0], $0xffff;
	[tilespmem:$0x17C90] =	vst v8  }
0x1bb: {  	v22 =	vadd.s32 $0xE850, v1;
	[tilespmem:$0x17CA0] =	vst v11;
	v9 =	vld.idx.msk [tilespmem:v18+s3+$0x0], $0xffff  }
0x1bc: {  	v23 =	vadd.s32 $0xE850, v4;
	[tilespmem:$0x17CB0] =	vst v13;
	v12 =	vld.idx.msk [tilespmem:v19+s3+$0x0], $0xffff  }
0x1bd: {  	v24 =	vadd.s32 $0xE850, v3;
	[tilespmem:$0x16A40] =	vst v6;
	v5 =	vld.idx.msk [tilespmem:v20+s3+$0x0], $0xffff  }
0x1be: {  	v25 =	vadd.s32 $0xE850, v2;
	v7 =	vld.idx.msk [tilespmem:v21+s3+$0x0], $0xffff  }
0x1bf: {  	v26 =	vadd.s32 $0x56A0, v0;
	[tilespmem:$0x17D00] =	vst v10  }
0x1c0: {  	v8 =	vld.idx.msk [tilespmem:v22+s3+$0x0], $0xffff;
	[tilespmem:$0x17D10] =	vst v9  }
0x1c1: {  	v27 =	vadd.s32 $0xEC40, v1;
	[tilespmem:$0x17D20] =	vst v12;
	v11 =	vld.idx.msk [tilespmem:v23+s3+$0x0], $0xffff  }
0x1c2: {  	v28 =	vadd.s32 $0xEC40, v4;
	[tilespmem:$0x17D30] =	vst v5;
	v13 =	vld.idx.msk [tilespmem:v24+s3+$0x0], $0xffff  }
0x1c3: {  	v29 =	vadd.s32 $0xEC40, v3;
	[tilespmem:$0x16AC0] =	vst v7;
	v6 =	vld.idx.msk [tilespmem:v25+s3+$0x0], $0xffff  }
0x1c4: {  	v30 =	vadd.s32 $0xEC40, v2;
	v10 =	vld.idx.msk [tilespmem:v26+s3+$0x0], $0xffff  }
0x1c5: {  	v31 =	vadd.s32 $0x5A90, v0;
	[tilespmem:$0x17D80] =	vst v8  }
0x1c6: {  	v9 =	vld.idx.msk [tilespmem:v27+s3+$0x0], $0xffff;
	[tilespmem:$0x17D90] =	vst v11  }
0x1c7: {  	v32 =	vadd.s32 $0xF030, v1;
	[tilespmem:$0x17DA0] =	vst v13;
	v12 =	vld.idx.msk [tilespmem:v28+s3+$0x0], $0xffff  }
0x1c8: {  	v33 =	vadd.s32 $0xF030, v4;
	[tilespmem:$0x17DB0] =	vst v6;
	v5 =	vld.idx.msk [tilespmem:v29+s3+$0x0], $0xffff  }
0x1c9: {  	v34 =	vadd.s32 $0xF030, v3;
	[tilespmem:$0x16B40] =	vst v10;
	v7 =	vld.idx.msk [tilespmem:v30+s3+$0x0], $0xffff  }
0x1ca: {  	v35 =	vadd.s32 $0xF030, v2;
	v8 =	vld.idx.msk [tilespmem:v31+s3+$0x0], $0xffff  }
0x1cb: {  	v36 =	vadd.s32 $0x5E80, v0;
	[tilespmem:$0x17E00] =	vst v9  }
0x1cc: {  	v11 =	vld.idx.msk [tilespmem:v32+s3+$0x0], $0xffff;
	[tilespmem:$0x17E10] =	vst v12  }
0x1cd: {  	v37 =	vadd.s32 $0xF420, v1;
	[tilespmem:$0x17E20] =	vst v5;
	v13 =	vld.idx.msk [tilespmem:v33+s3+$0x0], $0xffff  }
0x1ce: {  	v38 =	vadd.s32 $0xF420, v4;
	[tilespmem:$0x17E30] =	vst v7;
	v6 =	vld.idx.msk [tilespmem:v34+s3+$0x0], $0xffff  }
0x1cf: {  	v39 =	vadd.s32 $0xF420, v3;
	[tilespmem:$0x16BC0] =	vst v8;
	v10 =	vld.idx.msk [tilespmem:v35+s3+$0x0], $0xffff  }
0x1d0: {  	v40 =	vadd.s32 $0xF420, v2;
	v9 =	vld.idx.msk [tilespmem:v36+s3+$0x0], $0xffff  }
0x1d1: {  	v41 =	vadd.s32 $0x6270, v0;
	[tilespmem:$0x17E80] =	vst v11  }
0x1d2: {  	v12 =	vld.idx.msk [tilespmem:v37+s3+$0x0], $0xffff;
	[tilespmem:$0x17E90] =	vst v13  }
0x1d3: {  	v1 =	vadd.s32 $0xF810, v1;
	[tilespmem:$0x17EA0] =	vst v6;
	v5 =	vld.idx.msk [tilespmem:v38+s3+$0x0], $0xffff  }
0x1d4: {  	v4 =	vadd.s32 $0xF810, v4;
	[tilespmem:$0x17EB0] =	vst v10;
	v6 =	vld.idx.msk [tilespmem:v39+s3+$0x0], $0xffff  }
0x1d5: {  	v3 =	vadd.s32 $0xF810, v3;
	[tilespmem:$0x16C40] =	vst v9;
	v42 =	vld.idx.msk [tilespmem:v40+s3+$0x0], $0xffff  }
0x1d6: {  	v2 =	vadd.s32 $0xF810, v2;
	v43 =	vld.idx.msk [tilespmem:v41+s3+$0x0], $0xffff  }
0x1d7: {  	v44 =	vadd.s32 $0x6660, v0;
	[tilespmem:$0x17F00] =	vst v12  }
0x1d8: {  	v1 =	vld.idx.msk [tilespmem:v1+s3+$0x0], $0xffff;
	[tilespmem:$0x17F10] =	vst v5  }
0x1d9: {  	[tilespmem:$0x17F20] =	vst v6;
	v4 =	vld.idx.msk [tilespmem:v4+s3+$0x0], $0xffff  }
0x1da: {  	[tilespmem:$0x17F30] =	vst v42;
	v3 =	vld.idx.msk [tilespmem:v3+s3+$0x0], $0xffff  }
0x1db: {  	[tilespmem:$0x16CC0] =	vst v43;
	v2 =	vld.idx.msk [tilespmem:v2+s3+$0x0], $0xffff  }
0x1dc: {  	v45 =	vld.idx.msk [tilespmem:v44+s3+$0x0], $0xffff  }
0x1dd: {  	[tilespmem:$0x17F80] =	vst v1  }
0x1de: {  	[tilespmem:$0x17F90] =	vst v4  }
0x1df: {  	[tilespmem:$0x17FA0] =	vst v3  }
0x1e0: {  	[tilespmem:$0x17FB0] =	vst v2  }
0x1e1: {  	[tilespmem:$0x16D40] =	vst v45  }
0x1e2: {  	v3 =	vld [tilespmem:s17+$0xFFFFFFD0]  }
0x1e3: {  	v2 =	vld [tilespmem:s17+$0xFFFFFFE0]  }
0x1e4: {  	v1 =	vld [tilespmem:s17+$0xFFFFFFF0];
	_ =	sdelay $0x5  }
0x1e5: {  	v46 =	vld.idx.msk [tilespmem:v3+s3+$0x0], $0xffff  }
0x1e6: {  	v47 =	vadd.s32 $0x3F0, v3;
	v48 =	vld.idx.msk [tilespmem:v2+s3+$0x0], $0xffff  }
0x1e7: {  	v49 =	vadd.s32 $0x3F0, v2;
	v50 =	vld.idx.msk [tilespmem:v1+s3+$0x0], $0xffff  }
0x1e8: {  	v51 =	vadd.s32 $0x3F0, v1;
	_ =	sdelay $0x1  }
0x1e9: {  	[tilespmem:$0x16050] =	vst v46  }
0x1ea: {  	[tilespmem:$0x16060] =	vst v48;
	v4 =	vld.idx.msk [tilespmem:v47+s3+$0x0], $0xffff  }
0x1eb: {  	v52 =	vadd.s32 $0x7E0, v3;
	[tilespmem:$0x16070] =	vst v50;
	v6 =	vld.idx.msk [tilespmem:v49+s3+$0x0], $0xffff  }
0x1ec: {  	v53 =	vadd.s32 $0x7E0, v2;
	v8 =	vld.idx.msk [tilespmem:v51+s3+$0x0], $0xffff  }
0x1ed: {  	v54 =	vadd.s32 $0x7E0, v1;
	_ =	sdelay $0x1  }
0x1ee: {  	[tilespmem:$0x160D0] =	vst v4  }
0x1ef: {  	[tilespmem:$0x160E0] =	vst v6;
	v4 =	vld.idx.msk [tilespmem:v52+s3+$0x0], $0xffff  }
0x1f0: {  	v55 =	vadd.s32 $0xBD0, v3;
	[tilespmem:$0x160F0] =	vst v8;
	v6 =	vld.idx.msk [tilespmem:v53+s3+$0x0], $0xffff  }
0x1f1: {  	v56 =	vadd.s32 $0xBD0, v2;
	v8 =	vld.idx.msk [tilespmem:v54+s3+$0x0], $0xffff  }
0x1f2: {  	v57 =	vadd.s32 $0xBD0, v1;
	_ =	sdelay $0x1  }
0x1f3: {  	[tilespmem:$0x16150] =	vst v4  }
0x1f4: {  	[tilespmem:$0x16160] =	vst v6;
	v4 =	vld.idx.msk [tilespmem:v55+s3+$0x0], $0xffff  }
0x1f5: {  	v58 =	vadd.s32 $0xFC0, v3;
	[tilespmem:$0x16170] =	vst v8;
	v6 =	vld.idx.msk [tilespmem:v56+s3+$0x0], $0xffff  }
0x1f6: {  	v59 =	vadd.s32 $0xFC0, v2;
	v8 =	vld.idx.msk [tilespmem:v57+s3+$0x0], $0xffff  }
0x1f7: {  	v60 =	vadd.s32 $0xFC0, v1;
	_ =	sdelay $0x1  }
0x1f8: {  	[tilespmem:$0x161D0] =	vst v4  }
0x1f9: {  	[tilespmem:$0x161E0] =	vst v6;
	v4 =	vld.idx.msk [tilespmem:v58+s3+$0x0], $0xffff  }
0x1fa: {  	v61 =	vadd.s32 $0x13B0, v3;
	[tilespmem:$0x161F0] =	vst v8;
	v6 =	vld.idx.msk [tilespmem:v59+s3+$0x0], $0xffff  }
0x1fb: {  	v62 =	vadd.s32 $0x13B0, v2;
	v8 =	vld.idx.msk [tilespmem:v60+s3+$0x0], $0xffff  }
0x1fc: {  	v63 =	vadd.s32 $0x13B0, v1;
	_ =	sdelay $0x1  }
0x1fd: {  	[tilespmem:$0x16250] =	vst v4  }
0x1fe: {  	[tilespmem:$0x16260] =	vst v6;
	v4 =	vld.idx.msk [tilespmem:v61+s3+$0x0], $0xffff  }
0x1ff: {  	v12 =	vadd.s32 $0x17A0, v3;
	[tilespmem:$0x16270] =	vst v8;
	v6 =	vld.idx.msk [tilespmem:v62+s3+$0x0], $0xffff  }
0x200: {  	v13 =	vadd.s32 $0x17A0, v2;
	v8 =	vld.idx.msk [tilespmem:v63+s3+$0x0], $0xffff  }
0x201: {  	v14 =	vadd.s32 $0x17A0, v1;
	_ =	sdelay $0x1  }
0x202: {  	[tilespmem:$0x162D0] =	vst v4  }
0x203: {  	[tilespmem:$0x162E0] =	vst v6;
	v4 =	vld.idx.msk [tilespmem:v12+s3+$0x0], $0xffff  }
0x204: {  	v15 =	vadd.s32 $0x1B90, v3;
	[tilespmem:$0x162F0] =	vst v8;
	v6 =	vld.idx.msk [tilespmem:v13+s3+$0x0], $0xffff  }
0x205: {  	v16 =	vadd.s32 $0x1B90, v2;
	v8 =	vld.idx.msk [tilespmem:v14+s3+$0x0], $0xffff  }
0x206: {  	v17 =	vadd.s32 $0x1B90, v1;
	_ =	sdelay $0x1  }
0x207: {  	[tilespmem:$0x16350] =	vst v4  }
0x208: {  	[tilespmem:$0x16360] =	vst v6;
	v4 =	vld.idx.msk [tilespmem:v15+s3+$0x0], $0xffff  }
0x209: {  	v18 =	vadd.s32 $0x1F80, v3;
	[tilespmem:$0x16370] =	vst v8;
	v6 =	vld.idx.msk [tilespmem:v16+s3+$0x0], $0xffff  }
0x20a: {  	v19 =	vadd.s32 $0x1F80, v2;
	v8 =	vld.idx.msk [tilespmem:v17+s3+$0x0], $0xffff  }
0x20b: {  	v20 =	vadd.s32 $0x1F80, v1;
	_ =	sdelay $0x1  }
0x20c: {  	[tilespmem:$0x163D0] =	vst v4  }
0x20d: {  	[tilespmem:$0x163E0] =	vst v6;
	v4 =	vld.idx.msk [tilespmem:v18+s3+$0x0], $0xffff  }
0x20e: {  	v21 =	vadd.s32 $0x2370, v3;
	[tilespmem:$0x163F0] =	vst v8;
	v6 =	vld.idx.msk [tilespmem:v19+s3+$0x0], $0xffff  }
0x20f: {  	v22 =	vadd.s32 $0x2370, v2;
	v8 =	vld.idx.msk [tilespmem:v20+s3+$0x0], $0xffff  }
0x210: {  	v23 =	vadd.s32 $0x2370, v1;
	_ =	sdelay $0x1  }
0x211: {  	[tilespmem:$0x16450] =	vst v4  }
0x212: {  	[tilespmem:$0x16460] =	vst v6;
	v4 =	vld.idx.msk [tilespmem:v21+s3+$0x0], $0xffff  }
0x213: {  	v24 =	vadd.s32 $0x2760, v3;
	[tilespmem:$0x16470] =	vst v8;
	v6 =	vld.idx.msk [tilespmem:v22+s3+$0x0], $0xffff  }
0x214: {  	v25 =	vadd.s32 $0x2760, v2;
	v8 =	vld.idx.msk [tilespmem:v23+s3+$0x0], $0xffff  }
0x215: {  	v26 =	vadd.s32 $0x2760, v1;
	_ =	sdelay $0x1  }
0x216: {  	[tilespmem:$0x164D0] =	vst v4  }
0x217: {  	[tilespmem:$0x164E0] =	vst v6;
	v4 =	vld.idx.msk [tilespmem:v24+s3+$0x0], $0xffff  }
0x218: {  	v27 =	vadd.s32 $0x2B50, v3;
	[tilespmem:$0x164F0] =	vst v8;
	v6 =	vld.idx.msk [tilespmem:v25+s3+$0x0], $0xffff  }
0x219: {  	v28 =	vadd.s32 $0x2B50, v2;
	v8 =	vld.idx.msk [tilespmem:v26+s3+$0x0], $0xffff  }
0x21a: {  	v29 =	vadd.s32 $0x2B50, v1;
	_ =	sdelay $0x1  }
0x21b: {  	[tilespmem:$0x16550] =	vst v4  }
0x21c: {  	[tilespmem:$0x16560] =	vst v6;
	v4 =	vld.idx.msk [tilespmem:v27+s3+$0x0], $0xffff  }
0x21d: {  	v30 =	vadd.s32 $0x2F40, v3;
	[tilespmem:$0x16570] =	vst v8;
	v6 =	vld.idx.msk [tilespmem:v28+s3+$0x0], $0xffff  }
0x21e: {  	v31 =	vadd.s32 $0x2F40, v2;
	v8 =	vld.idx.msk [tilespmem:v29+s3+$0x0], $0xffff  }
0x21f: {  	v32 =	vadd.s32 $0x2F40, v1;
	_ =	sdelay $0x1  }
0x220: {  	[tilespmem:$0x165D0] =	vst v4  }
0x221: {  	[tilespmem:$0x165E0] =	vst v6;
	v4 =	vld.idx.msk [tilespmem:v30+s3+$0x0], $0xffff  }
0x222: {  	v33 =	vadd.s32 $0x3330, v3;
	[tilespmem:$0x165F0] =	vst v8;
	v6 =	vld.idx.msk [tilespmem:v31+s3+$0x0], $0xffff  }
0x223: {  	v34 =	vadd.s32 $0x3330, v2;
	v8 =	vld.idx.msk [tilespmem:v32+s3+$0x0], $0xffff  }
0x224: {  	v35 =	vadd.s32 $0x3330, v1;
	_ =	sdelay $0x1  }
0x225: {  	[tilespmem:$0x16650] =	vst v4  }
0x226: {  	[tilespmem:$0x16660] =	vst v6;
	v4 =	vld.idx.msk [tilespmem:v33+s3+$0x0], $0xffff  }
0x227: {  	v36 =	vadd.s32 $0x3720, v3;
	[tilespmem:$0x16670] =	vst v8;
	v6 =	vld.idx.msk [tilespmem:v34+s3+$0x0], $0xffff  }
0x228: {  	v37 =	vadd.s32 $0x3720, v2;
	v8 =	vld.idx.msk [tilespmem:v35+s3+$0x0], $0xffff  }
0x229: {  	v38 =	vadd.s32 $0x3720, v1;
	_ =	sdelay $0x1  }
0x22a: {  	[tilespmem:$0x166D0] =	vst v4  }
0x22b: {  	[tilespmem:$0x166E0] =	vst v6;
	v4 =	vld.idx.msk [tilespmem:v36+s3+$0x0], $0xffff  }
0x22c: {  	v39 =	vadd.s32 $0x3B10, v3;
	[tilespmem:$0x166F0] =	vst v8;
	v6 =	vld.idx.msk [tilespmem:v37+s3+$0x0], $0xffff  }
0x22d: {  	v40 =	vadd.s32 $0x3B10, v2;
	v8 =	vld.idx.msk [tilespmem:v38+s3+$0x0], $0xffff  }
0x22e: {  	v41 =	vadd.s32 $0x3B10, v1;
	_ =	sdelay $0x1  }
0x22f: {  	[tilespmem:$0x16750] =	vst v4  }
0x230: {  	[tilespmem:$0x16760] =	vst v6;
	v4 =	vld.idx.msk [tilespmem:v39+s3+$0x0], $0xffff  }
0x231: {  	v42 =	vadd.s32 $0x3F00, v3;
	[tilespmem:$0x16770] =	vst v8;
	v6 =	vld.idx.msk [tilespmem:v40+s3+$0x0], $0xffff  }
0x232: {  	v43 =	vadd.s32 $0x3F00, v2;
	v8 =	vld.idx.msk [tilespmem:v41+s3+$0x0], $0xffff  }
0x233: {  	v44 =	vadd.s32 $0x3F00, v1;
	_ =	sdelay $0x1  }
0x234: {  	[tilespmem:$0x167D0] =	vst v4  }
0x235: {  	[tilespmem:$0x167E0] =	vst v6;
	v4 =	vld.idx.msk [tilespmem:v42+s3+$0x0], $0xffff  }
0x236: {  	v45 =	vadd.s32 $0x42F0, v3;
	[tilespmem:$0x167F0] =	vst v8;
	v6 =	vld.idx.msk [tilespmem:v43+s3+$0x0], $0xffff  }
0x237: {  	v46 =	vadd.s32 $0x42F0, v2;
	v8 =	vld.idx.msk [tilespmem:v44+s3+$0x0], $0xffff  }
0x238: {  	v47 =	vadd.s32 $0x42F0, v1;
	_ =	sdelay $0x1  }
0x239: {  	[tilespmem:$0x16850] =	vst v4  }
0x23a: {  	[tilespmem:$0x16860] =	vst v6;
	v4 =	vld.idx.msk [tilespmem:v45+s3+$0x0], $0xffff  }
0x23b: {  	v48 =	vadd.s32 $0x46E0, v3;
	[tilespmem:$0x16870] =	vst v8;
	v6 =	vld.idx.msk [tilespmem:v46+s3+$0x0], $0xffff  }
0x23c: {  	v49 =	vadd.s32 $0x46E0, v2;
	v8 =	vld.idx.msk [tilespmem:v47+s3+$0x0], $0xffff  }
0x23d: {  	v50 =	vadd.s32 $0x46E0, v1;
	_ =	sdelay $0x1  }
0x23e: {  	[tilespmem:$0x168D0] =	vst v4  }
0x23f: {  	[tilespmem:$0x168E0] =	vst v6;
	v4 =	vld.idx.msk [tilespmem:v48+s3+$0x0], $0xffff  }
0x240: {  	v51 =	vadd.s32 $0x4AD0, v3;
	[tilespmem:$0x168F0] =	vst v8;
	v6 =	vld.idx.msk [tilespmem:v49+s3+$0x0], $0xffff  }
0x241: {  	v52 =	vadd.s32 $0x4AD0, v2;
	v8 =	vld.idx.msk [tilespmem:v50+s3+$0x0], $0xffff  }
0x242: {  	v53 =	vadd.s32 $0x4AD0, v1;
	_ =	sdelay $0x1  }
0x243: {  	[tilespmem:$0x16950] =	vst v4  }
0x244: {  	[tilespmem:$0x16960] =	vst v6;
	v4 =	vld.idx.msk [tilespmem:v51+s3+$0x0], $0xffff  }
0x245: {  	v54 =	vadd.s32 $0x4EC0, v3;
	[tilespmem:$0x16970] =	vst v8;
	v6 =	vld.idx.msk [tilespmem:v52+s3+$0x0], $0xffff  }
0x246: {  	v55 =	vadd.s32 $0x4EC0, v2;
	v8 =	vld.idx.msk [tilespmem:v53+s3+$0x0], $0xffff  }
0x247: {  	v56 =	vadd.s32 $0x4EC0, v1;
	_ =	sdelay $0x1  }
0x248: {  	[tilespmem:$0x169D0] =	vst v4  }
0x249: {  	[tilespmem:$0x169E0] =	vst v6;
	v4 =	vld.idx.msk [tilespmem:v54+s3+$0x0], $0xffff  }
0x24a: {  	v57 =	vadd.s32 $0x52B0, v3;
	[tilespmem:$0x169F0] =	vst v8;
	v6 =	vld.idx.msk [tilespmem:v55+s3+$0x0], $0xffff  }
0x24b: {  	v58 =	vadd.s32 $0x52B0, v2;
	v8 =	vld.idx.msk [tilespmem:v56+s3+$0x0], $0xffff  }
0x24c: {  	v59 =	vadd.s32 $0x52B0, v1;
	_ =	sdelay $0x1  }
0x24d: {  	[tilespmem:$0x16A50] =	vst v4  }
0x24e: {  	[tilespmem:$0x16A60] =	vst v6;
	v4 =	vld.idx.msk [tilespmem:v57+s3+$0x0], $0xffff  }
0x24f: {  	v60 =	vadd.s32 $0x56A0, v3;
	[tilespmem:$0x16A70] =	vst v8;
	v6 =	vld.idx.msk [tilespmem:v58+s3+$0x0], $0xffff  }
0x250: {  	v61 =	vadd.s32 $0x56A0, v2;
	v8 =	vld.idx.msk [tilespmem:v59+s3+$0x0], $0xffff  }
0x251: {  	v62 =	vadd.s32 $0x56A0, v1;
	_ =	sdelay $0x1  }
0x252: {  	[tilespmem:$0x16AD0] =	vst v4  }
0x253: {  	[tilespmem:$0x16AE0] =	vst v6;
	v4 =	vld.idx.msk [tilespmem:v60+s3+$0x0], $0xffff  }
0x254: {  	v63 =	vadd.s32 $0x5A90, v3;
	[tilespmem:$0x16AF0] =	vst v8;
	v6 =	vld.idx.msk [tilespmem:v61+s3+$0x0], $0xffff  }
0x255: {  	v12 =	vadd.s32 $0x5A90, v2;
	v8 =	vld.idx.msk [tilespmem:v62+s3+$0x0], $0xffff  }
0x256: {  	v13 =	vadd.s32 $0x5A90, v1;
	_ =	sdelay $0x1  }
0x257: {  	[tilespmem:$0x16B50] =	vst v4  }
0x258: {  	[tilespmem:$0x16B60] =	vst v6;
	v4 =	vld.idx.msk [tilespmem:v63+s3+$0x0], $0xffff  }
0x259: {  	v14 =	vadd.s32 $0x5E80, v3;
	[tilespmem:$0x16B70] =	vst v8;
	v6 =	vld.idx.msk [tilespmem:v12+s3+$0x0], $0xffff  }
0x25a: {  	v15 =	vadd.s32 $0x5E80, v2;
	v8 =	vld.idx.msk [tilespmem:v13+s3+$0x0], $0xffff  }
0x25b: {  	v16 =	vadd.s32 $0x5E80, v1;
	_ =	sdelay $0x1  }
0x25c: {  	[tilespmem:$0x16BD0] =	vst v4  }
0x25d: {  	[tilespmem:$0x16BE0] =	vst v6;
	v4 =	vld.idx.msk [tilespmem:v14+s3+$0x0], $0xffff  }
0x25e: {  	v17 =	vadd.s32 $0x6270, v3;
	[tilespmem:$0x16BF0] =	vst v8;
	v6 =	vld.idx.msk [tilespmem:v15+s3+$0x0], $0xffff  }
0x25f: {  	v18 =	vadd.s32 $0x6270, v2;
	v8 =	vld.idx.msk [tilespmem:v16+s3+$0x0], $0xffff  }
0x260: {  	v19 =	vadd.s32 $0x6270, v1;
	_ =	sdelay $0x1  }
0x261: {  	[tilespmem:$0x16C50] =	vst v4  }
0x262: {  	[tilespmem:$0x16C60] =	vst v6;
	v4 =	vld.idx.msk [tilespmem:v17+s3+$0x0], $0xffff  }
0x263: {  	v20 =	vadd.s32 $0x6660, v3;
	[tilespmem:$0x16C70] =	vst v8;
	v6 =	vld.idx.msk [tilespmem:v18+s3+$0x0], $0xffff  }
0x264: {  	v21 =	vadd.s32 $0x6660, v2;
	v8 =	vld.idx.msk [tilespmem:v19+s3+$0x0], $0xffff  }
0x265: {  	v22 =	vadd.s32 $0x6660, v1;
	_ =	sdelay $0x1  }
0x266: {  	[tilespmem:$0x16CD0] =	vst v4  }
0x267: {  	v23 =	vadd.s32 $0x6A50, v0;
	[tilespmem:$0x16CE0] =	vst v6;
	v5 =	vld.idx.msk [tilespmem:v20+s3+$0x0], $0xffff  }
0x268: {  	v24 =	vadd.s32 $0x6A50, v3;
	[tilespmem:$0x16CF0] =	vst v8;
	v7 =	vld.idx.msk [tilespmem:v21+s3+$0x0], $0xffff  }
0x269: {  	v25 =	vadd.s32 $0x6A50, v2;
	v9 =	vld.idx.msk [tilespmem:v22+s3+$0x0], $0xffff  }
0x26a: {  	v26 =	vadd.s32 $0x6A50, v1;
	_ =	sdelay $0x1  }
0x26b: {  	v4 =	vld.idx.msk [tilespmem:v23+s3+$0x0], $0xffff;
	[tilespmem:$0x16D50] =	vst v5  }
0x26c: {  	v27 =	vadd.s32 $0x6E40, v0;
	[tilespmem:$0x16D60] =	vst v7;
	v6 =	vld.idx.msk [tilespmem:v24+s3+$0x0], $0xffff  }
0x26d: {  	v28 =	vadd.s32 $0x6E40, v3;
	[tilespmem:$0x16D70] =	vst v9;
	v8 =	vld.idx.msk [tilespmem:v25+s3+$0x0], $0xffff  }
0x26e: {  	v29 =	vadd.s32 $0x6E40, v2;
	v10 =	vld.idx.msk [tilespmem:v26+s3+$0x0], $0xffff  }
0x26f: {  	v30 =	vadd.s32 $0x6E40, v1  }
0x270: {  	[tilespmem:$0x16DC0] =	vst v4  }
0x271: {  	v4 =	vld.idx.msk [tilespmem:v27+s3+$0x0], $0xffff;
	[tilespmem:$0x16DD0] =	vst v6  }
0x272: {  	v31 =	vadd.s32 $0x7230, v0;
	[tilespmem:$0x16DE0] =	vst v8;
	v6 =	vld.idx.msk [tilespmem:v28+s3+$0x0], $0xffff  }
0x273: {  	v32 =	vadd.s32 $0x7230, v3;
	[tilespmem:$0x16DF0] =	vst v10;
	v8 =	vld.idx.msk [tilespmem:v29+s3+$0x0], $0xffff  }
0x274: {  	v33 =	vadd.s32 $0x7230, v2;
	v10 =	vld.idx.msk [tilespmem:v30+s3+$0x0], $0xffff  }
0x275: {  	v34 =	vadd.s32 $0x7230, v1  }
0x276: {  	[tilespmem:$0x16E40] =	vst v4  }
0x277: {  	v4 =	vld.idx.msk [tilespmem:v31+s3+$0x0], $0xffff;
	[tilespmem:$0x16E50] =	vst v6  }
0x278: {  	v35 =	vadd.s32 $0x7620, v0;
	[tilespmem:$0x16E60] =	vst v8;
	v6 =	vld.idx.msk [tilespmem:v32+s3+$0x0], $0xffff  }
0x279: {  	v36 =	vadd.s32 $0x7620, v3;
	[tilespmem:$0x16E70] =	vst v10;
	v8 =	vld.idx.msk [tilespmem:v33+s3+$0x0], $0xffff  }
0x27a: {  	v37 =	vadd.s32 $0x7620, v2;
	v10 =	vld.idx.msk [tilespmem:v34+s3+$0x0], $0xffff  }
0x27b: {  	v38 =	vadd.s32 $0x7620, v1  }
0x27c: {  	[tilespmem:$0x16EC0] =	vst v4  }
0x27d: {  	v4 =	vld.idx.msk [tilespmem:v35+s3+$0x0], $0xffff;
	[tilespmem:$0x16ED0] =	vst v6  }
0x27e: {  	v39 =	vadd.s32 $0x7A10, v0;
	[tilespmem:$0x16EE0] =	vst v8;
	v6 =	vld.idx.msk [tilespmem:v36+s3+$0x0], $0xffff  }
0x27f: {  	v40 =	vadd.s32 $0x7A10, v3;
	[tilespmem:$0x16EF0] =	vst v10;
	v8 =	vld.idx.msk [tilespmem:v37+s3+$0x0], $0xffff  }
0x280: {  	v41 =	vadd.s32 $0x7A10, v2;
	v10 =	vld.idx.msk [tilespmem:v38+s3+$0x0], $0xffff  }
0x281: {  	v42 =	vadd.s32 $0x7A10, v1  }
0x282: {  	[tilespmem:$0x16F40] =	vst v4  }
0x283: {  	v4 =	vld.idx.msk [tilespmem:v39+s3+$0x0], $0xffff;
	[tilespmem:$0x16F50] =	vst v6  }
0x284: {  	v43 =	vadd.s32 $0x7E00, v0;
	[tilespmem:$0x16F60] =	vst v8;
	v6 =	vld.idx.msk [tilespmem:v40+s3+$0x0], $0xffff  }
0x285: {  	v44 =	vadd.s32 $0x7E00, v3;
	[tilespmem:$0x16F70] =	vst v10;
	v8 =	vld.idx.msk [tilespmem:v41+s3+$0x0], $0xffff  }
0x286: {  	v45 =	vadd.s32 $0x7E00, v2;
	v10 =	vld.idx.msk [tilespmem:v42+s3+$0x0], $0xffff  }
0x287: {  	v46 =	vadd.s32 $0x7E00, v1  }
0x288: {  	[tilespmem:$0x16FC0] =	vst v4  }
0x289: {  	v4 =	vld.idx.msk [tilespmem:v43+s3+$0x0], $0xffff;
	[tilespmem:$0x16FD0] =	vst v6  }
0x28a: {  	v47 =	vadd.s32 $0x81F0, v0;
	[tilespmem:$0x16FE0] =	vst v8;
	v6 =	vld.idx.msk [tilespmem:v44+s3+$0x0], $0xffff  }
0x28b: {  	v48 =	vadd.s32 $0x81F0, v3;
	[tilespmem:$0x16FF0] =	vst v10;
	v8 =	vld.idx.msk [tilespmem:v45+s3+$0x0], $0xffff  }
0x28c: {  	v49 =	vadd.s32 $0x81F0, v2;
	v10 =	vld.idx.msk [tilespmem:v46+s3+$0x0], $0xffff  }
0x28d: {  	v50 =	vadd.s32 $0x81F0, v1  }
0x28e: {  	[tilespmem:$0x17040] =	vst v4  }
0x28f: {  	v4 =	vld.idx.msk [tilespmem:v47+s3+$0x0], $0xffff;
	[tilespmem:$0x17050] =	vst v6  }
0x290: {  	v51 =	vadd.s32 $0x85E0, v0;
	[tilespmem:$0x17060] =	vst v8;
	v6 =	vld.idx.msk [tilespmem:v48+s3+$0x0], $0xffff  }
0x291: {  	v52 =	vadd.s32 $0x85E0, v3;
	[tilespmem:$0x17070] =	vst v10;
	v8 =	vld.idx.msk [tilespmem:v49+s3+$0x0], $0xffff  }
0x292: {  	v53 =	vadd.s32 $0x85E0, v2;
	v10 =	vld.idx.msk [tilespmem:v50+s3+$0x0], $0xffff  }
0x293: {  	v54 =	vadd.s32 $0x85E0, v1  }
0x294: {  	[tilespmem:$0x170C0] =	vst v4  }
0x295: {  	v4 =	vld.idx.msk [tilespmem:v51+s3+$0x0], $0xffff;
	[tilespmem:$0x170D0] =	vst v6  }
0x296: {  	v55 =	vadd.s32 $0x89D0, v0;
	[tilespmem:$0x170E0] =	vst v8;
	v6 =	vld.idx.msk [tilespmem:v52+s3+$0x0], $0xffff  }
0x297: {  	v56 =	vadd.s32 $0x89D0, v3;
	[tilespmem:$0x170F0] =	vst v10;
	v8 =	vld.idx.msk [tilespmem:v53+s3+$0x0], $0xffff  }
0x298: {  	v57 =	vadd.s32 $0x89D0, v2;
	v10 =	vld.idx.msk [tilespmem:v54+s3+$0x0], $0xffff  }
0x299: {  	v58 =	vadd.s32 $0x89D0, v1  }
0x29a: {  	[tilespmem:$0x17140] =	vst v4  }
0x29b: {  	v4 =	vld.idx.msk [tilespmem:v55+s3+$0x0], $0xffff;
	[tilespmem:$0x17150] =	vst v6  }
0x29c: {  	v59 =	vadd.s32 $0x8DC0, v0;
	[tilespmem:$0x17160] =	vst v8;
	v6 =	vld.idx.msk [tilespmem:v56+s3+$0x0], $0xffff  }
0x29d: {  	v60 =	vadd.s32 $0x8DC0, v3;
	[tilespmem:$0x17170] =	vst v10;
	v8 =	vld.idx.msk [tilespmem:v57+s3+$0x0], $0xffff  }
0x29e: {  	v61 =	vadd.s32 $0x8DC0, v2;
	v10 =	vld.idx.msk [tilespmem:v58+s3+$0x0], $0xffff  }
0x29f: {  	v62 =	vadd.s32 $0x8DC0, v1  }
0x2a0: {  	[tilespmem:$0x171C0] =	vst v4  }
0x2a1: {  	v4 =	vld.idx.msk [tilespmem:v59+s3+$0x0], $0xffff;
	[tilespmem:$0x171D0] =	vst v6  }
0x2a2: {  	v63 =	vadd.s32 $0x91B0, v0;
	[tilespmem:$0x171E0] =	vst v8;
	v6 =	vld.idx.msk [tilespmem:v60+s3+$0x0], $0xffff  }
0x2a3: {  	v12 =	vadd.s32 $0x91B0, v3;
	[tilespmem:$0x171F0] =	vst v10;
	v8 =	vld.idx.msk [tilespmem:v61+s3+$0x0], $0xffff  }
0x2a4: {  	v13 =	vadd.s32 $0x91B0, v2;
	v10 =	vld.idx.msk [tilespmem:v62+s3+$0x0], $0xffff  }
0x2a5: {  	v14 =	vadd.s32 $0x91B0, v1  }
0x2a6: {  	[tilespmem:$0x17240] =	vst v4  }
0x2a7: {  	v4 =	vld.idx.msk [tilespmem:v63+s3+$0x0], $0xffff;
	[tilespmem:$0x17250] =	vst v6  }
0x2a8: {  	v15 =	vadd.s32 $0x95A0, v0;
	[tilespmem:$0x17260] =	vst v8;
	v6 =	vld.idx.msk [tilespmem:v12+s3+$0x0], $0xffff  }
0x2a9: {  	v16 =	vadd.s32 $0x95A0, v3;
	[tilespmem:$0x17270] =	vst v10;
	v8 =	vld.idx.msk [tilespmem:v13+s3+$0x0], $0xffff  }
0x2aa: {  	v17 =	vadd.s32 $0x95A0, v2;
	v10 =	vld.idx.msk [tilespmem:v14+s3+$0x0], $0xffff  }
0x2ab: {  	v18 =	vadd.s32 $0x95A0, v1  }
0x2ac: {  	[tilespmem:$0x172C0] =	vst v4  }
0x2ad: {  	v4 =	vld.idx.msk [tilespmem:v15+s3+$0x0], $0xffff;
	[tilespmem:$0x172D0] =	vst v6  }
0x2ae: {  	v19 =	vadd.s32 $0x9990, v0;
	[tilespmem:$0x172E0] =	vst v8;
	v6 =	vld.idx.msk [tilespmem:v16+s3+$0x0], $0xffff  }
0x2af: {  	v20 =	vadd.s32 $0x9990, v3;
	[tilespmem:$0x172F0] =	vst v10;
	v8 =	vld.idx.msk [tilespmem:v17+s3+$0x0], $0xffff  }
0x2b0: {  	v21 =	vadd.s32 $0x9990, v2;
	v10 =	vld.idx.msk [tilespmem:v18+s3+$0x0], $0xffff  }
0x2b1: {  	v22 =	vadd.s32 $0x9990, v1  }
0x2b2: {  	[tilespmem:$0x17340] =	vst v4  }
0x2b3: {  	v4 =	vld.idx.msk [tilespmem:v19+s3+$0x0], $0xffff;
	[tilespmem:$0x17350] =	vst v6  }
0x2b4: {  	v23 =	vadd.s32 $0x9D80, v0;
	[tilespmem:$0x17360] =	vst v8;
	v6 =	vld.idx.msk [tilespmem:v20+s3+$0x0], $0xffff  }
0x2b5: {  	v24 =	vadd.s32 $0x9D80, v3;
	[tilespmem:$0x17370] =	vst v10;
	v8 =	vld.idx.msk [tilespmem:v21+s3+$0x0], $0xffff  }
0x2b6: {  	v25 =	vadd.s32 $0x9D80, v2;
	v10 =	vld.idx.msk [tilespmem:v22+s3+$0x0], $0xffff  }
0x2b7: {  	v26 =	vadd.s32 $0x9D80, v1  }
0x2b8: {  	[tilespmem:$0x173C0] =	vst v4  }
0x2b9: {  	v4 =	vld.idx.msk [tilespmem:v23+s3+$0x0], $0xffff;
	[tilespmem:$0x173D0] =	vst v6  }
0x2ba: {  	v27 =	vadd.s32 $0xA170, v0;
	[tilespmem:$0x173E0] =	vst v8;
	v6 =	vld.idx.msk [tilespmem:v24+s3+$0x0], $0xffff  }
0x2bb: {  	v28 =	vadd.s32 $0xA170, v3;
	[tilespmem:$0x173F0] =	vst v10;
	v8 =	vld.idx.msk [tilespmem:v25+s3+$0x0], $0xffff  }
0x2bc: {  	v29 =	vadd.s32 $0xA170, v2;
	v10 =	vld.idx.msk [tilespmem:v26+s3+$0x0], $0xffff  }
0x2bd: {  	v30 =	vadd.s32 $0xA170, v1  }
0x2be: {  	[tilespmem:$0x17440] =	vst v4  }
0x2bf: {  	v4 =	vld.idx.msk [tilespmem:v27+s3+$0x0], $0xffff;
	[tilespmem:$0x17450] =	vst v6  }
0x2c0: {  	v31 =	vadd.s32 $0xA560, v0;
	[tilespmem:$0x17460] =	vst v8;
	v6 =	vld.idx.msk [tilespmem:v28+s3+$0x0], $0xffff  }
0x2c1: {  	v32 =	vadd.s32 $0xA560, v3;
	[tilespmem:$0x17470] =	vst v10;
	v8 =	vld.idx.msk [tilespmem:v29+s3+$0x0], $0xffff  }
0x2c2: {  	v33 =	vadd.s32 $0xA560, v2;
	v10 =	vld.idx.msk [tilespmem:v30+s3+$0x0], $0xffff  }
0x2c3: {  	v34 =	vadd.s32 $0xA560, v1  }
0x2c4: {  	[tilespmem:$0x174C0] =	vst v4  }
0x2c5: {  	v4 =	vld.idx.msk [tilespmem:v31+s3+$0x0], $0xffff;
	[tilespmem:$0x174D0] =	vst v6  }
0x2c6: {  	v35 =	vadd.s32 $0xA950, v0;
	[tilespmem:$0x174E0] =	vst v8;
	v6 =	vld.idx.msk [tilespmem:v32+s3+$0x0], $0xffff  }
0x2c7: {  	v36 =	vadd.s32 $0xA950, v3;
	[tilespmem:$0x174F0] =	vst v10;
	v8 =	vld.idx.msk [tilespmem:v33+s3+$0x0], $0xffff  }
0x2c8: {  	v37 =	vadd.s32 $0xA950, v2;
	v10 =	vld.idx.msk [tilespmem:v34+s3+$0x0], $0xffff  }
0x2c9: {  	v38 =	vadd.s32 $0xA950, v1  }
0x2ca: {  	[tilespmem:$0x17540] =	vst v4  }
0x2cb: {  	v4 =	vld.idx.msk [tilespmem:v35+s3+$0x0], $0xffff;
	[tilespmem:$0x17550] =	vst v6  }
0x2cc: {  	v39 =	vadd.s32 $0xAD40, v0;
	[tilespmem:$0x17560] =	vst v8;
	v6 =	vld.idx.msk [tilespmem:v36+s3+$0x0], $0xffff  }
0x2cd: {  	v40 =	vadd.s32 $0xAD40, v3;
	[tilespmem:$0x17570] =	vst v10;
	v8 =	vld.idx.msk [tilespmem:v37+s3+$0x0], $0xffff  }
0x2ce: {  	v41 =	vadd.s32 $0xAD40, v2;
	v10 =	vld.idx.msk [tilespmem:v38+s3+$0x0], $0xffff  }
0x2cf: {  	v42 =	vadd.s32 $0xAD40, v1  }
0x2d0: {  	[tilespmem:$0x175C0] =	vst v4  }
0x2d1: {  	v4 =	vld.idx.msk [tilespmem:v39+s3+$0x0], $0xffff;
	[tilespmem:$0x175D0] =	vst v6  }
0x2d2: {  	v43 =	vadd.s32 $0xB130, v0;
	[tilespmem:$0x175E0] =	vst v8;
	v6 =	vld.idx.msk [tilespmem:v40+s3+$0x0], $0xffff  }
0x2d3: {  	v44 =	vadd.s32 $0xB130, v3;
	[tilespmem:$0x175F0] =	vst v10;
	v8 =	vld.idx.msk [tilespmem:v41+s3+$0x0], $0xffff  }
0x2d4: {  	v45 =	vadd.s32 $0xB130, v2;
	v10 =	vld.idx.msk [tilespmem:v42+s3+$0x0], $0xffff  }
0x2d5: {  	v46 =	vadd.s32 $0xB130, v1  }
0x2d6: {  	[tilespmem:$0x17640] =	vst v4  }
0x2d7: {  	v4 =	vld.idx.msk [tilespmem:v43+s3+$0x0], $0xffff;
	[tilespmem:$0x17650] =	vst v6  }
0x2d8: {  	v47 =	vadd.s32 $0xB520, v0;
	[tilespmem:$0x17660] =	vst v8;
	v6 =	vld.idx.msk [tilespmem:v44+s3+$0x0], $0xffff  }
0x2d9: {  	v48 =	vadd.s32 $0xB520, v3;
	[tilespmem:$0x17670] =	vst v10;
	v8 =	vld.idx.msk [tilespmem:v45+s3+$0x0], $0xffff  }
0x2da: {  	v49 =	vadd.s32 $0xB520, v2;
	v10 =	vld.idx.msk [tilespmem:v46+s3+$0x0], $0xffff  }
0x2db: {  	v50 =	vadd.s32 $0xB520, v1  }
0x2dc: {  	[tilespmem:$0x176C0] =	vst v4  }
0x2dd: {  	v4 =	vld.idx.msk [tilespmem:v47+s3+$0x0], $0xffff;
	[tilespmem:$0x176D0] =	vst v6  }
0x2de: {  	v51 =	vadd.s32 $0xB910, v0;
	[tilespmem:$0x176E0] =	vst v8;
	v6 =	vld.idx.msk [tilespmem:v48+s3+$0x0], $0xffff  }
0x2df: {  	v52 =	vadd.s32 $0xB910, v3;
	[tilespmem:$0x176F0] =	vst v10;
	v8 =	vld.idx.msk [tilespmem:v49+s3+$0x0], $0xffff  }
0x2e0: {  	v53 =	vadd.s32 $0xB910, v2;
	v10 =	vld.idx.msk [tilespmem:v50+s3+$0x0], $0xffff  }
0x2e1: {  	v54 =	vadd.s32 $0xB910, v1  }
0x2e2: {  	[tilespmem:$0x17740] =	vst v4  }
0x2e3: {  	v4 =	vld.idx.msk [tilespmem:v51+s3+$0x0], $0xffff;
	[tilespmem:$0x17750] =	vst v6  }
0x2e4: {  	v55 =	vadd.s32 $0xBD00, v0;
	[tilespmem:$0x17760] =	vst v8;
	v6 =	vld.idx.msk [tilespmem:v52+s3+$0x0], $0xffff  }
0x2e5: {  	v56 =	vadd.s32 $0xBD00, v3;
	[tilespmem:$0x17770] =	vst v10;
	v8 =	vld.idx.msk [tilespmem:v53+s3+$0x0], $0xffff  }
0x2e6: {  	v57 =	vadd.s32 $0xBD00, v2;
	v10 =	vld.idx.msk [tilespmem:v54+s3+$0x0], $0xffff  }
0x2e7: {  	v58 =	vadd.s32 $0xBD00, v1  }
0x2e8: {  	[tilespmem:$0x177C0] =	vst v4  }
0x2e9: {  	v4 =	vld.idx.msk [tilespmem:v55+s3+$0x0], $0xffff;
	[tilespmem:$0x177D0] =	vst v6  }
0x2ea: {  	v59 =	vadd.s32 $0xC0F0, v0;
	[tilespmem:$0x177E0] =	vst v8;
	v6 =	vld.idx.msk [tilespmem:v56+s3+$0x0], $0xffff  }
0x2eb: {  	v60 =	vadd.s32 $0xC0F0, v3;
	[tilespmem:$0x177F0] =	vst v10;
	v8 =	vld.idx.msk [tilespmem:v57+s3+$0x0], $0xffff  }
0x2ec: {  	v61 =	vadd.s32 $0xC0F0, v2;
	v10 =	vld.idx.msk [tilespmem:v58+s3+$0x0], $0xffff  }
0x2ed: {  	v62 =	vadd.s32 $0xC0F0, v1  }
0x2ee: {  	[tilespmem:$0x17840] =	vst v4  }
0x2ef: {  	v4 =	vld.idx.msk [tilespmem:v59+s3+$0x0], $0xffff;
	[tilespmem:$0x17850] =	vst v6  }
0x2f0: {  	v63 =	vadd.s32 $0xC4E0, v0;
	[tilespmem:$0x17860] =	vst v8;
	v6 =	vld.idx.msk [tilespmem:v60+s3+$0x0], $0xffff  }
0x2f1: {  	v12 =	vadd.s32 $0xC4E0, v3;
	[tilespmem:$0x17870] =	vst v10;
	v8 =	vld.idx.msk [tilespmem:v61+s3+$0x0], $0xffff  }
0x2f2: {  	v13 =	vadd.s32 $0xC4E0, v2;
	v10 =	vld.idx.msk [tilespmem:v62+s3+$0x0], $0xffff  }
0x2f3: {  	v14 =	vadd.s32 $0xC4E0, v1  }
0x2f4: {  	[tilespmem:$0x178C0] =	vst v4  }
0x2f5: {  	v4 =	vld.idx.msk [tilespmem:v63+s3+$0x0], $0xffff;
	[tilespmem:$0x178D0] =	vst v6  }
0x2f6: {  	v15 =	vadd.s32 $0xC8D0, v0;
	[tilespmem:$0x178E0] =	vst v8;
	v6 =	vld.idx.msk [tilespmem:v12+s3+$0x0], $0xffff  }
0x2f7: {  	v16 =	vadd.s32 $0xC8D0, v3;
	[tilespmem:$0x178F0] =	vst v10;
	v8 =	vld.idx.msk [tilespmem:v13+s3+$0x0], $0xffff  }
0x2f8: {  	v17 =	vadd.s32 $0xC8D0, v2;
	v10 =	vld.idx.msk [tilespmem:v14+s3+$0x0], $0xffff  }
0x2f9: {  	v18 =	vadd.s32 $0xC8D0, v1  }
0x2fa: {  	[tilespmem:$0x17940] =	vst v4  }
0x2fb: {  	v4 =	vld.idx.msk [tilespmem:v15+s3+$0x0], $0xffff;
	[tilespmem:$0x17950] =	vst v6  }
0x2fc: {  	v19 =	vadd.s32 $0xCCC0, v0;
	[tilespmem:$0x17960] =	vst v8;
	v6 =	vld.idx.msk [tilespmem:v16+s3+$0x0], $0xffff  }
0x2fd: {  	v20 =	vadd.s32 $0xCCC0, v3;
	[tilespmem:$0x17970] =	vst v10;
	v8 =	vld.idx.msk [tilespmem:v17+s3+$0x0], $0xffff  }
0x2fe: {  	v21 =	vadd.s32 $0xCCC0, v2;
	v10 =	vld.idx.msk [tilespmem:v18+s3+$0x0], $0xffff  }
0x2ff: {  	v22 =	vadd.s32 $0xCCC0, v1  }
0x300: {  	[tilespmem:$0x179C0] =	vst v4  }
0x301: {  	v4 =	vld.idx.msk [tilespmem:v19+s3+$0x0], $0xffff;
	[tilespmem:$0x179D0] =	vst v6  }
0x302: {  	v23 =	vadd.s32 $0xD0B0, v0;
	[tilespmem:$0x179E0] =	vst v8;
	v6 =	vld.idx.msk [tilespmem:v20+s3+$0x0], $0xffff  }
0x303: {  	v24 =	vadd.s32 $0xD0B0, v3;
	[tilespmem:$0x179F0] =	vst v10;
	v8 =	vld.idx.msk [tilespmem:v21+s3+$0x0], $0xffff  }
0x304: {  	v25 =	vadd.s32 $0xD0B0, v2;
	v10 =	vld.idx.msk [tilespmem:v22+s3+$0x0], $0xffff  }
0x305: {  	v26 =	vadd.s32 $0xD0B0, v1  }
0x306: {  	[tilespmem:$0x17A40] =	vst v4  }
0x307: {  	v4 =	vld.idx.msk [tilespmem:v23+s3+$0x0], $0xffff;
	[tilespmem:$0x17A50] =	vst v6  }
0x308: {  	v27 =	vadd.s32 $0xD4A0, v0;
	[tilespmem:$0x17A60] =	vst v8;
	v6 =	vld.idx.msk [tilespmem:v24+s3+$0x0], $0xffff  }
0x309: {  	v28 =	vadd.s32 $0xD4A0, v3;
	[tilespmem:$0x17A70] =	vst v10;
	v8 =	vld.idx.msk [tilespmem:v25+s3+$0x0], $0xffff  }
0x30a: {  	v29 =	vadd.s32 $0xD4A0, v2;
	v10 =	vld.idx.msk [tilespmem:v26+s3+$0x0], $0xffff  }
0x30b: {  	v30 =	vadd.s32 $0xD4A0, v1  }
0x30c: {  	[tilespmem:$0x17AC0] =	vst v4  }
0x30d: {  	v4 =	vld.idx.msk [tilespmem:v27+s3+$0x0], $0xffff;
	[tilespmem:$0x17AD0] =	vst v6  }
0x30e: {  	v31 =	vadd.s32 $0xD890, v0;
	[tilespmem:$0x17AE0] =	vst v8;
	v6 =	vld.idx.msk [tilespmem:v28+s3+$0x0], $0xffff  }
0x30f: {  	v32 =	vadd.s32 $0xD890, v3;
	[tilespmem:$0x17AF0] =	vst v10;
	v8 =	vld.idx.msk [tilespmem:v29+s3+$0x0], $0xffff  }
0x310: {  	v33 =	vadd.s32 $0xD890, v2;
	v10 =	vld.idx.msk [tilespmem:v30+s3+$0x0], $0xffff  }
0x311: {  	v34 =	vadd.s32 $0xD890, v1  }
0x312: {  	[tilespmem:$0x17B40] =	vst v4  }
0x313: {  	v4 =	vld.idx.msk [tilespmem:v31+s3+$0x0], $0xffff;
	[tilespmem:$0x17B50] =	vst v6  }
0x314: {  	v35 =	vadd.s32 $0xDC80, v0;
	[tilespmem:$0x17B60] =	vst v8;
	v6 =	vld.idx.msk [tilespmem:v32+s3+$0x0], $0xffff  }
0x315: {  	v36 =	vadd.s32 $0xDC80, v3;
	[tilespmem:$0x17B70] =	vst v10;
	v8 =	vld.idx.msk [tilespmem:v33+s3+$0x0], $0xffff  }
0x316: {  	v37 =	vadd.s32 $0xDC80, v2;
	v10 =	vld.idx.msk [tilespmem:v34+s3+$0x0], $0xffff  }
0x317: {  	v38 =	vadd.s32 $0xDC80, v1  }
0x318: {  	[tilespmem:$0x17BC0] =	vst v4  }
0x319: {  	v4 =	vld.idx.msk [tilespmem:v35+s3+$0x0], $0xffff;
	[tilespmem:$0x17BD0] =	vst v6  }
0x31a: {  	v39 =	vadd.s32 $0xE070, v0;
	[tilespmem:$0x17BE0] =	vst v8;
	v6 =	vld.idx.msk [tilespmem:v36+s3+$0x0], $0xffff  }
0x31b: {  	v40 =	vadd.s32 $0xE070, v3;
	[tilespmem:$0x17BF0] =	vst v10;
	v8 =	vld.idx.msk [tilespmem:v37+s3+$0x0], $0xffff  }
0x31c: {  	v41 =	vadd.s32 $0xE070, v2;
	v10 =	vld.idx.msk [tilespmem:v38+s3+$0x0], $0xffff  }
0x31d: {  	v42 =	vadd.s32 $0xE070, v1  }
0x31e: {  	[tilespmem:$0x17C40] =	vst v4  }
0x31f: {  	v4 =	vld.idx.msk [tilespmem:v39+s3+$0x0], $0xffff;
	[tilespmem:$0x17C50] =	vst v6  }
0x320: {  	v43 =	vadd.s32 $0xE460, v0;
	[tilespmem:$0x17C60] =	vst v8;
	v6 =	vld.idx.msk [tilespmem:v40+s3+$0x0], $0xffff  }
0x321: {  	v44 =	vadd.s32 $0xE460, v3;
	[tilespmem:$0x17C70] =	vst v10;
	v8 =	vld.idx.msk [tilespmem:v41+s3+$0x0], $0xffff  }
0x322: {  	v45 =	vadd.s32 $0xE460, v2;
	v10 =	vld.idx.msk [tilespmem:v42+s3+$0x0], $0xffff  }
0x323: {  	v46 =	vadd.s32 $0xE460, v1  }
0x324: {  	[tilespmem:$0x17CC0] =	vst v4  }
0x325: {  	v4 =	vld.idx.msk [tilespmem:v43+s3+$0x0], $0xffff;
	[tilespmem:$0x17CD0] =	vst v6  }
0x326: {  	v47 =	vadd.s32 $0xE850, v0;
	[tilespmem:$0x17CE0] =	vst v8;
	v6 =	vld.idx.msk [tilespmem:v44+s3+$0x0], $0xffff  }
0x327: {  	v48 =	vadd.s32 $0xE850, v3;
	[tilespmem:$0x17CF0] =	vst v10;
	v8 =	vld.idx.msk [tilespmem:v45+s3+$0x0], $0xffff  }
0x328: {  	v49 =	vadd.s32 $0xE850, v2;
	v10 =	vld.idx.msk [tilespmem:v46+s3+$0x0], $0xffff  }
0x329: {  	v50 =	vadd.s32 $0xE850, v1  }
0x32a: {  	[tilespmem:$0x17D40] =	vst v4  }
0x32b: {  	v4 =	vld.idx.msk [tilespmem:v47+s3+$0x0], $0xffff;
	[tilespmem:$0x17D50] =	vst v6  }
0x32c: {  	v51 =	vadd.s32 $0xEC40, v0;
	[tilespmem:$0x17D60] =	vst v8;
	v6 =	vld.idx.msk [tilespmem:v48+s3+$0x0], $0xffff  }
0x32d: {  	v52 =	vadd.s32 $0xEC40, v3;
	[tilespmem:$0x17D70] =	vst v10;
	v8 =	vld.idx.msk [tilespmem:v49+s3+$0x0], $0xffff  }
0x32e: {  	v53 =	vadd.s32 $0xEC40, v2;
	v10 =	vld.idx.msk [tilespmem:v50+s3+$0x0], $0xffff  }
0x32f: {  	v54 =	vadd.s32 $0xEC40, v1  }
0x330: {  	[tilespmem:$0x17DC0] =	vst v4  }
0x331: {  	v4 =	vld.idx.msk [tilespmem:v51+s3+$0x0], $0xffff;
	[tilespmem:$0x17DD0] =	vst v6  }
0x332: {  	v55 =	vadd.s32 $0xF030, v0;
	[tilespmem:$0x17DE0] =	vst v8;
	v6 =	vld.idx.msk [tilespmem:v52+s3+$0x0], $0xffff  }
0x333: {  	v56 =	vadd.s32 $0xF030, v3;
	[tilespmem:$0x17DF0] =	vst v10;
	v8 =	vld.idx.msk [tilespmem:v53+s3+$0x0], $0xffff  }
0x334: {  	v57 =	vadd.s32 $0xF030, v2;
	v10 =	vld.idx.msk [tilespmem:v54+s3+$0x0], $0xffff  }
0x335: {  	v58 =	vadd.s32 $0xF030, v1  }
0x336: {  	[tilespmem:$0x17E40] =	vst v4  }
0x337: {  	v4 =	vld.idx.msk [tilespmem:v55+s3+$0x0], $0xffff;
	[tilespmem:$0x17E50] =	vst v6  }
0x338: {  	v59 =	vadd.s32 $0xF420, v0;
	[tilespmem:$0x17E60] =	vst v8;
	v6 =	vld.idx.msk [tilespmem:v56+s3+$0x0], $0xffff  }
0x339: {  	v60 =	vadd.s32 $0xF420, v3;
	[tilespmem:$0x17E70] =	vst v10;
	v8 =	vld.idx.msk [tilespmem:v57+s3+$0x0], $0xffff  }
0x33a: {  	v61 =	vadd.s32 $0xF420, v2;
	v10 =	vld.idx.msk [tilespmem:v58+s3+$0x0], $0xffff  }
0x33b: {  	v62 =	vadd.s32 $0xF420, v1  }
0x33c: {  	[tilespmem:$0x17EC0] =	vst v4  }
0x33d: {  	v4 =	vld.idx.msk [tilespmem:v59+s3+$0x0], $0xffff;
	[tilespmem:$0x17ED0] =	vst v6  }
0x33e: {  	v0 =	vadd.s32 $0xF810, v0;
	[tilespmem:$0x17EE0] =	vst v8;
	v63 =	vld.idx.msk [tilespmem:v60+s3+$0x0], $0xffff  }
0x33f: {  	v3 =	vadd.s32 $0xF810, v3;
	[tilespmem:$0x17EF0] =	vst v10;
	v9 =	vld.idx.msk [tilespmem:v61+s3+$0x0], $0xffff  }
0x340: {  	v2 =	vadd.s32 $0xF810, v2;
	v12 =	vld.idx.msk [tilespmem:v62+s3+$0x0], $0xffff  }
0x341: {  	v1 =	vadd.s32 $0xF810, v1  }
0x342: {  	[tilespmem:$0x17F40] =	vst v4  }
0x343: {  	v0 =	vld.idx.msk [tilespmem:v0+s3+$0x0], $0xffff;
	[tilespmem:$0x17F50] =	vst v63  }
0x344: {  	[tilespmem:$0x17F60] =	vst v9;
	v3 =	vld.idx.msk [tilespmem:v3+s3+$0x0], $0xffff  }
0x345: {  	[tilespmem:$0x17F70] =	vst v12;
	v2 =	vld.idx.msk [tilespmem:v2+s3+$0x0], $0xffff  }
0x346: {  	v1 =	vld.idx.msk [tilespmem:v1+s3+$0x0], $0xffff;
	_ =	sdelay $0x1  }
0x347: {  	[tilespmem:$0x17FC0] =	vst v0  }
0x348: {  	[tilespmem:$0x17FD0] =	vst v3  }
0x349: {  	[tilespmem:$0x17FE0] =	vst v2  }
0x34a: {  	s19 =	sadd.s32 s18, s6;
	[tilespmem:$0x17FF0] =	vst v1  }
0x34b: {  	[hbm4b:s19+s9] =	stream.strided.scatter [tilespmem:s12], [sflag:$0x1], $0x2000, s10, s9, $0x38;
	[tilespmem:$0x1A000] =	vst v63  }
0x34c: {  	v1 =	vld [tilespmem:s17+$0x0];
	_ =	sdelay $0x7  }
0x34d: {  	v0 =	vld.idx.msk [tilespmem:v1+s3+$0x0], $0xffff  }
0x34e: {  	v13 =	vadd.s32 $0x3F0, v1;
	_ =	sdelay $0x3  }
0x34f: {  	[tilespmem:$0x18000] =	vst v0  }
0x350: {  	v0 =	vld.idx.msk [tilespmem:v13+s3+$0x0], $0xffff  }
0x351: {  	v14 =	vadd.s32 $0x7E0, v1;
	_ =	sdelay $0x3  }
0x352: {  	[tilespmem:$0x18080] =	vst v0  }
0x353: {  	v0 =	vld.idx.msk [tilespmem:v14+s3+$0x0], $0xffff  }
0x354: {  	v15 =	vadd.s32 $0xBD0, v1;
	_ =	sdelay $0x3  }
0x355: {  	[tilespmem:$0x18100] =	vst v0  }
0x356: {  	v0 =	vld.idx.msk [tilespmem:v15+s3+$0x0], $0xffff  }
0x357: {  	v16 =	vadd.s32 $0xFC0, v1;
	_ =	sdelay $0x3  }
0x358: {  	[tilespmem:$0x18180] =	vst v0  }
0x359: {  	v0 =	vld.idx.msk [tilespmem:v16+s3+$0x0], $0xffff  }
0x35a: {  	v17 =	vadd.s32 $0x13B0, v1;
	_ =	sdelay $0x3  }
0x35b: {  	[tilespmem:$0x18200] =	vst v0  }
0x35c: {  	v0 =	vld.idx.msk [tilespmem:v17+s3+$0x0], $0xffff  }
0x35d: {  	v18 =	vadd.s32 $0x17A0, v1;
	_ =	sdelay $0x3  }
0x35e: {  	[tilespmem:$0x18280] =	vst v0  }
0x35f: {  	v0 =	vld.idx.msk [tilespmem:v18+s3+$0x0], $0xffff  }
0x360: {  	v19 =	vadd.s32 $0x1B90, v1;
	_ =	sdelay $0x3  }
0x361: {  	[tilespmem:$0x18300] =	vst v0  }
0x362: {  	v0 =	vld.idx.msk [tilespmem:v19+s3+$0x0], $0xffff  }
0x363: {  	v20 =	vadd.s32 $0x1F80, v1;
	_ =	sdelay $0x3  }
0x364: {  	[tilespmem:$0x18380] =	vst v0  }
0x365: {  	v0 =	vld.idx.msk [tilespmem:v20+s3+$0x0], $0xffff  }
0x366: {  	v21 =	vadd.s32 $0x2370, v1;
	_ =	sdelay $0x3  }
0x367: {  	[tilespmem:$0x18400] =	vst v0  }
0x368: {  	v0 =	vld.idx.msk [tilespmem:v21+s3+$0x0], $0xffff  }
0x369: {  	v22 =	vadd.s32 $0x2760, v1;
	_ =	sdelay $0x3  }
0x36a: {  	[tilespmem:$0x18480] =	vst v0  }
0x36b: {  	v0 =	vld.idx.msk [tilespmem:v22+s3+$0x0], $0xffff  }
0x36c: {  	v23 =	vadd.s32 $0x2B50, v1;
	_ =	sdelay $0x3  }
0x36d: {  	[tilespmem:$0x18500] =	vst v0  }
0x36e: {  	v0 =	vld.idx.msk [tilespmem:v23+s3+$0x0], $0xffff  }
0x36f: {  	v24 =	vadd.s32 $0x2F40, v1;
	_ =	sdelay $0x3  }
0x370: {  	[tilespmem:$0x18580] =	vst v0  }
0x371: {  	v0 =	vld.idx.msk [tilespmem:v24+s3+$0x0], $0xffff  }
0x372: {  	v25 =	vadd.s32 $0x3330, v1;
	_ =	sdelay $0x3  }
0x373: {  	[tilespmem:$0x18600] =	vst v0  }
0x374: {  	v0 =	vld.idx.msk [tilespmem:v25+s3+$0x0], $0xffff  }
0x375: {  	v26 =	vadd.s32 $0x3720, v1;
	_ =	sdelay $0x3  }
0x376: {  	[tilespmem:$0x18680] =	vst v0  }
0x377: {  	v0 =	vld.idx.msk [tilespmem:v26+s3+$0x0], $0xffff  }
0x378: {  	v27 =	vadd.s32 $0x3B10, v1;
	_ =	sdelay $0x3  }
0x379: {  	[tilespmem:$0x18700] =	vst v0  }
0x37a: {  	v0 =	vld.idx.msk [tilespmem:v27+s3+$0x0], $0xffff  }
0x37b: {  	v28 =	vadd.s32 $0x3F00, v1;
	_ =	sdelay $0x3  }
0x37c: {  	[tilespmem:$0x18780] =	vst v0  }
0x37d: {  	v0 =	vld.idx.msk [tilespmem:v28+s3+$0x0], $0xffff  }
0x37e: {  	v29 =	vadd.s32 $0x42F0, v1;
	_ =	sdelay $0x3  }
0x37f: {  	[tilespmem:$0x18800] =	vst v0  }
0x380: {  	v0 =	vld.idx.msk [tilespmem:v29+s3+$0x0], $0xffff  }
0x381: {  	v30 =	vadd.s32 $0x46E0, v1;
	_ =	sdelay $0x3  }
0x382: {  	[tilespmem:$0x18880] =	vst v0  }
0x383: {  	v0 =	vld.idx.msk [tilespmem:v30+s3+$0x0], $0xffff  }
0x384: {  	v4 =	vld [tilespmem:s17+$0x10]  }
0x385: {  	v2 =	vld [tilespmem:s17+$0x30]  }
0x386: {  	v3 =	vld [tilespmem:s17+$0x20];
	_ =	sdelay $0x5  }
0x387: {  	v31 =	vld.idx.msk [tilespmem:v4+s3+$0x0], $0xffff  }
0x388: {  	v32 =	vadd.s32 $0x3F0, v4;
	v35 =	vld.idx.msk [tilespmem:v2+s3+$0x0], $0xffff  }
0x389: {  	v36 =	vadd.s32 $0x3F0, v2;
	v33 =	vld.idx.msk [tilespmem:v3+s3+$0x0], $0xffff  }
0x38a: {  	v34 =	vadd.s32 $0x3F0, v3;
	_ =	sdelay $0x1  }
0x38b: {  	[tilespmem:$0x18010] =	vst v31  }
0x38c: {  	[tilespmem:$0x18030] =	vst v35;
	v5 =	vld.idx.msk [tilespmem:v32+s3+$0x0], $0xffff  }
0x38d: {  	v37 =	vadd.s32 $0x7E0, v4;
	[tilespmem:$0x18020] =	vst v33;
	v9 =	vld.idx.msk [tilespmem:v36+s3+$0x0], $0xffff  }
0x38e: {  	v39 =	vadd.s32 $0x7E0, v2;
	v7 =	vld.idx.msk [tilespmem:v34+s3+$0x0], $0xffff  }
0x38f: {  	v38 =	vadd.s32 $0x7E0, v3;
	_ =	sdelay $0x1  }
0x390: {  	[tilespmem:$0x18090] =	vst v5  }
0x391: {  	[tilespmem:$0x180B0] =	vst v9;
	v5 =	vld.idx.msk [tilespmem:v37+s3+$0x0], $0xffff  }
0x392: {  	v40 =	vadd.s32 $0xBD0, v4;
	[tilespmem:$0x180A0] =	vst v7;
	v9 =	vld.idx.msk [tilespmem:v39+s3+$0x0], $0xffff  }
0x393: {  	v42 =	vadd.s32 $0xBD0, v2;
	v7 =	vld.idx.msk [tilespmem:v38+s3+$0x0], $0xffff  }
0x394: {  	v41 =	vadd.s32 $0xBD0, v3;
	_ =	sdelay $0x1  }
0x395: {  	[tilespmem:$0x18110] =	vst v5  }
0x396: {  	[tilespmem:$0x18130] =	vst v9;
	v5 =	vld.idx.msk [tilespmem:v40+s3+$0x0], $0xffff  }
0x397: {  	v43 =	vadd.s32 $0xFC0, v4;
	[tilespmem:$0x18120] =	vst v7;
	v9 =	vld.idx.msk [tilespmem:v42+s3+$0x0], $0xffff  }
0x398: {  	v45 =	vadd.s32 $0xFC0, v2;
	v7 =	vld.idx.msk [tilespmem:v41+s3+$0x0], $0xffff  }
0x399: {  	v44 =	vadd.s32 $0xFC0, v3;
	_ =	sdelay $0x1  }
0x39a: {  	[tilespmem:$0x18190] =	vst v5  }
0x39b: {  	[tilespmem:$0x181B0] =	vst v9;
	v5 =	vld.idx.msk [tilespmem:v43+s3+$0x0], $0xffff  }
0x39c: {  	v46 =	vadd.s32 $0x13B0, v4;
	[tilespmem:$0x181A0] =	vst v7;
	v9 =	vld.idx.msk [tilespmem:v45+s3+$0x0], $0xffff  }
0x39d: {  	v48 =	vadd.s32 $0x13B0, v2;
	v7 =	vld.idx.msk [tilespmem:v44+s3+$0x0], $0xffff  }
0x39e: {  	v47 =	vadd.s32 $0x13B0, v3;
	_ =	sdelay $0x1  }
0x39f: {  	[tilespmem:$0x18210] =	vst v5  }
0x3a0: {  	[tilespmem:$0x18230] =	vst v9;
	v5 =	vld.idx.msk [tilespmem:v46+s3+$0x0], $0xffff  }
0x3a1: {  	v49 =	vadd.s32 $0x17A0, v4;
	[tilespmem:$0x18220] =	vst v7;
	v9 =	vld.idx.msk [tilespmem:v48+s3+$0x0], $0xffff  }
0x3a2: {  	v51 =	vadd.s32 $0x17A0, v2;
	v7 =	vld.idx.msk [tilespmem:v47+s3+$0x0], $0xffff  }
0x3a3: {  	v50 =	vadd.s32 $0x17A0, v3;
	_ =	sdelay $0x1  }
0x3a4: {  	[tilespmem:$0x18290] =	vst v5  }
0x3a5: {  	[tilespmem:$0x182B0] =	vst v9;
	v5 =	vld.idx.msk [tilespmem:v49+s3+$0x0], $0xffff  }
0x3a6: {  	v52 =	vadd.s32 $0x1B90, v4;
	[tilespmem:$0x182A0] =	vst v7;
	v9 =	vld.idx.msk [tilespmem:v51+s3+$0x0], $0xffff  }
0x3a7: {  	v54 =	vadd.s32 $0x1B90, v2;
	v7 =	vld.idx.msk [tilespmem:v50+s3+$0x0], $0xffff  }
0x3a8: {  	v53 =	vadd.s32 $0x1B90, v3;
	_ =	sdelay $0x1  }
0x3a9: {  	[tilespmem:$0x18310] =	vst v5  }
0x3aa: {  	[tilespmem:$0x18330] =	vst v9;
	v5 =	vld.idx.msk [tilespmem:v52+s3+$0x0], $0xffff  }
0x3ab: {  	v55 =	vadd.s32 $0x1F80, v4;
	[tilespmem:$0x18320] =	vst v7;
	v9 =	vld.idx.msk [tilespmem:v54+s3+$0x0], $0xffff  }
0x3ac: {  	v57 =	vadd.s32 $0x1F80, v2;
	v7 =	vld.idx.msk [tilespmem:v53+s3+$0x0], $0xffff  }
0x3ad: {  	v56 =	vadd.s32 $0x1F80, v3;
	_ =	sdelay $0x1  }
0x3ae: {  	[tilespmem:$0x18390] =	vst v5  }
0x3af: {  	[tilespmem:$0x183B0] =	vst v9;
	v5 =	vld.idx.msk [tilespmem:v55+s3+$0x0], $0xffff  }
0x3b0: {  	v58 =	vadd.s32 $0x2370, v4;
	[tilespmem:$0x183A0] =	vst v7;
	v9 =	vld.idx.msk [tilespmem:v57+s3+$0x0], $0xffff  }
0x3b1: {  	v60 =	vadd.s32 $0x2370, v2;
	v7 =	vld.idx.msk [tilespmem:v56+s3+$0x0], $0xffff  }
0x3b2: {  	v59 =	vadd.s32 $0x2370, v3;
	_ =	sdelay $0x1  }
0x3b3: {  	[tilespmem:$0x18410] =	vst v5  }
0x3b4: {  	[tilespmem:$0x18430] =	vst v9;
	v5 =	vld.idx.msk [tilespmem:v58+s3+$0x0], $0xffff  }
0x3b5: {  	v61 =	vadd.s32 $0x2760, v4;
	[tilespmem:$0x18420] =	vst v7;
	v9 =	vld.idx.msk [tilespmem:v60+s3+$0x0], $0xffff  }
0x3b6: {  	v63 =	vadd.s32 $0x2760, v2;
	v7 =	vld.idx.msk [tilespmem:v59+s3+$0x0], $0xffff  }
0x3b7: {  	v62 =	vadd.s32 $0x2760, v3;
	_ =	sdelay $0x1  }
0x3b8: {  	[tilespmem:$0x18490] =	vst v5  }
0x3b9: {  	[tilespmem:$0x184B0] =	vst v9;
	v5 =	vld.idx.msk [tilespmem:v61+s3+$0x0], $0xffff  }
0x3ba: {  	v12 =	vadd.s32 $0x2B50, v4;
	[tilespmem:$0x184A0] =	vst v7;
	v9 =	vld.idx.msk [tilespmem:v63+s3+$0x0], $0xffff  }
0x3bb: {  	v14 =	vadd.s32 $0x2B50, v2;
	v7 =	vld.idx.msk [tilespmem:v62+s3+$0x0], $0xffff  }
0x3bc: {  	v13 =	vadd.s32 $0x2B50, v3;
	_ =	sdelay $0x1  }
0x3bd: {  	[tilespmem:$0x18510] =	vst v5  }
0x3be: {  	[tilespmem:$0x18530] =	vst v9;
	v5 =	vld.idx.msk [tilespmem:v12+s3+$0x0], $0xffff  }
0x3bf: {  	v15 =	vadd.s32 $0x2F40, v4;
	[tilespmem:$0x18520] =	vst v7;
	v9 =	vld.idx.msk [tilespmem:v14+s3+$0x0], $0xffff  }
0x3c0: {  	v17 =	vadd.s32 $0x2F40, v2;
	v7 =	vld.idx.msk [tilespmem:v13+s3+$0x0], $0xffff  }
0x3c1: {  	v16 =	vadd.s32 $0x2F40, v3;
	_ =	sdelay $0x1  }
0x3c2: {  	[tilespmem:$0x18590] =	vst v5  }
0x3c3: {  	[tilespmem:$0x185B0] =	vst v9;
	v5 =	vld.idx.msk [tilespmem:v15+s3+$0x0], $0xffff  }
0x3c4: {  	v18 =	vadd.s32 $0x3330, v4;
	[tilespmem:$0x185A0] =	vst v7;
	v9 =	vld.idx.msk [tilespmem:v17+s3+$0x0], $0xffff  }
0x3c5: {  	v20 =	vadd.s32 $0x3330, v2;
	v7 =	vld.idx.msk [tilespmem:v16+s3+$0x0], $0xffff  }
0x3c6: {  	v19 =	vadd.s32 $0x3330, v3;
	_ =	sdelay $0x1  }
0x3c7: {  	[tilespmem:$0x18610] =	vst v5  }
0x3c8: {  	[tilespmem:$0x18630] =	vst v9;
	v5 =	vld.idx.msk [tilespmem:v18+s3+$0x0], $0xffff  }
0x3c9: {  	v21 =	vadd.s32 $0x3720, v4;
	[tilespmem:$0x18620] =	vst v7;
	v9 =	vld.idx.msk [tilespmem:v20+s3+$0x0], $0xffff  }
0x3ca: {  	v23 =	vadd.s32 $0x3720, v2;
	v7 =	vld.idx.msk [tilespmem:v19+s3+$0x0], $0xffff  }
0x3cb: {  	v22 =	vadd.s32 $0x3720, v3;
	_ =	sdelay $0x1  }
0x3cc: {  	[tilespmem:$0x18690] =	vst v5  }
0x3cd: {  	[tilespmem:$0x186B0] =	vst v9;
	v5 =	vld.idx.msk [tilespmem:v21+s3+$0x0], $0xffff  }
0x3ce: {  	v24 =	vadd.s32 $0x3B10, v4;
	[tilespmem:$0x186A0] =	vst v7;
	v9 =	vld.idx.msk [tilespmem:v23+s3+$0x0], $0xffff  }
0x3cf: {  	v26 =	vadd.s32 $0x3B10, v2;
	v7 =	vld.idx.msk [tilespmem:v22+s3+$0x0], $0xffff  }
0x3d0: {  	v25 =	vadd.s32 $0x3B10, v3;
	_ =	sdelay $0x1  }
0x3d1: {  	[tilespmem:$0x18710] =	vst v5  }
0x3d2: {  	[tilespmem:$0x18730] =	vst v9;
	v5 =	vld.idx.msk [tilespmem:v24+s3+$0x0], $0xffff  }
0x3d3: {  	v27 =	vadd.s32 $0x3F00, v4;
	[tilespmem:$0x18720] =	vst v7;
	v9 =	vld.idx.msk [tilespmem:v26+s3+$0x0], $0xffff  }
0x3d4: {  	v29 =	vadd.s32 $0x3F00, v2;
	v7 =	vld.idx.msk [tilespmem:v25+s3+$0x0], $0xffff  }
0x3d5: {  	v28 =	vadd.s32 $0x3F00, v3;
	_ =	sdelay $0x1  }
0x3d6: {  	[tilespmem:$0x18790] =	vst v5  }
0x3d7: {  	[tilespmem:$0x187B0] =	vst v9;
	v5 =	vld.idx.msk [tilespmem:v27+s3+$0x0], $0xffff  }
0x3d8: {  	v30 =	vadd.s32 $0x42F0, v4;
	[tilespmem:$0x187A0] =	vst v7;
	v9 =	vld.idx.msk [tilespmem:v29+s3+$0x0], $0xffff  }
0x3d9: {  	v32 =	vadd.s32 $0x42F0, v2;
	v7 =	vld.idx.msk [tilespmem:v28+s3+$0x0], $0xffff  }
0x3da: {  	v31 =	vadd.s32 $0x42F0, v3;
	_ =	sdelay $0x1  }
0x3db: {  	[tilespmem:$0x18810] =	vst v5  }
0x3dc: {  	[tilespmem:$0x18830] =	vst v9;
	v5 =	vld.idx.msk [tilespmem:v30+s3+$0x0], $0xffff  }
0x3dd: {  	v33 =	vadd.s32 $0x46E0, v4;
	[tilespmem:$0x18820] =	vst v7;
	v9 =	vld.idx.msk [tilespmem:v32+s3+$0x0], $0xffff  }
0x3de: {  	v35 =	vadd.s32 $0x46E0, v2;
	v7 =	vld.idx.msk [tilespmem:v31+s3+$0x0], $0xffff  }
0x3df: {  	v34 =	vadd.s32 $0x46E0, v3;
	_ =	sdelay $0x1  }
0x3e0: {  	[tilespmem:$0x18890] =	vst v5  }
0x3e1: {  	v36 =	vadd.s32 $0x4AD0, v1;
	[tilespmem:$0x188B0] =	vst v9;
	v6 =	vld.idx.msk [tilespmem:v33+s3+$0x0], $0xffff  }
0x3e2: {  	v37 =	vadd.s32 $0x4AD0, v4;
	[tilespmem:$0x188A0] =	vst v7;
	v9 =	vld.idx.msk [tilespmem:v35+s3+$0x0], $0xffff  }
0x3e3: {  	v39 =	vadd.s32 $0x4AD0, v2;
	v8 =	vld.idx.msk [tilespmem:v34+s3+$0x0], $0xffff  }
0x3e4: {  	v38 =	vadd.s32 $0x4AD0, v3  }
0x3e5: {  	[tilespmem:$0x18900] =	vst v0  }
0x3e6: {  	v5 =	vld.idx.msk [tilespmem:v36+s3+$0x0], $0xffff;
	[tilespmem:$0x18910] =	vst v6  }
0x3e7: {  	v40 =	vadd.s32 $0x4EC0, v1;
	[tilespmem:$0x18930] =	vst v9;
	v7 =	vld.idx.msk [tilespmem:v37+s3+$0x0], $0xffff  }
0x3e8: {  	v41 =	vadd.s32 $0x4EC0, v4;
	[tilespmem:$0x18920] =	vst v8;
	v0 =	vld.idx.msk [tilespmem:v39+s3+$0x0], $0xffff  }
0x3e9: {  	v44 =	vadd.s32 $0x4EC0, v2;
	v42 =	vld.idx.msk [tilespmem:v38+s3+$0x0], $0xffff  }
0x3ea: {  	v43 =	vadd.s32 $0x4EC0, v3  }
0x3eb: {  	[tilespmem:$0x18980] =	vst v5  }
0x3ec: {  	v6 =	vld.idx.msk [tilespmem:v40+s3+$0x0], $0xffff;
	[tilespmem:$0x18990] =	vst v7  }
0x3ed: {  	v45 =	vadd.s32 $0x52B0, v1;
	[tilespmem:$0x189B0] =	vst v0;
	v8 =	vld.idx.msk [tilespmem:v41+s3+$0x0], $0xffff  }
0x3ee: {  	v46 =	vadd.s32 $0x52B0, v4;
	[tilespmem:$0x189A0] =	vst v42;
	v0 =	vld.idx.msk [tilespmem:v44+s3+$0x0], $0xffff  }
0x3ef: {  	v48 =	vadd.s32 $0x52B0, v2;
	v10 =	vld.idx.msk [tilespmem:v43+s3+$0x0], $0xffff  }
0x3f0: {  	v47 =	vadd.s32 $0x52B0, v3  }
0x3f1: {  	[tilespmem:$0x18A00] =	vst v6  }
0x3f2: {  	v6 =	vld.idx.msk [tilespmem:v45+s3+$0x0], $0xffff;
	[tilespmem:$0x18A10] =	vst v8  }
0x3f3: {  	v49 =	vadd.s32 $0x56A0, v1;
	[tilespmem:$0x18A30] =	vst v0;
	v8 =	vld.idx.msk [tilespmem:v46+s3+$0x0], $0xffff  }
0x3f4: {  	v50 =	vadd.s32 $0x56A0, v4;
	[tilespmem:$0x18A20] =	vst v10;
	v0 =	vld.idx.msk [tilespmem:v48+s3+$0x0], $0xffff  }
0x3f5: {  	v52 =	vadd.s32 $0x56A0, v2;
	v10 =	vld.idx.msk [tilespmem:v47+s3+$0x0], $0xffff  }
0x3f6: {  	v51 =	vadd.s32 $0x56A0, v3  }
0x3f7: {  	[tilespmem:$0x18A80] =	vst v6  }
0x3f8: {  	v6 =	vld.idx.msk [tilespmem:v49+s3+$0x0], $0xffff;
	[tilespmem:$0x18A90] =	vst v8  }
0x3f9: {  	v53 =	vadd.s32 $0x5A90, v1;
	[tilespmem:$0x18AB0] =	vst v0;
	v8 =	vld.idx.msk [tilespmem:v50+s3+$0x0], $0xffff  }
0x3fa: {  	v54 =	vadd.s32 $0x5A90, v4;
	[tilespmem:$0x18AA0] =	vst v10;
	v0 =	vld.idx.msk [tilespmem:v52+s3+$0x0], $0xffff  }
0x3fb: {  	v56 =	vadd.s32 $0x5A90, v2;
	v10 =	vld.idx.msk [tilespmem:v51+s3+$0x0], $0xffff  }
0x3fc: {  	v55 =	vadd.s32 $0x5A90, v3  }
0x3fd: {  	[tilespmem:$0x18B00] =	vst v6  }
0x3fe: {  	v6 =	vld.idx.msk [tilespmem:v53+s3+$0x0], $0xffff;
	[tilespmem:$0x18B10] =	vst v8  }
0x3ff: {  	v57 =	vadd.s32 $0x5E80, v1;
	[tilespmem:$0x18B30] =	vst v0;
	v8 =	vld.idx.msk [tilespmem:v54+s3+$0x0], $0xffff  }
0x400: {  	v58 =	vadd.s32 $0x5E80, v4;
	[tilespmem:$0x18B20] =	vst v10;
	v0 =	vld.idx.msk [tilespmem:v56+s3+$0x0], $0xffff  }
0x401: {  	v60 =	vadd.s32 $0x5E80, v2;
	v10 =	vld.idx.msk [tilespmem:v55+s3+$0x0], $0xffff  }
0x402: {  	v59 =	vadd.s32 $0x5E80, v3  }
0x403: {  	[tilespmem:$0x18B80] =	vst v6  }
0x404: {  	v6 =	vld.idx.msk [tilespmem:v57+s3+$0x0], $0xffff;
	[tilespmem:$0x18B90] =	vst v8  }
0x405: {  	v61 =	vadd.s32 $0x6270, v1;
	[tilespmem:$0x18BB0] =	vst v0;
	v8 =	vld.idx.msk [tilespmem:v58+s3+$0x0], $0xffff  }
0x406: {  	v62 =	vadd.s32 $0x6270, v4;
	[tilespmem:$0x18BA0] =	vst v10;
	v0 =	vld.idx.msk [tilespmem:v60+s3+$0x0], $0xffff  }
0x407: {  	v12 =	vadd.s32 $0x6270, v2;
	v10 =	vld.idx.msk [tilespmem:v59+s3+$0x0], $0xffff  }
0x408: {  	v63 =	vadd.s32 $0x6270, v3  }
0x409: {  	[tilespmem:$0x18C00] =	vst v6  }
0x40a: {  	v6 =	vld.idx.msk [tilespmem:v61+s3+$0x0], $0xffff;
	[tilespmem:$0x18C10] =	vst v8  }
0x40b: {  	v13 =	vadd.s32 $0x6660, v1;
	[tilespmem:$0x18C30] =	vst v0;
	v8 =	vld.idx.msk [tilespmem:v62+s3+$0x0], $0xffff  }
0x40c: {  	v14 =	vadd.s32 $0x6660, v4;
	[tilespmem:$0x18C20] =	vst v10;
	v0 =	vld.idx.msk [tilespmem:v12+s3+$0x0], $0xffff  }
0x40d: {  	v16 =	vadd.s32 $0x6660, v2;
	v10 =	vld.idx.msk [tilespmem:v63+s3+$0x0], $0xffff  }
0x40e: {  	v15 =	vadd.s32 $0x6660, v3  }
0x40f: {  	[tilespmem:$0x18C80] =	vst v6  }
0x410: {  	v6 =	vld.idx.msk [tilespmem:v13+s3+$0x0], $0xffff;
	[tilespmem:$0x18C90] =	vst v8  }
0x411: {  	v17 =	vadd.s32 $0x6A50, v1;
	[tilespmem:$0x18CB0] =	vst v0;
	v8 =	vld.idx.msk [tilespmem:v14+s3+$0x0], $0xffff  }
0x412: {  	v18 =	vadd.s32 $0x6A50, v4;
	[tilespmem:$0x18CA0] =	vst v10;
	v0 =	vld.idx.msk [tilespmem:v16+s3+$0x0], $0xffff  }
0x413: {  	v20 =	vadd.s32 $0x6A50, v2;
	v10 =	vld.idx.msk [tilespmem:v15+s3+$0x0], $0xffff  }
0x414: {  	v19 =	vadd.s32 $0x6A50, v3  }
0x415: {  	[tilespmem:$0x18D00] =	vst v6  }
0x416: {  	v6 =	vld.idx.msk [tilespmem:v17+s3+$0x0], $0xffff;
	[tilespmem:$0x18D10] =	vst v8  }
0x417: {  	v21 =	vadd.s32 $0x6E40, v1;
	[tilespmem:$0x18D30] =	vst v0;
	v8 =	vld.idx.msk [tilespmem:v18+s3+$0x0], $0xffff  }
0x418: {  	v22 =	vadd.s32 $0x6E40, v4;
	[tilespmem:$0x18D20] =	vst v10;
	v0 =	vld.idx.msk [tilespmem:v20+s3+$0x0], $0xffff  }
0x419: {  	v24 =	vadd.s32 $0x6E40, v2;
	v10 =	vld.idx.msk [tilespmem:v19+s3+$0x0], $0xffff  }
0x41a: {  	v23 =	vadd.s32 $0x6E40, v3  }
0x41b: {  	[tilespmem:$0x18D80] =	vst v6  }
0x41c: {  	v6 =	vld.idx.msk [tilespmem:v21+s3+$0x0], $0xffff;
	[tilespmem:$0x18D90] =	vst v8  }
0x41d: {  	v25 =	vadd.s32 $0x7230, v1;
	[tilespmem:$0x18DB0] =	vst v0;
	v8 =	vld.idx.msk [tilespmem:v22+s3+$0x0], $0xffff  }
0x41e: {  	v26 =	vadd.s32 $0x7230, v4;
	[tilespmem:$0x18DA0] =	vst v10;
	v0 =	vld.idx.msk [tilespmem:v24+s3+$0x0], $0xffff  }
0x41f: {  	v28 =	vadd.s32 $0x7230, v2;
	v10 =	vld.idx.msk [tilespmem:v23+s3+$0x0], $0xffff  }
0x420: {  	v27 =	vadd.s32 $0x7230, v3  }
0x421: {  	[tilespmem:$0x18E00] =	vst v6  }
0x422: {  	v6 =	vld.idx.msk [tilespmem:v25+s3+$0x0], $0xffff;
	[tilespmem:$0x18E10] =	vst v8  }
0x423: {  	v29 =	vadd.s32 $0x7620, v1;
	[tilespmem:$0x18E30] =	vst v0;
	v8 =	vld.idx.msk [tilespmem:v26+s3+$0x0], $0xffff  }
0x424: {  	v30 =	vadd.s32 $0x7620, v4;
	[tilespmem:$0x18E20] =	vst v10;
	v0 =	vld.idx.msk [tilespmem:v28+s3+$0x0], $0xffff  }
0x425: {  	v32 =	vadd.s32 $0x7620, v2;
	v10 =	vld.idx.msk [tilespmem:v27+s3+$0x0], $0xffff  }
0x426: {  	v31 =	vadd.s32 $0x7620, v3  }
0x427: {  	[tilespmem:$0x18E80] =	vst v6  }
0x428: {  	v6 =	vld.idx.msk [tilespmem:v29+s3+$0x0], $0xffff;
	[tilespmem:$0x18E90] =	vst v8  }
0x429: {  	v33 =	vadd.s32 $0x7A10, v1;
	[tilespmem:$0x18EB0] =	vst v0;
	v8 =	vld.idx.msk [tilespmem:v30+s3+$0x0], $0xffff  }
0x42a: {  	v34 =	vadd.s32 $0x7A10, v4;
	[tilespmem:$0x18EA0] =	vst v10;
	v0 =	vld.idx.msk [tilespmem:v32+s3+$0x0], $0xffff  }
0x42b: {  	v36 =	vadd.s32 $0x7A10, v2;
	v10 =	vld.idx.msk [tilespmem:v31+s3+$0x0], $0xffff  }
0x42c: {  	v35 =	vadd.s32 $0x7A10, v3  }
0x42d: {  	[tilespmem:$0x18F00] =	vst v6  }
0x42e: {  	v6 =	vld.idx.msk [tilespmem:v33+s3+$0x0], $0xffff;
	[tilespmem:$0x18F10] =	vst v8  }
0x42f: {  	v37 =	vadd.s32 $0x7E00, v1;
	[tilespmem:$0x18F30] =	vst v0;
	v8 =	vld.idx.msk [tilespmem:v34+s3+$0x0], $0xffff  }
0x430: {  	v38 =	vadd.s32 $0x7E00, v4;
	[tilespmem:$0x18F20] =	vst v10;
	v0 =	vld.idx.msk [tilespmem:v36+s3+$0x0], $0xffff  }
0x431: {  	v40 =	vadd.s32 $0x7E00, v2;
	v10 =	vld.idx.msk [tilespmem:v35+s3+$0x0], $0xffff  }
0x432: {  	v39 =	vadd.s32 $0x7E00, v3  }
0x433: {  	[tilespmem:$0x18F80] =	vst v6  }
0x434: {  	v6 =	vld.idx.msk [tilespmem:v37+s3+$0x0], $0xffff;
	[tilespmem:$0x18F90] =	vst v8  }
0x435: {  	v41 =	vadd.s32 $0x81F0, v1;
	[tilespmem:$0x18FB0] =	vst v0;
	v8 =	vld.idx.msk [tilespmem:v38+s3+$0x0], $0xffff  }
0x436: {  	v42 =	vadd.s32 $0x81F0, v4;
	[tilespmem:$0x18FA0] =	vst v10;
	v0 =	vld.idx.msk [tilespmem:v40+s3+$0x0], $0xffff  }
0x437: {  	v44 =	vadd.s32 $0x81F0, v2;
	v10 =	vld.idx.msk [tilespmem:v39+s3+$0x0], $0xffff  }
0x438: {  	v43 =	vadd.s32 $0x81F0, v3  }
0x439: {  	[tilespmem:$0x19000] =	vst v6  }
0x43a: {  	v6 =	vld.idx.msk [tilespmem:v41+s3+$0x0], $0xffff;
	[tilespmem:$0x19010] =	vst v8  }
0x43b: {  	v45 =	vadd.s32 $0x85E0, v1;
	[tilespmem:$0x19030] =	vst v0;
	v8 =	vld.idx.msk [tilespmem:v42+s3+$0x0], $0xffff  }
0x43c: {  	v46 =	vadd.s32 $0x85E0, v4;
	[tilespmem:$0x19020] =	vst v10;
	v0 =	vld.idx.msk [tilespmem:v44+s3+$0x0], $0xffff  }
0x43d: {  	v48 =	vadd.s32 $0x85E0, v2;
	v10 =	vld.idx.msk [tilespmem:v43+s3+$0x0], $0xffff  }
0x43e: {  	v47 =	vadd.s32 $0x85E0, v3  }
0x43f: {  	[tilespmem:$0x19080] =	vst v6  }
0x440: {  	v6 =	vld.idx.msk [tilespmem:v45+s3+$0x0], $0xffff;
	[tilespmem:$0x19090] =	vst v8  }
0x441: {  	v49 =	vadd.s32 $0x89D0, v1;
	[tilespmem:$0x190B0] =	vst v0;
	v8 =	vld.idx.msk [tilespmem:v46+s3+$0x0], $0xffff  }
0x442: {  	v50 =	vadd.s32 $0x89D0, v4;
	[tilespmem:$0x190A0] =	vst v10;
	v0 =	vld.idx.msk [tilespmem:v48+s3+$0x0], $0xffff  }
0x443: {  	v52 =	vadd.s32 $0x89D0, v2;
	v10 =	vld.idx.msk [tilespmem:v47+s3+$0x0], $0xffff  }
0x444: {  	v51 =	vadd.s32 $0x89D0, v3  }
0x445: {  	[tilespmem:$0x19100] =	vst v6  }
0x446: {  	v6 =	vld.idx.msk [tilespmem:v49+s3+$0x0], $0xffff;
	[tilespmem:$0x19110] =	vst v8  }
0x447: {  	v53 =	vadd.s32 $0x8DC0, v1;
	[tilespmem:$0x19130] =	vst v0;
	v8 =	vld.idx.msk [tilespmem:v50+s3+$0x0], $0xffff  }
0x448: {  	v54 =	vadd.s32 $0x8DC0, v4;
	[tilespmem:$0x19120] =	vst v10;
	v0 =	vld.idx.msk [tilespmem:v52+s3+$0x0], $0xffff  }
0x449: {  	v56 =	vadd.s32 $0x8DC0, v2;
	v10 =	vld.idx.msk [tilespmem:v51+s3+$0x0], $0xffff  }
0x44a: {  	v55 =	vadd.s32 $0x8DC0, v3  }
0x44b: {  	[tilespmem:$0x19180] =	vst v6  }
0x44c: {  	v6 =	vld.idx.msk [tilespmem:v53+s3+$0x0], $0xffff;
	[tilespmem:$0x19190] =	vst v8  }
0x44d: {  	v57 =	vadd.s32 $0x91B0, v1;
	[tilespmem:$0x191B0] =	vst v0;
	v8 =	vld.idx.msk [tilespmem:v54+s3+$0x0], $0xffff  }
0x44e: {  	v58 =	vadd.s32 $0x91B0, v4;
	[tilespmem:$0x191A0] =	vst v10;
	v0 =	vld.idx.msk [tilespmem:v56+s3+$0x0], $0xffff  }
0x44f: {  	v60 =	vadd.s32 $0x91B0, v2;
	v10 =	vld.idx.msk [tilespmem:v55+s3+$0x0], $0xffff  }
0x450: {  	v59 =	vadd.s32 $0x91B0, v3  }
0x451: {  	[tilespmem:$0x19200] =	vst v6  }
0x452: {  	v6 =	vld.idx.msk [tilespmem:v57+s3+$0x0], $0xffff;
	[tilespmem:$0x19210] =	vst v8  }
0x453: {  	v61 =	vadd.s32 $0x95A0, v1;
	[tilespmem:$0x19230] =	vst v0;
	v8 =	vld.idx.msk [tilespmem:v58+s3+$0x0], $0xffff  }
0x454: {  	v62 =	vadd.s32 $0x95A0, v4;
	[tilespmem:$0x19220] =	vst v10;
	v0 =	vld.idx.msk [tilespmem:v60+s3+$0x0], $0xffff  }
0x455: {  	v12 =	vadd.s32 $0x95A0, v2;
	v10 =	vld.idx.msk [tilespmem:v59+s3+$0x0], $0xffff  }
0x456: {  	v63 =	vadd.s32 $0x95A0, v3  }
0x457: {  	[tilespmem:$0x19280] =	vst v6  }
0x458: {  	v6 =	vld.idx.msk [tilespmem:v61+s3+$0x0], $0xffff;
	[tilespmem:$0x19290] =	vst v8  }
0x459: {  	v13 =	vadd.s32 $0x9990, v1;
	[tilespmem:$0x192B0] =	vst v0;
	v8 =	vld.idx.msk [tilespmem:v62+s3+$0x0], $0xffff  }
0x45a: {  	v14 =	vadd.s32 $0x9990, v4;
	[tilespmem:$0x192A0] =	vst v10;
	v0 =	vld.idx.msk [tilespmem:v12+s3+$0x0], $0xffff  }
0x45b: {  	v16 =	vadd.s32 $0x9990, v2;
	v10 =	vld.idx.msk [tilespmem:v63+s3+$0x0], $0xffff  }
0x45c: {  	v15 =	vadd.s32 $0x9990, v3  }
0x45d: {  	[tilespmem:$0x19300] =	vst v6  }
0x45e: {  	v6 =	vld.idx.msk [tilespmem:v13+s3+$0x0], $0xffff;
	[tilespmem:$0x19310] =	vst v8  }
0x45f: {  	v17 =	vadd.s32 $0x9D80, v1;
	[tilespmem:$0x19330] =	vst v0;
	v8 =	vld.idx.msk [tilespmem:v14+s3+$0x0], $0xffff  }
0x460: {  	v18 =	vadd.s32 $0x9D80, v4;
	[tilespmem:$0x19320] =	vst v10;
	v0 =	vld.idx.msk [tilespmem:v16+s3+$0x0], $0xffff  }
0x461: {  	v20 =	vadd.s32 $0x9D80, v2;
	v10 =	vld.idx.msk [tilespmem:v15+s3+$0x0], $0xffff  }
0x462: {  	v19 =	vadd.s32 $0x9D80, v3  }
0x463: {  	[tilespmem:$0x19380] =	vst v6  }
0x464: {  	v6 =	vld.idx.msk [tilespmem:v17+s3+$0x0], $0xffff;
	[tilespmem:$0x19390] =	vst v8  }
0x465: {  	v21 =	vadd.s32 $0xA170, v1;
	[tilespmem:$0x193B0] =	vst v0;
	v8 =	vld.idx.msk [tilespmem:v18+s3+$0x0], $0xffff  }
0x466: {  	v22 =	vadd.s32 $0xA170, v4;
	[tilespmem:$0x193A0] =	vst v10;
	v0 =	vld.idx.msk [tilespmem:v20+s3+$0x0], $0xffff  }
0x467: {  	v24 =	vadd.s32 $0xA170, v2;
	v10 =	vld.idx.msk [tilespmem:v19+s3+$0x0], $0xffff  }
0x468: {  	v23 =	vadd.s32 $0xA170, v3  }
0x469: {  	[tilespmem:$0x19400] =	vst v6  }
0x46a: {  	v6 =	vld.idx.msk [tilespmem:v21+s3+$0x0], $0xffff;
	[tilespmem:$0x19410] =	vst v8  }
0x46b: {  	v25 =	vadd.s32 $0xA560, v1;
	[tilespmem:$0x19430] =	vst v0;
	v8 =	vld.idx.msk [tilespmem:v22+s3+$0x0], $0xffff  }
0x46c: {  	v26 =	vadd.s32 $0xA560, v4;
	[tilespmem:$0x19420] =	vst v10;
	v0 =	vld.idx.msk [tilespmem:v24+s3+$0x0], $0xffff  }
0x46d: {  	v28 =	vadd.s32 $0xA560, v2;
	v10 =	vld.idx.msk [tilespmem:v23+s3+$0x0], $0xffff  }
0x46e: {  	v27 =	vadd.s32 $0xA560, v3  }
0x46f: {  	[tilespmem:$0x19480] =	vst v6  }
0x470: {  	v6 =	vld.idx.msk [tilespmem:v25+s3+$0x0], $0xffff;
	[tilespmem:$0x19490] =	vst v8  }
0x471: {  	v29 =	vadd.s32 $0xA950, v1;
	[tilespmem:$0x194B0] =	vst v0;
	v8 =	vld.idx.msk [tilespmem:v26+s3+$0x0], $0xffff  }
0x472: {  	v30 =	vadd.s32 $0xA950, v4;
	[tilespmem:$0x194A0] =	vst v10;
	v0 =	vld.idx.msk [tilespmem:v28+s3+$0x0], $0xffff  }
0x473: {  	v32 =	vadd.s32 $0xA950, v2;
	v10 =	vld.idx.msk [tilespmem:v27+s3+$0x0], $0xffff  }
0x474: {  	v31 =	vadd.s32 $0xA950, v3  }
0x475: {  	[tilespmem:$0x19500] =	vst v6  }
0x476: {  	v6 =	vld.idx.msk [tilespmem:v29+s3+$0x0], $0xffff;
	[tilespmem:$0x19510] =	vst v8  }
0x477: {  	v33 =	vadd.s32 $0xAD40, v1;
	[tilespmem:$0x19530] =	vst v0;
	v8 =	vld.idx.msk [tilespmem:v30+s3+$0x0], $0xffff  }
0x478: {  	v34 =	vadd.s32 $0xAD40, v4;
	[tilespmem:$0x19520] =	vst v10;
	v0 =	vld.idx.msk [tilespmem:v32+s3+$0x0], $0xffff  }
0x479: {  	v36 =	vadd.s32 $0xAD40, v2;
	v10 =	vld.idx.msk [tilespmem:v31+s3+$0x0], $0xffff  }
0x47a: {  	v35 =	vadd.s32 $0xAD40, v3  }
0x47b: {  	[tilespmem:$0x19580] =	vst v6  }
0x47c: {  	v6 =	vld.idx.msk [tilespmem:v33+s3+$0x0], $0xffff;
	[tilespmem:$0x19590] =	vst v8  }
0x47d: {  	v37 =	vadd.s32 $0xB130, v1;
	[tilespmem:$0x195B0] =	vst v0;
	v8 =	vld.idx.msk [tilespmem:v34+s3+$0x0], $0xffff  }
0x47e: {  	v38 =	vadd.s32 $0xB130, v4;
	[tilespmem:$0x195A0] =	vst v10;
	v0 =	vld.idx.msk [tilespmem:v36+s3+$0x0], $0xffff  }
0x47f: {  	v40 =	vadd.s32 $0xB130, v2;
	v10 =	vld.idx.msk [tilespmem:v35+s3+$0x0], $0xffff  }
0x480: {  	v39 =	vadd.s32 $0xB130, v3  }
0x481: {  	[tilespmem:$0x19600] =	vst v6  }
0x482: {  	v6 =	vld.idx.msk [tilespmem:v37+s3+$0x0], $0xffff;
	[tilespmem:$0x19610] =	vst v8  }
0x483: {  	v41 =	vadd.s32 $0xB520, v1;
	[tilespmem:$0x19630] =	vst v0;
	v8 =	vld.idx.msk [tilespmem:v38+s3+$0x0], $0xffff  }
0x484: {  	v42 =	vadd.s32 $0xB520, v4;
	[tilespmem:$0x19620] =	vst v10;
	v0 =	vld.idx.msk [tilespmem:v40+s3+$0x0], $0xffff  }
0x485: {  	v44 =	vadd.s32 $0xB520, v2;
	v10 =	vld.idx.msk [tilespmem:v39+s3+$0x0], $0xffff  }
0x486: {  	v43 =	vadd.s32 $0xB520, v3  }
0x487: {  	[tilespmem:$0x19680] =	vst v6  }
0x488: {  	v6 =	vld.idx.msk [tilespmem:v41+s3+$0x0], $0xffff;
	[tilespmem:$0x19690] =	vst v8  }
0x489: {  	v45 =	vadd.s32 $0xB910, v1;
	[tilespmem:$0x196B0] =	vst v0;
	v8 =	vld.idx.msk [tilespmem:v42+s3+$0x0], $0xffff  }
0x48a: {  	v46 =	vadd.s32 $0xB910, v4;
	[tilespmem:$0x196A0] =	vst v10;
	v0 =	vld.idx.msk [tilespmem:v44+s3+$0x0], $0xffff  }
0x48b: {  	v48 =	vadd.s32 $0xB910, v2;
	v10 =	vld.idx.msk [tilespmem:v43+s3+$0x0], $0xffff  }
0x48c: {  	v47 =	vadd.s32 $0xB910, v3  }
0x48d: {  	[tilespmem:$0x19700] =	vst v6  }
0x48e: {  	v6 =	vld.idx.msk [tilespmem:v45+s3+$0x0], $0xffff;
	[tilespmem:$0x19710] =	vst v8  }
0x48f: {  	v49 =	vadd.s32 $0xBD00, v1;
	[tilespmem:$0x19730] =	vst v0;
	v8 =	vld.idx.msk [tilespmem:v46+s3+$0x0], $0xffff  }
0x490: {  	v50 =	vadd.s32 $0xBD00, v4;
	[tilespmem:$0x19720] =	vst v10;
	v0 =	vld.idx.msk [tilespmem:v48+s3+$0x0], $0xffff  }
0x491: {  	v52 =	vadd.s32 $0xBD00, v2;
	v10 =	vld.idx.msk [tilespmem:v47+s3+$0x0], $0xffff  }
0x492: {  	v51 =	vadd.s32 $0xBD00, v3  }
0x493: {  	[tilespmem:$0x19780] =	vst v6  }
0x494: {  	v6 =	vld.idx.msk [tilespmem:v49+s3+$0x0], $0xffff;
	[tilespmem:$0x19790] =	vst v8  }
0x495: {  	v53 =	vadd.s32 $0xC0F0, v1;
	[tilespmem:$0x197B0] =	vst v0;
	v8 =	vld.idx.msk [tilespmem:v50+s3+$0x0], $0xffff  }
0x496: {  	v54 =	vadd.s32 $0xC0F0, v4;
	[tilespmem:$0x197A0] =	vst v10;
	v0 =	vld.idx.msk [tilespmem:v52+s3+$0x0], $0xffff  }
0x497: {  	v56 =	vadd.s32 $0xC0F0, v2;
	v10 =	vld.idx.msk [tilespmem:v51+s3+$0x0], $0xffff  }
0x498: {  	v55 =	vadd.s32 $0xC0F0, v3  }
0x499: {  	[tilespmem:$0x19800] =	vst v6  }
0x49a: {  	v6 =	vld.idx.msk [tilespmem:v53+s3+$0x0], $0xffff;
	[tilespmem:$0x19810] =	vst v8  }
0x49b: {  	v57 =	vadd.s32 $0xC4E0, v1;
	[tilespmem:$0x19830] =	vst v0;
	v8 =	vld.idx.msk [tilespmem:v54+s3+$0x0], $0xffff  }
0x49c: {  	v58 =	vadd.s32 $0xC4E0, v4;
	[tilespmem:$0x19820] =	vst v10;
	v0 =	vld.idx.msk [tilespmem:v56+s3+$0x0], $0xffff  }
0x49d: {  	v60 =	vadd.s32 $0xC4E0, v2;
	v10 =	vld.idx.msk [tilespmem:v55+s3+$0x0], $0xffff  }
0x49e: {  	v59 =	vadd.s32 $0xC4E0, v3  }
0x49f: {  	[tilespmem:$0x19880] =	vst v6  }
0x4a0: {  	v6 =	vld.idx.msk [tilespmem:v57+s3+$0x0], $0xffff;
	[tilespmem:$0x19890] =	vst v8  }
0x4a1: {  	v61 =	vadd.s32 $0xC8D0, v1;
	[tilespmem:$0x198B0] =	vst v0;
	v8 =	vld.idx.msk [tilespmem:v58+s3+$0x0], $0xffff  }
0x4a2: {  	v62 =	vadd.s32 $0xC8D0, v4;
	[tilespmem:$0x198A0] =	vst v10;
	v0 =	vld.idx.msk [tilespmem:v60+s3+$0x0], $0xffff  }
0x4a3: {  	v12 =	vadd.s32 $0xC8D0, v2;
	v10 =	vld.idx.msk [tilespmem:v59+s3+$0x0], $0xffff  }
0x4a4: {  	v63 =	vadd.s32 $0xC8D0, v3  }
0x4a5: {  	[tilespmem:$0x19900] =	vst v6  }
0x4a6: {  	v6 =	vld.idx.msk [tilespmem:v61+s3+$0x0], $0xffff;
	[tilespmem:$0x19910] =	vst v8  }
0x4a7: {  	v13 =	vadd.s32 $0xCCC0, v1;
	[tilespmem:$0x19930] =	vst v0;
	v8 =	vld.idx.msk [tilespmem:v62+s3+$0x0], $0xffff  }
0x4a8: {  	v14 =	vadd.s32 $0xCCC0, v4;
	[tilespmem:$0x19920] =	vst v10;
	v0 =	vld.idx.msk [tilespmem:v12+s3+$0x0], $0xffff  }
0x4a9: {  	v16 =	vadd.s32 $0xCCC0, v2;
	v10 =	vld.idx.msk [tilespmem:v63+s3+$0x0], $0xffff  }
0x4aa: {  	v15 =	vadd.s32 $0xCCC0, v3  }
0x4ab: {  	[tilespmem:$0x19980] =	vst v6  }
0x4ac: {  	v6 =	vld.idx.msk [tilespmem:v13+s3+$0x0], $0xffff;
	[tilespmem:$0x19990] =	vst v8  }
0x4ad: {  	v17 =	vadd.s32 $0xD0B0, v1;
	[tilespmem:$0x199B0] =	vst v0;
	v8 =	vld.idx.msk [tilespmem:v14+s3+$0x0], $0xffff  }
0x4ae: {  	[tilespmem:$0x199A0] =	vst v10;
	v0 =	vld.idx.msk [tilespmem:v16+s3+$0x0], $0xffff  }
0x4af: {  	v18 =	vadd.s32 $0xD0B0, v4;
	v10 =	vld.idx.msk [tilespmem:v15+s3+$0x0], $0xffff  }
0x4b0: {  	v19 =	vadd.s32 $0xD0B0, v3  }
0x4b1: {  	v20 =	vadd.s32 $0xD0B0, v2;
	[tilespmem:$0x19A00] =	vst v6  }
0x4b2: {  	v6 =	vld.idx.msk [tilespmem:v17+s3+$0x0], $0xffff;
	[tilespmem:$0x19A10] =	vst v8  }
0x4b3: {  	[tilespmem:$0x19A30] =	vst v0;
	v0 =	vld [tilespmem:s17+$0x40]  }
0x4b4: {  	v22 =	vadd.s32 $0xD4A0, v1;
	[tilespmem:$0x19A20] =	vst v10;
	v21 =	vld.idx.msk [tilespmem:v18+s3+$0x0], $0xffff  }
0x4b5: {  	v24 =	vadd.s32 $0xD4A0, v4;
	v23 =	vld.idx.msk [tilespmem:v19+s3+$0x0], $0xffff  }
0x4b6: {  	v25 =	vadd.s32 $0xD4A0, v3;
	v5 =	vld.idx.msk [tilespmem:v20+s3+$0x0], $0xffff  }
0x4b7: {  	v26 =	vadd.s32 $0xD4A0, v2  }
0x4b8: {  	[tilespmem:$0x19A80] =	vst v6  }
0x4b9: {  	v6 =	vld.idx.msk [tilespmem:v22+s3+$0x0], $0xffff;
	[tilespmem:$0x19A90] =	vst v21  }
0x4ba: {  	v27 =	vadd.s32 $0xD890, v1;
	[tilespmem:$0x19AA0] =	vst v23;
	v28 =	vld.idx.msk [tilespmem:v24+s3+$0x0], $0xffff  }
0x4bb: {  	v29 =	vadd.s32 $0xD890, v4;
	[tilespmem:$0x19AB0] =	vst v5;
	v30 =	vld.idx.msk [tilespmem:v25+s3+$0x0], $0xffff  }
0x4bc: {  	v31 =	vadd.s32 $0xD890, v3;
	v32 =	vld.idx.msk [tilespmem:v26+s3+$0x0], $0xffff  }
0x4bd: {  	v33 =	vadd.s32 $0xD890, v2;
	v34 =	vld.idx.msk [tilespmem:v0+s3+$0x0], $0xffff  }
0x4be: {  	[tilespmem:$0x19B00] =	vst v6;
	v35 =	vadd.s32 $0x3F0, v0  }
0x4bf: {  	v7 =	vld.idx.msk [tilespmem:v27+s3+$0x0], $0xffff;
	[tilespmem:$0x19B10] =	vst v28  }
0x4c0: {  	v36 =	vadd.s32 $0xDC80, v1;
	[tilespmem:$0x19B20] =	vst v30;
	v9 =	vld.idx.msk [tilespmem:v29+s3+$0x0], $0xffff  }
0x4c1: {  	v37 =	vadd.s32 $0xDC80, v4;
	[tilespmem:$0x19B30] =	vst v32;
	v5 =	vld.idx.msk [tilespmem:v31+s3+$0x0], $0xffff  }
0x4c2: {  	v38 =	vadd.s32 $0xDC80, v3;
	v12 =	vld.idx.msk [tilespmem:v33+s3+$0x0], $0xffff;
	[tilespmem:$0x18040] =	vst v34  }
0x4c3: {  	v39 =	vadd.s32 $0xDC80, v2;
	v6 =	vld.idx.msk [tilespmem:v35+s3+$0x0], $0xffff  }
0x4c4: {  	v40 =	vadd.s32 $0x7E0, v0;
	[tilespmem:$0x19B80] =	vst v7  }
0x4c5: {  	v8 =	vld.idx.msk [tilespmem:v36+s3+$0x0], $0xffff;
	[tilespmem:$0x19B90] =	vst v9  }
0x4c6: {  	v41 =	vadd.s32 $0xE070, v1;
	[tilespmem:$0x19BA0] =	vst v5;
	v10 =	vld.idx.msk [tilespmem:v37+s3+$0x0], $0xffff  }
0x4c7: {  	v42 =	vadd.s32 $0xE070, v4;
	[tilespmem:$0x19BB0] =	vst v12;
	v11 =	vld.idx.msk [tilespmem:v38+s3+$0x0], $0xffff  }
0x4c8: {  	v43 =	vadd.s32 $0xE070, v3;
	v13 =	vld.idx.msk [tilespmem:v39+s3+$0x0], $0xffff;
	[tilespmem:$0x180C0] =	vst v6  }
0x4c9: {  	v44 =	vadd.s32 $0xE070, v2;
	v7 =	vld.idx.msk [tilespmem:v40+s3+$0x0], $0xffff  }
0x4ca: {  	v45 =	vadd.s32 $0xBD0, v0;
	[tilespmem:$0x19C00] =	vst v8  }
0x4cb: {  	v9 =	vld.idx.msk [tilespmem:v41+s3+$0x0], $0xffff;
	[tilespmem:$0x19C10] =	vst v10  }
0x4cc: {  	v46 =	vadd.s32 $0xE460, v1;
	[tilespmem:$0x19C20] =	vst v11;
	v5 =	vld.idx.msk [tilespmem:v42+s3+$0x0], $0xffff  }
0x4cd: {  	v47 =	vadd.s32 $0xE460, v4;
	[tilespmem:$0x19C30] =	vst v13;
	v12 =	vld.idx.msk [tilespmem:v43+s3+$0x0], $0xffff  }
0x4ce: {  	v48 =	vadd.s32 $0xE460, v3;
	v6 =	vld.idx.msk [tilespmem:v44+s3+$0x0], $0xffff;
	[tilespmem:$0x18140] =	vst v7  }
0x4cf: {  	v49 =	vadd.s32 $0xE460, v2;
	v8 =	vld.idx.msk [tilespmem:v45+s3+$0x0], $0xffff  }
0x4d0: {  	v50 =	vadd.s32 $0xFC0, v0;
	[tilespmem:$0x19C80] =	vst v9  }
0x4d1: {  	v10 =	vld.idx.msk [tilespmem:v46+s3+$0x0], $0xffff;
	[tilespmem:$0x19C90] =	vst v5  }
0x4d2: {  	v51 =	vadd.s32 $0xE850, v1;
	[tilespmem:$0x19CA0] =	vst v12;
	v11 =	vld.idx.msk [tilespmem:v47+s3+$0x0], $0xffff  }
0x4d3: {  	v52 =	vadd.s32 $0xE850, v4;
	[tilespmem:$0x19CB0] =	vst v6;
	v13 =	vld.idx.msk [tilespmem:v48+s3+$0x0], $0xffff  }
0x4d4: {  	v53 =	vadd.s32 $0xE850, v3;
	v7 =	vld.idx.msk [tilespmem:v49+s3+$0x0], $0xffff;
	[tilespmem:$0x181C0] =	vst v8  }
0x4d5: {  	v54 =	vadd.s32 $0xE850, v2;
	v9 =	vld.idx.msk [tilespmem:v50+s3+$0x0], $0xffff  }
0x4d6: {  	v55 =	vadd.s32 $0x13B0, v0;
	[tilespmem:$0x19D00] =	vst v10  }
0x4d7: {  	v5 =	vld.idx.msk [tilespmem:v51+s3+$0x0], $0xffff;
	[tilespmem:$0x19D10] =	vst v11  }
0x4d8: {  	v56 =	vadd.s32 $0xEC40, v1;
	[tilespmem:$0x19D20] =	vst v13;
	v12 =	vld.idx.msk [tilespmem:v52+s3+$0x0], $0xffff  }
0x4d9: {  	v57 =	vadd.s32 $0xEC40, v4;
	[tilespmem:$0x19D30] =	vst v7;
	v6 =	vld.idx.msk [tilespmem:v53+s3+$0x0], $0xffff  }
0x4da: {  	v58 =	vadd.s32 $0xEC40, v3;
	v8 =	vld.idx.msk [tilespmem:v54+s3+$0x0], $0xffff;
	[tilespmem:$0x18240] =	vst v9  }
0x4db: {  	v59 =	vadd.s32 $0xEC40, v2;
	v10 =	vld.idx.msk [tilespmem:v55+s3+$0x0], $0xffff  }
0x4dc: {  	v60 =	vadd.s32 $0x17A0, v0;
	[tilespmem:$0x19D80] =	vst v5  }
0x4dd: {  	v11 =	vld.idx.msk [tilespmem:v56+s3+$0x0], $0xffff;
	[tilespmem:$0x19D90] =	vst v12  }
0x4de: {  	v61 =	vadd.s32 $0xF030, v1;
	[tilespmem:$0x19DA0] =	vst v6;
	v13 =	vld.idx.msk [tilespmem:v57+s3+$0x0], $0xffff  }
0x4df: {  	v62 =	vadd.s32 $0xF030, v4;
	[tilespmem:$0x19DB0] =	vst v8;
	v7 =	vld.idx.msk [tilespmem:v58+s3+$0x0], $0xffff  }
0x4e0: {  	v63 =	vadd.s32 $0xF030, v3;
	v9 =	vld.idx.msk [tilespmem:v59+s3+$0x0], $0xffff;
	[tilespmem:$0x182C0] =	vst v10  }
0x4e1: {  	v16 =	vadd.s32 $0xF030, v2;
	v5 =	vld.idx.msk [tilespmem:v60+s3+$0x0], $0xffff  }
0x4e2: {  	v17 =	vadd.s32 $0x1B90, v0;
	[tilespmem:$0x19E00] =	vst v11  }
0x4e3: {  	v12 =	vld.idx.msk [tilespmem:v61+s3+$0x0], $0xffff;
	[tilespmem:$0x19E10] =	vst v13  }
0x4e4: {  	v18 =	vadd.s32 $0xF420, v1;
	[tilespmem:$0x19E20] =	vst v7;
	v6 =	vld.idx.msk [tilespmem:v62+s3+$0x0], $0xffff  }
0x4e5: {  	v19 =	vadd.s32 $0xF420, v4;
	[tilespmem:$0x19E30] =	vst v9;
	v8 =	vld.idx.msk [tilespmem:v63+s3+$0x0], $0xffff  }
0x4e6: {  	v20 =	vadd.s32 $0xF420, v3;
	v10 =	vld.idx.msk [tilespmem:v16+s3+$0x0], $0xffff;
	[tilespmem:$0x18340] =	vst v5  }
0x4e7: {  	v21 =	vadd.s32 $0xF420, v2;
	v11 =	vld.idx.msk [tilespmem:v17+s3+$0x0], $0xffff  }
0x4e8: {  	v22 =	vadd.s32 $0x1F80, v0;
	[tilespmem:$0x19E80] =	vst v12  }
0x4e9: {  	v23 =	vld.idx.msk [tilespmem:v18+s3+$0x0], $0xffff;
	[tilespmem:$0x19E90] =	vst v6  }
0x4ea: {  	v1 =	vadd.s32 $0xF810, v1;
	[tilespmem:$0x19EA0] =	vst v8;
	v7 =	vld.idx.msk [tilespmem:v19+s3+$0x0], $0xffff  }
0x4eb: {  	v4 =	vadd.s32 $0xF810, v4;
	[tilespmem:$0x19EB0] =	vst v10;
	v8 =	vld.idx.msk [tilespmem:v20+s3+$0x0], $0xffff  }
0x4ec: {  	v3 =	vadd.s32 $0xF810, v3;
	v5 =	vld.idx.msk [tilespmem:v21+s3+$0x0], $0xffff;
	[tilespmem:$0x183C0] =	vst v11  }
0x4ed: {  	v2 =	vadd.s32 $0xF810, v2;
	v24 =	vld.idx.msk [tilespmem:v22+s3+$0x0], $0xffff  }
0x4ee: {  	v25 =	vadd.s32 $0x2370, v0;
	[tilespmem:$0x19F00] =	vst v23  }
0x4ef: {  	v1 =	vld.idx.msk [tilespmem:v1+s3+$0x0], $0xffff;
	[tilespmem:$0x19F10] =	vst v7  }
0x4f0: {  	[tilespmem:$0x19F20] =	vst v8;
	v4 =	vld.idx.msk [tilespmem:v4+s3+$0x0], $0xffff  }
0x4f1: {  	[tilespmem:$0x19F30] =	vst v5;
	v3 =	vld.idx.msk [tilespmem:v3+s3+$0x0], $0xffff  }
0x4f2: {  	v2 =	vld.idx.msk [tilespmem:v2+s3+$0x0], $0xffff;
	[tilespmem:$0x18440] =	vst v24  }
0x4f3: {  	v26 =	vld.idx.msk [tilespmem:v25+s3+$0x0], $0xffff  }
0x4f4: {  	v27 =	vadd.s32 $0x2760, v0;
	[tilespmem:$0x19F80] =	vst v1  }
0x4f5: {  	[tilespmem:$0x19F90] =	vst v4  }
0x4f6: {  	[tilespmem:$0x19FA0] =	vst v3  }
0x4f7: {  	[tilespmem:$0x19FB0] =	vst v2  }
0x4f8: {  	[tilespmem:$0x184C0] =	vst v26  }
0x4f9: {  	v4 =	vld.idx.msk [tilespmem:v27+s3+$0x0], $0xffff  }
0x4fa: {  	v3 =	vld [tilespmem:s17+$0x50]  }
0x4fb: {  	v2 =	vld [tilespmem:s17+$0x60]  }
0x4fc: {  	v1 =	vld [tilespmem:s17+$0x70];
	_ =	sdelay $0x5  }
0x4fd: {  	v28 =	vld.idx.msk [tilespmem:v3+s3+$0x0], $0xffff  }
0x4fe: {  	v29 =	vadd.s32 $0x3F0, v3;
	v30 =	vld.idx.msk [tilespmem:v2+s3+$0x0], $0xffff  }
0x4ff: {  	v31 =	vadd.s32 $0x3F0, v2;
	v32 =	vld.idx.msk [tilespmem:v1+s3+$0x0], $0xffff  }
0x500: {  	v33 =	vadd.s32 $0x3F0, v1;
	_ =	sdelay $0x1  }
0x501: {  	[tilespmem:$0x18050] =	vst v28  }
0x502: {  	[tilespmem:$0x18060] =	vst v30;
	v5 =	vld.idx.msk [tilespmem:v29+s3+$0x0], $0xffff  }
0x503: {  	v34 =	vadd.s32 $0x7E0, v3;
	[tilespmem:$0x18070] =	vst v32;
	v7 =	vld.idx.msk [tilespmem:v31+s3+$0x0], $0xffff  }
0x504: {  	v35 =	vadd.s32 $0x7E0, v2;
	v9 =	vld.idx.msk [tilespmem:v33+s3+$0x0], $0xffff  }
0x505: {  	v36 =	vadd.s32 $0x7E0, v1;
	_ =	sdelay $0x1  }
0x506: {  	[tilespmem:$0x180D0] =	vst v5  }
0x507: {  	[tilespmem:$0x180E0] =	vst v7;
	v5 =	vld.idx.msk [tilespmem:v34+s3+$0x0], $0xffff  }
0x508: {  	v37 =	vadd.s32 $0xBD0, v3;
	[tilespmem:$0x180F0] =	vst v9;
	v7 =	vld.idx.msk [tilespmem:v35+s3+$0x0], $0xffff  }
0x509: {  	v38 =	vadd.s32 $0xBD0, v2;
	v9 =	vld.idx.msk [tilespmem:v36+s3+$0x0], $0xffff  }
0x50a: {  	v39 =	vadd.s32 $0xBD0, v1;
	_ =	sdelay $0x1  }
0x50b: {  	[tilespmem:$0x18150] =	vst v5  }
0x50c: {  	[tilespmem:$0x18160] =	vst v7;
	v5 =	vld.idx.msk [tilespmem:v37+s3+$0x0], $0xffff  }
0x50d: {  	v40 =	vadd.s32 $0xFC0, v3;
	[tilespmem:$0x18170] =	vst v9;
	v7 =	vld.idx.msk [tilespmem:v38+s3+$0x0], $0xffff  }
0x50e: {  	v41 =	vadd.s32 $0xFC0, v2;
	v9 =	vld.idx.msk [tilespmem:v39+s3+$0x0], $0xffff  }
0x50f: {  	v42 =	vadd.s32 $0xFC0, v1;
	_ =	sdelay $0x1  }
0x510: {  	[tilespmem:$0x181D0] =	vst v5  }
0x511: {  	[tilespmem:$0x181E0] =	vst v7;
	v5 =	vld.idx.msk [tilespmem:v40+s3+$0x0], $0xffff  }
0x512: {  	v43 =	vadd.s32 $0x13B0, v3;
	[tilespmem:$0x181F0] =	vst v9;
	v7 =	vld.idx.msk [tilespmem:v41+s3+$0x0], $0xffff  }
0x513: {  	v44 =	vadd.s32 $0x13B0, v2;
	v9 =	vld.idx.msk [tilespmem:v42+s3+$0x0], $0xffff  }
0x514: {  	v45 =	vadd.s32 $0x13B0, v1;
	_ =	sdelay $0x1  }
0x515: {  	[tilespmem:$0x18250] =	vst v5  }
0x516: {  	[tilespmem:$0x18260] =	vst v7;
	v5 =	vld.idx.msk [tilespmem:v43+s3+$0x0], $0xffff  }
0x517: {  	v46 =	vadd.s32 $0x17A0, v3;
	[tilespmem:$0x18270] =	vst v9;
	v7 =	vld.idx.msk [tilespmem:v44+s3+$0x0], $0xffff  }
0x518: {  	v47 =	vadd.s32 $0x17A0, v2;
	v9 =	vld.idx.msk [tilespmem:v45+s3+$0x0], $0xffff  }
0x519: {  	v48 =	vadd.s32 $0x17A0, v1;
	_ =	sdelay $0x1  }
0x51a: {  	[tilespmem:$0x182D0] =	vst v5  }
0x51b: {  	[tilespmem:$0x182E0] =	vst v7;
	v5 =	vld.idx.msk [tilespmem:v46+s3+$0x0], $0xffff  }
0x51c: {  	v49 =	vadd.s32 $0x1B90, v3;
	[tilespmem:$0x182F0] =	vst v9;
	v7 =	vld.idx.msk [tilespmem:v47+s3+$0x0], $0xffff  }
0x51d: {  	v50 =	vadd.s32 $0x1B90, v2;
	v9 =	vld.idx.msk [tilespmem:v48+s3+$0x0], $0xffff  }
0x51e: {  	v51 =	vadd.s32 $0x1B90, v1;
	_ =	sdelay $0x1  }
0x51f: {  	[tilespmem:$0x18350] =	vst v5  }
0x520: {  	[tilespmem:$0x18360] =	vst v7;
	v5 =	vld.idx.msk [tilespmem:v49+s3+$0x0], $0xffff  }
0x521: {  	v52 =	vadd.s32 $0x1F80, v3;
	[tilespmem:$0x18370] =	vst v9;
	v7 =	vld.idx.msk [tilespmem:v50+s3+$0x0], $0xffff  }
0x522: {  	v53 =	vadd.s32 $0x1F80, v2;
	v9 =	vld.idx.msk [tilespmem:v51+s3+$0x0], $0xffff  }
0x523: {  	v54 =	vadd.s32 $0x1F80, v1;
	_ =	sdelay $0x1  }
0x524: {  	[tilespmem:$0x183D0] =	vst v5  }
0x525: {  	[tilespmem:$0x183E0] =	vst v7;
	v5 =	vld.idx.msk [tilespmem:v52+s3+$0x0], $0xffff  }
0x526: {  	v55 =	vadd.s32 $0x2370, v3;
	[tilespmem:$0x183F0] =	vst v9;
	v7 =	vld.idx.msk [tilespmem:v53+s3+$0x0], $0xffff  }
0x527: {  	v56 =	vadd.s32 $0x2370, v2;
	v9 =	vld.idx.msk [tilespmem:v54+s3+$0x0], $0xffff  }
0x528: {  	v57 =	vadd.s32 $0x2370, v1;
	_ =	sdelay $0x1  }
0x529: {  	[tilespmem:$0x18450] =	vst v5  }
0x52a: {  	[tilespmem:$0x18460] =	vst v7;
	v5 =	vld.idx.msk [tilespmem:v55+s3+$0x0], $0xffff  }
0x52b: {  	v58 =	vadd.s32 $0x2760, v3;
	[tilespmem:$0x18470] =	vst v9;
	v7 =	vld.idx.msk [tilespmem:v56+s3+$0x0], $0xffff  }
0x52c: {  	v59 =	vadd.s32 $0x2760, v2;
	v9 =	vld.idx.msk [tilespmem:v57+s3+$0x0], $0xffff  }
0x52d: {  	v60 =	vadd.s32 $0x2760, v1;
	_ =	sdelay $0x1  }
0x52e: {  	[tilespmem:$0x184D0] =	vst v5  }
0x52f: {  	v61 =	vadd.s32 $0x2B50, v0;
	[tilespmem:$0x184E0] =	vst v7;
	v6 =	vld.idx.msk [tilespmem:v58+s3+$0x0], $0xffff  }
0x530: {  	v62 =	vadd.s32 $0x2B50, v3;
	[tilespmem:$0x184F0] =	vst v9;
	v8 =	vld.idx.msk [tilespmem:v59+s3+$0x0], $0xffff  }
0x531: {  	v63 =	vadd.s32 $0x2B50, v2;
	v10 =	vld.idx.msk [tilespmem:v60+s3+$0x0], $0xffff  }
0x532: {  	v12 =	vadd.s32 $0x2B50, v1  }
0x533: {  	[tilespmem:$0x18540] =	vst v4  }
0x534: {  	v4 =	vld.idx.msk [tilespmem:v61+s3+$0x0], $0xffff;
	[tilespmem:$0x18550] =	vst v6  }
0x535: {  	v13 =	vadd.s32 $0x2F40, v0;
	[tilespmem:$0x18560] =	vst v8;
	v6 =	vld.idx.msk [tilespmem:v62+s3+$0x0], $0xffff  }
0x536: {  	v14 =	vadd.s32 $0x2F40, v3;
	[tilespmem:$0x18570] =	vst v10;
	v8 =	vld.idx.msk [tilespmem:v63+s3+$0x0], $0xffff  }
0x537: {  	v15 =	vadd.s32 $0x2F40, v2;
	v10 =	vld.idx.msk [tilespmem:v12+s3+$0x0], $0xffff  }
0x538: {  	v16 =	vadd.s32 $0x2F40, v1  }
0x539: {  	[tilespmem:$0x185C0] =	vst v4  }
0x53a: {  	v4 =	vld.idx.msk [tilespmem:v13+s3+$0x0], $0xffff;
	[tilespmem:$0x185D0] =	vst v6  }
0x53b: {  	v17 =	vadd.s32 $0x3330, v0;
	[tilespmem:$0x185E0] =	vst v8;
	v6 =	vld.idx.msk [tilespmem:v14+s3+$0x0], $0xffff  }
0x53c: {  	v18 =	vadd.s32 $0x3330, v3;
	[tilespmem:$0x185F0] =	vst v10;
	v8 =	vld.idx.msk [tilespmem:v15+s3+$0x0], $0xffff  }
0x53d: {  	v19 =	vadd.s32 $0x3330, v2;
	v10 =	vld.idx.msk [tilespmem:v16+s3+$0x0], $0xffff  }
0x53e: {  	v20 =	vadd.s32 $0x3330, v1  }
0x53f: {  	[tilespmem:$0x18640] =	vst v4  }
0x540: {  	v4 =	vld.idx.msk [tilespmem:v17+s3+$0x0], $0xffff;
	[tilespmem:$0x18650] =	vst v6  }
0x541: {  	v21 =	vadd.s32 $0x3720, v0;
	[tilespmem:$0x18660] =	vst v8;
	v6 =	vld.idx.msk [tilespmem:v18+s3+$0x0], $0xffff  }
0x542: {  	v22 =	vadd.s32 $0x3720, v3;
	[tilespmem:$0x18670] =	vst v10;
	v8 =	vld.idx.msk [tilespmem:v19+s3+$0x0], $0xffff  }
0x543: {  	v23 =	vadd.s32 $0x3720, v2;
	v10 =	vld.idx.msk [tilespmem:v20+s3+$0x0], $0xffff  }
0x544: {  	v24 =	vadd.s32 $0x3720, v1  }
0x545: {  	[tilespmem:$0x186C0] =	vst v4  }
0x546: {  	v4 =	vld.idx.msk [tilespmem:v21+s3+$0x0], $0xffff;
	[tilespmem:$0x186D0] =	vst v6  }
0x547: {  	v25 =	vadd.s32 $0x3B10, v0;
	[tilespmem:$0x186E0] =	vst v8;
	v6 =	vld.idx.msk [tilespmem:v22+s3+$0x0], $0xffff  }
0x548: {  	v26 =	vadd.s32 $0x3B10, v3;
	[tilespmem:$0x186F0] =	vst v10;
	v8 =	vld.idx.msk [tilespmem:v23+s3+$0x0], $0xffff  }
0x549: {  	v27 =	vadd.s32 $0x3B10, v2;
	v10 =	vld.idx.msk [tilespmem:v24+s3+$0x0], $0xffff  }
0x54a: {  	v28 =	vadd.s32 $0x3B10, v1  }
0x54b: {  	[tilespmem:$0x18740] =	vst v4  }
0x54c: {  	v4 =	vld.idx.msk [tilespmem:v25+s3+$0x0], $0xffff;
	[tilespmem:$0x18750] =	vst v6  }
0x54d: {  	v29 =	vadd.s32 $0x3F00, v0;
	[tilespmem:$0x18760] =	vst v8;
	v6 =	vld.idx.msk [tilespmem:v26+s3+$0x0], $0xffff  }
0x54e: {  	v30 =	vadd.s32 $0x3F00, v3;
	[tilespmem:$0x18770] =	vst v10;
	v8 =	vld.idx.msk [tilespmem:v27+s3+$0x0], $0xffff  }
0x54f: {  	v31 =	vadd.s32 $0x3F00, v2;
	v10 =	vld.idx.msk [tilespmem:v28+s3+$0x0], $0xffff  }
0x550: {  	v32 =	vadd.s32 $0x3F00, v1  }
0x551: {  	[tilespmem:$0x187C0] =	vst v4  }
0x552: {  	v4 =	vld.idx.msk [tilespmem:v29+s3+$0x0], $0xffff;
	[tilespmem:$0x187D0] =	vst v6  }
0x553: {  	v33 =	vadd.s32 $0x42F0, v0;
	[tilespmem:$0x187E0] =	vst v8;
	v6 =	vld.idx.msk [tilespmem:v30+s3+$0x0], $0xffff  }
0x554: {  	v34 =	vadd.s32 $0x42F0, v3;
	[tilespmem:$0x187F0] =	vst v10;
	v8 =	vld.idx.msk [tilespmem:v31+s3+$0x0], $0xffff  }
0x555: {  	v35 =	vadd.s32 $0x42F0, v2;
	v10 =	vld.idx.msk [tilespmem:v32+s3+$0x0], $0xffff  }
0x556: {  	v36 =	vadd.s32 $0x42F0, v1  }
0x557: {  	[tilespmem:$0x18840] =	vst v4  }
0x558: {  	v4 =	vld.idx.msk [tilespmem:v33+s3+$0x0], $0xffff;
	[tilespmem:$0x18850] =	vst v6  }
0x559: {  	v37 =	vadd.s32 $0x46E0, v0;
	[tilespmem:$0x18860] =	vst v8;
	v6 =	vld.idx.msk [tilespmem:v34+s3+$0x0], $0xffff  }
0x55a: {  	v38 =	vadd.s32 $0x46E0, v3;
	[tilespmem:$0x18870] =	vst v10;
	v8 =	vld.idx.msk [tilespmem:v35+s3+$0x0], $0xffff  }
0x55b: {  	v39 =	vadd.s32 $0x46E0, v2;
	v10 =	vld.idx.msk [tilespmem:v36+s3+$0x0], $0xffff  }
0x55c: {  	v40 =	vadd.s32 $0x46E0, v1  }
0x55d: {  	[tilespmem:$0x188C0] =	vst v4  }
0x55e: {  	v4 =	vld.idx.msk [tilespmem:v37+s3+$0x0], $0xffff;
	[tilespmem:$0x188D0] =	vst v6  }
0x55f: {  	v41 =	vadd.s32 $0x4AD0, v0;
	[tilespmem:$0x188E0] =	vst v8;
	v6 =	vld.idx.msk [tilespmem:v38+s3+$0x0], $0xffff  }
0x560: {  	v42 =	vadd.s32 $0x4AD0, v3;
	[tilespmem:$0x188F0] =	vst v10;
	v8 =	vld.idx.msk [tilespmem:v39+s3+$0x0], $0xffff  }
0x561: {  	v43 =	vadd.s32 $0x4AD0, v2;
	v10 =	vld.idx.msk [tilespmem:v40+s3+$0x0], $0xffff  }
0x562: {  	v44 =	vadd.s32 $0x4AD0, v1  }
0x563: {  	[tilespmem:$0x18940] =	vst v4  }
0x564: {  	v4 =	vld.idx.msk [tilespmem:v41+s3+$0x0], $0xffff;
	[tilespmem:$0x18950] =	vst v6  }
0x565: {  	v45 =	vadd.s32 $0x4EC0, v0;
	[tilespmem:$0x18960] =	vst v8;
	v6 =	vld.idx.msk [tilespmem:v42+s3+$0x0], $0xffff  }
0x566: {  	v46 =	vadd.s32 $0x4EC0, v3;
	[tilespmem:$0x18970] =	vst v10;
	v8 =	vld.idx.msk [tilespmem:v43+s3+$0x0], $0xffff  }
0x567: {  	v47 =	vadd.s32 $0x4EC0, v2;
	v10 =	vld.idx.msk [tilespmem:v44+s3+$0x0], $0xffff  }
0x568: {  	v48 =	vadd.s32 $0x4EC0, v1  }
0x569: {  	[tilespmem:$0x189C0] =	vst v4  }
0x56a: {  	v4 =	vld.idx.msk [tilespmem:v45+s3+$0x0], $0xffff;
	[tilespmem:$0x189D0] =	vst v6  }
0x56b: {  	v49 =	vadd.s32 $0x52B0, v0;
	[tilespmem:$0x189E0] =	vst v8;
	v6 =	vld.idx.msk [tilespmem:v46+s3+$0x0], $0xffff  }
0x56c: {  	v50 =	vadd.s32 $0x52B0, v3;
	[tilespmem:$0x189F0] =	vst v10;
	v8 =	vld.idx.msk [tilespmem:v47+s3+$0x0], $0xffff  }
0x56d: {  	v51 =	vadd.s32 $0x52B0, v2;
	v10 =	vld.idx.msk [tilespmem:v48+s3+$0x0], $0xffff  }
0x56e: {  	v52 =	vadd.s32 $0x52B0, v1  }
0x56f: {  	[tilespmem:$0x18A40] =	vst v4  }
0x570: {  	v4 =	vld.idx.msk [tilespmem:v49+s3+$0x0], $0xffff;
	[tilespmem:$0x18A50] =	vst v6  }
0x571: {  	v53 =	vadd.s32 $0x56A0, v0;
	[tilespmem:$0x18A60] =	vst v8;
	v6 =	vld.idx.msk [tilespmem:v50+s3+$0x0], $0xffff  }
0x572: {  	v54 =	vadd.s32 $0x56A0, v3;
	[tilespmem:$0x18A70] =	vst v10;
	v8 =	vld.idx.msk [tilespmem:v51+s3+$0x0], $0xffff  }
0x573: {  	v55 =	vadd.s32 $0x56A0, v2;
	v10 =	vld.idx.msk [tilespmem:v52+s3+$0x0], $0xffff  }
0x574: {  	v56 =	vadd.s32 $0x56A0, v1  }
0x575: {  	[tilespmem:$0x18AC0] =	vst v4  }
0x576: {  	v4 =	vld.idx.msk [tilespmem:v53+s3+$0x0], $0xffff;
	[tilespmem:$0x18AD0] =	vst v6  }
0x577: {  	v57 =	vadd.s32 $0x5A90, v0;
	[tilespmem:$0x18AE0] =	vst v8;
	v6 =	vld.idx.msk [tilespmem:v54+s3+$0x0], $0xffff  }
0x578: {  	v58 =	vadd.s32 $0x5A90, v3;
	[tilespmem:$0x18AF0] =	vst v10;
	v8 =	vld.idx.msk [tilespmem:v55+s3+$0x0], $0xffff  }
0x579: {  	v59 =	vadd.s32 $0x5A90, v2;
	v10 =	vld.idx.msk [tilespmem:v56+s3+$0x0], $0xffff  }
0x57a: {  	v60 =	vadd.s32 $0x5A90, v1  }
0x57b: {  	[tilespmem:$0x18B40] =	vst v4  }
0x57c: {  	v4 =	vld.idx.msk [tilespmem:v57+s3+$0x0], $0xffff;
	[tilespmem:$0x18B50] =	vst v6  }
0x57d: {  	v61 =	vadd.s32 $0x5E80, v0;
	[tilespmem:$0x18B60] =	vst v8;
	v6 =	vld.idx.msk [tilespmem:v58+s3+$0x0], $0xffff  }
0x57e: {  	v62 =	vadd.s32 $0x5E80, v3;
	[tilespmem:$0x18B70] =	vst v10;
	v8 =	vld.idx.msk [tilespmem:v59+s3+$0x0], $0xffff  }
0x57f: {  	v63 =	vadd.s32 $0x5E80, v2;
	v10 =	vld.idx.msk [tilespmem:v60+s3+$0x0], $0xffff  }
0x580: {  	v12 =	vadd.s32 $0x5E80, v1  }
0x581: {  	[tilespmem:$0x18BC0] =	vst v4  }
0x582: {  	v4 =	vld.idx.msk [tilespmem:v61+s3+$0x0], $0xffff;
	[tilespmem:$0x18BD0] =	vst v6  }
0x583: {  	v13 =	vadd.s32 $0x6270, v0;
	[tilespmem:$0x18BE0] =	vst v8;
	v6 =	vld.idx.msk [tilespmem:v62+s3+$0x0], $0xffff  }
0x584: {  	v14 =	vadd.s32 $0x6270, v3;
	[tilespmem:$0x18BF0] =	vst v10;
	v8 =	vld.idx.msk [tilespmem:v63+s3+$0x0], $0xffff  }
0x585: {  	v15 =	vadd.s32 $0x6270, v2;
	v10 =	vld.idx.msk [tilespmem:v12+s3+$0x0], $0xffff  }
0x586: {  	v16 =	vadd.s32 $0x6270, v1  }
0x587: {  	[tilespmem:$0x18C40] =	vst v4  }
0x588: {  	v4 =	vld.idx.msk [tilespmem:v13+s3+$0x0], $0xffff;
	[tilespmem:$0x18C50] =	vst v6  }
0x589: {  	v17 =	vadd.s32 $0x6660, v0;
	[tilespmem:$0x18C60] =	vst v8;
	v6 =	vld.idx.msk [tilespmem:v14+s3+$0x0], $0xffff  }
0x58a: {  	v18 =	vadd.s32 $0x6660, v3;
	[tilespmem:$0x18C70] =	vst v10;
	v8 =	vld.idx.msk [tilespmem:v15+s3+$0x0], $0xffff  }
0x58b: {  	v19 =	vadd.s32 $0x6660, v2;
	v10 =	vld.idx.msk [tilespmem:v16+s3+$0x0], $0xffff  }
0x58c: {  	v20 =	vadd.s32 $0x6660, v1  }
0x58d: {  	[tilespmem:$0x18CC0] =	vst v4  }
0x58e: {  	v4 =	vld.idx.msk [tilespmem:v17+s3+$0x0], $0xffff;
	[tilespmem:$0x18CD0] =	vst v6  }
0x58f: {  	v21 =	vadd.s32 $0x6A50, v0;
	[tilespmem:$0x18CE0] =	vst v8;
	v6 =	vld.idx.msk [tilespmem:v18+s3+$0x0], $0xffff  }
0x590: {  	v22 =	vadd.s32 $0x6A50, v3;
	[tilespmem:$0x18CF0] =	vst v10;
	v8 =	vld.idx.msk [tilespmem:v19+s3+$0x0], $0xffff  }
0x591: {  	v23 =	vadd.s32 $0x6A50, v2;
	v10 =	vld.idx.msk [tilespmem:v20+s3+$0x0], $0xffff  }
0x592: {  	v24 =	vadd.s32 $0x6A50, v1  }
0x593: {  	[tilespmem:$0x18D40] =	vst v4  }
0x594: {  	v4 =	vld.idx.msk [tilespmem:v21+s3+$0x0], $0xffff;
	[tilespmem:$0x18D50] =	vst v6  }
0x595: {  	v25 =	vadd.s32 $0x6E40, v0;
	[tilespmem:$0x18D60] =	vst v8;
	v6 =	vld.idx.msk [tilespmem:v22+s3+$0x0], $0xffff  }
0x596: {  	v26 =	vadd.s32 $0x6E40, v3;
	[tilespmem:$0x18D70] =	vst v10;
	v8 =	vld.idx.msk [tilespmem:v23+s3+$0x0], $0xffff  }
0x597: {  	v27 =	vadd.s32 $0x6E40, v2;
	v10 =	vld.idx.msk [tilespmem:v24+s3+$0x0], $0xffff  }
0x598: {  	v28 =	vadd.s32 $0x6E40, v1  }
0x599: {  	[tilespmem:$0x18DC0] =	vst v4  }
0x59a: {  	v4 =	vld.idx.msk [tilespmem:v25+s3+$0x0], $0xffff;
	[tilespmem:$0x18DD0] =	vst v6  }
0x59b: {  	v29 =	vadd.s32 $0x7230, v0;
	[tilespmem:$0x18DE0] =	vst v8;
	v6 =	vld.idx.msk [tilespmem:v26+s3+$0x0], $0xffff  }
0x59c: {  	v30 =	vadd.s32 $0x7230, v3;
	[tilespmem:$0x18DF0] =	vst v10;
	v8 =	vld.idx.msk [tilespmem:v27+s3+$0x0], $0xffff  }
0x59d: {  	v31 =	vadd.s32 $0x7230, v2;
	v10 =	vld.idx.msk [tilespmem:v28+s3+$0x0], $0xffff  }
0x59e: {  	v32 =	vadd.s32 $0x7230, v1  }
0x59f: {  	[tilespmem:$0x18E40] =	vst v4  }
0x5a0: {  	v4 =	vld.idx.msk [tilespmem:v29+s3+$0x0], $0xffff;
	[tilespmem:$0x18E50] =	vst v6  }
0x5a1: {  	v33 =	vadd.s32 $0x7620, v0;
	[tilespmem:$0x18E60] =	vst v8;
	v6 =	vld.idx.msk [tilespmem:v30+s3+$0x0], $0xffff  }
0x5a2: {  	v34 =	vadd.s32 $0x7620, v3;
	[tilespmem:$0x18E70] =	vst v10;
	v8 =	vld.idx.msk [tilespmem:v31+s3+$0x0], $0xffff  }
0x5a3: {  	v35 =	vadd.s32 $0x7620, v2;
	v10 =	vld.idx.msk [tilespmem:v32+s3+$0x0], $0xffff  }
0x5a4: {  	v36 =	vadd.s32 $0x7620, v1  }
0x5a5: {  	[tilespmem:$0x18EC0] =	vst v4  }
0x5a6: {  	v4 =	vld.idx.msk [tilespmem:v33+s3+$0x0], $0xffff;
	[tilespmem:$0x18ED0] =	vst v6  }
0x5a7: {  	v37 =	vadd.s32 $0x7A10, v0;
	[tilespmem:$0x18EE0] =	vst v8;
	v6 =	vld.idx.msk [tilespmem:v34+s3+$0x0], $0xffff  }
0x5a8: {  	v38 =	vadd.s32 $0x7A10, v3;
	[tilespmem:$0x18EF0] =	vst v10;
	v8 =	vld.idx.msk [tilespmem:v35+s3+$0x0], $0xffff  }
0x5a9: {  	v39 =	vadd.s32 $0x7A10, v2;
	v10 =	vld.idx.msk [tilespmem:v36+s3+$0x0], $0xffff  }
0x5aa: {  	v40 =	vadd.s32 $0x7A10, v1  }
0x5ab: {  	[tilespmem:$0x18F40] =	vst v4  }
0x5ac: {  	v4 =	vld.idx.msk [tilespmem:v37+s3+$0x0], $0xffff;
	[tilespmem:$0x18F50] =	vst v6  }
0x5ad: {  	v41 =	vadd.s32 $0x7E00, v0;
	[tilespmem:$0x18F60] =	vst v8;
	v6 =	vld.idx.msk [tilespmem:v38+s3+$0x0], $0xffff  }
0x5ae: {  	v42 =	vadd.s32 $0x7E00, v3;
	[tilespmem:$0x18F70] =	vst v10;
	v8 =	vld.idx.msk [tilespmem:v39+s3+$0x0], $0xffff  }
0x5af: {  	v43 =	vadd.s32 $0x7E00, v2;
	v10 =	vld.idx.msk [tilespmem:v40+s3+$0x0], $0xffff  }
0x5b0: {  	v44 =	vadd.s32 $0x7E00, v1  }
0x5b1: {  	[tilespmem:$0x18FC0] =	vst v4  }
0x5b2: {  	v4 =	vld.idx.msk [tilespmem:v41+s3+$0x0], $0xffff;
	[tilespmem:$0x18FD0] =	vst v6  }
0x5b3: {  	v45 =	vadd.s32 $0x81F0, v0;
	[tilespmem:$0x18FE0] =	vst v8;
	v6 =	vld.idx.msk [tilespmem:v42+s3+$0x0], $0xffff  }
0x5b4: {  	v46 =	vadd.s32 $0x81F0, v3;
	[tilespmem:$0x18FF0] =	vst v10;
	v8 =	vld.idx.msk [tilespmem:v43+s3+$0x0], $0xffff  }
0x5b5: {  	v47 =	vadd.s32 $0x81F0, v2;
	v10 =	vld.idx.msk [tilespmem:v44+s3+$0x0], $0xffff  }
0x5b6: {  	v48 =	vadd.s32 $0x81F0, v1  }
0x5b7: {  	[tilespmem:$0x19040] =	vst v4  }
0x5b8: {  	v4 =	vld.idx.msk [tilespmem:v45+s3+$0x0], $0xffff;
	[tilespmem:$0x19050] =	vst v6  }
0x5b9: {  	v49 =	vadd.s32 $0x85E0, v0;
	[tilespmem:$0x19060] =	vst v8;
	v6 =	vld.idx.msk [tilespmem:v46+s3+$0x0], $0xffff  }
0x5ba: {  	v50 =	vadd.s32 $0x85E0, v3;
	[tilespmem:$0x19070] =	vst v10;
	v8 =	vld.idx.msk [tilespmem:v47+s3+$0x0], $0xffff  }
0x5bb: {  	v51 =	vadd.s32 $0x85E0, v2;
	v10 =	vld.idx.msk [tilespmem:v48+s3+$0x0], $0xffff  }
0x5bc: {  	v52 =	vadd.s32 $0x85E0, v1  }
0x5bd: {  	[tilespmem:$0x190C0] =	vst v4  }
0x5be: {  	v4 =	vld.idx.msk [tilespmem:v49+s3+$0x0], $0xffff;
	[tilespmem:$0x190D0] =	vst v6  }
0x5bf: {  	v53 =	vadd.s32 $0x89D0, v0;
	[tilespmem:$0x190E0] =	vst v8;
	v6 =	vld.idx.msk [tilespmem:v50+s3+$0x0], $0xffff  }
0x5c0: {  	v54 =	vadd.s32 $0x89D0, v3;
	[tilespmem:$0x190F0] =	vst v10;
	v8 =	vld.idx.msk [tilespmem:v51+s3+$0x0], $0xffff  }
0x5c1: {  	v55 =	vadd.s32 $0x89D0, v2;
	v10 =	vld.idx.msk [tilespmem:v52+s3+$0x0], $0xffff  }
0x5c2: {  	v56 =	vadd.s32 $0x89D0, v1  }
0x5c3: {  	[tilespmem:$0x19140] =	vst v4  }
0x5c4: {  	v4 =	vld.idx.msk [tilespmem:v53+s3+$0x0], $0xffff;
	[tilespmem:$0x19150] =	vst v6  }
0x5c5: {  	v57 =	vadd.s32 $0x8DC0, v0;
	[tilespmem:$0x19160] =	vst v8;
	v6 =	vld.idx.msk [tilespmem:v54+s3+$0x0], $0xffff  }
0x5c6: {  	v58 =	vadd.s32 $0x8DC0, v3;
	[tilespmem:$0x19170] =	vst v10;
	v8 =	vld.idx.msk [tilespmem:v55+s3+$0x0], $0xffff  }
0x5c7: {  	v59 =	vadd.s32 $0x8DC0, v2;
	v10 =	vld.idx.msk [tilespmem:v56+s3+$0x0], $0xffff  }
0x5c8: {  	v60 =	vadd.s32 $0x8DC0, v1  }
0x5c9: {  	[tilespmem:$0x191C0] =	vst v4  }
0x5ca: {  	v4 =	vld.idx.msk [tilespmem:v57+s3+$0x0], $0xffff;
	[tilespmem:$0x191D0] =	vst v6  }
0x5cb: {  	v61 =	vadd.s32 $0x91B0, v0;
	[tilespmem:$0x191E0] =	vst v8;
	v6 =	vld.idx.msk [tilespmem:v58+s3+$0x0], $0xffff  }
0x5cc: {  	v62 =	vadd.s32 $0x91B0, v3;
	[tilespmem:$0x191F0] =	vst v10;
	v8 =	vld.idx.msk [tilespmem:v59+s3+$0x0], $0xffff  }
0x5cd: {  	v63 =	vadd.s32 $0x91B0, v2;
	v10 =	vld.idx.msk [tilespmem:v60+s3+$0x0], $0xffff  }
0x5ce: {  	v12 =	vadd.s32 $0x91B0, v1  }
0x5cf: {  	[tilespmem:$0x19240] =	vst v4  }
0x5d0: {  	v4 =	vld.idx.msk [tilespmem:v61+s3+$0x0], $0xffff;
	[tilespmem:$0x19250] =	vst v6  }
0x5d1: {  	v13 =	vadd.s32 $0x95A0, v0;
	[tilespmem:$0x19260] =	vst v8;
	v6 =	vld.idx.msk [tilespmem:v62+s3+$0x0], $0xffff  }
0x5d2: {  	v14 =	vadd.s32 $0x95A0, v3;
	[tilespmem:$0x19270] =	vst v10;
	v8 =	vld.idx.msk [tilespmem:v63+s3+$0x0], $0xffff  }
0x5d3: {  	v15 =	vadd.s32 $0x95A0, v2;
	v10 =	vld.idx.msk [tilespmem:v12+s3+$0x0], $0xffff  }
0x5d4: {  	v16 =	vadd.s32 $0x95A0, v1  }
0x5d5: {  	[tilespmem:$0x192C0] =	vst v4  }
0x5d6: {  	v4 =	vld.idx.msk [tilespmem:v13+s3+$0x0], $0xffff;
	[tilespmem:$0x192D0] =	vst v6  }
0x5d7: {  	v17 =	vadd.s32 $0x9990, v0;
	[tilespmem:$0x192E0] =	vst v8;
	v6 =	vld.idx.msk [tilespmem:v14+s3+$0x0], $0xffff  }
0x5d8: {  	v18 =	vadd.s32 $0x9990, v3;
	[tilespmem:$0x192F0] =	vst v10;
	v8 =	vld.idx.msk [tilespmem:v15+s3+$0x0], $0xffff  }
0x5d9: {  	v19 =	vadd.s32 $0x9990, v2;
	v10 =	vld.idx.msk [tilespmem:v16+s3+$0x0], $0xffff  }
0x5da: {  	v20 =	vadd.s32 $0x9990, v1  }
0x5db: {  	[tilespmem:$0x19340] =	vst v4  }
0x5dc: {  	v4 =	vld.idx.msk [tilespmem:v17+s3+$0x0], $0xffff;
	[tilespmem:$0x19350] =	vst v6  }
0x5dd: {  	v21 =	vadd.s32 $0x9D80, v0;
	[tilespmem:$0x19360] =	vst v8;
	v6 =	vld.idx.msk [tilespmem:v18+s3+$0x0], $0xffff  }
0x5de: {  	v22 =	vadd.s32 $0x9D80, v3;
	[tilespmem:$0x19370] =	vst v10;
	v8 =	vld.idx.msk [tilespmem:v19+s3+$0x0], $0xffff  }
0x5df: {  	v23 =	vadd.s32 $0x9D80, v2;
	v10 =	vld.idx.msk [tilespmem:v20+s3+$0x0], $0xffff  }
0x5e0: {  	v24 =	vadd.s32 $0x9D80, v1  }
0x5e1: {  	[tilespmem:$0x193C0] =	vst v4  }
0x5e2: {  	v4 =	vld.idx.msk [tilespmem:v21+s3+$0x0], $0xffff;
	[tilespmem:$0x193D0] =	vst v6  }
0x5e3: {  	v25 =	vadd.s32 $0xA170, v0;
	[tilespmem:$0x193E0] =	vst v8;
	v6 =	vld.idx.msk [tilespmem:v22+s3+$0x0], $0xffff  }
0x5e4: {  	v26 =	vadd.s32 $0xA170, v3;
	[tilespmem:$0x193F0] =	vst v10;
	v8 =	vld.idx.msk [tilespmem:v23+s3+$0x0], $0xffff  }
0x5e5: {  	v27 =	vadd.s32 $0xA170, v2;
	v10 =	vld.idx.msk [tilespmem:v24+s3+$0x0], $0xffff  }
0x5e6: {  	v28 =	vadd.s32 $0xA170, v1  }
0x5e7: {  	[tilespmem:$0x19440] =	vst v4  }
0x5e8: {  	v4 =	vld.idx.msk [tilespmem:v25+s3+$0x0], $0xffff;
	[tilespmem:$0x19450] =	vst v6  }
0x5e9: {  	v29 =	vadd.s32 $0xA560, v0;
	[tilespmem:$0x19460] =	vst v8;
	v6 =	vld.idx.msk [tilespmem:v26+s3+$0x0], $0xffff  }
0x5ea: {  	v30 =	vadd.s32 $0xA560, v3;
	[tilespmem:$0x19470] =	vst v10;
	v8 =	vld.idx.msk [tilespmem:v27+s3+$0x0], $0xffff  }
0x5eb: {  	v31 =	vadd.s32 $0xA560, v2;
	v10 =	vld.idx.msk [tilespmem:v28+s3+$0x0], $0xffff  }
0x5ec: {  	v32 =	vadd.s32 $0xA560, v1  }
0x5ed: {  	[tilespmem:$0x194C0] =	vst v4  }
0x5ee: {  	v4 =	vld.idx.msk [tilespmem:v29+s3+$0x0], $0xffff;
	[tilespmem:$0x194D0] =	vst v6  }
0x5ef: {  	v33 =	vadd.s32 $0xA950, v0;
	[tilespmem:$0x194E0] =	vst v8;
	v6 =	vld.idx.msk [tilespmem:v30+s3+$0x0], $0xffff  }
0x5f0: {  	v34 =	vadd.s32 $0xA950, v3;
	[tilespmem:$0x194F0] =	vst v10;
	v8 =	vld.idx.msk [tilespmem:v31+s3+$0x0], $0xffff  }
0x5f1: {  	v35 =	vadd.s32 $0xA950, v2;
	v10 =	vld.idx.msk [tilespmem:v32+s3+$0x0], $0xffff  }
0x5f2: {  	v36 =	vadd.s32 $0xA950, v1  }
0x5f3: {  	[tilespmem:$0x19540] =	vst v4  }
0x5f4: {  	v4 =	vld.idx.msk [tilespmem:v33+s3+$0x0], $0xffff;
	[tilespmem:$0x19550] =	vst v6  }
0x5f5: {  	v37 =	vadd.s32 $0xAD40, v0;
	[tilespmem:$0x19560] =	vst v8;
	v6 =	vld.idx.msk [tilespmem:v34+s3+$0x0], $0xffff  }
0x5f6: {  	v38 =	vadd.s32 $0xAD40, v3;
	[tilespmem:$0x19570] =	vst v10;
	v8 =	vld.idx.msk [tilespmem:v35+s3+$0x0], $0xffff  }
0x5f7: {  	v39 =	vadd.s32 $0xAD40, v2;
	v10 =	vld.idx.msk [tilespmem:v36+s3+$0x0], $0xffff  }
0x5f8: {  	v40 =	vadd.s32 $0xAD40, v1  }
0x5f9: {  	[tilespmem:$0x195C0] =	vst v4  }
0x5fa: {  	v4 =	vld.idx.msk [tilespmem:v37+s3+$0x0], $0xffff;
	[tilespmem:$0x195D0] =	vst v6  }
0x5fb: {  	v41 =	vadd.s32 $0xB130, v0;
	[tilespmem:$0x195E0] =	vst v8;
	v6 =	vld.idx.msk [tilespmem:v38+s3+$0x0], $0xffff  }
0x5fc: {  	v42 =	vadd.s32 $0xB130, v3;
	[tilespmem:$0x195F0] =	vst v10;
	v8 =	vld.idx.msk [tilespmem:v39+s3+$0x0], $0xffff  }
0x5fd: {  	v43 =	vadd.s32 $0xB130, v2;
	v10 =	vld.idx.msk [tilespmem:v40+s3+$0x0], $0xffff  }
0x5fe: {  	v44 =	vadd.s32 $0xB130, v1  }
0x5ff: {  	[tilespmem:$0x19640] =	vst v4  }
0x600: {  	v4 =	vld.idx.msk [tilespmem:v41+s3+$0x0], $0xffff;
	[tilespmem:$0x19650] =	vst v6  }
0x601: {  	v45 =	vadd.s32 $0xB520, v0;
	[tilespmem:$0x19660] =	vst v8;
	v6 =	vld.idx.msk [tilespmem:v42+s3+$0x0], $0xffff  }
0x602: {  	v46 =	vadd.s32 $0xB520, v3;
	[tilespmem:$0x19670] =	vst v10;
	v8 =	vld.idx.msk [tilespmem:v43+s3+$0x0], $0xffff  }
0x603: {  	v47 =	vadd.s32 $0xB520, v2;
	v10 =	vld.idx.msk [tilespmem:v44+s3+$0x0], $0xffff  }
0x604: {  	v48 =	vadd.s32 $0xB520, v1  }
0x605: {  	[tilespmem:$0x196C0] =	vst v4  }
0x606: {  	v4 =	vld.idx.msk [tilespmem:v45+s3+$0x0], $0xffff;
	[tilespmem:$0x196D0] =	vst v6  }
0x607: {  	v49 =	vadd.s32 $0xB910, v0;
	[tilespmem:$0x196E0] =	vst v8;
	v6 =	vld.idx.msk [tilespmem:v46+s3+$0x0], $0xffff  }
0x608: {  	v50 =	vadd.s32 $0xB910, v3;
	[tilespmem:$0x196F0] =	vst v10;
	v8 =	vld.idx.msk [tilespmem:v47+s3+$0x0], $0xffff  }
0x609: {  	v51 =	vadd.s32 $0xB910, v2;
	v10 =	vld.idx.msk [tilespmem:v48+s3+$0x0], $0xffff  }
0x60a: {  	v52 =	vadd.s32 $0xB910, v1  }
0x60b: {  	[tilespmem:$0x19740] =	vst v4  }
0x60c: {  	v4 =	vld.idx.msk [tilespmem:v49+s3+$0x0], $0xffff;
	[tilespmem:$0x19750] =	vst v6  }
0x60d: {  	v53 =	vadd.s32 $0xBD00, v0;
	[tilespmem:$0x19760] =	vst v8;
	v6 =	vld.idx.msk [tilespmem:v50+s3+$0x0], $0xffff  }
0x60e: {  	v54 =	vadd.s32 $0xBD00, v3;
	[tilespmem:$0x19770] =	vst v10;
	v8 =	vld.idx.msk [tilespmem:v51+s3+$0x0], $0xffff  }
0x60f: {  	v55 =	vadd.s32 $0xBD00, v2;
	v10 =	vld.idx.msk [tilespmem:v52+s3+$0x0], $0xffff  }
0x610: {  	v56 =	vadd.s32 $0xBD00, v1  }
0x611: {  	[tilespmem:$0x197C0] =	vst v4  }
0x612: {  	v4 =	vld.idx.msk [tilespmem:v53+s3+$0x0], $0xffff;
	[tilespmem:$0x197D0] =	vst v6  }
0x613: {  	v57 =	vadd.s32 $0xC0F0, v0;
	[tilespmem:$0x197E0] =	vst v8;
	v6 =	vld.idx.msk [tilespmem:v54+s3+$0x0], $0xffff  }
0x614: {  	v58 =	vadd.s32 $0xC0F0, v3;
	[tilespmem:$0x197F0] =	vst v10;
	v8 =	vld.idx.msk [tilespmem:v55+s3+$0x0], $0xffff  }
0x615: {  	v59 =	vadd.s32 $0xC0F0, v2;
	v10 =	vld.idx.msk [tilespmem:v56+s3+$0x0], $0xffff  }
0x616: {  	v60 =	vadd.s32 $0xC0F0, v1  }
0x617: {  	[tilespmem:$0x19840] =	vst v4  }
0x618: {  	v4 =	vld.idx.msk [tilespmem:v57+s3+$0x0], $0xffff;
	[tilespmem:$0x19850] =	vst v6  }
0x619: {  	v61 =	vadd.s32 $0xC4E0, v0;
	[tilespmem:$0x19860] =	vst v8;
	v6 =	vld.idx.msk [tilespmem:v58+s3+$0x0], $0xffff  }
0x61a: {  	v62 =	vadd.s32 $0xC4E0, v3;
	[tilespmem:$0x19870] =	vst v10;
	v8 =	vld.idx.msk [tilespmem:v59+s3+$0x0], $0xffff  }
0x61b: {  	v63 =	vadd.s32 $0xC4E0, v2;
	v10 =	vld.idx.msk [tilespmem:v60+s3+$0x0], $0xffff  }
0x61c: {  	v12 =	vadd.s32 $0xC4E0, v1  }
0x61d: {  	[tilespmem:$0x198C0] =	vst v4  }
0x61e: {  	v4 =	vld.idx.msk [tilespmem:v61+s3+$0x0], $0xffff;
	[tilespmem:$0x198D0] =	vst v6  }
0x61f: {  	v13 =	vadd.s32 $0xC8D0, v0;
	[tilespmem:$0x198E0] =	vst v8;
	v6 =	vld.idx.msk [tilespmem:v62+s3+$0x0], $0xffff  }
0x620: {  	v14 =	vadd.s32 $0xC8D0, v3;
	[tilespmem:$0x198F0] =	vst v10;
	v8 =	vld.idx.msk [tilespmem:v63+s3+$0x0], $0xffff  }
0x621: {  	v15 =	vadd.s32 $0xC8D0, v2;
	v10 =	vld.idx.msk [tilespmem:v12+s3+$0x0], $0xffff  }
0x622: {  	v16 =	vadd.s32 $0xC8D0, v1  }
0x623: {  	[tilespmem:$0x19940] =	vst v4  }
0x624: {  	v4 =	vld.idx.msk [tilespmem:v13+s3+$0x0], $0xffff;
	[tilespmem:$0x19950] =	vst v6  }
0x625: {  	v17 =	vadd.s32 $0xCCC0, v0;
	[tilespmem:$0x19960] =	vst v8;
	v6 =	vld.idx.msk [tilespmem:v14+s3+$0x0], $0xffff  }
0x626: {  	v18 =	vadd.s32 $0xCCC0, v3;
	[tilespmem:$0x19970] =	vst v10;
	v8 =	vld.idx.msk [tilespmem:v15+s3+$0x0], $0xffff  }
0x627: {  	v19 =	vadd.s32 $0xCCC0, v2;
	v10 =	vld.idx.msk [tilespmem:v16+s3+$0x0], $0xffff  }
0x628: {  	v20 =	vadd.s32 $0xCCC0, v1  }
0x629: {  	[tilespmem:$0x199C0] =	vst v4  }
0x62a: {  	v4 =	vld.idx.msk [tilespmem:v17+s3+$0x0], $0xffff;
	[tilespmem:$0x199D0] =	vst v6  }
0x62b: {  	v21 =	vadd.s32 $0xD0B0, v0;
	[tilespmem:$0x199E0] =	vst v8;
	v6 =	vld.idx.msk [tilespmem:v18+s3+$0x0], $0xffff  }
0x62c: {  	v22 =	vadd.s32 $0xD0B0, v3;
	[tilespmem:$0x199F0] =	vst v10;
	v8 =	vld.idx.msk [tilespmem:v19+s3+$0x0], $0xffff  }
0x62d: {  	v23 =	vadd.s32 $0xD0B0, v2;
	v10 =	vld.idx.msk [tilespmem:v20+s3+$0x0], $0xffff  }
0x62e: {  	v24 =	vadd.s32 $0xD0B0, v1  }
0x62f: {  	[tilespmem:$0x19A40] =	vst v4  }
0x630: {  	v4 =	vld.idx.msk [tilespmem:v21+s3+$0x0], $0xffff;
	[tilespmem:$0x19A50] =	vst v6  }
0x631: {  	v25 =	vadd.s32 $0xD4A0, v0;
	[tilespmem:$0x19A60] =	vst v8;
	v6 =	vld.idx.msk [tilespmem:v22+s3+$0x0], $0xffff  }
0x632: {  	v26 =	vadd.s32 $0xD4A0, v3;
	[tilespmem:$0x19A70] =	vst v10;
	v8 =	vld.idx.msk [tilespmem:v23+s3+$0x0], $0xffff  }
0x633: {  	v27 =	vadd.s32 $0xD4A0, v2;
	v10 =	vld.idx.msk [tilespmem:v24+s3+$0x0], $0xffff  }
0x634: {  	v28 =	vadd.s32 $0xD4A0, v1  }
0x635: {  	[tilespmem:$0x19AC0] =	vst v4  }
0x636: {  	v4 =	vld.idx.msk [tilespmem:v25+s3+$0x0], $0xffff;
	[tilespmem:$0x19AD0] =	vst v6  }
0x637: {  	v29 =	vadd.s32 $0xD890, v0;
	[tilespmem:$0x19AE0] =	vst v8;
	v6 =	vld.idx.msk [tilespmem:v26+s3+$0x0], $0xffff  }
0x638: {  	v30 =	vadd.s32 $0xD890, v3;
	[tilespmem:$0x19AF0] =	vst v10;
	v8 =	vld.idx.msk [tilespmem:v27+s3+$0x0], $0xffff  }
0x639: {  	v31 =	vadd.s32 $0xD890, v2;
	v10 =	vld.idx.msk [tilespmem:v28+s3+$0x0], $0xffff  }
0x63a: {  	v32 =	vadd.s32 $0xD890, v1  }
0x63b: {  	[tilespmem:$0x19B40] =	vst v4  }
0x63c: {  	v4 =	vld.idx.msk [tilespmem:v29+s3+$0x0], $0xffff;
	[tilespmem:$0x19B50] =	vst v6  }
0x63d: {  	v33 =	vadd.s32 $0xDC80, v0;
	[tilespmem:$0x19B60] =	vst v8;
	v6 =	vld.idx.msk [tilespmem:v30+s3+$0x0], $0xffff  }
0x63e: {  	v34 =	vadd.s32 $0xDC80, v3;
	[tilespmem:$0x19B70] =	vst v10;
	v8 =	vld.idx.msk [tilespmem:v31+s3+$0x0], $0xffff  }
0x63f: {  	v35 =	vadd.s32 $0xDC80, v2;
	v10 =	vld.idx.msk [tilespmem:v32+s3+$0x0], $0xffff  }
0x640: {  	v36 =	vadd.s32 $0xDC80, v1  }
0x641: {  	[tilespmem:$0x19BC0] =	vst v4  }
0x642: {  	v4 =	vld.idx.msk [tilespmem:v33+s3+$0x0], $0xffff;
	[tilespmem:$0x19BD0] =	vst v6  }
0x643: {  	v37 =	vadd.s32 $0xE070, v0;
	[tilespmem:$0x19BE0] =	vst v8;
	v6 =	vld.idx.msk [tilespmem:v34+s3+$0x0], $0xffff  }
0x644: {  	v38 =	vadd.s32 $0xE070, v3;
	[tilespmem:$0x19BF0] =	vst v10;
	v8 =	vld.idx.msk [tilespmem:v35+s3+$0x0], $0xffff  }
0x645: {  	v39 =	vadd.s32 $0xE070, v2;
	v10 =	vld.idx.msk [tilespmem:v36+s3+$0x0], $0xffff  }
0x646: {  	v40 =	vadd.s32 $0xE070, v1  }
0x647: {  	[tilespmem:$0x19C40] =	vst v4  }
0x648: {  	v4 =	vld.idx.msk [tilespmem:v37+s3+$0x0], $0xffff;
	[tilespmem:$0x19C50] =	vst v6  }
0x649: {  	v41 =	vadd.s32 $0xE460, v0;
	[tilespmem:$0x19C60] =	vst v8;
	v6 =	vld.idx.msk [tilespmem:v38+s3+$0x0], $0xffff  }
0x64a: {  	v42 =	vadd.s32 $0xE460, v3;
	[tilespmem:$0x19C70] =	vst v10;
	v8 =	vld.idx.msk [tilespmem:v39+s3+$0x0], $0xffff  }
0x64b: {  	v43 =	vadd.s32 $0xE460, v2;
	v10 =	vld.idx.msk [tilespmem:v40+s3+$0x0], $0xffff  }
0x64c: {  	v44 =	vadd.s32 $0xE460, v1  }
0x64d: {  	[tilespmem:$0x19CC0] =	vst v4  }
0x64e: {  	v4 =	vld.idx.msk [tilespmem:v41+s3+$0x0], $0xffff;
	[tilespmem:$0x19CD0] =	vst v6  }
0x64f: {  	v45 =	vadd.s32 $0xE850, v0;
	[tilespmem:$0x19CE0] =	vst v8;
	v6 =	vld.idx.msk [tilespmem:v42+s3+$0x0], $0xffff  }
0x650: {  	v46 =	vadd.s32 $0xE850, v3;
	[tilespmem:$0x19CF0] =	vst v10;
	v8 =	vld.idx.msk [tilespmem:v43+s3+$0x0], $0xffff  }
0x651: {  	v47 =	vadd.s32 $0xE850, v2;
	v10 =	vld.idx.msk [tilespmem:v44+s3+$0x0], $0xffff  }
0x652: {  	v48 =	vadd.s32 $0xE850, v1  }
0x653: {  	[tilespmem:$0x19D40] =	vst v4  }
0x654: {  	v4 =	vld.idx.msk [tilespmem:v45+s3+$0x0], $0xffff;
	[tilespmem:$0x19D50] =	vst v6  }
0x655: {  	v49 =	vadd.s32 $0xEC40, v0;
	[tilespmem:$0x19D60] =	vst v8;
	v6 =	vld.idx.msk [tilespmem:v46+s3+$0x0], $0xffff  }
0x656: {  	v50 =	vadd.s32 $0xEC40, v3;
	[tilespmem:$0x19D70] =	vst v10;
	v8 =	vld.idx.msk [tilespmem:v47+s3+$0x0], $0xffff  }
0x657: {  	v51 =	vadd.s32 $0xEC40, v2;
	v10 =	vld.idx.msk [tilespmem:v48+s3+$0x0], $0xffff  }
0x658: {  	v52 =	vadd.s32 $0xEC40, v1  }
0x659: {  	[tilespmem:$0x19DC0] =	vst v4  }
0x65a: {  	v4 =	vld.idx.msk [tilespmem:v49+s3+$0x0], $0xffff;
	[tilespmem:$0x19DD0] =	vst v6  }
0x65b: {  	v53 =	vadd.s32 $0xF030, v0;
	[tilespmem:$0x19DE0] =	vst v8;
	v6 =	vld.idx.msk [tilespmem:v50+s3+$0x0], $0xffff  }
0x65c: {  	v54 =	vadd.s32 $0xF030, v3;
	[tilespmem:$0x19DF0] =	vst v10;
	v8 =	vld.idx.msk [tilespmem:v51+s3+$0x0], $0xffff  }
0x65d: {  	v55 =	vadd.s32 $0xF030, v2;
	v10 =	vld.idx.msk [tilespmem:v52+s3+$0x0], $0xffff  }
0x65e: {  	v56 =	vadd.s32 $0xF030, v1  }
0x65f: {  	[tilespmem:$0x19E40] =	vst v4  }
0x660: {  	v4 =	vld.idx.msk [tilespmem:v53+s3+$0x0], $0xffff;
	[tilespmem:$0x19E50] =	vst v6  }
0x661: {  	v57 =	vadd.s32 $0xF420, v0;
	[tilespmem:$0x19E60] =	vst v8;
	v6 =	vld.idx.msk [tilespmem:v54+s3+$0x0], $0xffff  }
0x662: {  	v58 =	vadd.s32 $0xF420, v3;
	[tilespmem:$0x19E70] =	vst v10;
	v8 =	vld.idx.msk [tilespmem:v55+s3+$0x0], $0xffff  }
0x663: {  	v59 =	vadd.s32 $0xF420, v2;
	v10 =	vld.idx.msk [tilespmem:v56+s3+$0x0], $0xffff  }
0x664: {  	v60 =	vadd.s32 $0xF420, v1  }
0x665: {  	[tilespmem:$0x19EC0] =	vst v4  }
0x666: {  	v4 =	vld.idx.msk [tilespmem:v57+s3+$0x0], $0xffff;
	[tilespmem:$0x19ED0] =	vst v6  }
0x667: {  	v0 =	vadd.s32 $0xF810, v0;
	[tilespmem:$0x19EE0] =	vst v8;
	v61 =	vld.idx.msk [tilespmem:v58+s3+$0x0], $0xffff  }
0x668: {  	v3 =	vadd.s32 $0xF810, v3;
	[tilespmem:$0x19EF0] =	vst v10;
	v62 =	vld.idx.msk [tilespmem:v59+s3+$0x0], $0xffff  }
0x669: {  	v2 =	vadd.s32 $0xF810, v2;
	v63 =	vld.idx.msk [tilespmem:v60+s3+$0x0], $0xffff  }
0x66a: {  	v1 =	vadd.s32 $0xF810, v1  }
0x66b: {  	[tilespmem:$0x19F40] =	vst v4  }
0x66c: {  	v0 =	vld.idx.msk [tilespmem:v0+s3+$0x0], $0xffff;
	[tilespmem:$0x19F50] =	vst v61  }
0x66d: {  	[tilespmem:$0x19F60] =	vst v62;
	v3 =	vld.idx.msk [tilespmem:v3+s3+$0x0], $0xffff  }
0x66e: {  	[tilespmem:$0x19F70] =	vst v63;
	v2 =	vld.idx.msk [tilespmem:v2+s3+$0x0], $0xffff  }
0x66f: {  	v1 =	vld.idx.msk [tilespmem:v1+s3+$0x0], $0xffff;
	_ =	sdelay $0x1  }
0x670: {  	[tilespmem:$0x19FC0] =	vst v0  }
0x671: {  	[tilespmem:$0x19FD0] =	vst v3  }
0x672: {  	[tilespmem:$0x19FE0] =	vst v2  }
0x673: {  	s31 =	sadd.s32 s18, s7;
	[tilespmem:$0x19FF0] =	vst v1  }
0x674: {  	[hbm4b:s31+s9] =	stream.strided.scatter [tilespmem:s13], [sflag:$0x2], $0x2000, s10, s9, $0x38;
	[tilespmem:$0x1A000] =	vst v63  }
0x675: {  	p0 =	sne.s32 s18, $0x630000;
	_ =	swait.ge [sflag:s14], $0x2000  }
.Ltmp0:
0x676: {  	[sflag:s14] =	ssyncset.done $0x0;
	(pc) =	sbr.rel @p0 .LBB2_2-.Ltmp0, $4  }
0x677: {  	[sflag:s14] =	ssyncadd.s32 $0xFFFFE000  }
0x678: {  	_ =	swait.ge [sflag:s15], $0x2000  }
0x679: {  	[sflag:s15] =	ssyncset.done $0x0  }
0x67a: {  	s18 =	sadd.s32 $0x10000, s18;
	s17 =	sadd.s32 $0x100, s17;
	[sflag:s15] =	ssyncadd.s32 $0xFFFFE000  }
0x67b: {  	s16 =	sadd.s32 $0x1, s16  }
0x67c: {  	p0 =	sne.s32 s16, s5  }
.Ltmp1:
0x67d: {  	_ = 	snop;
	(pc) =	sbr.rel @p0 .LBB2_1-.Ltmp1, $1  }
0x67e: {  	_ =	sdelay $0x3  }
0x67f: {  	_ =	sfence.sel $0x180000  }
0x680: {  	[bflag:$0x0] =	sbarrier.arrive $0xFFFF  }
0x681: {  	p0 =	sne.s32 s2, $0x0;
	_ =	strace $0x90000047  }
0x682: {  	s0 =	sadd.s32 @!p0 $0x100000, s0;
	[bflag:$0x2] =	sbarrier.arrive $0xFFFF  }
0x683: {  	[sflag:s0] =	ssyncadd.tile.s32 @!p0 $0x1;
	_ =	shalt  }
.Lfunc_end2:
_tile_overlayer_lowered:
.L_overlay_start_2:
0x684: {  	(tag) =	ssettag $0x2  }
0x685: {  	s0 =	rddreg [dreg:$0x0];
	s2 =	stileid.u32  }
0x686: {  	s1 =	rddreg [dreg:$0x1];
	p0 =	sne.s32 s2, $0x0  }
0x687: {  	s3 =	rddreg [dreg:$0x2];
	[bflag:$0x3] =	sbarrier.arrive $0xFFFF;
	s2 =	simm.s32 @!p0 $0x1C03  }
0x688: {  	[timem:s3], [sflag:s2] =	dma.local @!p0 [hbm:s0], s1  }
0x689: {  	s0 =	simm.s32 @!p0 $0x3  }
0x68a: {  	_ =	swait.ge @!p0 [sflag:s0], s1  }
0x68b: {  	s1 =	ssub.s32 @!p0 $0x0, s1;
	[sflag:s0] =	ssyncset.done @!p0 $0x0  }
0x68c: {  	[sflag:s0] =	ssyncadd.s32 @!p0 s1  }
0x68d: {  	[bflag:$0x3] =	sbarrier.arrive $0xFFFF  }
0x68e: {  	_ =	shalt  }

</sc_bundles>
